<compile_context>
chip_gen: v7x
topology: tpu7x:2x2x1
jax: 0.10.2.dev20260603
libtpu: 0.0.44.dev20260713+nightly
codegen_flags: <defaults>
</compile_context>

<pallas_src>
import functools

import jax
import jax.numpy as jnp
from jax import lax
from jax.experimental import pallas as pl
from jax.experimental.pallas import tpu as pltpu
from jax.experimental.pallas import tpu_sc as plsc

N_NODES = 10000
N_PAD = 10240
D = 128
NC, NS = 2, 16
NW = NC * NS
EBLK = 128
CH = 9
ROWS_PER_TILE = N_PAD // NS

_f32 = jnp.float32



def _att_tail(i, h, as_ref, ad_ref, asv_ref, adv_ref, mas_ref, mad_ref):
    asv = (h * as_ref[...]).sum(axis=1)
    adv = (h * ad_ref[...]).sum(axis=1)
    asv_ref[...] = asv.reshape(1, 1, D)
    adv_ref[...] = adv.reshape(1, 1, D)

    @pl.when(i == 0)
    def _():
        mas_ref[...] = jnp.full((1, 1), -1e30, _f32)
        mad_ref[...] = jnp.full((1, 1), -1e30, _f32)

    mas_ref[...] = jnp.maximum(mas_ref[...], jnp.max(asv).reshape(1, 1))
    mad_ref[...] = jnp.maximum(mad_ref[...], jnp.max(adv).reshape(1, 1))


def _mm_att_body(x_ref, w_ref, as_ref, ad_ref, h_ref, asv_ref, adv_ref,
                 mas_ref, mad_ref):
    h = jnp.dot(x_ref[...], w_ref[...], preferred_element_type=_f32)
    h_ref[...] = h
    _att_tail(pl.program_id(0), h, as_ref, ad_ref, asv_ref, adv_ref,
              mas_ref, mad_ref)


def _mm_att(x_pad, W, a_s, a_d):
    nb = N_PAD // 128
    h, as2d, ad2d, mas, mad = pl.pallas_call(
        _mm_att_body,
        grid=(nb,),
        in_specs=[
            pl.BlockSpec((128, D), lambda i: (i, 0)),
            pl.BlockSpec((D, D), lambda i: (0, 0)),
            pl.BlockSpec((1, D), lambda i: (0, 0)),
            pl.BlockSpec((1, D), lambda i: (0, 0)),
        ],
        out_specs=[
            pl.BlockSpec((128, D), lambda i: (i, 0)),
            pl.BlockSpec((1, 1, 128), lambda i: (i, 0, 0)),
            pl.BlockSpec((1, 1, 128), lambda i: (i, 0, 0)),
            pl.BlockSpec((1, 1), lambda i: (0, 0)),
            pl.BlockSpec((1, 1), lambda i: (0, 0)),
        ],
        out_shape=[
            jax.ShapeDtypeStruct((N_PAD, D), _f32),
            jax.ShapeDtypeStruct((nb, 1, 128), _f32),
            jax.ShapeDtypeStruct((nb, 1, 128), _f32),
            jax.ShapeDtypeStruct((1, 1), _f32),
            jax.ShapeDtypeStruct((1, 1), _f32),
        ],
    )(x_pad, W, a_s.reshape(1, D), a_d.reshape(1, D))
    return h, as2d.reshape(-1), ad2d.reshape(-1), _cshift16(mas, mad)


def _cshift16(mas, mad):
    craw = mas[0, 0] + mad[0, 0]
    cshift = jnp.maximum(craw, 0.2 * craw)
    return jnp.full((16,), cshift, _f32)


def _comb_mm_body(a0_ref, a1_ref, d0_ref, d1_ref, b_ref, w_ref, as_ref,
                  ad_ref, h_ref, asv_ref, adv_ref, mas_ref, mad_ref):
    i = pl.program_id(0)
    den = d0_ref[...] + d1_ref[...] + 1e-16
    xb = (a0_ref[...] + a1_ref[...]) / den + b_ref[...]
    xb = jnp.maximum(xb, 0.0)
    gid = i * 128 + lax.broadcasted_iota(jnp.int32, (128, D), 0)
    xb = jnp.where(gid < N_NODES, xb, 0.0)
    h = jnp.dot(xb, w_ref[...], preferred_element_type=_f32)
    h_ref[...] = h
    _att_tail(i, h, as_ref, ad_ref, asv_ref, adv_ref, mas_ref, mad_ref)


def _comb_mm(acc, den, b, W, a_s, a_d):
    nb = N_PAD // 128
    h, as2d, ad2d, mas, mad = pl.pallas_call(
        _comb_mm_body,
        grid=(nb,),
        in_specs=[
            pl.BlockSpec((128, D), lambda i: (i, 0)),
            pl.BlockSpec((128, D), lambda i: (i, 0)),
            pl.BlockSpec((128, 1), lambda i: (i, 0)),
            pl.BlockSpec((128, 1), lambda i: (i, 0)),
            pl.BlockSpec((1, D), lambda i: (0, 0)),
            pl.BlockSpec((D, D), lambda i: (0, 0)),
            pl.BlockSpec((1, D), lambda i: (0, 0)),
            pl.BlockSpec((1, D), lambda i: (0, 0)),
        ],
        out_specs=[
            pl.BlockSpec((128, D), lambda i: (i, 0)),
            pl.BlockSpec((1, 1, 128), lambda i: (i, 0, 0)),
            pl.BlockSpec((1, 1, 128), lambda i: (i, 0, 0)),
            pl.BlockSpec((1, 1), lambda i: (0, 0)),
            pl.BlockSpec((1, 1), lambda i: (0, 0)),
        ],
        out_shape=[
            jax.ShapeDtypeStruct((N_PAD, D), _f32),
            jax.ShapeDtypeStruct((nb, 1, 128), _f32),
            jax.ShapeDtypeStruct((nb, 1, 128), _f32),
            jax.ShapeDtypeStruct((1, 1), _f32),
            jax.ShapeDtypeStruct((1, 1), _f32),
        ],
    )(acc[0], acc[1], den[0].reshape(N_PAD, 1), den[1].reshape(N_PAD, 1),
      b.reshape(1, D), W, a_s.reshape(1, D), a_d.reshape(1, D))
    return h, as2d.reshape(-1), ad2d.reshape(-1), _cshift16(mas, mad)


def _final_body(a0_ref, a1_ref, d0_ref, d1_ref, b_ref, o_ref):
    den = d0_ref[...] + d1_ref[...] + 1e-16
    xb = (a0_ref[...] + a1_ref[...]) / den + b_ref[...]
    o_ref[...] = jnp.maximum(xb, 0.0)


def _final(acc, den, b):
    nb = N_PAD // 128
    return pl.pallas_call(
        _final_body,
        grid=(nb,),
        in_specs=[
            pl.BlockSpec((128, D), lambda i: (i, 0)),
            pl.BlockSpec((128, D), lambda i: (i, 0)),
            pl.BlockSpec((128, 1), lambda i: (i, 0)),
            pl.BlockSpec((128, 1), lambda i: (i, 0)),
            pl.BlockSpec((1, D), lambda i: (0, 0)),
        ],
        out_specs=pl.BlockSpec((128, D), lambda i: (i, 0)),
        out_shape=jax.ShapeDtypeStruct((N_PAD, D), _f32),
    )(acc[0], acc[1], den[0].reshape(N_PAD, 1), den[1].reshape(N_PAD, 1),
      b.reshape(1, D))



def _sc_edge_pass(h, asv, adv, c16, src_p, dst_p, nblk):
    mesh = plsc.VectorSubcoreMesh(core_axis_name="c", subcore_axis_name="s",
                                  num_cores=NC, num_subcores=NS)

    @functools.partial(
        pl.kernel,
        out_type=[
            jax.ShapeDtypeStruct((NC, N_PAD, D), _f32),
            jax.ShapeDtypeStruct((NC, N_PAD), _f32),
        ],
        mesh=mesh,
        compiler_params=pltpu.CompilerParams(needs_layout_passes=False),
        scratch_types=[
            pltpu.VMEM((N_PAD,), _f32),
            pltpu.VMEM((N_PAD,), _f32),
            pltpu.VMEM((16,), _f32),
            pltpu.VMEM((2, EBLK), jnp.int32),
            pltpu.VMEM((2, EBLK), jnp.int32),
            pltpu.VMEM((EBLK, D), _f32),
            pltpu.VMEM((EBLK,), _f32),
            pltpu.VMEM((ROWS_PER_TILE,), _f32),
            pltpu.VMEM_SHARED((N_PAD, D), _f32),
            pltpu.VMEM_SHARED((N_PAD,), _f32),
            pltpu.SemaphoreType.DMA,
            pltpu.SemaphoreType.DMA((2,)),
        ],
    )
    def body(h_hbm, as_hbm, ad_hbm, c_hbm, src_hbm, dst_hbm, acc_hbm,
             den_hbm, as_v, ad_v, c_v, src_v, dst_v, rows_v, w_v, dz_v,
             acc_sh, den_sh, sem, sem_i):
        c = lax.axis_index("c")
        s = lax.axis_index("s")

        pltpu.sync_copy(as_hbm, as_v)
        pltpu.sync_copy(ad_hbm, ad_v)
        pltpu.sync_copy(c_hbm, c_v)
        for slot in range(2):
            jj = min(slot, nblk - 1)
            pltpu.async_copy(src_hbm.at[c, s, jj], src_v.at[slot],
                             sem_i.at[slot])
            pltpu.async_copy(dst_hbm.at[c, s, jj], dst_v.at[slot],
                             sem_i.at[slot])

        zero16 = jnp.zeros((16,), _f32)

        def zrow(i, _):
            for k in range(D // 16):
                rows_v[i, pl.ds(k * 16, 16)] = zero16
            return 0

        lax.fori_loop(0, EBLK, zrow, 0)

        def zden(i, _):
            dz_v[pl.ds(i * 16, 16)] = zero16
            return 0

        lax.fori_loop(0, ROWS_PER_TILE // 16, zden, 0)

        base = s * ROWS_PER_TILE
        for r in range(ROWS_PER_TILE // EBLK):
            pltpu.sync_copy(rows_v, acc_sh.at[pl.ds(base + r * EBLK, EBLK)])
        pltpu.sync_copy(dz_v, den_sh.at[pl.ds(base, ROWS_PER_TILE)])
        plsc.subcore_barrier()

        cshift = c_v[...]

        def blk(j, _):
            slot = lax.rem(j, 2)
            pltpu.make_async_copy(src_hbm.at[c, s, 0], src_v.at[slot],
                                  sem_i.at[slot]).wait()
            pltpu.make_async_copy(dst_hbm.at[c, s, 0], dst_v.at[slot],
                                  sem_i.at[slot]).wait()
            cp = pltpu.async_copy(h_hbm.at[src_v.at[slot]], rows_v, sem)
            for k in range(EBLK // 16):
                idx_s = src_v[slot, pl.ds(k * 16, 16)]
                idx_d = dst_v[slot, pl.ds(k * 16, 16)]
                raw = (plsc.load_gather(as_v, [idx_s])
                       + plsc.load_gather(ad_v, [idx_d]))
                e = jnp.maximum(raw, 0.2 * raw)
                w_v[pl.ds(k * 16, 16)] = jnp.exp(e - cshift)
            cp.wait()

            def scale(g, _):
                w16 = w_v[pl.ds(g * 16, 16)]
                for lane in range(16):
                    wv = jnp.full((16,), w16[lane], _f32)
                    ei = g * 16 + lane
                    for k in range(D // 16):
                        rows_v[ei, pl.ds(k * 16, 16)] = (
                            rows_v[ei, pl.ds(k * 16, 16)] * wv)
                return 0

            lax.fori_loop(0, EBLK // 16, scale, 0)
            pltpu.sync_copy(rows_v, acc_sh.at[dst_v.at[slot]], add=True)
            pltpu.sync_copy(w_v, den_sh.at[dst_v.at[slot]], add=True)
            jn = jnp.minimum(j + 2, nblk - 1)
            pltpu.async_copy(src_hbm.at[c, s, jn], src_v.at[slot],
                             sem_i.at[slot])
            pltpu.async_copy(dst_hbm.at[c, s, jn], dst_v.at[slot],
                             sem_i.at[slot])
            return 0

        lax.fori_loop(0, nblk, blk, 0)
        for slot in range(2):
            pltpu.make_async_copy(src_hbm.at[c, s, 0], src_v.at[slot],
                                  sem_i.at[slot]).wait()
            pltpu.make_async_copy(dst_hbm.at[c, s, 0], dst_v.at[slot],
                                  sem_i.at[slot]).wait()
        plsc.subcore_barrier()

        for r in range(ROWS_PER_TILE // EBLK):
            sl = pl.ds(base + r * EBLK, EBLK)
            pltpu.sync_copy(acc_sh.at[sl], acc_hbm.at[c, sl])
        pltpu.sync_copy(den_sh.at[pl.ds(base, ROWS_PER_TILE)],
                        den_hbm.at[c, pl.ds(base, ROWS_PER_TILE)])

    return body(h, asv, adv, c16, src_p, dst_p)



def kernel(x, edge_index, W1, a_src1, a_dst1, b1, W2, a_src2, a_dst2, b2):
    n = x.shape[0]
    loops = jnp.arange(n, dtype=jnp.int32)
    src = jnp.concatenate([edge_index[0].astype(jnp.int32), loops])
    dst = jnp.concatenate([edge_index[1].astype(jnp.int32), loops])
    e_total = src.shape[0]
    nblk = -(-e_total // (NW * EBLK))
    e_pad = NW * nblk * EBLK
    sent = jnp.int32(n)
    src_p = jnp.full((e_pad,), sent, jnp.int32).at[:e_total].set(src)
    dst_p = jnp.full((e_pad,), sent, jnp.int32).at[:e_total].set(dst)
    src_p = src_p.reshape(NC, NS, nblk, EBLK)
    dst_p = dst_p.reshape(NC, NS, nblk, EBLK)

    x_pad = jnp.pad(x, ((0, N_PAD - n), (0, 0)))
    h1, as1v, ad1v, c1 = _mm_att(x_pad, W1, a_src1, a_dst1)
    acc1, den1 = _sc_edge_pass(h1, as1v, ad1v, c1, src_p, dst_p, nblk)
    h2, as2v, ad2v, c2 = _comb_mm(acc1, den1, b1, W2, a_src2, a_dst2)
    acc2, den2 = _sc_edge_pass(h2, as2v, ad2v, c2, src_p, dst_p, nblk)
    out = _final(acc2, den2, b2)
    return out[:n]

# --- scband reference (transcript-rebuilt; emitter-appended) ---
"""Pipeline reference for scband-gat-53970559041999 (READ-ONLY COPY).

The authoritative reference and input builder live on the scoring server;
editing this copy changes nothing except your own understanding.
"""

import jax, jax.numpy as jnp
import numpy as np

N_NODES = 10000
D_IN = 128
D_OUT = 128


def _gat_conv(x, src, dst, W, a_src, a_dst, b, n_nodes):
    h = x @ W
    alpha_src = (h * a_src).sum(axis=-1)
    alpha_dst = (h * a_dst).sum(axis=-1)
    e = alpha_src[src] + alpha_dst[dst]
    e = jax.nn.leaky_relu(e, negative_slope=0.2)
    m = jax.ops.segment_max(e, dst, num_segments=n_nodes)
    e = jnp.exp(e - m[dst])
    denom = jax.ops.segment_sum(e, dst, num_segments=n_nodes)
    alpha = e / (denom[dst] + 1e-16)
    out = jax.ops.segment_sum(h[src] * alpha[:, None], dst, num_segments=n_nodes)
    return out + b


def setup_inputs(seed: int = 0) -> dict:
    key = jax.random.key(seed)
    ks = jax.random.split(key, 12)
    x = jax.random.normal(ks[0], (N_NODES, D_IN), dtype=jnp.float32)
    edge_index = jax.random.randint(ks[1], (2, 320000), 0, N_NODES, dtype=jnp.int64 if jax.config.jax_enable_x64 else jnp.int32).astype(jnp.int32)
    s1 = 1.0 / np.sqrt(D_IN)
    s2 = 1.0 / np.sqrt(D_OUT)
    W1 = jax.random.normal(ks[2], (D_IN, D_OUT), dtype=jnp.float32) * s1
    a_src1 = jax.random.normal(ks[3], (D_OUT,), dtype=jnp.float32) * s2
    a_dst1 = jax.random.normal(ks[4], (D_OUT,), dtype=jnp.float32) * s2
    b1 = jnp.zeros((D_OUT,), dtype=jnp.float32)
    W2 = jax.random.normal(ks[5], (D_OUT, D_OUT), dtype=jnp.float32) * s2
    a_src2 = jax.random.normal(ks[6], (D_OUT,), dtype=jnp.float32) * s2
    a_dst2 = jax.random.normal(ks[7], (D_OUT,), dtype=jnp.float32) * s2
    b2 = jnp.zeros((D_OUT,), dtype=jnp.float32)
    return {"x": x, "edge_index": edge_index, "W1": W1, "a_src1": a_src1, "a_dst1": a_dst1, "b1": b1, "W2": W2, "a_src2": a_src2, "a_dst2": a_dst2, "b2": b2}


def reference(x, edge_index, W1, a_src1, a_dst1, b1, W2, a_src2, a_dst2, b2):
    n_nodes = x.shape[0]
    # GATConv default adds self-loops
    loops = jnp.arange(n_nodes, dtype=edge_index.dtype)
    src = jnp.concatenate([edge_index[0], loops])
    dst = jnp.concatenate([edge_index[1], loops])
    h = _gat_conv(x, src, dst, W1, a_src1, a_dst1, b1, n_nodes)
    h = jax.nn.relu(h)
    h = _gat_conv(h, src, dst, W2, a_src2, a_dst2, b2, n_nodes)
    h = jax.nn.relu(h)
    return h

if __name__ == "__main__":
    import jax
    _d = setup_inputs()
    print(jax.jit(kernel)(*tuple(_d.values())))

</pallas_src>

<mosaic_0001>
#map = affine_map<(d0, d1) -> (0, 0)>
#map1 = affine_map<(d0, d1) -> (0)>
#map2 = affine_map<(d0, d1) -> (0, 0, 0, 0)>
#map3 = affine_map<(d0, d1) -> (0, 0, 0)>
module attributes {stable_mosaic.version = 14 : i64} {
  func.func @body(%arg0: i32, %arg1: i32, %arg2: memref<10240x128xf32, #tpu.memory_space<hbm>>, %arg3: memref<10240xf32, #tpu.memory_space<hbm>>, %arg4: memref<10240xf32, #tpu.memory_space<hbm>>, %arg5: memref<16xf32, #tpu.memory_space<hbm>>, %arg6: memref<2x16x81x128xi32, #tpu.memory_space<hbm>>, %arg7: memref<2x16x81x128xi32, #tpu.memory_space<hbm>>, %arg8: memref<2x10240x128xf32, #tpu.memory_space<hbm>>, %arg9: memref<2x10240xf32, #tpu.memory_space<hbm>>, %arg10: memref<10240xf32, #tpu.memory_space<vmem>>, %arg11: memref<10240xf32, #tpu.memory_space<vmem>>, %arg12: memref<16xf32, #tpu.memory_space<vmem>>, %arg13: memref<2x128xi32, #tpu.memory_space<vmem>>, %arg14: memref<2x128xi32, #tpu.memory_space<vmem>>, %arg15: memref<128x128xf32, #tpu.memory_space<vmem>>, %arg16: memref<128xf32, #tpu.memory_space<vmem>>, %arg17: memref<640xf32, #tpu.memory_space<vmem>>, %arg18: memref<10240x128xf32, #tpu.memory_space<vmem_shared>>, %arg19: memref<10240xf32, #tpu.memory_space<vmem_shared>>, %arg20: memref<!tpu.dma_semaphore, #tpu.memory_space<semaphore_mem>>, %arg21: memref<2x!tpu.dma_semaphore, #tpu.memory_space<semaphore_mem>>) attributes {dimension_semantics = [#tpu.dimension_semantics<core_parallel>, #tpu.dimension_semantics<subcore_parallel>], iteration_bounds = array<i64: 2, 16>, scalar_prefetch = 0 : i64, scratch_operands = 12 : i64, tpu.core_type = #tpu.core_type<sc_vector_subcore>, window_params = [{transform_indices = #map}, {transform_indices = #map1}, {transform_indices = #map1}, {transform_indices = #map1}, {transform_indices = #map2}, {transform_indices = #map2}, {transform_indices = #map3}, {transform_indices = #map}]} {
    "tpu.region"() ({
      %run_scoped3A = tpu.sem_alloc : memref<!tpu.dma_semaphore, #tpu.memory_space<semaphore_mem>>
      tpu.enqueue_dma source(%arg3 : memref<10240xf32, #tpu.memory_space<hbm>>) target(%arg10 : memref<10240xf32, #tpu.memory_space<vmem>>) target_semaphore(%run_scoped3A : memref<!tpu.dma_semaphore, #tpu.memory_space<semaphore_mem>>)
      tpu.wait_dma2 semaphore(%run_scoped3A : memref<!tpu.dma_semaphore, #tpu.memory_space<semaphore_mem>>) src(%arg3 : memref<10240xf32, #tpu.memory_space<hbm>>) dst(%arg10 : memref<10240xf32, #tpu.memory_space<vmem>>)
      tpu.yield
    }) : () -> ()
    "tpu.region"() ({
      %run_scoped3A = tpu.sem_alloc : memref<!tpu.dma_semaphore, #tpu.memory_space<semaphore_mem>>
      tpu.enqueue_dma source(%arg4 : memref<10240xf32, #tpu.memory_space<hbm>>) target(%arg11 : memref<10240xf32, #tpu.memory_space<vmem>>) target_semaphore(%run_scoped3A : memref<!tpu.dma_semaphore, #tpu.memory_space<semaphore_mem>>)
      tpu.wait_dma2 semaphore(%run_scoped3A : memref<!tpu.dma_semaphore, #tpu.memory_space<semaphore_mem>>) src(%arg4 : memref<10240xf32, #tpu.memory_space<hbm>>) dst(%arg11 : memref<10240xf32, #tpu.memory_space<vmem>>)
      tpu.yield
    }) : () -> ()
    "tpu.region"() ({
      %run_scoped3A = tpu.sem_alloc : memref<!tpu.dma_semaphore, #tpu.memory_space<semaphore_mem>>
      tpu.enqueue_dma source(%arg5 : memref<16xf32, #tpu.memory_space<hbm>>) target(%arg12 : memref<16xf32, #tpu.memory_space<vmem>>) target_semaphore(%run_scoped3A : memref<!tpu.dma_semaphore, #tpu.memory_space<semaphore_mem>>)
      tpu.wait_dma2 semaphore(%run_scoped3A : memref<!tpu.dma_semaphore, #tpu.memory_space<semaphore_mem>>) src(%arg5 : memref<16xf32, #tpu.memory_space<hbm>>) dst(%arg12 : memref<16xf32, #tpu.memory_space<vmem>>)
      tpu.yield
    }) : () -> ()
    %dma_start3A = arith.constant 0 : i32
    %dma_start3A_0 = arith.constant 0 : i32
    %dma_start3A_1 = arith.constant 0 : i32
    %dma_start3A_2 = arith.constant 0 : i32
    %dma_start3A_3 = tpu.memref_slice %arg13[%dma_start3A_0, %dma_start3A_2] : memref<2x128xi32, #tpu.memory_space<vmem>> -> memref<1x128xi32, #tpu.memory_space<vmem>>
    %dma_start3A_4 = tpu.memref_squeeze %dma_start3A_3 : memref<1x128xi32, #tpu.memory_space<vmem>> -> memref<128xi32, #tpu.memory_space<vmem>>
    %dma_start3A_5 = arith.constant 0 : i32
    %dma_start3A_6 = tpu.memref_slice %arg6[%arg0, %arg1, %dma_start3A, %dma_start3A_5] : memref<2x16x81x128xi32, #tpu.memory_space<hbm>> -> memref<1x1x1x128xi32, #tpu.memory_space<hbm>>
    %dma_start3A_7 = tpu.memref_squeeze %dma_start3A_6 : memref<1x1x1x128xi32, #tpu.memory_space<hbm>> -> memref<128xi32, #tpu.memory_space<hbm>>
    %dma_start3A_8 = tpu.memref_slice %arg21[%dma_start3A_1] : memref<2x!tpu.dma_semaphore, #tpu.memory_space<semaphore_mem>> -> memref<1x!tpu.dma_semaphore, #tpu.memory_space<semaphore_mem>>
    %dma_start3A_9 = tpu.memref_squeeze %dma_start3A_8 : memref<1x!tpu.dma_semaphore, #tpu.memory_space<semaphore_mem>> -> memref<!tpu.dma_semaphore, #tpu.memory_space<semaphore_mem>>
    %dma_start3A_10 = arith.constant 0 : i32
    %dma_start3A_11 = tpu.memref_slice %arg13[%dma_start3A_0, %dma_start3A_10] : memref<2x128xi32, #tpu.memory_space<vmem>> -> memref<1x128xi32, #tpu.memory_space<vmem>>
    %dma_start3A_12 = tpu.memref_squeeze %dma_start3A_11 : memref<1x128xi32, #tpu.memory_space<vmem>> -> memref<128xi32, #tpu.memory_space<vmem>>
    %dma_start3A_13 = arith.constant 0 : i32
    %dma_start3A_14 = tpu.memref_slice %arg6[%arg0, %arg1, %dma_start3A, %dma_start3A_13] : memref<2x16x81x128xi32, #tpu.memory_space<hbm>> -> memref<1x1x1x128xi32, #tpu.memory_space<hbm>>
    %dma_start3A_15 = tpu.memref_squeeze %dma_start3A_14 : memref<1x1x1x128xi32, #tpu.memory_space<hbm>> -> memref<128xi32, #tpu.memory_space<hbm>>
    tpu.enqueue_dma source(%dma_start3A_15 : memref<128xi32, #tpu.memory_space<hbm>>) target(%dma_start3A_12 : memref<128xi32, #tpu.memory_space<vmem>>) target_semaphore(%dma_start3A_9 : memref<!tpu.dma_semaphore, #tpu.memory_space<semaphore_mem>>)
    %dma_start3A_16 = arith.constant 0 : i32
    %dma_start3A_17 = arith.constant 0 : i32
    %dma_start3A_18 = arith.constant 0 : i32
    %dma_start3A_19 = arith.constant 0 : i32
    %dma_start3A_20 = tpu.memref_slice %arg14[%dma_start3A_17, %dma_start3A_19] : memref<2x128xi32, #tpu.memory_space<vmem>> -> memref<1x128xi32, #tpu.memory_space<vmem>>
    %dma_start3A_21 = tpu.memref_squeeze %dma_start3A_20 : memref<1x128xi32, #tpu.memory_space<vmem>> -> memref<128xi32, #tpu.memory_space<vmem>>
    %dma_start3A_22 = arith.constant 0 : i32
    %dma_start3A_23 = tpu.memref_slice %arg7[%arg0, %arg1, %dma_start3A_16, %dma_start3A_22] : memref<2x16x81x128xi32, #tpu.memory_space<hbm>> -> memref<1x1x1x128xi32, #tpu.memory_space<hbm>>
    %dma_start3A_24 = tpu.memref_squeeze %dma_start3A_23 : memref<1x1x1x128xi32, #tpu.memory_space<hbm>> -> memref<128xi32, #tpu.memory_space<hbm>>
    %dma_start3A_25 = tpu.memref_slice %arg21[%dma_start3A_18] : memref<2x!tpu.dma_semaphore, #tpu.memory_space<semaphore_mem>> -> memref<1x!tpu.dma_semaphore, #tpu.memory_space<semaphore_mem>>
    %dma_start3A_26 = tpu.memref_squeeze %dma_start3A_25 : memref<1x!tpu.dma_semaphore, #tpu.memory_space<semaphore_mem>> -> memref<!tpu.dma_semaphore, #tpu.memory_space<semaphore_mem>>
    %dma_start3A_27 = arith.constant 0 : i32
    %dma_start3A_28 = tpu.memref_slice %arg14[%dma_start3A_17, %dma_start3A_27] : memref<2x128xi32, #tpu.memory_space<vmem>> -> memref<1x128xi32, #tpu.memory_space<vmem>>
    %dma_start3A_29 = tpu.memref_squeeze %dma_start3A_28 : memref<1x128xi32, #tpu.memory_space<vmem>> -> memref<128xi32, #tpu.memory_space<vmem>>
    %dma_start3A_30 = arith.constant 0 : i32
    %dma_start3A_31 = tpu.memref_slice %arg7[%arg0, %arg1, %dma_start3A_16, %dma_start3A_30] : memref<2x16x81x128xi32, #tpu.memory_space<hbm>> -> memref<1x1x1x128xi32, #tpu.memory_space<hbm>>
    %dma_start3A_32 = tpu.memref_squeeze %dma_start3A_31 : memref<1x1x1x128xi32, #tpu.memory_space<hbm>> -> memref<128xi32, #tpu.memory_space<hbm>>
    tpu.enqueue_dma source(%dma_start3A_32 : memref<128xi32, #tpu.memory_space<hbm>>) target(%dma_start3A_29 : memref<128xi32, #tpu.memory_space<vmem>>) target_semaphore(%dma_start3A_26 : memref<!tpu.dma_semaphore, #tpu.memory_space<semaphore_mem>>)
    %dma_start3A_33 = arith.constant 1 : i32
    %dma_start3A_34 = arith.constant 1 : i32
    %dma_start3A_35 = arith.constant 1 : i32
    %dma_start3A_36 = arith.constant 0 : i32
    %dma_start3A_37 = tpu.memref_slice %arg13[%dma_start3A_34, %dma_start3A_36] : memref<2x128xi32, #tpu.memory_space<vmem>> -> memref<1x128xi32, #tpu.memory_space<vmem>>
    %dma_start3A_38 = tpu.memref_squeeze %dma_start3A_37 : memref<1x128xi32, #tpu.memory_space<vmem>> -> memref<128xi32, #tpu.memory_space<vmem>>
    %dma_start3A_39 = arith.constant 0 : i32
    %dma_start3A_40 = tpu.memref_slice %arg6[%arg0, %arg1, %dma_start3A_33, %dma_start3A_39] : memref<2x16x81x128xi32, #tpu.memory_space<hbm>> -> memref<1x1x1x128xi32, #tpu.memory_space<hbm>>
    %dma_start3A_41 = tpu.memref_squeeze %dma_start3A_40 : memref<1x1x1x128xi32, #tpu.memory_space<hbm>> -> memref<128xi32, #tpu.memory_space<hbm>>
    %dma_start3A_42 = tpu.memref_slice %arg21[%dma_start3A_35] : memref<2x!tpu.dma_semaphore, #tpu.memory_space<semaphore_mem>> -> memref<1x!tpu.dma_semaphore, #tpu.memory_space<semaphore_mem>>
    %dma_start3A_43 = tpu.memref_squeeze %dma_start3A_42 : memref<1x!tpu.dma_semaphore, #tpu.memory_space<semaphore_mem>> -> memref<!tpu.dma_semaphore, #tpu.memory_space<semaphore_mem>>
    %dma_start3A_44 = arith.constant 0 : i32
    %dma_start3A_45 = tpu.memref_slice %arg13[%dma_start3A_34, %dma_start3A_44] : memref<2x128xi32, #tpu.memory_space<vmem>> -> memref<1x128xi32, #tpu.memory_space<vmem>>
    %dma_start3A_46 = tpu.memref_squeeze %dma_start3A_45 : memref<1x128xi32, #tpu.memory_space<vmem>> -> memref<128xi32, #tpu.memory_space<vmem>>
    %dma_start3A_47 = arith.constant 0 : i32
    %dma_start3A_48 = tpu.memref_slice %arg6[%arg0, %arg1, %dma_start3A_33, %dma_start3A_47] : memref<2x16x81x128xi32, #tpu.memory_space<hbm>> -> memref<1x1x1x128xi32, #tpu.memory_space<hbm>>
    %dma_start3A_49 = tpu.memref_squeeze %dma_start3A_48 : memref<1x1x1x128xi32, #tpu.memory_space<hbm>> -> memref<128xi32, #tpu.memory_space<hbm>>
    tpu.enqueue_dma source(%dma_start3A_49 : memref<128xi32, #tpu.memory_space<hbm>>) target(%dma_start3A_46 : memref<128xi32, #tpu.memory_space<vmem>>) target_semaphore(%dma_start3A_43 : memref<!tpu.dma_semaphore, #tpu.memory_space<semaphore_mem>>)
    %dma_start3A_50 = arith.constant 1 : i32
    %dma_start3A_51 = arith.constant 1 : i32
    %dma_start3A_52 = arith.constant 1 : i32
    %dma_start3A_53 = arith.constant 0 : i32
    %dma_start3A_54 = tpu.memref_slice %arg14[%dma_start3A_51, %dma_start3A_53] : memref<2x128xi32, #tpu.memory_space<vmem>> -> memref<1x128xi32, #tpu.memory_space<vmem>>
    %dma_start3A_55 = tpu.memref_squeeze %dma_start3A_54 : memref<1x128xi32, #tpu.memory_space<vmem>> -> memref<128xi32, #tpu.memory_space<vmem>>
    %dma_start3A_56 = arith.constant 0 : i32
    %dma_start3A_57 = tpu.memref_slice %arg7[%arg0, %arg1, %dma_start3A_50, %dma_start3A_56] : memref<2x16x81x128xi32, #tpu.memory_space<hbm>> -> memref<1x1x1x128xi32, #tpu.memory_space<hbm>>
    %dma_start3A_58 = tpu.memref_squeeze %dma_start3A_57 : memref<1x1x1x128xi32, #tpu.memory_space<hbm>> -> memref<128xi32, #tpu.memory_space<hbm>>
    %dma_start3A_59 = tpu.memref_slice %arg21[%dma_start3A_52] : memref<2x!tpu.dma_semaphore, #tpu.memory_space<semaphore_mem>> -> memref<1x!tpu.dma_semaphore, #tpu.memory_space<semaphore_mem>>
    %dma_start3A_60 = tpu.memref_squeeze %dma_start3A_59 : memref<1x!tpu.dma_semaphore, #tpu.memory_space<semaphore_mem>> -> memref<!tpu.dma_semaphore, #tpu.memory_space<semaphore_mem>>
    %dma_start3A_61 = arith.constant 0 : i32
    %dma_start3A_62 = tpu.memref_slice %arg14[%dma_start3A_51, %dma_start3A_61] : memref<2x128xi32, #tpu.memory_space<vmem>> -> memref<1x128xi32, #tpu.memory_space<vmem>>
    %dma_start3A_63 = tpu.memref_squeeze %dma_start3A_62 : memref<1x128xi32, #tpu.memory_space<vmem>> -> memref<128xi32, #tpu.memory_space<vmem>>
    %dma_start3A_64 = arith.constant 0 : i32
    %dma_start3A_65 = tpu.memref_slice %arg7[%arg0, %arg1, %dma_start3A_50, %dma_start3A_64] : memref<2x16x81x128xi32, #tpu.memory_space<hbm>> -> memref<1x1x1x128xi32, #tpu.memory_space<hbm>>
    %dma_start3A_66 = tpu.memref_squeeze %dma_start3A_65 : memref<1x1x1x128xi32, #tpu.memory_space<hbm>> -> memref<128xi32, #tpu.memory_space<hbm>>
    tpu.enqueue_dma source(%dma_start3A_66 : memref<128xi32, #tpu.memory_space<hbm>>) target(%dma_start3A_63 : memref<128xi32, #tpu.memory_space<vmem>>) target_semaphore(%dma_start3A_60 : memref<!tpu.dma_semaphore, #tpu.memory_space<semaphore_mem>>)
    %broadcast_in_dim3A = arith.constant 0.000000e+00 : f32
    %broadcast_in_dim3A_67 = vector.broadcast %broadcast_in_dim3A : f32 to vector<16xf32>
    %scan3A = arith.constant 0 : i32
    %scan3A_68 = arith.constant 0 : i32
    %scan3A_69 = arith.constant 128 : i32
    %scan3A_70 = arith.addi %scan3A_68, %scan3A_69 : i32
    %scan3A_71 = arith.constant 1 : i32
    %scan3A_72 = scf.for %scan3A_177 = %scan3A_68 to %scan3A_70 step %scan3A_71 iter_args(%scan3A_178 = %scan3A) -> (i32)  : i32 {
      %swap3A = arith.index_cast %scan3A_177 : i32 to index
      %swap3A_179 = arith.constant 0 : index
      %swap3A_180 = tpu.vector_load %arg15[%swap3A, %swap3A_179] {strides = array<i32>} : memref<128x128xf32, #tpu.memory_space<vmem>>, vector<16xf32>,
      tpu.vector_store %arg15[%swap3A, %swap3A_179], %broadcast_in_dim3A_67 {strides = array<i32>} : memref<128x128xf32, #tpu.memory_space<vmem>>, vector<16xf32>,
      %swap3A_181 = arith.index_cast %scan3A_177 : i32 to index
      %swap3A_182 = arith.constant 16 : index
      %swap3A_183 = tpu.vector_load %arg15[%swap3A_181, %swap3A_182] {strides = array<i32>} : memref<128x128xf32, #tpu.memory_space<vmem>>, vector<16xf32>,
      tpu.vector_store %arg15[%swap3A_181, %swap3A_182], %broadcast_in_dim3A_67 {strides = array<i32>} : memref<128x128xf32, #tpu.memory_space<vmem>>, vector<16xf32>,
      %swap3A_184 = arith.index_cast %scan3A_177 : i32 to index
      %swap3A_185 = arith.constant 32 : index
      %swap3A_186 = tpu.vector_load %arg15[%swap3A_184, %swap3A_185] {strides = array<i32>} : memref<128x128xf32, #tpu.memory_space<vmem>>, vector<16xf32>,
      tpu.vector_store %arg15[%swap3A_184, %swap3A_185], %broadcast_in_dim3A_67 {strides = array<i32>} : memref<128x128xf32, #tpu.memory_space<vmem>>, vector<16xf32>,
      %swap3A_187 = arith.index_cast %scan3A_177 : i32 to index
      %swap3A_188 = arith.constant 48 : index
      %swap3A_189 = tpu.vector_load %arg15[%swap3A_187, %swap3A_188] {strides = array<i32>} : memref<128x128xf32, #tpu.memory_space<vmem>>, vector<16xf32>,
      tpu.vector_store %arg15[%swap3A_187, %swap3A_188], %broadcast_in_dim3A_67 {strides = array<i32>} : memref<128x128xf32, #tpu.memory_space<vmem>>, vector<16xf32>,
      %swap3A_190 = arith.index_cast %scan3A_177 : i32 to index
      %swap3A_191 = arith.constant 64 : index
      %swap3A_192 = tpu.vector_load %arg15[%swap3A_190, %swap3A_191] {strides = array<i32>} : memref<128x128xf32, #tpu.memory_space<vmem>>, vector<16xf32>,
      tpu.vector_store %arg15[%swap3A_190, %swap3A_191], %broadcast_in_dim3A_67 {strides = array<i32>} : memref<128x128xf32, #tpu.memory_space<vmem>>, vector<16xf32>,
      %swap3A_193 = arith.index_cast %scan3A_177 : i32 to index
      %swap3A_194 = arith.constant 80 : index
      %swap3A_195 = tpu.vector_load %arg15[%swap3A_193, %swap3A_194] {strides = array<i32>} : memref<128x128xf32, #tpu.memory_space<vmem>>, vector<16xf32>,
      tpu.vector_store %arg15[%swap3A_193, %swap3A_194], %broadcast_in_dim3A_67 {strides = array<i32>} : memref<128x128xf32, #tpu.memory_space<vmem>>, vector<16xf32>,
      %swap3A_196 = arith.index_cast %scan3A_177 : i32 to index
      %swap3A_197 = arith.constant 96 : index
      %swap3A_198 = tpu.vector_load %arg15[%swap3A_196, %swap3A_197] {strides = array<i32>} : memref<128x128xf32, #tpu.memory_space<vmem>>, vector<16xf32>,
      tpu.vector_store %arg15[%swap3A_196, %swap3A_197], %broadcast_in_dim3A_67 {strides = array<i32>} : memref<128x128xf32, #tpu.memory_space<vmem>>, vector<16xf32>,
      %swap3A_199 = arith.index_cast %scan3A_177 : i32 to index
      %swap3A_200 = arith.constant 112 : index
      %swap3A_201 = tpu.vector_load %arg15[%swap3A_199, %swap3A_200] {strides = array<i32>} : memref<128x128xf32, #tpu.memory_space<vmem>>, vector<16xf32>,
      tpu.vector_store %arg15[%swap3A_199, %swap3A_200], %broadcast_in_dim3A_67 {strides = array<i32>} : memref<128x128xf32, #tpu.memory_space<vmem>>, vector<16xf32>,
      %scan3A_202 = arith.constant 0 : i32
      scf.yield %scan3A_202 : i32
    }
    %scan3A_73 = arith.constant 128 : i32
    %scan3A_74 = arith.constant 0 : i32
    %scan3A_75 = arith.constant 0 : i32
    %scan3A_76 = arith.constant 40 : i32
    %scan3A_77 = arith.addi %scan3A_75, %scan3A_76 : i32
    %scan3A_78 = arith.constant 1 : i32
    %scan3A_79 = scf.for %scan3A_177 = %scan3A_75 to %scan3A_77 step %scan3A_78 iter_args(%scan3A_178 = %scan3A_74) -> (i32)  : i32 {
      %mul3A_179 = arith.constant 16 : i32
      %mul3A_180 = arith.muli %scan3A_177, %mul3A_179 : i32
      %swap3A = arith.index_cast %mul3A_180 : i32 to index
      %swap3A_181 = tpu.vector_load %arg17[%swap3A] {strides = array<i32>} : memref<640xf32, #tpu.memory_space<vmem>>, vector<16xf32>,
      tpu.vector_store %arg17[%swap3A], %broadcast_in_dim3A_67 {strides = array<i32>} : memref<640xf32, #tpu.memory_space<vmem>>, vector<16xf32>,
      %scan3A_182 = arith.constant 0 : i32
      scf.yield %scan3A_182 : i32
    }
    %scan3A_80 = arith.constant 40 : i32
    %mul3A = arith.constant 640 : i32
    %mul3A_81 = arith.muli %arg1, %mul3A : i32
    %add3A = arith.constant 0 : i32
    %add3A_82 = arith.addi %mul3A_81, %add3A : i32
    "tpu.region"() ({
      %run_scoped3A = tpu.sem_alloc : memref<!tpu.dma_semaphore, #tpu.memory_space<semaphore_mem>>
      %dma_start3A_177 = arith.constant 0 : i32
      %dma_start3A_178 = tpu.memref_slice %arg18[%add3A_82, %dma_start3A_177] : memref<10240x128xf32, #tpu.memory_space<vmem_shared>> -> memref<128x128xf32, #tpu.memory_space<vmem_shared>>
      %dma_start3A_179 = arith.constant 0 : i32
      %dma_start3A_180 = tpu.memref_slice %arg18[%add3A_82, %dma_start3A_179] : memref<10240x128xf32, #tpu.memory_space<vmem_shared>> -> memref<128x128xf32, #tpu.memory_space<vmem_shared>>
      tpu.enqueue_dma source(%arg15 : memref<128x128xf32, #tpu.memory_space<vmem>>) target(%dma_start3A_180 : memref<128x128xf32, #tpu.memory_space<vmem_shared>>) target_semaphore(%run_scoped3A : memref<!tpu.dma_semaphore, #tpu.memory_space<semaphore_mem>>)
      %dma_wait3A_181 = arith.constant 0 : i32
      %dma_wait3A_182 = tpu.memref_slice %arg18[%add3A_82, %dma_wait3A_181] : memref<10240x128xf32, #tpu.memory_space<vmem_shared>> -> memref<128x128xf32, #tpu.memory_space<vmem_shared>>
      %dma_wait3A_183 = arith.constant 0 : i32
      %dma_wait3A_184 = tpu.memref_slice %arg18[%add3A_82, %dma_wait3A_183] : memref<10240x128xf32, #tpu.memory_space<vmem_shared>> -> memref<128x128xf32, #tpu.memory_space<vmem_shared>>
      tpu.wait_dma2 semaphore(%run_scoped3A : memref<!tpu.dma_semaphore, #tpu.memory_space<semaphore_mem>>) src(%arg15 : memref<128x128xf32, #tpu.memory_space<vmem>>) dst(%dma_wait3A_184 : memref<128x128xf32, #tpu.memory_space<vmem_shared>>)
      tpu.yield
    }) : () -> ()
    %add3A_83 = arith.constant 128 : i32
    %add3A_84 = arith.addi %mul3A_81, %add3A_83 : i32
    "tpu.region"() ({
      %run_scoped3A = tpu.sem_alloc : memref<!tpu.dma_semaphore, #tpu.memory_space<semaphore_mem>>
      %dma_start3A_177 = arith.constant 0 : i32
      %dma_start3A_178 = tpu.memref_slice %arg18[%add3A_84, %dma_start3A_177] : memref<10240x128xf32, #tpu.memory_space<vmem_shared>> -> memref<128x128xf32, #tpu.memory_space<vmem_shared>>
      %dma_start3A_179 = arith.constant 0 : i32
      %dma_start3A_180 = tpu.memref_slice %arg18[%add3A_84, %dma_start3A_179] : memref<10240x128xf32, #tpu.memory_space<vmem_shared>> -> memref<128x128xf32, #tpu.memory_space<vmem_shared>>
      tpu.enqueue_dma source(%arg15 : memref<128x128xf32, #tpu.memory_space<vmem>>) target(%dma_start3A_180 : memref<128x128xf32, #tpu.memory_space<vmem_shared>>) target_semaphore(%run_scoped3A : memref<!tpu.dma_semaphore, #tpu.memory_space<semaphore_mem>>)
      %dma_wait3A_181 = arith.constant 0 : i32
      %dma_wait3A_182 = tpu.memref_slice %arg18[%add3A_84, %dma_wait3A_181] : memref<10240x128xf32, #tpu.memory_space<vmem_shared>> -> memref<128x128xf32, #tpu.memory_space<vmem_shared>>
      %dma_wait3A_183 = arith.constant 0 : i32
      %dma_wait3A_184 = tpu.memref_slice %arg18[%add3A_84, %dma_wait3A_183] : memref<10240x128xf32, #tpu.memory_space<vmem_shared>> -> memref<128x128xf32, #tpu.memory_space<vmem_shared>>
      tpu.wait_dma2 semaphore(%run_scoped3A : memref<!tpu.dma_semaphore, #tpu.memory_space<semaphore_mem>>) src(%arg15 : memref<128x128xf32, #tpu.memory_space<vmem>>) dst(%dma_wait3A_184 : memref<128x128xf32, #tpu.memory_space<vmem_shared>>)
      tpu.yield
    }) : () -> ()
    %add3A_85 = arith.constant 256 : i32
    %add3A_86 = arith.addi %mul3A_81, %add3A_85 : i32
    "tpu.region"() ({
      %run_scoped3A = tpu.sem_alloc : memref<!tpu.dma_semaphore, #tpu.memory_space<semaphore_mem>>
      %dma_start3A_177 = arith.constant 0 : i32
      %dma_start3A_178 = tpu.memref_slice %arg18[%add3A_86, %dma_start3A_177] : memref<10240x128xf32, #tpu.memory_space<vmem_shared>> -> memref<128x128xf32, #tpu.memory_space<vmem_shared>>
      %dma_start3A_179 = arith.constant 0 : i32
      %dma_start3A_180 = tpu.memref_slice %arg18[%add3A_86, %dma_start3A_179] : memref<10240x128xf32, #tpu.memory_space<vmem_shared>> -> memref<128x128xf32, #tpu.memory_space<vmem_shared>>
      tpu.enqueue_dma source(%arg15 : memref<128x128xf32, #tpu.memory_space<vmem>>) target(%dma_start3A_180 : memref<128x128xf32, #tpu.memory_space<vmem_shared>>) target_semaphore(%run_scoped3A : memref<!tpu.dma_semaphore, #tpu.memory_space<semaphore_mem>>)
      %dma_wait3A_181 = arith.constant 0 : i32
      %dma_wait3A_182 = tpu.memref_slice %arg18[%add3A_86, %dma_wait3A_181] : memref<10240x128xf32, #tpu.memory_space<vmem_shared>> -> memref<128x128xf32, #tpu.memory_space<vmem_shared>>
      %dma_wait3A_183 = arith.constant 0 : i32
      %dma_wait3A_184 = tpu.memref_slice %arg18[%add3A_86, %dma_wait3A_183] : memref<10240x128xf32, #tpu.memory_space<vmem_shared>> -> memref<128x128xf32, #tpu.memory_space<vmem_shared>>
      tpu.wait_dma2 semaphore(%run_scoped3A : memref<!tpu.dma_semaphore, #tpu.memory_space<semaphore_mem>>) src(%arg15 : memref<128x128xf32, #tpu.memory_space<vmem>>) dst(%dma_wait3A_184 : memref<128x128xf32, #tpu.memory_space<vmem_shared>>)
      tpu.yield
    }) : () -> ()
    %add3A_87 = arith.constant 384 : i32
    %add3A_88 = arith.addi %mul3A_81, %add3A_87 : i32
    "tpu.region"() ({
      %run_scoped3A = tpu.sem_alloc : memref<!tpu.dma_semaphore, #tpu.memory_space<semaphore_mem>>
      %dma_start3A_177 = arith.constant 0 : i32
      %dma_start3A_178 = tpu.memref_slice %arg18[%add3A_88, %dma_start3A_177] : memref<10240x128xf32, #tpu.memory_space<vmem_shared>> -> memref<128x128xf32, #tpu.memory_space<vmem_shared>>
      %dma_start3A_179 = arith.constant 0 : i32
      %dma_start3A_180 = tpu.memref_slice %arg18[%add3A_88, %dma_start3A_179] : memref<10240x128xf32, #tpu.memory_space<vmem_shared>> -> memref<128x128xf32, #tpu.memory_space<vmem_shared>>
      tpu.enqueue_dma source(%arg15 : memref<128x128xf32, #tpu.memory_space<vmem>>) target(%dma_start3A_180 : memref<128x128xf32, #tpu.memory_space<vmem_shared>>) target_semaphore(%run_scoped3A : memref<!tpu.dma_semaphore, #tpu.memory_space<semaphore_mem>>)
      %dma_wait3A_181 = arith.constant 0 : i32
      %dma_wait3A_182 = tpu.memref_slice %arg18[%add3A_88, %dma_wait3A_181] : memref<10240x128xf32, #tpu.memory_space<vmem_shared>> -> memref<128x128xf32, #tpu.memory_space<vmem_shared>>
      %dma_wait3A_183 = arith.constant 0 : i32
      %dma_wait3A_184 = tpu.memref_slice %arg18[%add3A_88, %dma_wait3A_183] : memref<10240x128xf32, #tpu.memory_space<vmem_shared>> -> memref<128x128xf32, #tpu.memory_space<vmem_shared>>
      tpu.wait_dma2 semaphore(%run_scoped3A : memref<!tpu.dma_semaphore, #tpu.memory_space<semaphore_mem>>) src(%arg15 : memref<128x128xf32, #tpu.memory_space<vmem>>) dst(%dma_wait3A_184 : memref<128x128xf32, #tpu.memory_space<vmem_shared>>)
      tpu.yield
    }) : () -> ()
    %add3A_89 = arith.constant 512 : i32
    %add3A_90 = arith.addi %mul3A_81, %add3A_89 : i32
    "tpu.region"() ({
      %run_scoped3A = tpu.sem_alloc : memref<!tpu.dma_semaphore, #tpu.memory_space<semaphore_mem>>
      %dma_start3A_177 = arith.constant 0 : i32
      %dma_start3A_178 = tpu.memref_slice %arg18[%add3A_90, %dma_start3A_177] : memref<10240x128xf32, #tpu.memory_space<vmem_shared>> -> memref<128x128xf32, #tpu.memory_space<vmem_shared>>
      %dma_start3A_179 = arith.constant 0 : i32
      %dma_start3A_180 = tpu.memref_slice %arg18[%add3A_90, %dma_start3A_179] : memref<10240x128xf32, #tpu.memory_space<vmem_shared>> -> memref<128x128xf32, #tpu.memory_space<vmem_shared>>
      tpu.enqueue_dma source(%arg15 : memref<128x128xf32, #tpu.memory_space<vmem>>) target(%dma_start3A_180 : memref<128x128xf32, #tpu.memory_space<vmem_shared>>) target_semaphore(%run_scoped3A : memref<!tpu.dma_semaphore, #tpu.memory_space<semaphore_mem>>)
      %dma_wait3A_181 = arith.constant 0 : i32
      %dma_wait3A_182 = tpu.memref_slice %arg18[%add3A_90, %dma_wait3A_181] : memref<10240x128xf32, #tpu.memory_space<vmem_shared>> -> memref<128x128xf32, #tpu.memory_space<vmem_shared>>
      %dma_wait3A_183 = arith.constant 0 : i32
      %dma_wait3A_184 = tpu.memref_slice %arg18[%add3A_90, %dma_wait3A_183] : memref<10240x128xf32, #tpu.memory_space<vmem_shared>> -> memref<128x128xf32, #tpu.memory_space<vmem_shared>>
      tpu.wait_dma2 semaphore(%run_scoped3A : memref<!tpu.dma_semaphore, #tpu.memory_space<semaphore_mem>>) src(%arg15 : memref<128x128xf32, #tpu.memory_space<vmem>>) dst(%dma_wait3A_184 : memref<128x128xf32, #tpu.memory_space<vmem_shared>>)
      tpu.yield
    }) : () -> ()
    "tpu.region"() ({
      %run_scoped3A = tpu.sem_alloc : memref<!tpu.dma_semaphore, #tpu.memory_space<semaphore_mem>>
      %dma_start3A_177 = tpu.memref_slice %arg19[%mul3A_81] : memref<10240xf32, #tpu.memory_space<vmem_shared>> -> memref<640xf32, #tpu.memory_space<vmem_shared>>
      %dma_start3A_178 = tpu.memref_slice %arg19[%mul3A_81] : memref<10240xf32, #tpu.memory_space<vmem_shared>> -> memref<640xf32, #tpu.memory_space<vmem_shared>>
      tpu.enqueue_dma source(%arg17 : memref<640xf32, #tpu.memory_space<vmem>>) target(%dma_start3A_178 : memref<640xf32, #tpu.memory_space<vmem_shared>>) target_semaphore(%run_scoped3A : memref<!tpu.dma_semaphore, #tpu.memory_space<semaphore_mem>>)
      %dma_wait3A_179 = tpu.memref_slice %arg19[%mul3A_81] : memref<10240xf32, #tpu.memory_space<vmem_shared>> -> memref<640xf32, #tpu.memory_space<vmem_shared>>
      %dma_wait3A_180 = tpu.memref_slice %arg19[%mul3A_81] : memref<10240xf32, #tpu.memory_space<vmem_shared>> -> memref<640xf32, #tpu.memory_space<vmem_shared>>
      tpu.wait_dma2 semaphore(%run_scoped3A : memref<!tpu.dma_semaphore, #tpu.memory_space<semaphore_mem>>) src(%arg17 : memref<640xf32, #tpu.memory_space<vmem>>) dst(%dma_wait3A_180 : memref<640xf32, #tpu.memory_space<vmem_shared>>)
      tpu.yield
    }) : () -> ()
    %barrier3A = arith.constant 0 : index
    tpu.barrier barrier_id(%barrier3A)
    %get3A = arith.constant 0 : index
    %get3A_91 = tpu.vector_load %arg12[%get3A] {strides = array<i32>} : memref<16xf32, #tpu.memory_space<vmem>>, vector<16xf32>,
    %scan3A_92 = arith.constant 0 : i32
    %scan3A_93 = arith.constant 0 : i32
    %scan3A_94 = arith.constant 81 : i32
    %scan3A_95 = arith.addi %scan3A_93, %scan3A_94 : i32
    %scan3A_96 = arith.constant 1 : i32
    %scan3A_97 = scf.for %scan3A_177 = %scan3A_93 to %scan3A_95 step %scan3A_96 iter_args(%scan3A_178 = %scan3A_92) -> (i32)  : i32 {
      %rem3A = arith.constant 2 : i32
      %rem3A_179 = arith.remsi %scan3A_177, %rem3A : i32
      %dma_wait3A_180 = arith.constant 0 : i32
      %dma_wait3A_181 = arith.constant 0 : i32
      %dma_wait3A_182 = tpu.memref_slice %arg13[%rem3A_179, %dma_wait3A_181] : memref<2x128xi32, #tpu.memory_space<vmem>> -> memref<1x128xi32, #tpu.memory_space<vmem>>
      %dma_wait3A_183 = tpu.memref_squeeze %dma_wait3A_182 : memref<1x128xi32, #tpu.memory_space<vmem>> -> memref<128xi32, #tpu.memory_space<vmem>>
      %dma_wait3A_184 = arith.constant 0 : i32
      %dma_wait3A_185 = tpu.memref_slice %arg6[%arg0, %arg1, %dma_wait3A_180, %dma_wait3A_184] : memref<2x16x81x128xi32, #tpu.memory_space<hbm>> -> memref<1x1x1x128xi32, #tpu.memory_space<hbm>>
      %dma_wait3A_186 = tpu.memref_squeeze %dma_wait3A_185 : memref<1x1x1x128xi32, #tpu.memory_space<hbm>> -> memref<128xi32, #tpu.memory_space<hbm>>
      %dma_wait3A_187 = tpu.memref_slice %arg21[%rem3A_179] : memref<2x!tpu.dma_semaphore, #tpu.memory_space<semaphore_mem>> -> memref<1x!tpu.dma_semaphore, #tpu.memory_space<semaphore_mem>>
      %dma_wait3A_188 = tpu.memref_squeeze %dma_wait3A_187 : memref<1x!tpu.dma_semaphore, #tpu.memory_space<semaphore_mem>> -> memref<!tpu.dma_semaphore, #tpu.memory_space<semaphore_mem>>
      %dma_wait3A_189 = arith.constant 0 : i32
      %dma_wait3A_190 = tpu.memref_slice %arg13[%rem3A_179, %dma_wait3A_189] : memref<2x128xi32, #tpu.memory_space<vmem>> -> memref<1x128xi32, #tpu.memory_space<vmem>>
      %dma_wait3A_191 = tpu.memref_squeeze %dma_wait3A_190 : memref<1x128xi32, #tpu.memory_space<vmem>> -> memref<128xi32, #tpu.memory_space<vmem>>
      %dma_wait3A_192 = arith.constant 0 : i32
      %dma_wait3A_193 = tpu.memref_slice %arg6[%arg0, %arg1, %dma_wait3A_180, %dma_wait3A_192] : memref<2x16x81x128xi32, #tpu.memory_space<hbm>> -> memref<1x1x1x128xi32, #tpu.memory_space<hbm>>
      %dma_wait3A_194 = tpu.memref_squeeze %dma_wait3A_193 : memref<1x1x1x128xi32, #tpu.memory_space<hbm>> -> memref<128xi32, #tpu.memory_space<hbm>>
      tpu.wait_dma2 semaphore(%dma_wait3A_188 : memref<!tpu.dma_semaphore, #tpu.memory_space<semaphore_mem>>) src(%dma_wait3A_194 : memref<128xi32, #tpu.memory_space<hbm>>) dst(%dma_wait3A_191 : memref<128xi32, #tpu.memory_space<vmem>>)
      %dma_wait3A_195 = arith.constant 0 : i32
      %dma_wait3A_196 = arith.constant 0 : i32
      %dma_wait3A_197 = tpu.memref_slice %arg14[%rem3A_179, %dma_wait3A_196] : memref<2x128xi32, #tpu.memory_space<vmem>> -> memref<1x128xi32, #tpu.memory_space<vmem>>
      %dma_wait3A_198 = tpu.memref_squeeze %dma_wait3A_197 : memref<1x128xi32, #tpu.memory_space<vmem>> -> memref<128xi32, #tpu.memory_space<vmem>>
      %dma_wait3A_199 = arith.constant 0 : i32
      %dma_wait3A_200 = tpu.memref_slice %arg7[%arg0, %arg1, %dma_wait3A_195, %dma_wait3A_199] : memref<2x16x81x128xi32, #tpu.memory_space<hbm>> -> memref<1x1x1x128xi32, #tpu.memory_space<hbm>>
      %dma_wait3A_201 = tpu.memref_squeeze %dma_wait3A_200 : memref<1x1x1x128xi32, #tpu.memory_space<hbm>> -> memref<128xi32, #tpu.memory_space<hbm>>
      %dma_wait3A_202 = tpu.memref_slice %arg21[%rem3A_179] : memref<2x!tpu.dma_semaphore, #tpu.memory_space<semaphore_mem>> -> memref<1x!tpu.dma_semaphore, #tpu.memory_space<semaphore_mem>>
      %dma_wait3A_203 = tpu.memref_squeeze %dma_wait3A_202 : memref<1x!tpu.dma_semaphore, #tpu.memory_space<semaphore_mem>> -> memref<!tpu.dma_semaphore, #tpu.memory_space<semaphore_mem>>
      %dma_wait3A_204 = arith.constant 0 : i32
      %dma_wait3A_205 = tpu.memref_slice %arg14[%rem3A_179, %dma_wait3A_204] : memref<2x128xi32, #tpu.memory_space<vmem>> -> memref<1x128xi32, #tpu.memory_space<vmem>>
      %dma_wait3A_206 = tpu.memref_squeeze %dma_wait3A_205 : memref<1x128xi32, #tpu.memory_space<vmem>> -> memref<128xi32, #tpu.memory_space<vmem>>
      %dma_wait3A_207 = arith.constant 0 : i32
      %dma_wait3A_208 = tpu.memref_slice %arg7[%arg0, %arg1, %dma_wait3A_195, %dma_wait3A_207] : memref<2x16x81x128xi32, #tpu.memory_space<hbm>> -> memref<1x1x1x128xi32, #tpu.memory_space<hbm>>
      %dma_wait3A_209 = tpu.memref_squeeze %dma_wait3A_208 : memref<1x1x1x128xi32, #tpu.memory_space<hbm>> -> memref<128xi32, #tpu.memory_space<hbm>>
      tpu.wait_dma2 semaphore(%dma_wait3A_203 : memref<!tpu.dma_semaphore, #tpu.memory_space<semaphore_mem>>) src(%dma_wait3A_209 : memref<128xi32, #tpu.memory_space<hbm>>) dst(%dma_wait3A_206 : memref<128xi32, #tpu.memory_space<vmem>>)
      %dma_start3A_210 = arith.constant 0 : i32
      %dma_start3A_211 = tpu.memref_slice %arg13[%rem3A_179, %dma_start3A_210] : memref<2x128xi32, #tpu.memory_space<vmem>> -> memref<1x128xi32, #tpu.memory_space<vmem>>
      %dma_start3A_212 = tpu.memref_squeeze %dma_start3A_211 : memref<1x128xi32, #tpu.memory_space<vmem>> -> memref<128xi32, #tpu.memory_space<vmem>>
      %dma_start3A_213 = arith.constant 0 : i32
      %dma_start3A_214 = arith.constant 0 : i32
      %dma_start3A_215 = tpu.memref_slice %arg2[%dma_start3A_213, %dma_start3A_214] : memref<10240x128xf32, #tpu.memory_space<hbm>> -> memref<10240x128xf32, #tpu.memory_space<hbm>>
      tpu.enqueue_indirect_dma source(%dma_start3A_215 : memref<10240x128xf32, #tpu.memory_space<hbm>>) target(%arg15 : memref<128x128xf32, #tpu.memory_space<vmem>>) offsets(%dma_start3A_212 : memref<128xi32, #tpu.memory_space<vmem>>) semaphore(%arg20 : memref<!tpu.dma_semaphore, #tpu.memory_space<semaphore_mem>>)
      %get3A_216 = arith.index_cast %rem3A_179 : i32 to index
      %get3A_217 = arith.constant 0 : index
      %get3A_218 = tpu.vector_load %arg13[%get3A_216, %get3A_217] {strides = array<i32>} : memref<2x128xi32, #tpu.memory_space<vmem>>, vector<16xi32>,
      %get3A_219 = arith.index_cast %rem3A_179 : i32 to index
      %get3A_220 = arith.constant 0 : index
      %get3A_221 = tpu.vector_load %arg14[%get3A_219, %get3A_220] {strides = array<i32>} : memref<2x128xi32, #tpu.memory_space<vmem>>, vector<16xi32>,
      %gather3A = tpu.vector_load_idx %arg10[%get3A_218] : memref<10240xf32, #tpu.memory_space<vmem>>[vector<16xi32>], vector<16xf32>,
      %gather3A_222 = tpu.vector_load_idx %arg11[%get3A_221] : memref<10240xf32, #tpu.memory_space<vmem>>[vector<16xi32>], vector<16xf32>,
      %add3A_223 = arith.addf %gather3A, %gather3A_222 : vector<16xf32>
      %mul3A_224 = arith.constant 2.000000e-01 : f32
      %mul3A_225 = vector.broadcast %mul3A_224 : f32 to vector<16xf32>
      %mul3A_226 = arith.mulf %mul3A_225, %add3A_223 : vector<16xf32>
      %max3A = arith.maximumf %add3A_223, %mul3A_226 : vector<16xf32>
      %sub3A = arith.subf %max3A, %get3A_91 : vector<16xf32>
      %exp3A = math.exp %sub3A : vector<16xf32>
      %swap3A = arith.constant 0 : index
      %swap3A_227 = tpu.vector_load %arg16[%swap3A] {strides = array<i32>} : memref<128xf32, #tpu.memory_space<vmem>>, vector<16xf32>,
      tpu.vector_store %arg16[%swap3A], %exp3A {strides = array<i32>} : memref<128xf32, #tpu.memory_space<vmem>>, vector<16xf32>,
      %get3A_228 = arith.index_cast %rem3A_179 : i32 to index
      %get3A_229 = arith.constant 16 : index
      %get3A_230 = tpu.vector_load %arg13[%get3A_228, %get3A_229] {strides = array<i32>} : memref<2x128xi32, #tpu.memory_space<vmem>>, vector<16xi32>,
      %get3A_231 = arith.index_cast %rem3A_179 : i32 to index
      %get3A_232 = arith.constant 16 : index
      %get3A_233 = tpu.vector_load %arg14[%get3A_231, %get3A_232] {strides = array<i32>} : memref<2x128xi32, #tpu.memory_space<vmem>>, vector<16xi32>,
      %gather3A_234 = tpu.vector_load_idx %arg10[%get3A_230] : memref<10240xf32, #tpu.memory_space<vmem>>[vector<16xi32>], vector<16xf32>,
      %gather3A_235 = tpu.vector_load_idx %arg11[%get3A_233] : memref<10240xf32, #tpu.memory_space<vmem>>[vector<16xi32>], vector<16xf32>,
      %add3A_236 = arith.addf %gather3A_234, %gather3A_235 : vector<16xf32>
      %mul3A_237 = arith.constant 2.000000e-01 : f32
      %mul3A_238 = vector.broadcast %mul3A_237 : f32 to vector<16xf32>
      %mul3A_239 = arith.mulf %mul3A_238, %add3A_236 : vector<16xf32>
      %max3A_240 = arith.maximumf %add3A_236, %mul3A_239 : vector<16xf32>
      %sub3A_241 = arith.subf %max3A_240, %get3A_91 : vector<16xf32>
      %exp3A_242 = math.exp %sub3A_241 : vector<16xf32>
      %swap3A_243 = arith.constant 16 : index
      %swap3A_244 = tpu.vector_load %arg16[%swap3A_243] {strides = array<i32>} : memref<128xf32, #tpu.memory_space<vmem>>, vector<16xf32>,
      tpu.vector_store %arg16[%swap3A_243], %exp3A_242 {strides = array<i32>} : memref<128xf32, #tpu.memory_space<vmem>>, vector<16xf32>,
      %get3A_245 = arith.index_cast %rem3A_179 : i32 to index
      %get3A_246 = arith.constant 32 : index
      %get3A_247 = tpu.vector_load %arg13[%get3A_245, %get3A_246] {strides = array<i32>} : memref<2x128xi32, #tpu.memory_space<vmem>>, vector<16xi32>,
      %get3A_248 = arith.index_cast %rem3A_179 : i32 to index
      %get3A_249 = arith.constant 32 : index
      %get3A_250 = tpu.vector_load %arg14[%get3A_248, %get3A_249] {strides = array<i32>} : memref<2x128xi32, #tpu.memory_space<vmem>>, vector<16xi32>,
      %gather3A_251 = tpu.vector_load_idx %arg10[%get3A_247] : memref<10240xf32, #tpu.memory_space<vmem>>[vector<16xi32>], vector<16xf32>,
      %gather3A_252 = tpu.vector_load_idx %arg11[%get3A_250] : memref<10240xf32, #tpu.memory_space<vmem>>[vector<16xi32>], vector<16xf32>,
      %add3A_253 = arith.addf %gather3A_251, %gather3A_252 : vector<16xf32>
      %mul3A_254 = arith.constant 2.000000e-01 : f32
      %mul3A_255 = vector.broadcast %mul3A_254 : f32 to vector<16xf32>
      %mul3A_256 = arith.mulf %mul3A_255, %add3A_253 : vector<16xf32>
      %max3A_257 = arith.maximumf %add3A_253, %mul3A_256 : vector<16xf32>
      %sub3A_258 = arith.subf %max3A_257, %get3A_91 : vector<16xf32>
      %exp3A_259 = math.exp %sub3A_258 : vector<16xf32>
      %swap3A_260 = arith.constant 32 : index
      %swap3A_261 = tpu.vector_load %arg16[%swap3A_260] {strides = array<i32>} : memref<128xf32, #tpu.memory_space<vmem>>, vector<16xf32>,
      tpu.vector_store %arg16[%swap3A_260], %exp3A_259 {strides = array<i32>} : memref<128xf32, #tpu.memory_space<vmem>>, vector<16xf32>,
      %get3A_262 = arith.index_cast %rem3A_179 : i32 to index
      %get3A_263 = arith.constant 48 : index
      %get3A_264 = tpu.vector_load %arg13[%get3A_262, %get3A_263] {strides = array<i32>} : memref<2x128xi32, #tpu.memory_space<vmem>>, vector<16xi32>,
      %get3A_265 = arith.index_cast %rem3A_179 : i32 to index
      %get3A_266 = arith.constant 48 : index
      %get3A_267 = tpu.vector_load %arg14[%get3A_265, %get3A_266] {strides = array<i32>} : memref<2x128xi32, #tpu.memory_space<vmem>>, vector<16xi32>,
      %gather3A_268 = tpu.vector_load_idx %arg10[%get3A_264] : memref<10240xf32, #tpu.memory_space<vmem>>[vector<16xi32>], vector<16xf32>,
      %gather3A_269 = tpu.vector_load_idx %arg11[%get3A_267] : memref<10240xf32, #tpu.memory_space<vmem>>[vector<16xi32>], vector<16xf32>,
      %add3A_270 = arith.addf %gather3A_268, %gather3A_269 : vector<16xf32>
      %mul3A_271 = arith.constant 2.000000e-01 : f32
      %mul3A_272 = vector.broadcast %mul3A_271 : f32 to vector<16xf32>
      %mul3A_273 = arith.mulf %mul3A_272, %add3A_270 : vector<16xf32>
      %max3A_274 = arith.maximumf %add3A_270, %mul3A_273 : vector<16xf32>
      %sub3A_275 = arith.subf %max3A_274, %get3A_91 : vector<16xf32>
      %exp3A_276 = math.exp %sub3A_275 : vector<16xf32>
      %swap3A_277 = arith.constant 48 : index
      %swap3A_278 = tpu.vector_load %arg16[%swap3A_277] {strides = array<i32>} : memref<128xf32, #tpu.memory_space<vmem>>, vector<16xf32>,
      tpu.vector_store %arg16[%swap3A_277], %exp3A_276 {strides = array<i32>} : memref<128xf32, #tpu.memory_space<vmem>>, vector<16xf32>,
      %get3A_279 = arith.index_cast %rem3A_179 : i32 to index
      %get3A_280 = arith.constant 64 : index
      %get3A_281 = tpu.vector_load %arg13[%get3A_279, %get3A_280] {strides = array<i32>} : memref<2x128xi32, #tpu.memory_space<vmem>>, vector<16xi32>,
      %get3A_282 = arith.index_cast %rem3A_179 : i32 to index
      %get3A_283 = arith.constant 64 : index
      %get3A_284 = tpu.vector_load %arg14[%get3A_282, %get3A_283] {strides = array<i32>} : memref<2x128xi32, #tpu.memory_space<vmem>>, vector<16xi32>,
      %gather3A_285 = tpu.vector_load_idx %arg10[%get3A_281] : memref<10240xf32, #tpu.memory_space<vmem>>[vector<16xi32>], vector<16xf32>,
      %gather3A_286 = tpu.vector_load_idx %arg11[%get3A_284] : memref<10240xf32, #tpu.memory_space<vmem>>[vector<16xi32>], vector<16xf32>,
      %add3A_287 = arith.addf %gather3A_285, %gather3A_286 : vector<16xf32>
      %mul3A_288 = arith.constant 2.000000e-01 : f32
      %mul3A_289 = vector.broadcast %mul3A_288 : f32 to vector<16xf32>
      %mul3A_290 = arith.mulf %mul3A_289, %add3A_287 : vector<16xf32>
      %max3A_291 = arith.maximumf %add3A_287, %mul3A_290 : vector<16xf32>
      %sub3A_292 = arith.subf %max3A_291, %get3A_91 : vector<16xf32>
      %exp3A_293 = math.exp %sub3A_292 : vector<16xf32>
      %swap3A_294 = arith.constant 64 : index
      %swap3A_295 = tpu.vector_load %arg16[%swap3A_294] {strides = array<i32>} : memref<128xf32, #tpu.memory_space<vmem>>, vector<16xf32>,
      tpu.vector_store %arg16[%swap3A_294], %exp3A_293 {strides = array<i32>} : memref<128xf32, #tpu.memory_space<vmem>>, vector<16xf32>,
      %get3A_296 = arith.index_cast %rem3A_179 : i32 to index
      %get3A_297 = arith.constant 80 : index
      %get3A_298 = tpu.vector_load %arg13[%get3A_296, %get3A_297] {strides = array<i32>} : memref<2x128xi32, #tpu.memory_space<vmem>>, vector<16xi32>,
      %get3A_299 = arith.index_cast %rem3A_179 : i32 to index
      %get3A_300 = arith.constant 80 : index
      %get3A_301 = tpu.vector_load %arg14[%get3A_299, %get3A_300] {strides = array<i32>} : memref<2x128xi32, #tpu.memory_space<vmem>>, vector<16xi32>,
      %gather3A_302 = tpu.vector_load_idx %arg10[%get3A_298] : memref<10240xf32, #tpu.memory_space<vmem>>[vector<16xi32>], vector<16xf32>,
      %gather3A_303 = tpu.vector_load_idx %arg11[%get3A_301] : memref<10240xf32, #tpu.memory_space<vmem>>[vector<16xi32>], vector<16xf32>,
      %add3A_304 = arith.addf %gather3A_302, %gather3A_303 : vector<16xf32>
      %mul3A_305 = arith.constant 2.000000e-01 : f32
      %mul3A_306 = vector.broadcast %mul3A_305 : f32 to vector<16xf32>
      %mul3A_307 = arith.mulf %mul3A_306, %add3A_304 : vector<16xf32>
      %max3A_308 = arith.maximumf %add3A_304, %mul3A_307 : vector<16xf32>
      %sub3A_309 = arith.subf %max3A_308, %get3A_91 : vector<16xf32>
      %exp3A_310 = math.exp %sub3A_309 : vector<16xf32>
      %swap3A_311 = arith.constant 80 : index
      %swap3A_312 = tpu.vector_load %arg16[%swap3A_311] {strides = array<i32>} : memref<128xf32, #tpu.memory_space<vmem>>, vector<16xf32>,
      tpu.vector_store %arg16[%swap3A_311], %exp3A_310 {strides = array<i32>} : memref<128xf32, #tpu.memory_space<vmem>>, vector<16xf32>,
      %get3A_313 = arith.index_cast %rem3A_179 : i32 to index
      %get3A_314 = arith.constant 96 : index
      %get3A_315 = tpu.vector_load %arg13[%get3A_313, %get3A_314] {strides = array<i32>} : memref<2x128xi32, #tpu.memory_space<vmem>>, vector<16xi32>,
      %get3A_316 = arith.index_cast %rem3A_179 : i32 to index
      %get3A_317 = arith.constant 96 : index
      %get3A_318 = tpu.vector_load %arg14[%get3A_316, %get3A_317] {strides = array<i32>} : memref<2x128xi32, #tpu.memory_space<vmem>>, vector<16xi32>,
      %gather3A_319 = tpu.vector_load_idx %arg10[%get3A_315] : memref<10240xf32, #tpu.memory_space<vmem>>[vector<16xi32>], vector<16xf32>,
      %gather3A_320 = tpu.vector_load_idx %arg11[%get3A_318] : memref<10240xf32, #tpu.memory_space<vmem>>[vector<16xi32>], vector<16xf32>,
      %add3A_321 = arith.addf %gather3A_319, %gather3A_320 : vector<16xf32>
      %mul3A_322 = arith.constant 2.000000e-01 : f32
      %mul3A_323 = vector.broadcast %mul3A_322 : f32 to vector<16xf32>
      %mul3A_324 = arith.mulf %mul3A_323, %add3A_321 : vector<16xf32>
      %max3A_325 = arith.maximumf %add3A_321, %mul3A_324 : vector<16xf32>
      %sub3A_326 = arith.subf %max3A_325, %get3A_91 : vector<16xf32>
      %exp3A_327 = math.exp %sub3A_326 : vector<16xf32>
      %swap3A_328 = arith.constant 96 : index
      %swap3A_329 = tpu.vector_load %arg16[%swap3A_328] {strides = array<i32>} : memref<128xf32, #tpu.memory_space<vmem>>, vector<16xf32>,
      tpu.vector_store %arg16[%swap3A_328], %exp3A_327 {strides = array<i32>} : memref<128xf32, #tpu.memory_space<vmem>>, vector<16xf32>,
      %get3A_330 = arith.index_cast %rem3A_179 : i32 to index
      %get3A_331 = arith.constant 112 : index
      %get3A_332 = tpu.vector_load %arg13[%get3A_330, %get3A_331] {strides = array<i32>} : memref<2x128xi32, #tpu.memory_space<vmem>>, vector<16xi32>,
      %get3A_333 = arith.index_cast %rem3A_179 : i32 to index
      %get3A_334 = arith.constant 112 : index
      %get3A_335 = tpu.vector_load %arg14[%get3A_333, %get3A_334] {strides = array<i32>} : memref<2x128xi32, #tpu.memory_space<vmem>>, vector<16xi32>,
      %gather3A_336 = tpu.vector_load_idx %arg10[%get3A_332] : memref<10240xf32, #tpu.memory_space<vmem>>[vector<16xi32>], vector<16xf32>,
      %gather3A_337 = tpu.vector_load_idx %arg11[%get3A_335] : memref<10240xf32, #tpu.memory_space<vmem>>[vector<16xi32>], vector<16xf32>,
      %add3A_338 = arith.addf %gather3A_336, %gather3A_337 : vector<16xf32>
      %mul3A_339 = arith.constant 2.000000e-01 : f32
      %mul3A_340 = vector.broadcast %mul3A_339 : f32 to vector<16xf32>
      %mul3A_341 = arith.mulf %mul3A_340, %add3A_338 : vector<16xf32>
      %max3A_342 = arith.maximumf %add3A_338, %mul3A_341 : vector<16xf32>
      %sub3A_343 = arith.subf %max3A_342, %get3A_91 : vector<16xf32>
      %exp3A_344 = math.exp %sub3A_343 : vector<16xf32>
      %swap3A_345 = arith.constant 112 : index
      %swap3A_346 = tpu.vector_load %arg16[%swap3A_345] {strides = array<i32>} : memref<128xf32, #tpu.memory_space<vmem>>, vector<16xf32>,
      tpu.vector_store %arg16[%swap3A_345], %exp3A_344 {strides = array<i32>} : memref<128xf32, #tpu.memory_space<vmem>>, vector<16xf32>,
      %dma_wait3A_347 = arith.constant 0 : i32
      %dma_wait3A_348 = tpu.memref_slice %arg13[%rem3A_179, %dma_wait3A_347] : memref<2x128xi32, #tpu.memory_space<vmem>> -> memref<1x128xi32, #tpu.memory_space<vmem>>
      %dma_wait3A_349 = tpu.memref_squeeze %dma_wait3A_348 : memref<1x128xi32, #tpu.memory_space<vmem>> -> memref<128xi32, #tpu.memory_space<vmem>>
      %dma_wait3A_350 = arith.constant 0 : i32
      %dma_wait3A_351 = arith.constant 0 : i32
      %dma_wait3A_352 = tpu.memref_slice %arg2[%dma_wait3A_350, %dma_wait3A_351] : memref<10240x128xf32, #tpu.memory_space<hbm>> -> memref<10240x128xf32, #tpu.memory_space<hbm>>
      tpu.wait_indirect_dma semaphore(%arg20 : memref<!tpu.dma_semaphore, #tpu.memory_space<semaphore_mem>>) src(%dma_wait3A_352 : memref<10240x128xf32, #tpu.memory_space<hbm>>) dst(%arg15 : memref<128x128xf32, #tpu.memory_space<vmem>>)
      %scan3A_353 = arith.constant 0 : i32
      %scan3A_354 = arith.constant 0 : i32
      %scan3A_355 = arith.constant 8 : i32
      %scan3A_356 = arith.addi %scan3A_354, %scan3A_355 : i32
      %scan3A_357 = arith.constant 1 : i32
      %scan3A_358 = scf.for %scan3A_392 = %scan3A_354 to %scan3A_356 step %scan3A_357 iter_args(%scan3A_393 = %scan3A_353) -> (i32)  : i32 {
        %mul3A_394 = arith.constant 16 : i32
        %mul3A_395 = arith.muli %scan3A_392, %mul3A_394 : i32
        %get3A_396 = arith.index_cast %mul3A_395 : i32 to index
        %get3A_397 = tpu.vector_load %arg16[%get3A_396] {strides = array<i32>} : memref<128xf32, #tpu.memory_space<vmem>>, vector<16xf32>,
        %slice3A = vector.extract_strided_slice %get3A_397 {offsets = [0], sizes = [1], strides = [1]} : vector<16xf32> to vector<1xf32>
        %squeeze3A = vector.extract %slice3A[0] : f32 from vector<1xf32>
        %broadcast_in_dim3A_398 = vector.broadcast %squeeze3A : f32 to vector<16xf32>
        %mul3A_399 = arith.constant 16 : i32
        %mul3A_400 = arith.muli %scan3A_392, %mul3A_399 : i32
        %add3A_401 = arith.constant 0 : i32
        %add3A_402 = arith.addi %mul3A_400, %add3A_401 : i32
        %get3A_403 = arith.index_cast %add3A_402 : i32 to index
        %get3A_404 = arith.constant 0 : index
        %get3A_405 = tpu.vector_load %arg15[%get3A_403, %get3A_404] {strides = array<i32>} : memref<128x128xf32, #tpu.memory_space<vmem>>, vector<16xf32>,
        %mul3A_406 = arith.mulf %get3A_405, %broadcast_in_dim3A_398 : vector<16xf32>
        %swap3A_407 = arith.index_cast %add3A_402 : i32 to index
        %swap3A_408 = arith.constant 0 : index
        %swap3A_409 = tpu.vector_load %arg15[%swap3A_407, %swap3A_408] {strides = array<i32>} : memref<128x128xf32, #tpu.memory_space<vmem>>, vector<16xf32>,
        tpu.vector_store %arg15[%swap3A_407, %swap3A_408], %mul3A_406 {strides = array<i32>} : memref<128x128xf32, #tpu.memory_space<vmem>>, vector<16xf32>,
        %get3A_410 = arith.index_cast %add3A_402 : i32 to index
        %get3A_411 = arith.constant 16 : index
        %get3A_412 = tpu.vector_load %arg15[%get3A_410, %get3A_411] {strides = array<i32>} : memref<128x128xf32, #tpu.memory_space<vmem>>, vector<16xf32>,
        %mul3A_413 = arith.mulf %get3A_412, %broadcast_in_dim3A_398 : vector<16xf32>
        %swap3A_414 = arith.index_cast %add3A_402 : i32 to index
        %swap3A_415 = arith.constant 16 : index
        %swap3A_416 = tpu.vector_load %arg15[%swap3A_414, %swap3A_415] {strides = array<i32>} : memref<128x128xf32, #tpu.memory_space<vmem>>, vector<16xf32>,
        tpu.vector_store %arg15[%swap3A_414, %swap3A_415], %mul3A_413 {strides = array<i32>} : memref<128x128xf32, #tpu.memory_space<vmem>>, vector<16xf32>,
        %get3A_417 = arith.index_cast %add3A_402 : i32 to index
        %get3A_418 = arith.constant 32 : index
        %get3A_419 = tpu.vector_load %arg15[%get3A_417, %get3A_418] {strides = array<i32>} : memref<128x128xf32, #tpu.memory_space<vmem>>, vector<16xf32>,
        %mul3A_420 = arith.mulf %get3A_419, %broadcast_in_dim3A_398 : vector<16xf32>
        %swap3A_421 = arith.index_cast %add3A_402 : i32 to index
        %swap3A_422 = arith.constant 32 : index
        %swap3A_423 = tpu.vector_load %arg15[%swap3A_421, %swap3A_422] {strides = array<i32>} : memref<128x128xf32, #tpu.memory_space<vmem>>, vector<16xf32>,
        tpu.vector_store %arg15[%swap3A_421, %swap3A_422], %mul3A_420 {strides = array<i32>} : memref<128x128xf32, #tpu.memory_space<vmem>>, vector<16xf32>,
        %get3A_424 = arith.index_cast %add3A_402 : i32 to index
        %get3A_425 = arith.constant 48 : index
        %get3A_426 = tpu.vector_load %arg15[%get3A_424, %get3A_425] {strides = array<i32>} : memref<128x128xf32, #tpu.memory_space<vmem>>, vector<16xf32>,
        %mul3A_427 = arith.mulf %get3A_426, %broadcast_in_dim3A_398 : vector<16xf32>
        %swap3A_428 = arith.index_cast %add3A_402 : i32 to index
        %swap3A_429 = arith.constant 48 : index
        %swap3A_430 = tpu.vector_load %arg15[%swap3A_428, %swap3A_429] {strides = array<i32>} : memref<128x128xf32, #tpu.memory_space<vmem>>, vector<16xf32>,
        tpu.vector_store %arg15[%swap3A_428, %swap3A_429], %mul3A_427 {strides = array<i32>} : memref<128x128xf32, #tpu.memory_space<vmem>>, vector<16xf32>,
        %get3A_431 = arith.index_cast %add3A_402 : i32 to index
        %get3A_432 = arith.constant 64 : index
        %get3A_433 = tpu.vector_load %arg15[%get3A_431, %get3A_432] {strides = array<i32>} : memref<128x128xf32, #tpu.memory_space<vmem>>, vector<16xf32>,
        %mul3A_434 = arith.mulf %get3A_433, %broadcast_in_dim3A_398 : vector<16xf32>
        %swap3A_435 = arith.index_cast %add3A_402 : i32 to index
        %swap3A_436 = arith.constant 64 : index
        %swap3A_437 = tpu.vector_load %arg15[%swap3A_435, %swap3A_436] {strides = array<i32>} : memref<128x128xf32, #tpu.memory_space<vmem>>, vector<16xf32>,
        tpu.vector_store %arg15[%swap3A_435, %swap3A_436], %mul3A_434 {strides = array<i32>} : memref<128x128xf32, #tpu.memory_space<vmem>>, vector<16xf32>,
        %get3A_438 = arith.index_cast %add3A_402 : i32 to index
        %get3A_439 = arith.constant 80 : index
        %get3A_440 = tpu.vector_load %arg15[%get3A_438, %get3A_439] {strides = array<i32>} : memref<128x128xf32, #tpu.memory_space<vmem>>, vector<16xf32>,
        %mul3A_441 = arith.mulf %get3A_440, %broadcast_in_dim3A_398 : vector<16xf32>
        %swap3A_442 = arith.index_cast %add3A_402 : i32 to index
        %swap3A_443 = arith.constant 80 : index
        %swap3A_444 = tpu.vector_load %arg15[%swap3A_442, %swap3A_443] {strides = array<i32>} : memref<128x128xf32, #tpu.memory_space<vmem>>, vector<16xf32>,
        tpu.vector_store %arg15[%swap3A_442, %swap3A_443], %mul3A_441 {strides = array<i32>} : memref<128x128xf32, #tpu.memory_space<vmem>>, vector<16xf32>,
        %get3A_445 = arith.index_cast %add3A_402 : i32 to index
        %get3A_446 = arith.constant 96 : index
        %get3A_447 = tpu.vector_load %arg15[%get3A_445, %get3A_446] {strides = array<i32>} : memref<128x128xf32, #tpu.memory_space<vmem>>, vector<16xf32>,
        %mul3A_448 = arith.mulf %get3A_447, %broadcast_in_dim3A_398 : vector<16xf32>
        %swap3A_449 = arith.index_cast %add3A_402 : i32 to index
        %swap3A_450 = arith.constant 96 : index
        %swap3A_451 = tpu.vector_load %arg15[%swap3A_449, %swap3A_450] {strides = array<i32>} : memref<128x128xf32, #tpu.memory_space<vmem>>, vector<16xf32>,
        tpu.vector_store %arg15[%swap3A_449, %swap3A_450], %mul3A_448 {strides = array<i32>} : memref<128x128xf32, #tpu.memory_space<vmem>>, vector<16xf32>,
        %get3A_452 = arith.index_cast %add3A_402 : i32 to index
        %get3A_453 = arith.constant 112 : index
        %get3A_454 = tpu.vector_load %arg15[%get3A_452, %get3A_453] {strides = array<i32>} : memref<128x128xf32, #tpu.memory_space<vmem>>, vector<16xf32>,
        %mul3A_455 = arith.mulf %get3A_454, %broadcast_in_dim3A_398 : vector<16xf32>
        %swap3A_456 = arith.index_cast %add3A_402 : i32 to index
        %swap3A_457 = arith.constant 112 : index
        %swap3A_458 = tpu.vector_load %arg15[%swap3A_456, %swap3A_457] {strides = array<i32>} : memref<128x128xf32, #tpu.memory_space<vmem>>, vector<16xf32>,
        tpu.vector_store %arg15[%swap3A_456, %swap3A_457], %mul3A_455 {strides = array<i32>} : memref<128x128xf32, #tpu.memory_space<vmem>>, vector<16xf32>,
        %slice3A_459 = vector.extract_strided_slice %get3A_397 {offsets = [1], sizes = [1], strides = [1]} : vector<16xf32> to vector<1xf32>
        %squeeze3A_460 = vector.extract %slice3A_459[0] : f32 from vector<1xf32>
        %broadcast_in_dim3A_461 = vector.broadcast %squeeze3A_460 : f32 to vector<16xf32>
        %mul3A_462 = arith.constant 16 : i32
        %mul3A_463 = arith.muli %scan3A_392, %mul3A_462 : i32
        %add3A_464 = arith.constant 1 : i32
        %add3A_465 = arith.addi %mul3A_463, %add3A_464 : i32
        %get3A_466 = arith.index_cast %add3A_465 : i32 to index
        %get3A_467 = arith.constant 0 : index
        %get3A_468 = tpu.vector_load %arg15[%get3A_466, %get3A_467] {strides = array<i32>} : memref<128x128xf32, #tpu.memory_space<vmem>>, vector<16xf32>,
        %mul3A_469 = arith.mulf %get3A_468, %broadcast_in_dim3A_461 : vector<16xf32>
        %swap3A_470 = arith.index_cast %add3A_465 : i32 to index
        %swap3A_471 = arith.constant 0 : index
        %swap3A_472 = tpu.vector_load %arg15[%swap3A_470, %swap3A_471] {strides = array<i32>} : memref<128x128xf32, #tpu.memory_space<vmem>>, vector<16xf32>,
        tpu.vector_store %arg15[%swap3A_470, %swap3A_471], %mul3A_469 {strides = array<i32>} : memref<128x128xf32, #tpu.memory_space<vmem>>, vector<16xf32>,
        %get3A_473 = arith.index_cast %add3A_465 : i32 to index
        %get3A_474 = arith.constant 16 : index
        %get3A_475 = tpu.vector_load %arg15[%get3A_473, %get3A_474] {strides = array<i32>} : memref<128x128xf32, #tpu.memory_space<vmem>>, vector<16xf32>,
        %mul3A_476 = arith.mulf %get3A_475, %broadcast_in_dim3A_461 : vector<16xf32>
        %swap3A_477 = arith.index_cast %add3A_465 : i32 to index
        %swap3A_478 = arith.constant 16 : index
        %swap3A_479 = tpu.vector_load %arg15[%swap3A_477, %swap3A_478] {strides = array<i32>} : memref<128x128xf32, #tpu.memory_space<vmem>>, vector<16xf32>,
        tpu.vector_store %arg15[%swap3A_477, %swap3A_478], %mul3A_476 {strides = array<i32>} : memref<128x128xf32, #tpu.memory_space<vmem>>, vector<16xf32>,
        %get3A_480 = arith.index_cast %add3A_465 : i32 to index
        %get3A_481 = arith.constant 32 : index
        %get3A_482 = tpu.vector_load %arg15[%get3A_480, %get3A_481] {strides = array<i32>} : memref<128x128xf32, #tpu.memory_space<vmem>>, vector<16xf32>,
        %mul3A_483 = arith.mulf %get3A_482, %broadcast_in_dim3A_461 : vector<16xf32>
        %swap3A_484 = arith.index_cast %add3A_465 : i32 to index
        %swap3A_485 = arith.constant 32 : index
        %swap3A_486 = tpu.vector_load %arg15[%swap3A_484, %swap3A_485] {strides = array<i32>} : memref<128x128xf32, #tpu.memory_space<vmem>>, vector<16xf32>,
        tpu.vector_store %arg15[%swap3A_484, %swap3A_485], %mul3A_483 {strides = array<i32>} : memref<128x128xf32, #tpu.memory_space<vmem>>, vector<16xf32>,
        %get3A_487 = arith.index_cast %add3A_465 : i32 to index
        %get3A_488 = arith.constant 48 : index
        %get3A_489 = tpu.vector_load %arg15[%get3A_487, %get3A_488] {strides = array<i32>} : memref<128x128xf32, #tpu.memory_space<vmem>>, vector<16xf32>,
        %mul3A_490 = arith.mulf %get3A_489, %broadcast_in_dim3A_461 : vector<16xf32>
        %swap3A_491 = arith.index_cast %add3A_465 : i32 to index
        %swap3A_492 = arith.constant 48 : index
        %swap3A_493 = tpu.vector_load %arg15[%swap3A_491, %swap3A_492] {strides = array<i32>} : memref<128x128xf32, #tpu.memory_space<vmem>>, vector<16xf32>,
        tpu.vector_store %arg15[%swap3A_491, %swap3A_492], %mul3A_490 {strides = array<i32>} : memref<128x128xf32, #tpu.memory_space<vmem>>, vector<16xf32>,
        %get3A_494 = arith.index_cast %add3A_465 : i32 to index
        %get3A_495 = arith.constant 64 : index
        %get3A_496 = tpu.vector_load %arg15[%get3A_494, %get3A_495] {strides = array<i32>} : memref<128x128xf32, #tpu.memory_space<vmem>>, vector<16xf32>,
        %mul3A_497 = arith.mulf %get3A_496, %broadcast_in_dim3A_461 : vector<16xf32>
        %swap3A_498 = arith.index_cast %add3A_465 : i32 to index
        %swap3A_499 = arith.constant 64 : index
        %swap3A_500 = tpu.vector_load %arg15[%swap3A_498, %swap3A_499] {strides = array<i32>} : memref<128x128xf32, #tpu.memory_space<vmem>>, vector<16xf32>,
        tpu.vector_store %arg15[%swap3A_498, %swap3A_499], %mul3A_497 {strides = array<i32>} : memref<128x128xf32, #tpu.memory_space<vmem>>, vector<16xf32>,
        %get3A_501 = arith.index_cast %add3A_465 : i32 to index
        %get3A_502 = arith.constant 80 : index
        %get3A_503 = tpu.vector_load %arg15[%get3A_501, %get3A_502] {strides = array<i32>} : memref<128x128xf32, #tpu.memory_space<vmem>>, vector<16xf32>,
        %mul3A_504 = arith.mulf %get3A_503, %broadcast_in_dim3A_461 : vector<16xf32>
        %swap3A_505 = arith.index_cast %add3A_465 : i32 to index
        %swap3A_506 = arith.constant 80 : index
        %swap3A_507 = tpu.vector_load %arg15[%swap3A_505, %swap3A_506] {strides = array<i32>} : memref<128x128xf32, #tpu.memory_space<vmem>>, vector<16xf32>,
        tpu.vector_store %arg15[%swap3A_505, %swap3A_506], %mul3A_504 {strides = array<i32>} : memref<128x128xf32, #tpu.memory_space<vmem>>, vector<16xf32>,
        %get3A_508 = arith.index_cast %add3A_465 : i32 to index
        %get3A_509 = arith.constant 96 : index
        %get3A_510 = tpu.vector_load %arg15[%get3A_508, %get3A_509] {strides = array<i32>} : memref<128x128xf32, #tpu.memory_space<vmem>>, vector<16xf32>,
        %mul3A_511 = arith.mulf %get3A_510, %broadcast_in_dim3A_461 : vector<16xf32>
        %swap3A_512 = arith.index_cast %add3A_465 : i32 to index
        %swap3A_513 = arith.constant 96 : index
        %swap3A_514 = tpu.vector_load %arg15[%swap3A_512, %swap3A_513] {strides = array<i32>} : memref<128x128xf32, #tpu.memory_space<vmem>>, vector<16xf32>,
        tpu.vector_store %arg15[%swap3A_512, %swap3A_513], %mul3A_511 {strides = array<i32>} : memref<128x128xf32, #tpu.memory_space<vmem>>, vector<16xf32>,
        %get3A_515 = arith.index_cast %add3A_465 : i32 to index
        %get3A_516 = arith.constant 112 : index
        %get3A_517 = tpu.vector_load %arg15[%get3A_515, %get3A_516] {strides = array<i32>} : memref<128x128xf32, #tpu.memory_space<vmem>>, vector<16xf32>,
        %mul3A_518 = arith.mulf %get3A_517, %broadcast_in_dim3A_461 : vector<16xf32>
        %swap3A_519 = arith.index_cast %add3A_465 : i32 to index
        %swap3A_520 = arith.constant 112 : index
        %swap3A_521 = tpu.vector_load %arg15[%swap3A_519, %swap3A_520] {strides = array<i32>} : memref<128x128xf32, #tpu.memory_space<vmem>>, vector<16xf32>,
        tpu.vector_store %arg15[%swap3A_519, %swap3A_520], %mul3A_518 {strides = array<i32>} : memref<128x128xf32, #tpu.memory_space<vmem>>, vector<16xf32>,
        %slice3A_522 = vector.extract_strided_slice %get3A_397 {offsets = [2], sizes = [1], strides = [1]} : vector<16xf32> to vector<1xf32>
        %squeeze3A_523 = vector.extract %slice3A_522[0] : f32 from vector<1xf32>
        %broadcast_in_dim3A_524 = vector.broadcast %squeeze3A_523 : f32 to vector<16xf32>
        %mul3A_525 = arith.constant 16 : i32
        %mul3A_526 = arith.muli %scan3A_392, %mul3A_525 : i32
        %add3A_527 = arith.constant 2 : i32
        %add3A_528 = arith.addi %mul3A_526, %add3A_527 : i32
        %get3A_529 = arith.index_cast %add3A_528 : i32 to index
        %get3A_530 = arith.constant 0 : index
        %get3A_531 = tpu.vector_load %arg15[%get3A_529, %get3A_530] {strides = array<i32>} : memref<128x128xf32, #tpu.memory_space<vmem>>, vector<16xf32>,
        %mul3A_532 = arith.mulf %get3A_531, %broadcast_in_dim3A_524 : vector<16xf32>
        %swap3A_533 = arith.index_cast %add3A_528 : i32 to index
        %swap3A_534 = arith.constant 0 : index
        %swap3A_535 = tpu.vector_load %arg15[%swap3A_533, %swap3A_534] {strides = array<i32>} : memref<128x128xf32, #tpu.memory_space<vmem>>, vector<16xf32>,
        tpu.vector_store %arg15[%swap3A_533, %swap3A_534], %mul3A_532 {strides = array<i32>} : memref<128x128xf32, #tpu.memory_space<vmem>>, vector<16xf32>,
        %get3A_536 = arith.index_cast %add3A_528 : i32 to index
        %get3A_537 = arith.constant 16 : index
        %get3A_538 = tpu.vector_load %arg15[%get3A_536, %get3A_537] {strides = array<i32>} : memref<128x128xf32, #tpu.memory_space<vmem>>, vector<16xf32>,
        %mul3A_539 = arith.mulf %get3A_538, %broadcast_in_dim3A_524 : vector<16xf32>
        %swap3A_540 = arith.index_cast %add3A_528 : i32 to index
        %swap3A_541 = arith.constant 16 : index
        %swap3A_542 = tpu.vector_load %arg15[%swap3A_540, %swap3A_541] {strides = array<i32>} : memref<128x128xf32, #tpu.memory_space<vmem>>, vector<16xf32>,
        tpu.vector_store %arg15[%swap3A_540, %swap3A_541], %mul3A_539 {strides = array<i32>} : memref<128x128xf32, #tpu.memory_space<vmem>>, vector<16xf32>,
        %get3A_543 = arith.index_cast %add3A_528 : i32 to index
        %get3A_544 = arith.constant 32 : index
        %get3A_545 = tpu.vector_load %arg15[%get3A_543, %get3A_544] {strides = array<i32>} : memref<128x128xf32, #tpu.memory_space<vmem>>, vector<16xf32>,
        %mul3A_546 = arith.mulf %get3A_545, %broadcast_in_dim3A_524 : vector<16xf32>
        %swap3A_547 = arith.index_cast %add3A_528 : i32 to index
        %swap3A_548 = arith.constant 32 : index
        %swap3A_549 = tpu.vector_load %arg15[%swap3A_547, %swap3A_548] {strides = array<i32>} : memref<128x128xf32, #tpu.memory_space<vmem>>, vector<16xf32>,
        tpu.vector_store %arg15[%swap3A_547, %swap3A_548], %mul3A_546 {strides = array<i32>} : memref<128x128xf32, #tpu.memory_space<vmem>>, vector<16xf32>,
        %get3A_550 = arith.index_cast %add3A_528 : i32 to index
        %get3A_551 = arith.constant 48 : index
        %get3A_552 = tpu.vector_load %arg15[%get3A_550, %get3A_551] {strides = array<i32>} : memref<128x128xf32, #tpu.memory_space<vmem>>, vector<16xf32>,
        %mul3A_553 = arith.mulf %get3A_552, %broadcast_in_dim3A_524 : vector<16xf32>
        %swap3A_554 = arith.index_cast %add3A_528 : i32 to index
        %swap3A_555 = arith.constant 48 : index
        %swap3A_556 = tpu.vector_load %arg15[%swap3A_554, %swap3A_555] {strides = array<i32>} : memref<128x128xf32, #tpu.memory_space<vmem>>, vector<16xf32>,
        tpu.vector_store %arg15[%swap3A_554, %swap3A_555], %mul3A_553 {strides = array<i32>} : memref<128x128xf32, #tpu.memory_space<vmem>>, vector<16xf32>,
        %get3A_557 = arith.index_cast %add3A_528 : i32 to index
        %get3A_558 = arith.constant 64 : index
        %get3A_559 = tpu.vector_load %arg15[%get3A_557, %get3A_558] {strides = array<i32>} : memref<128x128xf32, #tpu.memory_space<vmem>>, vector<16xf32>,
        %mul3A_560 = arith.mulf %get3A_559, %broadcast_in_dim3A_524 : vector<16xf32>
        %swap3A_561 = arith.index_cast %add3A_528 : i32 to index
        %swap3A_562 = arith.constant 64 : index
        %swap3A_563 = tpu.vector_load %arg15[%swap3A_561, %swap3A_562] {strides = array<i32>} : memref<128x128xf32, #tpu.memory_space<vmem>>, vector<16xf32>,
        tpu.vector_store %arg15[%swap3A_561, %swap3A_562], %mul3A_560 {strides = array<i32>} : memref<128x128xf32, #tpu.memory_space<vmem>>, vector<16xf32>,
        %get3A_564 = arith.index_cast %add3A_528 : i32 to index
        %get3A_565 = arith.constant 80 : index
        %get3A_566 = tpu.vector_load %arg15[%get3A_564, %get3A_565] {strides = array<i32>} : memref<128x128xf32, #tpu.memory_space<vmem>>, vector<16xf32>,
        %mul3A_567 = arith.mulf %get3A_566, %broadcast_in_dim3A_524 : vector<16xf32>
        %swap3A_568 = arith.index_cast %add3A_528 : i32 to index
        %swap3A_569 = arith.constant 80 : index
        %swap3A_570 = tpu.vector_load %arg15[%swap3A_568, %swap3A_569] {strides = array<i32>} : memref<128x128xf32, #tpu.memory_space<vmem>>, vector<16xf32>,
        tpu.vector_store %arg15[%swap3A_568, %swap3A_569], %mul3A_567 {strides = array<i32>} : memref<128x128xf32, #tpu.memory_space<vmem>>, vector<16xf32>,
        %get3A_571 = arith.index_cast %add3A_528 : i32 to index
        %get3A_572 = arith.constant 96 : index
        %get3A_573 = tpu.vector_load %arg15[%get3A_571, %get3A_572] {strides = array<i32>} : memref<128x128xf32, #tpu.memory_space<vmem>>, vector<16xf32>,
        %mul3A_574 = arith.mulf %get3A_573, %broadcast_in_dim3A_524 : vector<16xf32>
        %swap3A_575 = arith.index_cast %add3A_528 : i32 to index
        %swap3A_576 = arith.constant 96 : index
        %swap3A_577 = tpu.vector_load %arg15[%swap3A_575, %swap3A_576] {strides = array<i32>} : memref<128x128xf32, #tpu.memory_space<vmem>>, vector<16xf32>,
        tpu.vector_store %arg15[%swap3A_575, %swap3A_576], %mul3A_574 {strides = array<i32>} : memref<128x128xf32, #tpu.memory_space<vmem>>, vector<16xf32>,
        %get3A_578 = arith.index_cast %add3A_528 : i32 to index
        %get3A_579 = arith.constant 112 : index
        %get3A_580 = tpu.vector_load %arg15[%get3A_578, %get3A_579] {strides = array<i32>} : memref<128x128xf32, #tpu.memory_space<vmem>>, vector<16xf32>,
        %mul3A_581 = arith.mulf %get3A_580, %broadcast_in_dim3A_524 : vector<16xf32>
        %swap3A_582 = arith.index_cast %add3A_528 : i32 to index
        %swap3A_583 = arith.constant 112 : index
        %swap3A_584 = tpu.vector_load %arg15[%swap3A_582, %swap3A_583] {strides = array<i32>} : memref<128x128xf32, #tpu.memory_space<vmem>>, vector<16xf32>,
        tpu.vector_store %arg15[%swap3A_582, %swap3A_583], %mul3A_581 {strides = array<i32>} : memref<128x128xf32, #tpu.memory_space<vmem>>, vector<16xf32>,
        %slice3A_585 = vector.extract_strided_slice %get3A_397 {offsets = [3], sizes = [1], strides = [1]} : vector<16xf32> to vector<1xf32>
        %squeeze3A_586 = vector.extract %slice3A_585[0] : f32 from vector<1xf32>
        %broadcast_in_dim3A_587 = vector.broadcast %squeeze3A_586 : f32 to vector<16xf32>
        %mul3A_588 = arith.constant 16 : i32
        %mul3A_589 = arith.muli %scan3A_392, %mul3A_588 : i32
        %add3A_590 = arith.constant 3 : i32
        %add3A_591 = arith.addi %mul3A_589, %add3A_590 : i32
        %get3A_592 = arith.index_cast %add3A_591 : i32 to index
        %get3A_593 = arith.constant 0 : index
        %get3A_594 = tpu.vector_load %arg15[%get3A_592, %get3A_593] {strides = array<i32>} : memref<128x128xf32, #tpu.memory_space<vmem>>, vector<16xf32>,
        %mul3A_595 = arith.mulf %get3A_594, %broadcast_in_dim3A_587 : vector<16xf32>
        %swap3A_596 = arith.index_cast %add3A_591 : i32 to index
        %swap3A_597 = arith.constant 0 : index
        %swap3A_598 = tpu.vector_load %arg15[%swap3A_596, %swap3A_597] {strides = array<i32>} : memref<128x128xf32, #tpu.memory_space<vmem>>, vector<16xf32>,
        tpu.vector_store %arg15[%swap3A_596, %swap3A_597], %mul3A_595 {strides = array<i32>} : memref<128x128xf32, #tpu.memory_space<vmem>>, vector<16xf32>,
        %get3A_599 = arith.index_cast %add3A_591 : i32 to index
        %get3A_600 = arith.constant 16 : index
        %get3A_601 = tpu.vector_load %arg15[%get3A_599, %get3A_600] {strides = array<i32>} : memref<128x128xf32, #tpu.memory_space<vmem>>, vector<16xf32>,
        %mul3A_602 = arith.mulf %get3A_601, %broadcast_in_dim3A_587 : vector<16xf32>
        %swap3A_603 = arith.index_cast %add3A_591 : i32 to index
        %swap3A_604 = arith.constant 16 : index
        %swap3A_605 = tpu.vector_load %arg15[%swap3A_603, %swap3A_604] {strides = array<i32>} : memref<128x128xf32, #tpu.memory_space<vmem>>, vector<16xf32>,
        tpu.vector_store %arg15[%swap3A_603, %swap3A_604], %mul3A_602 {strides = array<i32>} : memref<128x128xf32, #tpu.memory_space<vmem>>, vector<16xf32>,
        %get3A_606 = arith.index_cast %add3A_591 : i32 to index
        %get3A_607 = arith.constant 32 : index
        %get3A_608 = tpu.vector_load %arg15[%get3A_606, %get3A_607] {strides = array<i32>} : memref<128x128xf32, #tpu.memory_space<vmem>>, vector<16xf32>,
        %mul3A_609 = arith.mulf %get3A_608, %broadcast_in_dim3A_587 : vector<16xf32>
        %swap3A_610 = arith.index_cast %add3A_591 : i32 to index
        %swap3A_611 = arith.constant 32 : index
        %swap3A_612 = tpu.vector_load %arg15[%swap3A_610, %swap3A_611] {strides = array<i32>} : memref<128x128xf32, #tpu.memory_space<vmem>>, vector<16xf32>,
        tpu.vector_store %arg15[%swap3A_610, %swap3A_611], %mul3A_609 {strides = array<i32>} : memref<128x128xf32, #tpu.memory_space<vmem>>, vector<16xf32>,
        %get3A_613 = arith.index_cast %add3A_591 : i32 to index
        %get3A_614 = arith.constant 48 : index
        %get3A_615 = tpu.vector_load %arg15[%get3A_613, %get3A_614] {strides = array<i32>} : memref<128x128xf32, #tpu.memory_space<vmem>>, vector<16xf32>,
        %mul3A_616 = arith.mulf %get3A_615, %broadcast_in_dim3A_587 : vector<16xf32>
        %swap3A_617 = arith.index_cast %add3A_591 : i32 to index
        %swap3A_618 = arith.constant 48 : index
        %swap3A_619 = tpu.vector_load %arg15[%swap3A_617, %swap3A_618] {strides = array<i32>} : memref<128x128xf32, #tpu.memory_space<vmem>>, vector<16xf32>,
        tpu.vector_store %arg15[%swap3A_617, %swap3A_618], %mul3A_616 {strides = array<i32>} : memref<128x128xf32, #tpu.memory_space<vmem>>, vector<16xf32>,
        %get3A_620 = arith.index_cast %add3A_591 : i32 to index
        %get3A_621 = arith.constant 64 : index
        %get3A_622 = tpu.vector_load %arg15[%get3A_620, %get3A_621] {strides = array<i32>} : memref<128x128xf32, #tpu.memory_space<vmem>>, vector<16xf32>,
        %mul3A_623 = arith.mulf %get3A_622, %broadcast_in_dim3A_587 : vector<16xf32>
        %swap3A_624 = arith.index_cast %add3A_591 : i32 to index
        %swap3A_625 = arith.constant 64 : index
        %swap3A_626 = tpu.vector_load %arg15[%swap3A_624, %swap3A_625] {strides = array<i32>} : memref<128x128xf32, #tpu.memory_space<vmem>>, vector<16xf32>,
        tpu.vector_store %arg15[%swap3A_624, %swap3A_625], %mul3A_623 {strides = array<i32>} : memref<128x128xf32, #tpu.memory_space<vmem>>, vector<16xf32>,
        %get3A_627 = arith.index_cast %add3A_591 : i32 to index
        %get3A_628 = arith.constant 80 : index
        %get3A_629 = tpu.vector_load %arg15[%get3A_627, %get3A_628] {strides = array<i32>} : memref<128x128xf32, #tpu.memory_space<vmem>>, vector<16xf32>,
        %mul3A_630 = arith.mulf %get3A_629, %broadcast_in_dim3A_587 : vector<16xf32>
        %swap3A_631 = arith.index_cast %add3A_591 : i32 to index
        %swap3A_632 = arith.constant 80 : index
        %swap3A_633 = tpu.vector_load %arg15[%swap3A_631, %swap3A_632] {strides = array<i32>} : memref<128x128xf32, #tpu.memory_space<vmem>>, vector<16xf32>,
        tpu.vector_store %arg15[%swap3A_631, %swap3A_632], %mul3A_630 {strides = array<i32>} : memref<128x128xf32, #tpu.memory_space<vmem>>, vector<16xf32>,
        %get3A_634 = arith.index_cast %add3A_591 : i32 to index
        %get3A_635 = arith.constant 96 : index
        %get3A_636 = tpu.vector_load %arg15[%get3A_634, %get3A_635] {strides = array<i32>} : memref<128x128xf32, #tpu.memory_space<vmem>>, vector<16xf32>,
        %mul3A_637 = arith.mulf %get3A_636, %broadcast_in_dim3A_587 : vector<16xf32>
        %swap3A_638 = arith.index_cast %add3A_591 : i32 to index
        %swap3A_639 = arith.constant 96 : index
        %swap3A_640 = tpu.vector_load %arg15[%swap3A_638, %swap3A_639] {strides = array<i32>} : memref<128x128xf32, #tpu.memory_space<vmem>>, vector<16xf32>,
        tpu.vector_store %arg15[%swap3A_638, %swap3A_639], %mul3A_637 {strides = array<i32>} : memref<128x128xf32, #tpu.memory_space<vmem>>, vector<16xf32>,
        %get3A_641 = arith.index_cast %add3A_591 : i32 to index
        %get3A_642 = arith.constant 112 : index
        %get3A_643 = tpu.vector_load %arg15[%get3A_641, %get3A_642] {strides = array<i32>} : memref<128x128xf32, #tpu.memory_space<vmem>>, vector<16xf32>,
        %mul3A_644 = arith.mulf %get3A_643, %broadcast_in_dim3A_587 : vector<16xf32>
        %swap3A_645 = arith.index_cast %add3A_591 : i32 to index
        %swap3A_646 = arith.constant 112 : index
        %swap3A_647 = tpu.vector_load %arg15[%swap3A_645, %swap3A_646] {strides = array<i32>} : memref<128x128xf32, #tpu.memory_space<vmem>>, vector<16xf32>,
        tpu.vector_store %arg15[%swap3A_645, %swap3A_646], %mul3A_644 {strides = array<i32>} : memref<128x128xf32, #tpu.memory_space<vmem>>, vector<16xf32>,
        %slice3A_648 = vector.extract_strided_slice %get3A_397 {offsets = [4], sizes = [1], strides = [1]} : vector<16xf32> to vector<1xf32>
        %squeeze3A_649 = vector.extract %slice3A_648[0] : f32 from vector<1xf32>
        %broadcast_in_dim3A_650 = vector.broadcast %squeeze3A_649 : f32 to vector<16xf32>
        %mul3A_651 = arith.constant 16 : i32
        %mul3A_652 = arith.muli %scan3A_392, %mul3A_651 : i32
        %add3A_653 = arith.constant 4 : i32
        %add3A_654 = arith.addi %mul3A_652, %add3A_653 : i32
        %get3A_655 = arith.index_cast %add3A_654 : i32 to index
        %get3A_656 = arith.constant 0 : index
        %get3A_657 = tpu.vector_load %arg15[%get3A_655, %get3A_656] {strides = array<i32>} : memref<128x128xf32, #tpu.memory_space<vmem>>, vector<16xf32>,
        %mul3A_658 = arith.mulf %get3A_657, %broadcast_in_dim3A_650 : vector<16xf32>
        %swap3A_659 = arith.index_cast %add3A_654 : i32 to index
        %swap3A_660 = arith.constant 0 : index
        %swap3A_661 = tpu.vector_load %arg15[%swap3A_659, %swap3A_660] {strides = array<i32>} : memref<128x128xf32, #tpu.memory_space<vmem>>, vector<16xf32>,
        tpu.vector_store %arg15[%swap3A_659, %swap3A_660], %mul3A_658 {strides = array<i32>} : memref<128x128xf32, #tpu.memory_space<vmem>>, vector<16xf32>,
        %get3A_662 = arith.index_cast %add3A_654 : i32 to index
        %get3A_663 = arith.constant 16 : index
        %get3A_664 = tpu.vector_load %arg15[%get3A_662, %get3A_663] {strides = array<i32>} : memref<128x128xf32, #tpu.memory_space<vmem>>, vector<16xf32>,
        %mul3A_665 = arith.mulf %get3A_664, %broadcast_in_dim3A_650 : vector<16xf32>
        %swap3A_666 = arith.index_cast %add3A_654 : i32 to index
        %swap3A_667 = arith.constant 16 : index
        %swap3A_668 = tpu.vector_load %arg15[%swap3A_666, %swap3A_667] {strides = array<i32>} : memref<128x128xf32, #tpu.memory_space<vmem>>, vector<16xf32>,
        tpu.vector_store %arg15[%swap3A_666, %swap3A_667], %mul3A_665 {strides = array<i32>} : memref<128x128xf32, #tpu.memory_space<vmem>>, vector<16xf32>,
        %get3A_669 = arith.index_cast %add3A_654 : i32 to index
        %get3A_670 = arith.constant 32 : index
        %get3A_671 = tpu.vector_load %arg15[%get3A_669, %get3A_670] {strides = array<i32>} : memref<128x128xf32, #tpu.memory_space<vmem>>, vector<16xf32>,
        %mul3A_672 = arith.mulf %get3A_671, %broadcast_in_dim3A_650 : vector<16xf32>
        %swap3A_673 = arith.index_cast %add3A_654 : i32 to index
        %swap3A_674 = arith.constant 32 : index
        %swap3A_675 = tpu.vector_load %arg15[%swap3A_673, %swap3A_674] {strides = array<i32>} : memref<128x128xf32, #tpu.memory_space<vmem>>, vector<16xf32>,
        tpu.vector_store %arg15[%swap3A_673, %swap3A_674], %mul3A_672 {strides = array<i32>} : memref<128x128xf32, #tpu.memory_space<vmem>>, vector<16xf32>,
        %get3A_676 = arith.index_cast %add3A_654 : i32 to index
        %get3A_677 = arith.constant 48 : index
        %get3A_678 = tpu.vector_load %arg15[%get3A_676, %get3A_677] {strides = array<i32>} : memref<128x128xf32, #tpu.memory_space<vmem>>, vector<16xf32>,
        %mul3A_679 = arith.mulf %get3A_678, %broadcast_in_dim3A_650 : vector<16xf32>
        %swap3A_680 = arith.index_cast %add3A_654 : i32 to index
        %swap3A_681 = arith.constant 48 : index
        %swap3A_682 = tpu.vector_load %arg15[%swap3A_680, %swap3A_681] {strides = array<i32>} : memref<128x128xf32, #tpu.memory_space<vmem>>, vector<16xf32>,
        tpu.vector_store %arg15[%swap3A_680, %swap3A_681], %mul3A_679 {strides = array<i32>} : memref<128x128xf32, #tpu.memory_space<vmem>>, vector<16xf32>,
        %get3A_683 = arith.index_cast %add3A_654 : i32 to index
        %get3A_684 = arith.constant 64 : index
        %get3A_685 = tpu.vector_load %arg15[%get3A_683, %get3A_684] {strides = array<i32>} : memref<128x128xf32, #tpu.memory_space<vmem>>, vector<16xf32>,
        %mul3A_686 = arith.mulf %get3A_685, %broadcast_in_dim3A_650 : vector<16xf32>
        %swap3A_687 = arith.index_cast %add3A_654 : i32 to index
        %swap3A_688 = arith.constant 64 : index
        %swap3A_689 = tpu.vector_load %arg15[%swap3A_687, %swap3A_688] {strides = array<i32>} : memref<128x128xf32, #tpu.memory_space<vmem>>, vector<16xf32>,
        tpu.vector_store %arg15[%swap3A_687, %swap3A_688], %mul3A_686 {strides = array<i32>} : memref<128x128xf32, #tpu.memory_space<vmem>>, vector<16xf32>,
        %get3A_690 = arith.index_cast %add3A_654 : i32 to index
        %get3A_691 = arith.constant 80 : index
        %get3A_692 = tpu.vector_load %arg15[%get3A_690, %get3A_691] {strides = array<i32>} : memref<128x128xf32, #tpu.memory_space<vmem>>, vector<16xf32>,
        %mul3A_693 = arith.mulf %get3A_692, %broadcast_in_dim3A_650 : vector<16xf32>
        %swap3A_694 = arith.index_cast %add3A_654 : i32 to index
        %swap3A_695 = arith.constant 80 : index
        %swap3A_696 = tpu.vector_load %arg15[%swap3A_694, %swap3A_695] {strides = array<i32>} : memref<128x128xf32, #tpu.memory_space<vmem>>, vector<16xf32>,
        tpu.vector_store %arg15[%swap3A_694, %swap3A_695], %mul3A_693 {strides = array<i32>} : memref<128x128xf32, #tpu.memory_space<vmem>>, vector<16xf32>,
        %get3A_697 = arith.index_cast %add3A_654 : i32 to index
        %get3A_698 = arith.constant 96 : index
        %get3A_699 = tpu.vector_load %arg15[%get3A_697, %get3A_698] {strides = array<i32>} : memref<128x128xf32, #tpu.memory_space<vmem>>, vector<16xf32>,
        %mul3A_700 = arith.mulf %get3A_699, %broadcast_in_dim3A_650 : vector<16xf32>
        %swap3A_701 = arith.index_cast %add3A_654 : i32 to index
        %swap3A_702 = arith.constant 96 : index
        %swap3A_703 = tpu.vector_load %arg15[%swap3A_701, %swap3A_702] {strides = array<i32>} : memref<128x128xf32, #tpu.memory_space<vmem>>, vector<16xf32>,
        tpu.vector_store %arg15[%swap3A_701, %swap3A_702], %mul3A_700 {strides = array<i32>} : memref<128x128xf32, #tpu.memory_space<vmem>>, vector<16xf32>,
        %get3A_704 = arith.index_cast %add3A_654 : i32 to index
        %get3A_705 = arith.constant 112 : index
        %get3A_706 = tpu.vector_load %arg15[%get3A_704, %get3A_705] {strides = array<i32>} : memref<128x128xf32, #tpu.memory_space<vmem>>, vector<16xf32>,
        %mul3A_707 = arith.mulf %get3A_706, %broadcast_in_dim3A_650 : vector<16xf32>
        %swap3A_708 = arith.index_cast %add3A_654 : i32 to index
        %swap3A_709 = arith.constant 112 : index
        %swap3A_710 = tpu.vector_load %arg15[%swap3A_708, %swap3A_709] {strides = array<i32>} : memref<128x128xf32, #tpu.memory_space<vmem>>, vector<16xf32>,
        tpu.vector_store %arg15[%swap3A_708, %swap3A_709], %mul3A_707 {strides = array<i32>} : memref<128x128xf32, #tpu.memory_space<vmem>>, vector<16xf32>,
        %slice3A_711 = vector.extract_strided_slice %get3A_397 {offsets = [5], sizes = [1], strides = [1]} : vector<16xf32> to vector<1xf32>
        %squeeze3A_712 = vector.extract %slice3A_711[0] : f32 from vector<1xf32>
        %broadcast_in_dim3A_713 = vector.broadcast %squeeze3A_712 : f32 to vector<16xf32>
        %mul3A_714 = arith.constant 16 : i32
        %mul3A_715 = arith.muli %scan3A_392, %mul3A_714 : i32
        %add3A_716 = arith.constant 5 : i32
        %add3A_717 = arith.addi %mul3A_715, %add3A_716 : i32
        %get3A_718 = arith.index_cast %add3A_717 : i32 to index
        %get3A_719 = arith.constant 0 : index
        %get3A_720 = tpu.vector_load %arg15[%get3A_718, %get3A_719] {strides = array<i32>} : memref<128x128xf32, #tpu.memory_space<vmem>>, vector<16xf32>,
        %mul3A_721 = arith.mulf %get3A_720, %broadcast_in_dim3A_713 : vector<16xf32>
        %swap3A_722 = arith.index_cast %add3A_717 : i32 to index
        %swap3A_723 = arith.constant 0 : index
        %swap3A_724 = tpu.vector_load %arg15[%swap3A_722, %swap3A_723] {strides = array<i32>} : memref<128x128xf32, #tpu.memory_space<vmem>>, vector<16xf32>,
        tpu.vector_store %arg15[%swap3A_722, %swap3A_723], %mul3A_721 {strides = array<i32>} : memref<128x128xf32, #tpu.memory_space<vmem>>, vector<16xf32>,
        %get3A_725 = arith.index_cast %add3A_717 : i32 to index
        %get3A_726 = arith.constant 16 : index
        %get3A_727 = tpu.vector_load %arg15[%get3A_725, %get3A_726] {strides = array<i32>} : memref<128x128xf32, #tpu.memory_space<vmem>>, vector<16xf32>,
        %mul3A_728 = arith.mulf %get3A_727, %broadcast_in_dim3A_713 : vector<16xf32>
        %swap3A_729 = arith.index_cast %add3A_717 : i32 to index
        %swap3A_730 = arith.constant 16 : index
        %swap3A_731 = tpu.vector_load %arg15[%swap3A_729, %swap3A_730] {strides = array<i32>} : memref<128x128xf32, #tpu.memory_space<vmem>>, vector<16xf32>,
        tpu.vector_store %arg15[%swap3A_729, %swap3A_730], %mul3A_728 {strides = array<i32>} : memref<128x128xf32, #tpu.memory_space<vmem>>, vector<16xf32>,
        %get3A_732 = arith.index_cast %add3A_717 : i32 to index
        %get3A_733 = arith.constant 32 : index
        %get3A_734 = tpu.vector_load %arg15[%get3A_732, %get3A_733] {strides = array<i32>} : memref<128x128xf32, #tpu.memory_space<vmem>>, vector<16xf32>,
        %mul3A_735 = arith.mulf %get3A_734, %broadcast_in_dim3A_713 : vector<16xf32>
        %swap3A_736 = arith.index_cast %add3A_717 : i32 to index
        %swap3A_737 = arith.constant 32 : index
        %swap3A_738 = tpu.vector_load %arg15[%swap3A_736, %swap3A_737] {strides = array<i32>} : memref<128x128xf32, #tpu.memory_space<vmem>>, vector<16xf32>,
        tpu.vector_store %arg15[%swap3A_736, %swap3A_737], %mul3A_735 {strides = array<i32>} : memref<128x128xf32, #tpu.memory_space<vmem>>, vector<16xf32>,
        %get3A_739 = arith.index_cast %add3A_717 : i32 to index
        %get3A_740 = arith.constant 48 : index
        %get3A_741 = tpu.vector_load %arg15[%get3A_739, %get3A_740] {strides = array<i32>} : memref<128x128xf32, #tpu.memory_space<vmem>>, vector<16xf32>,
        %mul3A_742 = arith.mulf %get3A_741, %broadcast_in_dim3A_713 : vector<16xf32>
        %swap3A_743 = arith.index_cast %add3A_717 : i32 to index
        %swap3A_744 = arith.constant 48 : index
        %swap3A_745 = tpu.vector_load %arg15[%swap3A_743, %swap3A_744] {strides = array<i32>} : memref<128x128xf32, #tpu.memory_space<vmem>>, vector<16xf32>,
        tpu.vector_store %arg15[%swap3A_743, %swap3A_744], %mul3A_742 {strides = array<i32>} : memref<128x128xf32, #tpu.memory_space<vmem>>, vector<16xf32>,
        %get3A_746 = arith.index_cast %add3A_717 : i32 to index
        %get3A_747 = arith.constant 64 : index
        %get3A_748 = tpu.vector_load %arg15[%get3A_746, %get3A_747] {strides = array<i32>} : memref<128x128xf32, #tpu.memory_space<vmem>>, vector<16xf32>,
        %mul3A_749 = arith.mulf %get3A_748, %broadcast_in_dim3A_713 : vector<16xf32>
        %swap3A_750 = arith.index_cast %add3A_717 : i32 to index
        %swap3A_751 = arith.constant 64 : index
        %swap3A_752 = tpu.vector_load %arg15[%swap3A_750, %swap3A_751] {strides = array<i32>} : memref<128x128xf32, #tpu.memory_space<vmem>>, vector<16xf32>,
        tpu.vector_store %arg15[%swap3A_750, %swap3A_751], %mul3A_749 {strides = array<i32>} : memref<128x128xf32, #tpu.memory_space<vmem>>, vector<16xf32>,
        %get3A_753 = arith.index_cast %add3A_717 : i32 to index
        %get3A_754 = arith.constant 80 : index
        %get3A_755 = tpu.vector_load %arg15[%get3A_753, %get3A_754] {strides = array<i32>} : memref<128x128xf32, #tpu.memory_space<vmem>>, vector<16xf32>,
        %mul3A_756 = arith.mulf %get3A_755, %broadcast_in_dim3A_713 : vector<16xf32>
        %swap3A_757 = arith.index_cast %add3A_717 : i32 to index
        %swap3A_758 = arith.constant 80 : index
        %swap3A_759 = tpu.vector_load %arg15[%swap3A_757, %swap3A_758] {strides = array<i32>} : memref<128x128xf32, #tpu.memory_space<vmem>>, vector<16xf32>,
        tpu.vector_store %arg15[%swap3A_757, %swap3A_758], %mul3A_756 {strides = array<i32>} : memref<128x128xf32, #tpu.memory_space<vmem>>, vector<16xf32>,
        %get3A_760 = arith.index_cast %add3A_717 : i32 to index
        %get3A_761 = arith.constant 96 : index
        %get3A_762 = tpu.vector_load %arg15[%get3A_760, %get3A_761] {strides = array<i32>} : memref<128x128xf32, #tpu.memory_space<vmem>>, vector<16xf32>,
        %mul3A_763 = arith.mulf %get3A_762, %broadcast_in_dim3A_713 : vector<16xf32>
        %swap3A_764 = arith.index_cast %add3A_717 : i32 to index
        %swap3A_765 = arith.constant 96 : index
        %swap3A_766 = tpu.vector_load %arg15[%swap3A_764, %swap3A_765] {strides = array<i32>} : memref<128x128xf32, #tpu.memory_space<vmem>>, vector<16xf32>,
        tpu.vector_store %arg15[%swap3A_764, %swap3A_765], %mul3A_763 {strides = array<i32>} : memref<128x128xf32, #tpu.memory_space<vmem>>, vector<16xf32>,
        %get3A_767 = arith.index_cast %add3A_717 : i32 to index
        %get3A_768 = arith.constant 112 : index
        %get3A_769 = tpu.vector_load %arg15[%get3A_767, %get3A_768] {strides = array<i32>} : memref<128x128xf32, #tpu.memory_space<vmem>>, vector<16xf32>,
        %mul3A_770 = arith.mulf %get3A_769, %broadcast_in_dim3A_713 : vector<16xf32>
        %swap3A_771 = arith.index_cast %add3A_717 : i32 to index
        %swap3A_772 = arith.constant 112 : index
        %swap3A_773 = tpu.vector_load %arg15[%swap3A_771, %swap3A_772] {strides = array<i32>} : memref<128x128xf32, #tpu.memory_space<vmem>>, vector<16xf32>,
        tpu.vector_store %arg15[%swap3A_771, %swap3A_772], %mul3A_770 {strides = array<i32>} : memref<128x128xf32, #tpu.memory_space<vmem>>, vector<16xf32>,
        %slice3A_774 = vector.extract_strided_slice %get3A_397 {offsets = [6], sizes = [1], strides = [1]} : vector<16xf32> to vector<1xf32>
        %squeeze3A_775 = vector.extract %slice3A_774[0] : f32 from vector<1xf32>
        %broadcast_in_dim3A_776 = vector.broadcast %squeeze3A_775 : f32 to vector<16xf32>
        %mul3A_777 = arith.constant 16 : i32
        %mul3A_778 = arith.muli %scan3A_392, %mul3A_777 : i32
        %add3A_779 = arith.constant 6 : i32
        %add3A_780 = arith.addi %mul3A_778, %add3A_779 : i32
        %get3A_781 = arith.index_cast %add3A_780 : i32 to index
        %get3A_782 = arith.constant 0 : index
        %get3A_783 = tpu.vector_load %arg15[%get3A_781, %get3A_782] {strides = array<i32>} : memref<128x128xf32, #tpu.memory_space<vmem>>, vector<16xf32>,
        %mul3A_784 = arith.mulf %get3A_783, %broadcast_in_dim3A_776 : vector<16xf32>
        %swap3A_785 = arith.index_cast %add3A_780 : i32 to index
        %swap3A_786 = arith.constant 0 : index
        %swap3A_787 = tpu.vector_load %arg15[%swap3A_785, %swap3A_786] {strides = array<i32>} : memref<128x128xf32, #tpu.memory_space<vmem>>, vector<16xf32>,
        tpu.vector_store %arg15[%swap3A_785, %swap3A_786], %mul3A_784 {strides = array<i32>} : memref<128x128xf32, #tpu.memory_space<vmem>>, vector<16xf32>,
        %get3A_788 = arith.index_cast %add3A_780 : i32 to index
        %get3A_789 = arith.constant 16 : index
        %get3A_790 = tpu.vector_load %arg15[%get3A_788, %get3A_789] {strides = array<i32>} : memref<128x128xf32, #tpu.memory_space<vmem>>, vector<16xf32>,
        %mul3A_791 = arith.mulf %get3A_790, %broadcast_in_dim3A_776 : vector<16xf32>
        %swap3A_792 = arith.index_cast %add3A_780 : i32 to index
        %swap3A_793 = arith.constant 16 : index
        %swap3A_794 = tpu.vector_load %arg15[%swap3A_792, %swap3A_793] {strides = array<i32>} : memref<128x128xf32, #tpu.memory_space<vmem>>, vector<16xf32>,
        tpu.vector_store %arg15[%swap3A_792, %swap3A_793], %mul3A_791 {strides = array<i32>} : memref<128x128xf32, #tpu.memory_space<vmem>>, vector<16xf32>,
        %get3A_795 = arith.index_cast %add3A_780 : i32 to index
        %get3A_796 = arith.constant 32 : index
        %get3A_797 = tpu.vector_load %arg15[%get3A_795, %get3A_796] {strides = array<i32>} : memref<128x128xf32, #tpu.memory_space<vmem>>, vector<16xf32>,
        %mul3A_798 = arith.mulf %get3A_797, %broadcast_in_dim3A_776 : vector<16xf32>
        %swap3A_799 = arith.index_cast %add3A_780 : i32 to index
        %swap3A_800 = arith.constant 32 : index
        %swap3A_801 = tpu.vector_load %arg15[%swap3A_799, %swap3A_800] {strides = array<i32>} : memref<128x128xf32, #tpu.memory_space<vmem>>, vector<16xf32>,
        tpu.vector_store %arg15[%swap3A_799, %swap3A_800], %mul3A_798 {strides = array<i32>} : memref<128x128xf32, #tpu.memory_space<vmem>>, vector<16xf32>,
        %get3A_802 = arith.index_cast %add3A_780 : i32 to index
        %get3A_803 = arith.constant 48 : index
        %get3A_804 = tpu.vector_load %arg15[%get3A_802, %get3A_803] {strides = array<i32>} : memref<128x128xf32, #tpu.memory_space<vmem>>, vector<16xf32>,
        %mul3A_805 = arith.mulf %get3A_804, %broadcast_in_dim3A_776 : vector<16xf32>
        %swap3A_806 = arith.index_cast %add3A_780 : i32 to index
        %swap3A_807 = arith.constant 48 : index
        %swap3A_808 = tpu.vector_load %arg15[%swap3A_806, %swap3A_807] {strides = array<i32>} : memref<128x128xf32, #tpu.memory_space<vmem>>, vector<16xf32>,
        tpu.vector_store %arg15[%swap3A_806, %swap3A_807], %mul3A_805 {strides = array<i32>} : memref<128x128xf32, #tpu.memory_space<vmem>>, vector<16xf32>,
        %get3A_809 = arith.index_cast %add3A_780 : i32 to index
        %get3A_810 = arith.constant 64 : index
        %get3A_811 = tpu.vector_load %arg15[%get3A_809, %get3A_810] {strides = array<i32>} : memref<128x128xf32, #tpu.memory_space<vmem>>, vector<16xf32>,
        %mul3A_812 = arith.mulf %get3A_811, %broadcast_in_dim3A_776 : vector<16xf32>
        %swap3A_813 = arith.index_cast %add3A_780 : i32 to index
        %swap3A_814 = arith.constant 64 : index
        %swap3A_815 = tpu.vector_load %arg15[%swap3A_813, %swap3A_814] {strides = array<i32>} : memref<128x128xf32, #tpu.memory_space<vmem>>, vector<16xf32>,
        tpu.vector_store %arg15[%swap3A_813, %swap3A_814], %mul3A_812 {strides = array<i32>} : memref<128x128xf32, #tpu.memory_space<vmem>>, vector<16xf32>,
        %get3A_816 = arith.index_cast %add3A_780 : i32 to index
        %get3A_817 = arith.constant 80 : index
        %get3A_818 = tpu.vector_load %arg15[%get3A_816, %get3A_817] {strides = array<i32>} : memref<128x128xf32, #tpu.memory_space<vmem>>, vector<16xf32>,
        %mul3A_819 = arith.mulf %get3A_818, %broadcast_in_dim3A_776 : vector<16xf32>
        %swap3A_820 = arith.index_cast %add3A_780 : i32 to index
        %swap3A_821 = arith.constant 80 : index
        %swap3A_822 = tpu.vector_load %arg15[%swap3A_820, %swap3A_821] {strides = array<i32>} : memref<128x128xf32, #tpu.memory_space<vmem>>, vector<16xf32>,
        tpu.vector_store %arg15[%swap3A_820, %swap3A_821], %mul3A_819 {strides = array<i32>} : memref<128x128xf32, #tpu.memory_space<vmem>>, vector<16xf32>,
        %get3A_823 = arith.index_cast %add3A_780 : i32 to index
        %get3A_824 = arith.constant 96 : index
        %get3A_825 = tpu.vector_load %arg15[%get3A_823, %get3A_824] {strides = array<i32>} : memref<128x128xf32, #tpu.memory_space<vmem>>, vector<16xf32>,
        %mul3A_826 = arith.mulf %get3A_825, %broadcast_in_dim3A_776 : vector<16xf32>
        %swap3A_827 = arith.index_cast %add3A_780 : i32 to index
        %swap3A_828 = arith.constant 96 : index
        %swap3A_829 = tpu.vector_load %arg15[%swap3A_827, %swap3A_828] {strides = array<i32>} : memref<128x128xf32, #tpu.memory_space<vmem>>, vector<16xf32>,
        tpu.vector_store %arg15[%swap3A_827, %swap3A_828], %mul3A_826 {strides = array<i32>} : memref<128x128xf32, #tpu.memory_space<vmem>>, vector<16xf32>,
        %get3A_830 = arith.index_cast %add3A_780 : i32 to index
        %get3A_831 = arith.constant 112 : index
        %get3A_832 = tpu.vector_load %arg15[%get3A_830, %get3A_831] {strides = array<i32>} : memref<128x128xf32, #tpu.memory_space<vmem>>, vector<16xf32>,
        %mul3A_833 = arith.mulf %get3A_832, %broadcast_in_dim3A_776 : vector<16xf32>
        %swap3A_834 = arith.index_cast %add3A_780 : i32 to index
        %swap3A_835 = arith.constant 112 : index
        %swap3A_836 = tpu.vector_load %arg15[%swap3A_834, %swap3A_835] {strides = array<i32>} : memref<128x128xf32, #tpu.memory_space<vmem>>, vector<16xf32>,
        tpu.vector_store %arg15[%swap3A_834, %swap3A_835], %mul3A_833 {strides = array<i32>} : memref<128x128xf32, #tpu.memory_space<vmem>>, vector<16xf32>,
        %slice3A_837 = vector.extract_strided_slice %get3A_397 {offsets = [7], sizes = [1], strides = [1]} : vector<16xf32> to vector<1xf32>
        %squeeze3A_838 = vector.extract %slice3A_837[0] : f32 from vector<1xf32>
        %broadcast_in_dim3A_839 = vector.broadcast %squeeze3A_838 : f32 to vector<16xf32>
        %mul3A_840 = arith.constant 16 : i32
        %mul3A_841 = arith.muli %scan3A_392, %mul3A_840 : i32
        %add3A_842 = arith.constant 7 : i32
        %add3A_843 = arith.addi %mul3A_841, %add3A_842 : i32
        %get3A_844 = arith.index_cast %add3A_843 : i32 to index
        %get3A_845 = arith.constant 0 : index
        %get3A_846 = tpu.vector_load %arg15[%get3A_844, %get3A_845] {strides = array<i32>} : memref<128x128xf32, #tpu.memory_space<vmem>>, vector<16xf32>,
        %mul3A_847 = arith.mulf %get3A_846, %broadcast_in_dim3A_839 : vector<16xf32>
        %swap3A_848 = arith.index_cast %add3A_843 : i32 to index
        %swap3A_849 = arith.constant 0 : index
        %swap3A_850 = tpu.vector_load %arg15[%swap3A_848, %swap3A_849] {strides = array<i32>} : memref<128x128xf32, #tpu.memory_space<vmem>>, vector<16xf32>,
        tpu.vector_store %arg15[%swap3A_848, %swap3A_849], %mul3A_847 {strides = array<i32>} : memref<128x128xf32, #tpu.memory_space<vmem>>, vector<16xf32>,
        %get3A_851 = arith.index_cast %add3A_843 : i32 to index
        %get3A_852 = arith.constant 16 : index
        %get3A_853 = tpu.vector_load %arg15[%get3A_851, %get3A_852] {strides = array<i32>} : memref<128x128xf32, #tpu.memory_space<vmem>>, vector<16xf32>,
        %mul3A_854 = arith.mulf %get3A_853, %broadcast_in_dim3A_839 : vector<16xf32>
        %swap3A_855 = arith.index_cast %add3A_843 : i32 to index
        %swap3A_856 = arith.constant 16 : index
        %swap3A_857 = tpu.vector_load %arg15[%swap3A_855, %swap3A_856] {strides = array<i32>} : memref<128x128xf32, #tpu.memory_space<vmem>>, vector<16xf32>,
        tpu.vector_store %arg15[%swap3A_855, %swap3A_856], %mul3A_854 {strides = array<i32>} : memref<128x128xf32, #tpu.memory_space<vmem>>, vector<16xf32>,
        %get3A_858 = arith.index_cast %add3A_843 : i32 to index
        %get3A_859 = arith.constant 32 : index
        %get3A_860 = tpu.vector_load %arg15[%get3A_858, %get3A_859] {strides = array<i32>} : memref<128x128xf32, #tpu.memory_space<vmem>>, vector<16xf32>,
        %mul3A_861 = arith.mulf %get3A_860, %broadcast_in_dim3A_839 : vector<16xf32>
        %swap3A_862 = arith.index_cast %add3A_843 : i32 to index
        %swap3A_863 = arith.constant 32 : index
        %swap3A_864 = tpu.vector_load %arg15[%swap3A_862, %swap3A_863] {strides = array<i32>} : memref<128x128xf32, #tpu.memory_space<vmem>>, vector<16xf32>,
        tpu.vector_store %arg15[%swap3A_862, %swap3A_863], %mul3A_861 {strides = array<i32>} : memref<128x128xf32, #tpu.memory_space<vmem>>, vector<16xf32>,
        %get3A_865 = arith.index_cast %add3A_843 : i32 to index
        %get3A_866 = arith.constant 48 : index
        %get3A_867 = tpu.vector_load %arg15[%get3A_865, %get3A_866] {strides = array<i32>} : memref<128x128xf32, #tpu.memory_space<vmem>>, vector<16xf32>,
        %mul3A_868 = arith.mulf %get3A_867, %broadcast_in_dim3A_839 : vector<16xf32>
        %swap3A_869 = arith.index_cast %add3A_843 : i32 to index
        %swap3A_870 = arith.constant 48 : index
        %swap3A_871 = tpu.vector_load %arg15[%swap3A_869, %swap3A_870] {strides = array<i32>} : memref<128x128xf32, #tpu.memory_space<vmem>>, vector<16xf32>,
        tpu.vector_store %arg15[%swap3A_869, %swap3A_870], %mul3A_868 {strides = array<i32>} : memref<128x128xf32, #tpu.memory_space<vmem>>, vector<16xf32>,
        %get3A_872 = arith.index_cast %add3A_843 : i32 to index
        %get3A_873 = arith.constant 64 : index
        %get3A_874 = tpu.vector_load %arg15[%get3A_872, %get3A_873] {strides = array<i32>} : memref<128x128xf32, #tpu.memory_space<vmem>>, vector<16xf32>,
        %mul3A_875 = arith.mulf %get3A_874, %broadcast_in_dim3A_839 : vector<16xf32>
        %swap3A_876 = arith.index_cast %add3A_843 : i32 to index
        %swap3A_877 = arith.constant 64 : index
        %swap3A_878 = tpu.vector_load %arg15[%swap3A_876, %swap3A_877] {strides = array<i32>} : memref<128x128xf32, #tpu.memory_space<vmem>>, vector<16xf32>,
        tpu.vector_store %arg15[%swap3A_876, %swap3A_877], %mul3A_875 {strides = array<i32>} : memref<128x128xf32, #tpu.memory_space<vmem>>, vector<16xf32>,
        %get3A_879 = arith.index_cast %add3A_843 : i32 to index
        %get3A_880 = arith.constant 80 : index
        %get3A_881 = tpu.vector_load %arg15[%get3A_879, %get3A_880] {strides = array<i32>} : memref<128x128xf32, #tpu.memory_space<vmem>>, vector<16xf32>,
        %mul3A_882 = arith.mulf %get3A_881, %broadcast_in_dim3A_839 : vector<16xf32>
        %swap3A_883 = arith.index_cast %add3A_843 : i32 to index
        %swap3A_884 = arith.constant 80 : index
        %swap3A_885 = tpu.vector_load %arg15[%swap3A_883, %swap3A_884] {strides = array<i32>} : memref<128x128xf32, #tpu.memory_space<vmem>>, vector<16xf32>,
        tpu.vector_store %arg15[%swap3A_883, %swap3A_884], %mul3A_882 {strides = array<i32>} : memref<128x128xf32, #tpu.memory_space<vmem>>, vector<16xf32>,
        %get3A_886 = arith.index_cast %add3A_843 : i32 to index
        %get3A_887 = arith.constant 96 : index
        %get3A_888 = tpu.vector_load %arg15[%get3A_886, %get3A_887] {strides = array<i32>} : memref<128x128xf32, #tpu.memory_space<vmem>>, vector<16xf32>,
        %mul3A_889 = arith.mulf %get3A_888, %broadcast_in_dim3A_839 : vector<16xf32>
        %swap3A_890 = arith.index_cast %add3A_843 : i32 to index
        %swap3A_891 = arith.constant 96 : index
        %swap3A_892 = tpu.vector_load %arg15[%swap3A_890, %swap3A_891] {strides = array<i32>} : memref<128x128xf32, #tpu.memory_space<vmem>>, vector<16xf32>,
        tpu.vector_store %arg15[%swap3A_890, %swap3A_891], %mul3A_889 {strides = array<i32>} : memref<128x128xf32, #tpu.memory_space<vmem>>, vector<16xf32>,
        %get3A_893 = arith.index_cast %add3A_843 : i32 to index
        %get3A_894 = arith.constant 112 : index
        %get3A_895 = tpu.vector_load %arg15[%get3A_893, %get3A_894] {strides = array<i32>} : memref<128x128xf32, #tpu.memory_space<vmem>>, vector<16xf32>,
        %mul3A_896 = arith.mulf %get3A_895, %broadcast_in_dim3A_839 : vector<16xf32>
        %swap3A_897 = arith.index_cast %add3A_843 : i32 to index
        %swap3A_898 = arith.constant 112 : index
        %swap3A_899 = tpu.vector_load %arg15[%swap3A_897, %swap3A_898] {strides = array<i32>} : memref<128x128xf32, #tpu.memory_space<vmem>>, vector<16xf32>,
        tpu.vector_store %arg15[%swap3A_897, %swap3A_898], %mul3A_896 {strides = array<i32>} : memref<128x128xf32, #tpu.memory_space<vmem>>, vector<16xf32>,
        %slice3A_900 = vector.extract_strided_slice %get3A_397 {offsets = [8], sizes = [1], strides = [1]} : vector<16xf32> to vector<1xf32>
        %squeeze3A_901 = vector.extract %slice3A_900[0] : f32 from vector<1xf32>
        %broadcast_in_dim3A_902 = vector.broadcast %squeeze3A_901 : f32 to vector<16xf32>
        %mul3A_903 = arith.constant 16 : i32
        %mul3A_904 = arith.muli %scan3A_392, %mul3A_903 : i32
        %add3A_905 = arith.constant 8 : i32
        %add3A_906 = arith.addi %mul3A_904, %add3A_905 : i32
        %get3A_907 = arith.index_cast %add3A_906 : i32 to index
        %get3A_908 = arith.constant 0 : index
        %get3A_909 = tpu.vector_load %arg15[%get3A_907, %get3A_908] {strides = array<i32>} : memref<128x128xf32, #tpu.memory_space<vmem>>, vector<16xf32>,
        %mul3A_910 = arith.mulf %get3A_909, %broadcast_in_dim3A_902 : vector<16xf32>
        %swap3A_911 = arith.index_cast %add3A_906 : i32 to index
        %swap3A_912 = arith.constant 0 : index
        %swap3A_913 = tpu.vector_load %arg15[%swap3A_911, %swap3A_912] {strides = array<i32>} : memref<128x128xf32, #tpu.memory_space<vmem>>, vector<16xf32>,
        tpu.vector_store %arg15[%swap3A_911, %swap3A_912], %mul3A_910 {strides = array<i32>} : memref<128x128xf32, #tpu.memory_space<vmem>>, vector<16xf32>,
        %get3A_914 = arith.index_cast %add3A_906 : i32 to index
        %get3A_915 = arith.constant 16 : index
        %get3A_916 = tpu.vector_load %arg15[%get3A_914, %get3A_915] {strides = array<i32>} : memref<128x128xf32, #tpu.memory_space<vmem>>, vector<16xf32>,
        %mul3A_917 = arith.mulf %get3A_916, %broadcast_in_dim3A_902 : vector<16xf32>
        %swap3A_918 = arith.index_cast %add3A_906 : i32 to index
        %swap3A_919 = arith.constant 16 : index
        %swap3A_920 = tpu.vector_load %arg15[%swap3A_918, %swap3A_919] {strides = array<i32>} : memref<128x128xf32, #tpu.memory_space<vmem>>, vector<16xf32>,
        tpu.vector_store %arg15[%swap3A_918, %swap3A_919], %mul3A_917 {strides = array<i32>} : memref<128x128xf32, #tpu.memory_space<vmem>>, vector<16xf32>,
        %get3A_921 = arith.index_cast %add3A_906 : i32 to index
        %get3A_922 = arith.constant 32 : index
        %get3A_923 = tpu.vector_load %arg15[%get3A_921, %get3A_922] {strides = array<i32>} : memref<128x128xf32, #tpu.memory_space<vmem>>, vector<16xf32>,
        %mul3A_924 = arith.mulf %get3A_923, %broadcast_in_dim3A_902 : vector<16xf32>
        %swap3A_925 = arith.index_cast %add3A_906 : i32 to index
        %swap3A_926 = arith.constant 32 : index
        %swap3A_927 = tpu.vector_load %arg15[%swap3A_925, %swap3A_926] {strides = array<i32>} : memref<128x128xf32, #tpu.memory_space<vmem>>, vector<16xf32>,
        tpu.vector_store %arg15[%swap3A_925, %swap3A_926], %mul3A_924 {strides = array<i32>} : memref<128x128xf32, #tpu.memory_space<vmem>>, vector<16xf32>,
        %get3A_928 = arith.index_cast %add3A_906 : i32 to index
        %get3A_929 = arith.constant 48 : index
        %get3A_930 = tpu.vector_load %arg15[%get3A_928, %get3A_929] {strides = array<i32>} : memref<128x128xf32, #tpu.memory_space<vmem>>, vector<16xf32>,
        %mul3A_931 = arith.mulf %get3A_930, %broadcast_in_dim3A_902 : vector<16xf32>
        %swap3A_932 = arith.index_cast %add3A_906 : i32 to index
        %swap3A_933 = arith.constant 48 : index
        %swap3A_934 = tpu.vector_load %arg15[%swap3A_932, %swap3A_933] {strides = array<i32>} : memref<128x128xf32, #tpu.memory_space<vmem>>, vector<16xf32>,
        tpu.vector_store %arg15[%swap3A_932, %swap3A_933], %mul3A_931 {strides = array<i32>} : memref<128x128xf32, #tpu.memory_space<vmem>>, vector<16xf32>,
        %get3A_935 = arith.index_cast %add3A_906 : i32 to index
        %get3A_936 = arith.constant 64 : index
        %get3A_937 = tpu.vector_load %arg15[%get3A_935, %get3A_936] {strides = array<i32>} : memref<128x128xf32, #tpu.memory_space<vmem>>, vector<16xf32>,
        %mul3A_938 = arith.mulf %get3A_937, %broadcast_in_dim3A_902 : vector<16xf32>
        %swap3A_939 = arith.index_cast %add3A_906 : i32 to index
        %swap3A_940 = arith.constant 64 : index
        %swap3A_941 = tpu.vector_load %arg15[%swap3A_939, %swap3A_940] {strides = array<i32>} : memref<128x128xf32, #tpu.memory_space<vmem>>, vector<16xf32>,
        tpu.vector_store %arg15[%swap3A_939, %swap3A_940], %mul3A_938 {strides = array<i32>} : memref<128x128xf32, #tpu.memory_space<vmem>>, vector<16xf32>,
        %get3A_942 = arith.index_cast %add3A_906 : i32 to index
        %get3A_943 = arith.constant 80 : index
        %get3A_944 = tpu.vector_load %arg15[%get3A_942, %get3A_943] {strides = array<i32>} : memref<128x128xf32, #tpu.memory_space<vmem>>, vector<16xf32>,
        %mul3A_945 = arith.mulf %get3A_944, %broadcast_in_dim3A_902 : vector<16xf32>
        %swap3A_946 = arith.index_cast %add3A_906 : i32 to index
        %swap3A_947 = arith.constant 80 : index
        %swap3A_948 = tpu.vector_load %arg15[%swap3A_946, %swap3A_947] {strides = array<i32>} : memref<128x128xf32, #tpu.memory_space<vmem>>, vector<16xf32>,
        tpu.vector_store %arg15[%swap3A_946, %swap3A_947], %mul3A_945 {strides = array<i32>} : memref<128x128xf32, #tpu.memory_space<vmem>>, vector<16xf32>,
        %get3A_949 = arith.index_cast %add3A_906 : i32 to index
        %get3A_950 = arith.constant 96 : index
        %get3A_951 = tpu.vector_load %arg15[%get3A_949, %get3A_950] {strides = array<i32>} : memref<128x128xf32, #tpu.memory_space<vmem>>, vector<16xf32>,
        %mul3A_952 = arith.mulf %get3A_951, %broadcast_in_dim3A_902 : vector<16xf32>
        %swap3A_953 = arith.index_cast %add3A_906 : i32 to index
        %swap3A_954 = arith.constant 96 : index
        %swap3A_955 = tpu.vector_load %arg15[%swap3A_953, %swap3A_954] {strides = array<i32>} : memref<128x128xf32, #tpu.memory_space<vmem>>, vector<16xf32>,
        tpu.vector_store %arg15[%swap3A_953, %swap3A_954], %mul3A_952 {strides = array<i32>} : memref<128x128xf32, #tpu.memory_space<vmem>>, vector<16xf32>,
        %get3A_956 = arith.index_cast %add3A_906 : i32 to index
        %get3A_957 = arith.constant 112 : index
        %get3A_958 = tpu.vector_load %arg15[%get3A_956, %get3A_957] {strides = array<i32>} : memref<128x128xf32, #tpu.memory_space<vmem>>, vector<16xf32>,
        %mul3A_959 = arith.mulf %get3A_958, %broadcast_in_dim3A_902 : vector<16xf32>
        %swap3A_960 = arith.index_cast %add3A_906 : i32 to index
        %swap3A_961 = arith.constant 112 : index
        %swap3A_962 = tpu.vector_load %arg15[%swap3A_960, %swap3A_961] {strides = array<i32>} : memref<128x128xf32, #tpu.memory_space<vmem>>, vector<16xf32>,
        tpu.vector_store %arg15[%swap3A_960, %swap3A_961], %mul3A_959 {strides = array<i32>} : memref<128x128xf32, #tpu.memory_space<vmem>>, vector<16xf32>,
        %slice3A_963 = vector.extract_strided_slice %get3A_397 {offsets = [9], sizes = [1], strides = [1]} : vector<16xf32> to vector<1xf32>
        %squeeze3A_964 = vector.extract %slice3A_963[0] : f32 from vector<1xf32>
        %broadcast_in_dim3A_965 = vector.broadcast %squeeze3A_964 : f32 to vector<16xf32>
        %mul3A_966 = arith.constant 16 : i32
        %mul3A_967 = arith.muli %scan3A_392, %mul3A_966 : i32
        %add3A_968 = arith.constant 9 : i32
        %add3A_969 = arith.addi %mul3A_967, %add3A_968 : i32
        %get3A_970 = arith.index_cast %add3A_969 : i32 to index
        %get3A_971 = arith.constant 0 : index
        %get3A_972 = tpu.vector_load %arg15[%get3A_970, %get3A_971] {strides = array<i32>} : memref<128x128xf32, #tpu.memory_space<vmem>>, vector<16xf32>,
        %mul3A_973 = arith.mulf %get3A_972, %broadcast_in_dim3A_965 : vector<16xf32>
        %swap3A_974 = arith.index_cast %add3A_969 : i32 to index
        %swap3A_975 = arith.constant 0 : index
        %swap3A_976 = tpu.vector_load %arg15[%swap3A_974, %swap3A_975] {strides = array<i32>} : memref<128x128xf32, #tpu.memory_space<vmem>>, vector<16xf32>,
        tpu.vector_store %arg15[%swap3A_974, %swap3A_975], %mul3A_973 {strides = array<i32>} : memref<128x128xf32, #tpu.memory_space<vmem>>, vector<16xf32>,
        %get3A_977 = arith.index_cast %add3A_969 : i32 to index
        %get3A_978 = arith.constant 16 : index
        %get3A_979 = tpu.vector_load %arg15[%get3A_977, %get3A_978] {strides = array<i32>} : memref<128x128xf32, #tpu.memory_space<vmem>>, vector<16xf32>,
        %mul3A_980 = arith.mulf %get3A_979, %broadcast_in_dim3A_965 : vector<16xf32>
        %swap3A_981 = arith.index_cast %add3A_969 : i32 to index
        %swap3A_982 = arith.constant 16 : index
        %swap3A_983 = tpu.vector_load %arg15[%swap3A_981, %swap3A_982] {strides = array<i32>} : memref<128x128xf32, #tpu.memory_space<vmem>>, vector<16xf32>,
        tpu.vector_store %arg15[%swap3A_981, %swap3A_982], %mul3A_980 {strides = array<i32>} : memref<128x128xf32, #tpu.memory_space<vmem>>, vector<16xf32>,
        %get3A_984 = arith.index_cast %add3A_969 : i32 to index
        %get3A_985 = arith.constant 32 : index
        %get3A_986 = tpu.vector_load %arg15[%get3A_984, %get3A_985] {strides = array<i32>} : memref<128x128xf32, #tpu.memory_space<vmem>>, vector<16xf32>,
        %mul3A_987 = arith.mulf %get3A_986, %broadcast_in_dim3A_965 : vector<16xf32>
        %swap3A_988 = arith.index_cast %add3A_969 : i32 to index
        %swap3A_989 = arith.constant 32 : index
        %swap3A_990 = tpu.vector_load %arg15[%swap3A_988, %swap3A_989] {strides = array<i32>} : memref<128x128xf32, #tpu.memory_space<vmem>>, vector<16xf32>,
        tpu.vector_store %arg15[%swap3A_988, %swap3A_989], %mul3A_987 {strides = array<i32>} : memref<128x128xf32, #tpu.memory_space<vmem>>, vector<16xf32>,
        %get3A_991 = arith.index_cast %add3A_969 : i32 to index
        %get3A_992 = arith.constant 48 : index
        %get3A_993 = tpu.vector_load %arg15[%get3A_991, %get3A_992] {strides = array<i32>} : memref<128x128xf32, #tpu.memory_space<vmem>>, vector<16xf32>,
        %mul3A_994 = arith.mulf %get3A_993, %broadcast_in_dim3A_965 : vector<16xf32>
        %swap3A_995 = arith.index_cast %add3A_969 : i32 to index
        %swap3A_996 = arith.constant 48 : index
        %swap3A_997 = tpu.vector_load %arg15[%swap3A_995, %swap3A_996] {strides = array<i32>} : memref<128x128xf32, #tpu.memory_space<vmem>>, vector<16xf32>,
        tpu.vector_store %arg15[%swap3A_995, %swap3A_996], %mul3A_994 {strides = array<i32>} : memref<128x128xf32, #tpu.memory_space<vmem>>, vector<16xf32>,
        %get3A_998 = arith.index_cast %add3A_969 : i32 to index
        %get3A_999 = arith.constant 64 : index
        %get3A_1000 = tpu.vector_load %arg15[%get3A_998, %get3A_999] {strides = array<i32>} : memref<128x128xf32, #tpu.memory_space<vmem>>, vector<16xf32>,
        %mul3A_1001 = arith.mulf %get3A_1000, %broadcast_in_dim3A_965 : vector<16xf32>
        %swap3A_1002 = arith.index_cast %add3A_969 : i32 to index
        %swap3A_1003 = arith.constant 64 : index
        %swap3A_1004 = tpu.vector_load %arg15[%swap3A_1002, %swap3A_1003] {strides = array<i32>} : memref<128x128xf32, #tpu.memory_space<vmem>>, vector<16xf32>,
        tpu.vector_store %arg15[%swap3A_1002, %swap3A_1003], %mul3A_1001 {strides = array<i32>} : memref<128x128xf32, #tpu.memory_space<vmem>>, vector<16xf32>,
        %get3A_1005 = arith.index_cast %add3A_969 : i32 to index
        %get3A_1006 = arith.constant 80 : index
        %get3A_1007 = tpu.vector_load %arg15[%get3A_1005, %get3A_1006] {strides = array<i32>} : memref<128x128xf32, #tpu.memory_space<vmem>>, vector<16xf32>,
        %mul3A_1008 = arith.mulf %get3A_1007, %broadcast_in_dim3A_965 : vector<16xf32>
        %swap3A_1009 = arith.index_cast %add3A_969 : i32 to index
        %swap3A_1010 = arith.constant 80 : index
        %swap3A_1011 = tpu.vector_load %arg15[%swap3A_1009, %swap3A_1010] {strides = array<i32>} : memref<128x128xf32, #tpu.memory_space<vmem>>, vector<16xf32>,
        tpu.vector_store %arg15[%swap3A_1009, %swap3A_1010], %mul3A_1008 {strides = array<i32>} : memref<128x128xf32, #tpu.memory_space<vmem>>, vector<16xf32>,
        %get3A_1012 = arith.index_cast %add3A_969 : i32 to index
        %get3A_1013 = arith.constant 96 : index
        %get3A_1014 = tpu.vector_load %arg15[%get3A_1012, %get3A_1013] {strides = array<i32>} : memref<128x128xf32, #tpu.memory_space<vmem>>, vector<16xf32>,
        %mul3A_1015 = arith.mulf %get3A_1014, %broadcast_in_dim3A_965 : vector<16xf32>
        %swap3A_1016 = arith.index_cast %add3A_969 : i32 to index
        %swap3A_1017 = arith.constant 96 : index
        %swap3A_1018 = tpu.vector_load %arg15[%swap3A_1016, %swap3A_1017] {strides = array<i32>} : memref<128x128xf32, #tpu.memory_space<vmem>>, vector<16xf32>,
        tpu.vector_store %arg15[%swap3A_1016, %swap3A_1017], %mul3A_1015 {strides = array<i32>} : memref<128x128xf32, #tpu.memory_space<vmem>>, vector<16xf32>,
        %get3A_1019 = arith.index_cast %add3A_969 : i32 to index
        %get3A_1020 = arith.constant 112 : index
        %get3A_1021 = tpu.vector_load %arg15[%get3A_1019, %get3A_1020] {strides = array<i32>} : memref<128x128xf32, #tpu.memory_space<vmem>>, vector<16xf32>,
        %mul3A_1022 = arith.mulf %get3A_1021, %broadcast_in_dim3A_965 : vector<16xf32>
        %swap3A_1023 = arith.index_cast %add3A_969 : i32 to index
        %swap3A_1024 = arith.constant 112 : index
        %swap3A_1025 = tpu.vector_load %arg15[%swap3A_1023, %swap3A_1024] {strides = array<i32>} : memref<128x128xf32, #tpu.memory_space<vmem>>, vector<16xf32>,
        tpu.vector_store %arg15[%swap3A_1023, %swap3A_1024], %mul3A_1022 {strides = array<i32>} : memref<128x128xf32, #tpu.memory_space<vmem>>, vector<16xf32>,
        %slice3A_1026 = vector.extract_strided_slice %get3A_397 {offsets = [10], sizes = [1], strides = [1]} : vector<16xf32> to vector<1xf32>
        %squeeze3A_1027 = vector.extract %slice3A_1026[0] : f32 from vector<1xf32>
        %broadcast_in_dim3A_1028 = vector.broadcast %squeeze3A_1027 : f32 to vector<16xf32>
        %mul3A_1029 = arith.constant 16 : i32
        %mul3A_1030 = arith.muli %scan3A_392, %mul3A_1029 : i32
        %add3A_1031 = arith.constant 10 : i32
        %add3A_1032 = arith.addi %mul3A_1030, %add3A_1031 : i32
        %get3A_1033 = arith.index_cast %add3A_1032 : i32 to index
        %get3A_1034 = arith.constant 0 : index
        %get3A_1035 = tpu.vector_load %arg15[%get3A_1033, %get3A_1034] {strides = array<i32>} : memref<128x128xf32, #tpu.memory_space<vmem>>, vector<16xf32>,
        %mul3A_1036 = arith.mulf %get3A_1035, %broadcast_in_dim3A_1028 : vector<16xf32>
        %swap3A_1037 = arith.index_cast %add3A_1032 : i32 to index
        %swap3A_1038 = arith.constant 0 : index
        %swap3A_1039 = tpu.vector_load %arg15[%swap3A_1037, %swap3A_1038] {strides = array<i32>} : memref<128x128xf32, #tpu.memory_space<vmem>>, vector<16xf32>,
        tpu.vector_store %arg15[%swap3A_1037, %swap3A_1038], %mul3A_1036 {strides = array<i32>} : memref<128x128xf32, #tpu.memory_space<vmem>>, vector<16xf32>,
        %get3A_1040 = arith.index_cast %add3A_1032 : i32 to index
        %get3A_1041 = arith.constant 16 : index
        %get3A_1042 = tpu.vector_load %arg15[%get3A_1040, %get3A_1041] {strides = array<i32>} : memref<128x128xf32, #tpu.memory_space<vmem>>, vector<16xf32>,
        %mul3A_1043 = arith.mulf %get3A_1042, %broadcast_in_dim3A_1028 : vector<16xf32>
        %swap3A_1044 = arith.index_cast %add3A_1032 : i32 to index
        %swap3A_1045 = arith.constant 16 : index
        %swap3A_1046 = tpu.vector_load %arg15[%swap3A_1044, %swap3A_1045] {strides = array<i32>} : memref<128x128xf32, #tpu.memory_space<vmem>>, vector<16xf32>,
        tpu.vector_store %arg15[%swap3A_1044, %swap3A_1045], %mul3A_1043 {strides = array<i32>} : memref<128x128xf32, #tpu.memory_space<vmem>>, vector<16xf32>,
        %get3A_1047 = arith.index_cast %add3A_1032 : i32 to index
        %get3A_1048 = arith.constant 32 : index
        %get3A_1049 = tpu.vector_load %arg15[%get3A_1047, %get3A_1048] {strides = array<i32>} : memref<128x128xf32, #tpu.memory_space<vmem>>, vector<16xf32>,
        %mul3A_1050 = arith.mulf %get3A_1049, %broadcast_in_dim3A_1028 : vector<16xf32>
        %swap3A_1051 = arith.index_cast %add3A_1032 : i32 to index
        %swap3A_1052 = arith.constant 32 : index
        %swap3A_1053 = tpu.vector_load %arg15[%swap3A_1051, %swap3A_1052] {strides = array<i32>} : memref<128x128xf32, #tpu.memory_space<vmem>>, vector<16xf32>,
        tpu.vector_store %arg15[%swap3A_1051, %swap3A_1052], %mul3A_1050 {strides = array<i32>} : memref<128x128xf32, #tpu.memory_space<vmem>>, vector<16xf32>,
        %get3A_1054 = arith.index_cast %add3A_1032 : i32 to index
        %get3A_1055 = arith.constant 48 : index
        %get3A_1056 = tpu.vector_load %arg15[%get3A_1054, %get3A_1055] {strides = array<i32>} : memref<128x128xf32, #tpu.memory_space<vmem>>, vector<16xf32>,
        %mul3A_1057 = arith.mulf %get3A_1056, %broadcast_in_dim3A_1028 : vector<16xf32>
        %swap3A_1058 = arith.index_cast %add3A_1032 : i32 to index
        %swap3A_1059 = arith.constant 48 : index
        %swap3A_1060 = tpu.vector_load %arg15[%swap3A_1058, %swap3A_1059] {strides = array<i32>} : memref<128x128xf32, #tpu.memory_space<vmem>>, vector<16xf32>,
        tpu.vector_store %arg15[%swap3A_1058, %swap3A_1059], %mul3A_1057 {strides = array<i32>} : memref<128x128xf32, #tpu.memory_space<vmem>>, vector<16xf32>,
        %get3A_1061 = arith.index_cast %add3A_1032 : i32 to index
        %get3A_1062 = arith.constant 64 : index
        %get3A_1063 = tpu.vector_load %arg15[%get3A_1061, %get3A_1062] {strides = array<i32>} : memref<128x128xf32, #tpu.memory_space<vmem>>, vector<16xf32>,
        %mul3A_1064 = arith.mulf %get3A_1063, %broadcast_in_dim3A_1028 : vector<16xf32>
        %swap3A_1065 = arith.index_cast %add3A_1032 : i32 to index
        %swap3A_1066 = arith.constant 64 : index
        %swap3A_1067 = tpu.vector_load %arg15[%swap3A_1065, %swap3A_1066] {strides = array<i32>} : memref<128x128xf32, #tpu.memory_space<vmem>>, vector<16xf32>,
        tpu.vector_store %arg15[%swap3A_1065, %swap3A_1066], %mul3A_1064 {strides = array<i32>} : memref<128x128xf32, #tpu.memory_space<vmem>>, vector<16xf32>,
        %get3A_1068 = arith.index_cast %add3A_1032 : i32 to index
        %get3A_1069 = arith.constant 80 : index
        %get3A_1070 = tpu.vector_load %arg15[%get3A_1068, %get3A_1069] {strides = array<i32>} : memref<128x128xf32, #tpu.memory_space<vmem>>, vector<16xf32>,
        %mul3A_1071 = arith.mulf %get3A_1070, %broadcast_in_dim3A_1028 : vector<16xf32>
        %swap3A_1072 = arith.index_cast %add3A_1032 : i32 to index
        %swap3A_1073 = arith.constant 80 : index
        %swap3A_1074 = tpu.vector_load %arg15[%swap3A_1072, %swap3A_1073] {strides = array<i32>} : memref<128x128xf32, #tpu.memory_space<vmem>>, vector<16xf32>,
        tpu.vector_store %arg15[%swap3A_1072, %swap3A_1073], %mul3A_1071 {strides = array<i32>} : memref<128x128xf32, #tpu.memory_space<vmem>>, vector<16xf32>,
        %get3A_1075 = arith.index_cast %add3A_1032 : i32 to index
        %get3A_1076 = arith.constant 96 : index
        %get3A_1077 = tpu.vector_load %arg15[%get3A_1075, %get3A_1076] {strides = array<i32>} : memref<128x128xf32, #tpu.memory_space<vmem>>, vector<16xf32>,
        %mul3A_1078 = arith.mulf %get3A_1077, %broadcast_in_dim3A_1028 : vector<16xf32>
        %swap3A_1079 = arith.index_cast %add3A_1032 : i32 to index
        %swap3A_1080 = arith.constant 96 : index
        %swap3A_1081 = tpu.vector_load %arg15[%swap3A_1079, %swap3A_1080] {strides = array<i32>} : memref<128x128xf32, #tpu.memory_space<vmem>>, vector<16xf32>,
        tpu.vector_store %arg15[%swap3A_1079, %swap3A_1080], %mul3A_1078 {strides = array<i32>} : memref<128x128xf32, #tpu.memory_space<vmem>>, vector<16xf32>,
        %get3A_1082 = arith.index_cast %add3A_1032 : i32 to index
        %get3A_1083 = arith.constant 112 : index
        %get3A_1084 = tpu.vector_load %arg15[%get3A_1082, %get3A_1083] {strides = array<i32>} : memref<128x128xf32, #tpu.memory_space<vmem>>, vector<16xf32>,
        %mul3A_1085 = arith.mulf %get3A_1084, %broadcast_in_dim3A_1028 : vector<16xf32>
        %swap3A_1086 = arith.index_cast %add3A_1032 : i32 to index
        %swap3A_1087 = arith.constant 112 : index
        %swap3A_1088 = tpu.vector_load %arg15[%swap3A_1086, %swap3A_1087] {strides = array<i32>} : memref<128x128xf32, #tpu.memory_space<vmem>>, vector<16xf32>,
        tpu.vector_store %arg15[%swap3A_1086, %swap3A_1087], %mul3A_1085 {strides = array<i32>} : memref<128x128xf32, #tpu.memory_space<vmem>>, vector<16xf32>,
        %slice3A_1089 = vector.extract_strided_slice %get3A_397 {offsets = [11], sizes = [1], strides = [1]} : vector<16xf32> to vector<1xf32>
        %squeeze3A_1090 = vector.extract %slice3A_1089[0] : f32 from vector<1xf32>
        %broadcast_in_dim3A_1091 = vector.broadcast %squeeze3A_1090 : f32 to vector<16xf32>
        %mul3A_1092 = arith.constant 16 : i32
        %mul3A_1093 = arith.muli %scan3A_392, %mul3A_1092 : i32
        %add3A_1094 = arith.constant 11 : i32
        %add3A_1095 = arith.addi %mul3A_1093, %add3A_1094 : i32
        %get3A_1096 = arith.index_cast %add3A_1095 : i32 to index
        %get3A_1097 = arith.constant 0 : index
        %get3A_1098 = tpu.vector_load %arg15[%get3A_1096, %get3A_1097] {strides = array<i32>} : memref<128x128xf32, #tpu.memory_space<vmem>>, vector<16xf32>,
        %mul3A_1099 = arith.mulf %get3A_1098, %broadcast_in_dim3A_1091 : vector<16xf32>
        %swap3A_1100 = arith.index_cast %add3A_1095 : i32 to index
        %swap3A_1101 = arith.constant 0 : index
        %swap3A_1102 = tpu.vector_load %arg15[%swap3A_1100, %swap3A_1101] {strides = array<i32>} : memref<128x128xf32, #tpu.memory_space<vmem>>, vector<16xf32>,
        tpu.vector_store %arg15[%swap3A_1100, %swap3A_1101], %mul3A_1099 {strides = array<i32>} : memref<128x128xf32, #tpu.memory_space<vmem>>, vector<16xf32>,
        %get3A_1103 = arith.index_cast %add3A_1095 : i32 to index
        %get3A_1104 = arith.constant 16 : index
        %get3A_1105 = tpu.vector_load %arg15[%get3A_1103, %get3A_1104] {strides = array<i32>} : memref<128x128xf32, #tpu.memory_space<vmem>>, vector<16xf32>,
        %mul3A_1106 = arith.mulf %get3A_1105, %broadcast_in_dim3A_1091 : vector<16xf32>
        %swap3A_1107 = arith.index_cast %add3A_1095 : i32 to index
        %swap3A_1108 = arith.constant 16 : index
        %swap3A_1109 = tpu.vector_load %arg15[%swap3A_1107, %swap3A_1108] {strides = array<i32>} : memref<128x128xf32, #tpu.memory_space<vmem>>, vector<16xf32>,
        tpu.vector_store %arg15[%swap3A_1107, %swap3A_1108], %mul3A_1106 {strides = array<i32>} : memref<128x128xf32, #tpu.memory_space<vmem>>, vector<16xf32>,
        %get3A_1110 = arith.index_cast %add3A_1095 : i32 to index
        %get3A_1111 = arith.constant 32 : index
        %get3A_1112 = tpu.vector_load %arg15[%get3A_1110, %get3A_1111] {strides = array<i32>} : memref<128x128xf32, #tpu.memory_space<vmem>>, vector<16xf32>,
        %mul3A_1113 = arith.mulf %get3A_1112, %broadcast_in_dim3A_1091 : vector<16xf32>
        %swap3A_1114 = arith.index_cast %add3A_1095 : i32 to index
        %swap3A_1115 = arith.constant 32 : index
        %swap3A_1116 = tpu.vector_load %arg15[%swap3A_1114, %swap3A_1115] {strides = array<i32>} : memref<128x128xf32, #tpu.memory_space<vmem>>, vector<16xf32>,
        tpu.vector_store %arg15[%swap3A_1114, %swap3A_1115], %mul3A_1113 {strides = array<i32>} : memref<128x128xf32, #tpu.memory_space<vmem>>, vector<16xf32>,
        %get3A_1117 = arith.index_cast %add3A_1095 : i32 to index
        %get3A_1118 = arith.constant 48 : index
        %get3A_1119 = tpu.vector_load %arg15[%get3A_1117, %get3A_1118] {strides = array<i32>} : memref<128x128xf32, #tpu.memory_space<vmem>>, vector<16xf32>,
        %mul3A_1120 = arith.mulf %get3A_1119, %broadcast_in_dim3A_1091 : vector<16xf32>
        %swap3A_1121 = arith.index_cast %add3A_1095 : i32 to index
        %swap3A_1122 = arith.constant 48 : index
        %swap3A_1123 = tpu.vector_load %arg15[%swap3A_1121, %swap3A_1122] {strides = array<i32>} : memref<128x128xf32, #tpu.memory_space<vmem>>, vector<16xf32>,
        tpu.vector_store %arg15[%swap3A_1121, %swap3A_1122], %mul3A_1120 {strides = array<i32>} : memref<128x128xf32, #tpu.memory_space<vmem>>, vector<16xf32>,
        %get3A_1124 = arith.index_cast %add3A_1095 : i32 to index
        %get3A_1125 = arith.constant 64 : index
        %get3A_1126 = tpu.vector_load %arg15[%get3A_1124, %get3A_1125] {strides = array<i32>} : memref<128x128xf32, #tpu.memory_space<vmem>>, vector<16xf32>,
        %mul3A_1127 = arith.mulf %get3A_1126, %broadcast_in_dim3A_1091 : vector<16xf32>
        %swap3A_1128 = arith.index_cast %add3A_1095 : i32 to index
        %swap3A_1129 = arith.constant 64 : index
        %swap3A_1130 = tpu.vector_load %arg15[%swap3A_1128, %swap3A_1129] {strides = array<i32>} : memref<128x128xf32, #tpu.memory_space<vmem>>, vector<16xf32>,
        tpu.vector_store %arg15[%swap3A_1128, %swap3A_1129], %mul3A_1127 {strides = array<i32>} : memref<128x128xf32, #tpu.memory_space<vmem>>, vector<16xf32>,
        %get3A_1131 = arith.index_cast %add3A_1095 : i32 to index
        %get3A_1132 = arith.constant 80 : index
        %get3A_1133 = tpu.vector_load %arg15[%get3A_1131, %get3A_1132] {strides = array<i32>} : memref<128x128xf32, #tpu.memory_space<vmem>>, vector<16xf32>,
        %mul3A_1134 = arith.mulf %get3A_1133, %broadcast_in_dim3A_1091 : vector<16xf32>
        %swap3A_1135 = arith.index_cast %add3A_1095 : i32 to index
        %swap3A_1136 = arith.constant 80 : index
        %swap3A_1137 = tpu.vector_load %arg15[%swap3A_1135, %swap3A_1136] {strides = array<i32>} : memref<128x128xf32, #tpu.memory_space<vmem>>, vector<16xf32>,
        tpu.vector_store %arg15[%swap3A_1135, %swap3A_1136], %mul3A_1134 {strides = array<i32>} : memref<128x128xf32, #tpu.memory_space<vmem>>, vector<16xf32>,
        %get3A_1138 = arith.index_cast %add3A_1095 : i32 to index
        %get3A_1139 = arith.constant 96 : index
        %get3A_1140 = tpu.vector_load %arg15[%get3A_1138, %get3A_1139] {strides = array<i32>} : memref<128x128xf32, #tpu.memory_space<vmem>>, vector<16xf32>,
        %mul3A_1141 = arith.mulf %get3A_1140, %broadcast_in_dim3A_1091 : vector<16xf32>
        %swap3A_1142 = arith.index_cast %add3A_1095 : i32 to index
        %swap3A_1143 = arith.constant 96 : index
        %swap3A_1144 = tpu.vector_load %arg15[%swap3A_1142, %swap3A_1143] {strides = array<i32>} : memref<128x128xf32, #tpu.memory_space<vmem>>, vector<16xf32>,
        tpu.vector_store %arg15[%swap3A_1142, %swap3A_1143], %mul3A_1141 {strides = array<i32>} : memref<128x128xf32, #tpu.memory_space<vmem>>, vector<16xf32>,
        %get3A_1145 = arith.index_cast %add3A_1095 : i32 to index
        %get3A_1146 = arith.constant 112 : index
        %get3A_1147 = tpu.vector_load %arg15[%get3A_1145, %get3A_1146] {strides = array<i32>} : memref<128x128xf32, #tpu.memory_space<vmem>>, vector<16xf32>,
        %mul3A_1148 = arith.mulf %get3A_1147, %broadcast_in_dim3A_1091 : vector<16xf32>
        %swap3A_1149 = arith.index_cast %add3A_1095 : i32 to index
        %swap3A_1150 = arith.constant 112 : index
        %swap3A_1151 = tpu.vector_load %arg15[%swap3A_1149, %swap3A_1150] {strides = array<i32>} : memref<128x128xf32, #tpu.memory_space<vmem>>, vector<16xf32>,
        tpu.vector_store %arg15[%swap3A_1149, %swap3A_1150], %mul3A_1148 {strides = array<i32>} : memref<128x128xf32, #tpu.memory_space<vmem>>, vector<16xf32>,
        %slice3A_1152 = vector.extract_strided_slice %get3A_397 {offsets = [12], sizes = [1], strides = [1]} : vector<16xf32> to vector<1xf32>
        %squeeze3A_1153 = vector.extract %slice3A_1152[0] : f32 from vector<1xf32>
        %broadcast_in_dim3A_1154 = vector.broadcast %squeeze3A_1153 : f32 to vector<16xf32>
        %mul3A_1155 = arith.constant 16 : i32
        %mul3A_1156 = arith.muli %scan3A_392, %mul3A_1155 : i32
        %add3A_1157 = arith.constant 12 : i32
        %add3A_1158 = arith.addi %mul3A_1156, %add3A_1157 : i32
        %get3A_1159 = arith.index_cast %add3A_1158 : i32 to index
        %get3A_1160 = arith.constant 0 : index
        %get3A_1161 = tpu.vector_load %arg15[%get3A_1159, %get3A_1160] {strides = array<i32>} : memref<128x128xf32, #tpu.memory_space<vmem>>, vector<16xf32>,
        %mul3A_1162 = arith.mulf %get3A_1161, %broadcast_in_dim3A_1154 : vector<16xf32>
        %swap3A_1163 = arith.index_cast %add3A_1158 : i32 to index
        %swap3A_1164 = arith.constant 0 : index
        %swap3A_1165 = tpu.vector_load %arg15[%swap3A_1163, %swap3A_1164] {strides = array<i32>} : memref<128x128xf32, #tpu.memory_space<vmem>>, vector<16xf32>,
        tpu.vector_store %arg15[%swap3A_1163, %swap3A_1164], %mul3A_1162 {strides = array<i32>} : memref<128x128xf32, #tpu.memory_space<vmem>>, vector<16xf32>,
        %get3A_1166 = arith.index_cast %add3A_1158 : i32 to index
        %get3A_1167 = arith.constant 16 : index
        %get3A_1168 = tpu.vector_load %arg15[%get3A_1166, %get3A_1167] {strides = array<i32>} : memref<128x128xf32, #tpu.memory_space<vmem>>, vector<16xf32>,
        %mul3A_1169 = arith.mulf %get3A_1168, %broadcast_in_dim3A_1154 : vector<16xf32>
        %swap3A_1170 = arith.index_cast %add3A_1158 : i32 to index
        %swap3A_1171 = arith.constant 16 : index
        %swap3A_1172 = tpu.vector_load %arg15[%swap3A_1170, %swap3A_1171] {strides = array<i32>} : memref<128x128xf32, #tpu.memory_space<vmem>>, vector<16xf32>,
        tpu.vector_store %arg15[%swap3A_1170, %swap3A_1171], %mul3A_1169 {strides = array<i32>} : memref<128x128xf32, #tpu.memory_space<vmem>>, vector<16xf32>,
        %get3A_1173 = arith.index_cast %add3A_1158 : i32 to index
        %get3A_1174 = arith.constant 32 : index
        %get3A_1175 = tpu.vector_load %arg15[%get3A_1173, %get3A_1174] {strides = array<i32>} : memref<128x128xf32, #tpu.memory_space<vmem>>, vector<16xf32>,
        %mul3A_1176 = arith.mulf %get3A_1175, %broadcast_in_dim3A_1154 : vector<16xf32>
        %swap3A_1177 = arith.index_cast %add3A_1158 : i32 to index
        %swap3A_1178 = arith.constant 32 : index
        %swap3A_1179 = tpu.vector_load %arg15[%swap3A_1177, %swap3A_1178] {strides = array<i32>} : memref<128x128xf32, #tpu.memory_space<vmem>>, vector<16xf32>,
        tpu.vector_store %arg15[%swap3A_1177, %swap3A_1178], %mul3A_1176 {strides = array<i32>} : memref<128x128xf32, #tpu.memory_space<vmem>>, vector<16xf32>,
        %get3A_1180 = arith.index_cast %add3A_1158 : i32 to index
        %get3A_1181 = arith.constant 48 : index
        %get3A_1182 = tpu.vector_load %arg15[%get3A_1180, %get3A_1181] {strides = array<i32>} : memref<128x128xf32, #tpu.memory_space<vmem>>, vector<16xf32>,
        %mul3A_1183 = arith.mulf %get3A_1182, %broadcast_in_dim3A_1154 : vector<16xf32>
        %swap3A_1184 = arith.index_cast %add3A_1158 : i32 to index
        %swap3A_1185 = arith.constant 48 : index
        %swap3A_1186 = tpu.vector_load %arg15[%swap3A_1184, %swap3A_1185] {strides = array<i32>} : memref<128x128xf32, #tpu.memory_space<vmem>>, vector<16xf32>,
        tpu.vector_store %arg15[%swap3A_1184, %swap3A_1185], %mul3A_1183 {strides = array<i32>} : memref<128x128xf32, #tpu.memory_space<vmem>>, vector<16xf32>,
        %get3A_1187 = arith.index_cast %add3A_1158 : i32 to index
        %get3A_1188 = arith.constant 64 : index
        %get3A_1189 = tpu.vector_load %arg15[%get3A_1187, %get3A_1188] {strides = array<i32>} : memref<128x128xf32, #tpu.memory_space<vmem>>, vector<16xf32>,
        %mul3A_1190 = arith.mulf %get3A_1189, %broadcast_in_dim3A_1154 : vector<16xf32>
        %swap3A_1191 = arith.index_cast %add3A_1158 : i32 to index
        %swap3A_1192 = arith.constant 64 : index
        %swap3A_1193 = tpu.vector_load %arg15[%swap3A_1191, %swap3A_1192] {strides = array<i32>} : memref<128x128xf32, #tpu.memory_space<vmem>>, vector<16xf32>,
        tpu.vector_store %arg15[%swap3A_1191, %swap3A_1192], %mul3A_1190 {strides = array<i32>} : memref<128x128xf32, #tpu.memory_space<vmem>>, vector<16xf32>,
        %get3A_1194 = arith.index_cast %add3A_1158 : i32 to index
        %get3A_1195 = arith.constant 80 : index
        %get3A_1196 = tpu.vector_load %arg15[%get3A_1194, %get3A_1195] {strides = array<i32>} : memref<128x128xf32, #tpu.memory_space<vmem>>, vector<16xf32>,
        %mul3A_1197 = arith.mulf %get3A_1196, %broadcast_in_dim3A_1154 : vector<16xf32>
        %swap3A_1198 = arith.index_cast %add3A_1158 : i32 to index
        %swap3A_1199 = arith.constant 80 : index
        %swap3A_1200 = tpu.vector_load %arg15[%swap3A_1198, %swap3A_1199] {strides = array<i32>} : memref<128x128xf32, #tpu.memory_space<vmem>>, vector<16xf32>,
        tpu.vector_store %arg15[%swap3A_1198, %swap3A_1199], %mul3A_1197 {strides = array<i32>} : memref<128x128xf32, #tpu.memory_space<vmem>>, vector<16xf32>,
        %get3A_1201 = arith.index_cast %add3A_1158 : i32 to index
        %get3A_1202 = arith.constant 96 : index
        %get3A_1203 = tpu.vector_load %arg15[%get3A_1201, %get3A_1202] {strides = array<i32>} : memref<128x128xf32, #tpu.memory_space<vmem>>, vector<16xf32>,
        %mul3A_1204 = arith.mulf %get3A_1203, %broadcast_in_dim3A_1154 : vector<16xf32>
        %swap3A_1205 = arith.index_cast %add3A_1158 : i32 to index
        %swap3A_1206 = arith.constant 96 : index
        %swap3A_1207 = tpu.vector_load %arg15[%swap3A_1205, %swap3A_1206] {strides = array<i32>} : memref<128x128xf32, #tpu.memory_space<vmem>>, vector<16xf32>,
        tpu.vector_store %arg15[%swap3A_1205, %swap3A_1206], %mul3A_1204 {strides = array<i32>} : memref<128x128xf32, #tpu.memory_space<vmem>>, vector<16xf32>,
        %get3A_1208 = arith.index_cast %add3A_1158 : i32 to index
        %get3A_1209 = arith.constant 112 : index
        %get3A_1210 = tpu.vector_load %arg15[%get3A_1208, %get3A_1209] {strides = array<i32>} : memref<128x128xf32, #tpu.memory_space<vmem>>, vector<16xf32>,
        %mul3A_1211 = arith.mulf %get3A_1210, %broadcast_in_dim3A_1154 : vector<16xf32>
        %swap3A_1212 = arith.index_cast %add3A_1158 : i32 to index
        %swap3A_1213 = arith.constant 112 : index
        %swap3A_1214 = tpu.vector_load %arg15[%swap3A_1212, %swap3A_1213] {strides = array<i32>} : memref<128x128xf32, #tpu.memory_space<vmem>>, vector<16xf32>,
        tpu.vector_store %arg15[%swap3A_1212, %swap3A_1213], %mul3A_1211 {strides = array<i32>} : memref<128x128xf32, #tpu.memory_space<vmem>>, vector<16xf32>,
        %slice3A_1215 = vector.extract_strided_slice %get3A_397 {offsets = [13], sizes = [1], strides = [1]} : vector<16xf32> to vector<1xf32>
        %squeeze3A_1216 = vector.extract %slice3A_1215[0] : f32 from vector<1xf32>
        %broadcast_in_dim3A_1217 = vector.broadcast %squeeze3A_1216 : f32 to vector<16xf32>
        %mul3A_1218 = arith.constant 16 : i32
        %mul3A_1219 = arith.muli %scan3A_392, %mul3A_1218 : i32
        %add3A_1220 = arith.constant 13 : i32
        %add3A_1221 = arith.addi %mul3A_1219, %add3A_1220 : i32
        %get3A_1222 = arith.index_cast %add3A_1221 : i32 to index
        %get3A_1223 = arith.constant 0 : index
        %get3A_1224 = tpu.vector_load %arg15[%get3A_1222, %get3A_1223] {strides = array<i32>} : memref<128x128xf32, #tpu.memory_space<vmem>>, vector<16xf32>,
        %mul3A_1225 = arith.mulf %get3A_1224, %broadcast_in_dim3A_1217 : vector<16xf32>
        %swap3A_1226 = arith.index_cast %add3A_1221 : i32 to index
        %swap3A_1227 = arith.constant 0 : index
        %swap3A_1228 = tpu.vector_load %arg15[%swap3A_1226, %swap3A_1227] {strides = array<i32>} : memref<128x128xf32, #tpu.memory_space<vmem>>, vector<16xf32>,
        tpu.vector_store %arg15[%swap3A_1226, %swap3A_1227], %mul3A_1225 {strides = array<i32>} : memref<128x128xf32, #tpu.memory_space<vmem>>, vector<16xf32>,
        %get3A_1229 = arith.index_cast %add3A_1221 : i32 to index
        %get3A_1230 = arith.constant 16 : index
        %get3A_1231 = tpu.vector_load %arg15[%get3A_1229, %get3A_1230] {strides = array<i32>} : memref<128x128xf32, #tpu.memory_space<vmem>>, vector<16xf32>,
        %mul3A_1232 = arith.mulf %get3A_1231, %broadcast_in_dim3A_1217 : vector<16xf32>
        %swap3A_1233 = arith.index_cast %add3A_1221 : i32 to index
        %swap3A_1234 = arith.constant 16 : index
        %swap3A_1235 = tpu.vector_load %arg15[%swap3A_1233, %swap3A_1234] {strides = array<i32>} : memref<128x128xf32, #tpu.memory_space<vmem>>, vector<16xf32>,
        tpu.vector_store %arg15[%swap3A_1233, %swap3A_1234], %mul3A_1232 {strides = array<i32>} : memref<128x128xf32, #tpu.memory_space<vmem>>, vector<16xf32>,
        %get3A_1236 = arith.index_cast %add3A_1221 : i32 to index
        %get3A_1237 = arith.constant 32 : index
        %get3A_1238 = tpu.vector_load %arg15[%get3A_1236, %get3A_1237] {strides = array<i32>} : memref<128x128xf32, #tpu.memory_space<vmem>>, vector<16xf32>,
        %mul3A_1239 = arith.mulf %get3A_1238, %broadcast_in_dim3A_1217 : vector<16xf32>
        %swap3A_1240 = arith.index_cast %add3A_1221 : i32 to index
        %swap3A_1241 = arith.constant 32 : index
        %swap3A_1242 = tpu.vector_load %arg15[%swap3A_1240, %swap3A_1241] {strides = array<i32>} : memref<128x128xf32, #tpu.memory_space<vmem>>, vector<16xf32>,
        tpu.vector_store %arg15[%swap3A_1240, %swap3A_1241], %mul3A_1239 {strides = array<i32>} : memref<128x128xf32, #tpu.memory_space<vmem>>, vector<16xf32>,
        %get3A_1243 = arith.index_cast %add3A_1221 : i32 to index
        %get3A_1244 = arith.constant 48 : index
        %get3A_1245 = tpu.vector_load %arg15[%get3A_1243, %get3A_1244] {strides = array<i32>} : memref<128x128xf32, #tpu.memory_space<vmem>>, vector<16xf32>,
        %mul3A_1246 = arith.mulf %get3A_1245, %broadcast_in_dim3A_1217 : vector<16xf32>
        %swap3A_1247 = arith.index_cast %add3A_1221 : i32 to index
        %swap3A_1248 = arith.constant 48 : index
        %swap3A_1249 = tpu.vector_load %arg15[%swap3A_1247, %swap3A_1248] {strides = array<i32>} : memref<128x128xf32, #tpu.memory_space<vmem>>, vector<16xf32>,
        tpu.vector_store %arg15[%swap3A_1247, %swap3A_1248], %mul3A_1246 {strides = array<i32>} : memref<128x128xf32, #tpu.memory_space<vmem>>, vector<16xf32>,
        %get3A_1250 = arith.index_cast %add3A_1221 : i32 to index
        %get3A_1251 = arith.constant 64 : index
        %get3A_1252 = tpu.vector_load %arg15[%get3A_1250, %get3A_1251] {strides = array<i32>} : memref<128x128xf32, #tpu.memory_space<vmem>>, vector<16xf32>,
        %mul3A_1253 = arith.mulf %get3A_1252, %broadcast_in_dim3A_1217 : vector<16xf32>
        %swap3A_1254 = arith.index_cast %add3A_1221 : i32 to index
        %swap3A_1255 = arith.constant 64 : index
        %swap3A_1256 = tpu.vector_load %arg15[%swap3A_1254, %swap3A_1255] {strides = array<i32>} : memref<128x128xf32, #tpu.memory_space<vmem>>, vector<16xf32>,
        tpu.vector_store %arg15[%swap3A_1254, %swap3A_1255], %mul3A_1253 {strides = array<i32>} : memref<128x128xf32, #tpu.memory_space<vmem>>, vector<16xf32>,
        %get3A_1257 = arith.index_cast %add3A_1221 : i32 to index
        %get3A_1258 = arith.constant 80 : index
        %get3A_1259 = tpu.vector_load %arg15[%get3A_1257, %get3A_1258] {strides = array<i32>} : memref<128x128xf32, #tpu.memory_space<vmem>>, vector<16xf32>,
        %mul3A_1260 = arith.mulf %get3A_1259, %broadcast_in_dim3A_1217 : vector<16xf32>
        %swap3A_1261 = arith.index_cast %add3A_1221 : i32 to index
        %swap3A_1262 = arith.constant 80 : index
        %swap3A_1263 = tpu.vector_load %arg15[%swap3A_1261, %swap3A_1262] {strides = array<i32>} : memref<128x128xf32, #tpu.memory_space<vmem>>, vector<16xf32>,
        tpu.vector_store %arg15[%swap3A_1261, %swap3A_1262], %mul3A_1260 {strides = array<i32>} : memref<128x128xf32, #tpu.memory_space<vmem>>, vector<16xf32>,
        %get3A_1264 = arith.index_cast %add3A_1221 : i32 to index
        %get3A_1265 = arith.constant 96 : index
        %get3A_1266 = tpu.vector_load %arg15[%get3A_1264, %get3A_1265] {strides = array<i32>} : memref<128x128xf32, #tpu.memory_space<vmem>>, vector<16xf32>,
        %mul3A_1267 = arith.mulf %get3A_1266, %broadcast_in_dim3A_1217 : vector<16xf32>
        %swap3A_1268 = arith.index_cast %add3A_1221 : i32 to index
        %swap3A_1269 = arith.constant 96 : index
        %swap3A_1270 = tpu.vector_load %arg15[%swap3A_1268, %swap3A_1269] {strides = array<i32>} : memref<128x128xf32, #tpu.memory_space<vmem>>, vector<16xf32>,
        tpu.vector_store %arg15[%swap3A_1268, %swap3A_1269], %mul3A_1267 {strides = array<i32>} : memref<128x128xf32, #tpu.memory_space<vmem>>, vector<16xf32>,
        %get3A_1271 = arith.index_cast %add3A_1221 : i32 to index
        %get3A_1272 = arith.constant 112 : index
        %get3A_1273 = tpu.vector_load %arg15[%get3A_1271, %get3A_1272] {strides = array<i32>} : memref<128x128xf32, #tpu.memory_space<vmem>>, vector<16xf32>,
        %mul3A_1274 = arith.mulf %get3A_1273, %broadcast_in_dim3A_1217 : vector<16xf32>
        %swap3A_1275 = arith.index_cast %add3A_1221 : i32 to index
        %swap3A_1276 = arith.constant 112 : index
        %swap3A_1277 = tpu.vector_load %arg15[%swap3A_1275, %swap3A_1276] {strides = array<i32>} : memref<128x128xf32, #tpu.memory_space<vmem>>, vector<16xf32>,
        tpu.vector_store %arg15[%swap3A_1275, %swap3A_1276], %mul3A_1274 {strides = array<i32>} : memref<128x128xf32, #tpu.memory_space<vmem>>, vector<16xf32>,
        %slice3A_1278 = vector.extract_strided_slice %get3A_397 {offsets = [14], sizes = [1], strides = [1]} : vector<16xf32> to vector<1xf32>
        %squeeze3A_1279 = vector.extract %slice3A_1278[0] : f32 from vector<1xf32>
        %broadcast_in_dim3A_1280 = vector.broadcast %squeeze3A_1279 : f32 to vector<16xf32>
        %mul3A_1281 = arith.constant 16 : i32
        %mul3A_1282 = arith.muli %scan3A_392, %mul3A_1281 : i32
        %add3A_1283 = arith.constant 14 : i32
        %add3A_1284 = arith.addi %mul3A_1282, %add3A_1283 : i32
        %get3A_1285 = arith.index_cast %add3A_1284 : i32 to index
        %get3A_1286 = arith.constant 0 : index
        %get3A_1287 = tpu.vector_load %arg15[%get3A_1285, %get3A_1286] {strides = array<i32>} : memref<128x128xf32, #tpu.memory_space<vmem>>, vector<16xf32>,
        %mul3A_1288 = arith.mulf %get3A_1287, %broadcast_in_dim3A_1280 : vector<16xf32>
        %swap3A_1289 = arith.index_cast %add3A_1284 : i32 to index
        %swap3A_1290 = arith.constant 0 : index
        %swap3A_1291 = tpu.vector_load %arg15[%swap3A_1289, %swap3A_1290] {strides = array<i32>} : memref<128x128xf32, #tpu.memory_space<vmem>>, vector<16xf32>,
        tpu.vector_store %arg15[%swap3A_1289, %swap3A_1290], %mul3A_1288 {strides = array<i32>} : memref<128x128xf32, #tpu.memory_space<vmem>>, vector<16xf32>,
        %get3A_1292 = arith.index_cast %add3A_1284 : i32 to index
        %get3A_1293 = arith.constant 16 : index
        %get3A_1294 = tpu.vector_load %arg15[%get3A_1292, %get3A_1293] {strides = array<i32>} : memref<128x128xf32, #tpu.memory_space<vmem>>, vector<16xf32>,
        %mul3A_1295 = arith.mulf %get3A_1294, %broadcast_in_dim3A_1280 : vector<16xf32>
        %swap3A_1296 = arith.index_cast %add3A_1284 : i32 to index
        %swap3A_1297 = arith.constant 16 : index
        %swap3A_1298 = tpu.vector_load %arg15[%swap3A_1296, %swap3A_1297] {strides = array<i32>} : memref<128x128xf32, #tpu.memory_space<vmem>>, vector<16xf32>,
        tpu.vector_store %arg15[%swap3A_1296, %swap3A_1297], %mul3A_1295 {strides = array<i32>} : memref<128x128xf32, #tpu.memory_space<vmem>>, vector<16xf32>,
        %get3A_1299 = arith.index_cast %add3A_1284 : i32 to index
        %get3A_1300 = arith.constant 32 : index
        %get3A_1301 = tpu.vector_load %arg15[%get3A_1299, %get3A_1300] {strides = array<i32>} : memref<128x128xf32, #tpu.memory_space<vmem>>, vector<16xf32>,
        %mul3A_1302 = arith.mulf %get3A_1301, %broadcast_in_dim3A_1280 : vector<16xf32>
        %swap3A_1303 = arith.index_cast %add3A_1284 : i32 to index
        %swap3A_1304 = arith.constant 32 : index
        %swap3A_1305 = tpu.vector_load %arg15[%swap3A_1303, %swap3A_1304] {strides = array<i32>} : memref<128x128xf32, #tpu.memory_space<vmem>>, vector<16xf32>,
        tpu.vector_store %arg15[%swap3A_1303, %swap3A_1304], %mul3A_1302 {strides = array<i32>} : memref<128x128xf32, #tpu.memory_space<vmem>>, vector<16xf32>,
        %get3A_1306 = arith.index_cast %add3A_1284 : i32 to index
        %get3A_1307 = arith.constant 48 : index
        %get3A_1308 = tpu.vector_load %arg15[%get3A_1306, %get3A_1307] {strides = array<i32>} : memref<128x128xf32, #tpu.memory_space<vmem>>, vector<16xf32>,
        %mul3A_1309 = arith.mulf %get3A_1308, %broadcast_in_dim3A_1280 : vector<16xf32>
        %swap3A_1310 = arith.index_cast %add3A_1284 : i32 to index
        %swap3A_1311 = arith.constant 48 : index
        %swap3A_1312 = tpu.vector_load %arg15[%swap3A_1310, %swap3A_1311] {strides = array<i32>} : memref<128x128xf32, #tpu.memory_space<vmem>>, vector<16xf32>,
        tpu.vector_store %arg15[%swap3A_1310, %swap3A_1311], %mul3A_1309 {strides = array<i32>} : memref<128x128xf32, #tpu.memory_space<vmem>>, vector<16xf32>,
        %get3A_1313 = arith.index_cast %add3A_1284 : i32 to index
        %get3A_1314 = arith.constant 64 : index
        %get3A_1315 = tpu.vector_load %arg15[%get3A_1313, %get3A_1314] {strides = array<i32>} : memref<128x128xf32, #tpu.memory_space<vmem>>, vector<16xf32>,
        %mul3A_1316 = arith.mulf %get3A_1315, %broadcast_in_dim3A_1280 : vector<16xf32>
        %swap3A_1317 = arith.index_cast %add3A_1284 : i32 to index
        %swap3A_1318 = arith.constant 64 : index
        %swap3A_1319 = tpu.vector_load %arg15[%swap3A_1317, %swap3A_1318] {strides = array<i32>} : memref<128x128xf32, #tpu.memory_space<vmem>>, vector<16xf32>,
        tpu.vector_store %arg15[%swap3A_1317, %swap3A_1318], %mul3A_1316 {strides = array<i32>} : memref<128x128xf32, #tpu.memory_space<vmem>>, vector<16xf32>,
        %get3A_1320 = arith.index_cast %add3A_1284 : i32 to index
        %get3A_1321 = arith.constant 80 : index
        %get3A_1322 = tpu.vector_load %arg15[%get3A_1320, %get3A_1321] {strides = array<i32>} : memref<128x128xf32, #tpu.memory_space<vmem>>, vector<16xf32>,
        %mul3A_1323 = arith.mulf %get3A_1322, %broadcast_in_dim3A_1280 : vector<16xf32>
        %swap3A_1324 = arith.index_cast %add3A_1284 : i32 to index
        %swap3A_1325 = arith.constant 80 : index
        %swap3A_1326 = tpu.vector_load %arg15[%swap3A_1324, %swap3A_1325] {strides = array<i32>} : memref<128x128xf32, #tpu.memory_space<vmem>>, vector<16xf32>,
        tpu.vector_store %arg15[%swap3A_1324, %swap3A_1325], %mul3A_1323 {strides = array<i32>} : memref<128x128xf32, #tpu.memory_space<vmem>>, vector<16xf32>,
        %get3A_1327 = arith.index_cast %add3A_1284 : i32 to index
        %get3A_1328 = arith.constant 96 : index
        %get3A_1329 = tpu.vector_load %arg15[%get3A_1327, %get3A_1328] {strides = array<i32>} : memref<128x128xf32, #tpu.memory_space<vmem>>, vector<16xf32>,
        %mul3A_1330 = arith.mulf %get3A_1329, %broadcast_in_dim3A_1280 : vector<16xf32>
        %swap3A_1331 = arith.index_cast %add3A_1284 : i32 to index
        %swap3A_1332 = arith.constant 96 : index
        %swap3A_1333 = tpu.vector_load %arg15[%swap3A_1331, %swap3A_1332] {strides = array<i32>} : memref<128x128xf32, #tpu.memory_space<vmem>>, vector<16xf32>,
        tpu.vector_store %arg15[%swap3A_1331, %swap3A_1332], %mul3A_1330 {strides = array<i32>} : memref<128x128xf32, #tpu.memory_space<vmem>>, vector<16xf32>,
        %get3A_1334 = arith.index_cast %add3A_1284 : i32 to index
        %get3A_1335 = arith.constant 112 : index
        %get3A_1336 = tpu.vector_load %arg15[%get3A_1334, %get3A_1335] {strides = array<i32>} : memref<128x128xf32, #tpu.memory_space<vmem>>, vector<16xf32>,
        %mul3A_1337 = arith.mulf %get3A_1336, %broadcast_in_dim3A_1280 : vector<16xf32>
        %swap3A_1338 = arith.index_cast %add3A_1284 : i32 to index
        %swap3A_1339 = arith.constant 112 : index
        %swap3A_1340 = tpu.vector_load %arg15[%swap3A_1338, %swap3A_1339] {strides = array<i32>} : memref<128x128xf32, #tpu.memory_space<vmem>>, vector<16xf32>,
        tpu.vector_store %arg15[%swap3A_1338, %swap3A_1339], %mul3A_1337 {strides = array<i32>} : memref<128x128xf32, #tpu.memory_space<vmem>>, vector<16xf32>,
        %slice3A_1341 = vector.extract_strided_slice %get3A_397 {offsets = [15], sizes = [1], strides = [1]} : vector<16xf32> to vector<1xf32>
        %squeeze3A_1342 = vector.extract %slice3A_1341[0] : f32 from vector<1xf32>
        %broadcast_in_dim3A_1343 = vector.broadcast %squeeze3A_1342 : f32 to vector<16xf32>
        %mul3A_1344 = arith.constant 16 : i32
        %mul3A_1345 = arith.muli %scan3A_392, %mul3A_1344 : i32
        %add3A_1346 = arith.constant 15 : i32
        %add3A_1347 = arith.addi %mul3A_1345, %add3A_1346 : i32
        %get3A_1348 = arith.index_cast %add3A_1347 : i32 to index
        %get3A_1349 = arith.constant 0 : index
        %get3A_1350 = tpu.vector_load %arg15[%get3A_1348, %get3A_1349] {strides = array<i32>} : memref<128x128xf32, #tpu.memory_space<vmem>>, vector<16xf32>,
        %mul3A_1351 = arith.mulf %get3A_1350, %broadcast_in_dim3A_1343 : vector<16xf32>
        %swap3A_1352 = arith.index_cast %add3A_1347 : i32 to index
        %swap3A_1353 = arith.constant 0 : index
        %swap3A_1354 = tpu.vector_load %arg15[%swap3A_1352, %swap3A_1353] {strides = array<i32>} : memref<128x128xf32, #tpu.memory_space<vmem>>, vector<16xf32>,
        tpu.vector_store %arg15[%swap3A_1352, %swap3A_1353], %mul3A_1351 {strides = array<i32>} : memref<128x128xf32, #tpu.memory_space<vmem>>, vector<16xf32>,
        %get3A_1355 = arith.index_cast %add3A_1347 : i32 to index
        %get3A_1356 = arith.constant 16 : index
        %get3A_1357 = tpu.vector_load %arg15[%get3A_1355, %get3A_1356] {strides = array<i32>} : memref<128x128xf32, #tpu.memory_space<vmem>>, vector<16xf32>,
        %mul3A_1358 = arith.mulf %get3A_1357, %broadcast_in_dim3A_1343 : vector<16xf32>
        %swap3A_1359 = arith.index_cast %add3A_1347 : i32 to index
        %swap3A_1360 = arith.constant 16 : index
        %swap3A_1361 = tpu.vector_load %arg15[%swap3A_1359, %swap3A_1360] {strides = array<i32>} : memref<128x128xf32, #tpu.memory_space<vmem>>, vector<16xf32>,
        tpu.vector_store %arg15[%swap3A_1359, %swap3A_1360], %mul3A_1358 {strides = array<i32>} : memref<128x128xf32, #tpu.memory_space<vmem>>, vector<16xf32>,
        %get3A_1362 = arith.index_cast %add3A_1347 : i32 to index
        %get3A_1363 = arith.constant 32 : index
        %get3A_1364 = tpu.vector_load %arg15[%get3A_1362, %get3A_1363] {strides = array<i32>} : memref<128x128xf32, #tpu.memory_space<vmem>>, vector<16xf32>,
        %mul3A_1365 = arith.mulf %get3A_1364, %broadcast_in_dim3A_1343 : vector<16xf32>
        %swap3A_1366 = arith.index_cast %add3A_1347 : i32 to index
        %swap3A_1367 = arith.constant 32 : index
        %swap3A_1368 = tpu.vector_load %arg15[%swap3A_1366, %swap3A_1367] {strides = array<i32>} : memref<128x128xf32, #tpu.memory_space<vmem>>, vector<16xf32>,
        tpu.vector_store %arg15[%swap3A_1366, %swap3A_1367], %mul3A_1365 {strides = array<i32>} : memref<128x128xf32, #tpu.memory_space<vmem>>, vector<16xf32>,
        %get3A_1369 = arith.index_cast %add3A_1347 : i32 to index
        %get3A_1370 = arith.constant 48 : index
        %get3A_1371 = tpu.vector_load %arg15[%get3A_1369, %get3A_1370] {strides = array<i32>} : memref<128x128xf32, #tpu.memory_space<vmem>>, vector<16xf32>,
        %mul3A_1372 = arith.mulf %get3A_1371, %broadcast_in_dim3A_1343 : vector<16xf32>
        %swap3A_1373 = arith.index_cast %add3A_1347 : i32 to index
        %swap3A_1374 = arith.constant 48 : index
        %swap3A_1375 = tpu.vector_load %arg15[%swap3A_1373, %swap3A_1374] {strides = array<i32>} : memref<128x128xf32, #tpu.memory_space<vmem>>, vector<16xf32>,
        tpu.vector_store %arg15[%swap3A_1373, %swap3A_1374], %mul3A_1372 {strides = array<i32>} : memref<128x128xf32, #tpu.memory_space<vmem>>, vector<16xf32>,
        %get3A_1376 = arith.index_cast %add3A_1347 : i32 to index
        %get3A_1377 = arith.constant 64 : index
        %get3A_1378 = tpu.vector_load %arg15[%get3A_1376, %get3A_1377] {strides = array<i32>} : memref<128x128xf32, #tpu.memory_space<vmem>>, vector<16xf32>,
        %mul3A_1379 = arith.mulf %get3A_1378, %broadcast_in_dim3A_1343 : vector<16xf32>
        %swap3A_1380 = arith.index_cast %add3A_1347 : i32 to index
        %swap3A_1381 = arith.constant 64 : index
        %swap3A_1382 = tpu.vector_load %arg15[%swap3A_1380, %swap3A_1381] {strides = array<i32>} : memref<128x128xf32, #tpu.memory_space<vmem>>, vector<16xf32>,
        tpu.vector_store %arg15[%swap3A_1380, %swap3A_1381], %mul3A_1379 {strides = array<i32>} : memref<128x128xf32, #tpu.memory_space<vmem>>, vector<16xf32>,
        %get3A_1383 = arith.index_cast %add3A_1347 : i32 to index
        %get3A_1384 = arith.constant 80 : index
        %get3A_1385 = tpu.vector_load %arg15[%get3A_1383, %get3A_1384] {strides = array<i32>} : memref<128x128xf32, #tpu.memory_space<vmem>>, vector<16xf32>,
        %mul3A_1386 = arith.mulf %get3A_1385, %broadcast_in_dim3A_1343 : vector<16xf32>
        %swap3A_1387 = arith.index_cast %add3A_1347 : i32 to index
        %swap3A_1388 = arith.constant 80 : index
        %swap3A_1389 = tpu.vector_load %arg15[%swap3A_1387, %swap3A_1388] {strides = array<i32>} : memref<128x128xf32, #tpu.memory_space<vmem>>, vector<16xf32>,
        tpu.vector_store %arg15[%swap3A_1387, %swap3A_1388], %mul3A_1386 {strides = array<i32>} : memref<128x128xf32, #tpu.memory_space<vmem>>, vector<16xf32>,
        %get3A_1390 = arith.index_cast %add3A_1347 : i32 to index
        %get3A_1391 = arith.constant 96 : index
        %get3A_1392 = tpu.vector_load %arg15[%get3A_1390, %get3A_1391] {strides = array<i32>} : memref<128x128xf32, #tpu.memory_space<vmem>>, vector<16xf32>,
        %mul3A_1393 = arith.mulf %get3A_1392, %broadcast_in_dim3A_1343 : vector<16xf32>
        %swap3A_1394 = arith.index_cast %add3A_1347 : i32 to index
        %swap3A_1395 = arith.constant 96 : index
        %swap3A_1396 = tpu.vector_load %arg15[%swap3A_1394, %swap3A_1395] {strides = array<i32>} : memref<128x128xf32, #tpu.memory_space<vmem>>, vector<16xf32>,
        tpu.vector_store %arg15[%swap3A_1394, %swap3A_1395], %mul3A_1393 {strides = array<i32>} : memref<128x128xf32, #tpu.memory_space<vmem>>, vector<16xf32>,
        %get3A_1397 = arith.index_cast %add3A_1347 : i32 to index
        %get3A_1398 = arith.constant 112 : index
        %get3A_1399 = tpu.vector_load %arg15[%get3A_1397, %get3A_1398] {strides = array<i32>} : memref<128x128xf32, #tpu.memory_space<vmem>>, vector<16xf32>,
        %mul3A_1400 = arith.mulf %get3A_1399, %broadcast_in_dim3A_1343 : vector<16xf32>
        %swap3A_1401 = arith.index_cast %add3A_1347 : i32 to index
        %swap3A_1402 = arith.constant 112 : index
        %swap3A_1403 = tpu.vector_load %arg15[%swap3A_1401, %swap3A_1402] {strides = array<i32>} : memref<128x128xf32, #tpu.memory_space<vmem>>, vector<16xf32>,
        tpu.vector_store %arg15[%swap3A_1401, %swap3A_1402], %mul3A_1400 {strides = array<i32>} : memref<128x128xf32, #tpu.memory_space<vmem>>, vector<16xf32>,
        %scan3A_1404 = arith.constant 0 : i32
        scf.yield %scan3A_1404 : i32
      }
      %scan3A_359 = arith.constant 8 : i32
      "tpu.region"() ({
        %run_scoped3A = tpu.sem_alloc : memref<!tpu.dma_semaphore, #tpu.memory_space<semaphore_mem>>
        %dma_start3A_392 = arith.constant 0 : i32
        %dma_start3A_393 = tpu.memref_slice %arg14[%rem3A_179, %dma_start3A_392] : memref<2x128xi32, #tpu.memory_space<vmem>> -> memref<1x128xi32, #tpu.memory_space<vmem>>
        %dma_start3A_394 = tpu.memref_squeeze %dma_start3A_393 : memref<1x128xi32, #tpu.memory_space<vmem>> -> memref<128xi32, #tpu.memory_space<vmem>>
        %dma_start3A_395 = arith.constant 0 : i32
        %dma_start3A_396 = arith.constant 0 : i32
        %dma_start3A_397 = tpu.memref_slice %arg18[%dma_start3A_395, %dma_start3A_396] : memref<10240x128xf32, #tpu.memory_space<vmem_shared>> -> memref<10240x128xf32, #tpu.memory_space<vmem_shared>>
        tpu.enqueue_indirect_dma source(%arg15 : memref<128x128xf32, #tpu.memory_space<vmem>>) target(%dma_start3A_397 : memref<10240x128xf32, #tpu.memory_space<vmem_shared>>) offsets(%dma_start3A_394 : memref<128xi32, #tpu.memory_space<vmem>>) semaphore(%run_scoped3A : memref<!tpu.dma_semaphore, #tpu.memory_space<semaphore_mem>>) {add = true}
        %dma_wait3A_398 = arith.constant 0 : i32
        %dma_wait3A_399 = tpu.memref_slice %arg14[%rem3A_179, %dma_wait3A_398] : memref<2x128xi32, #tpu.memory_space<vmem>> -> memref<1x128xi32, #tpu.memory_space<vmem>>
        %dma_wait3A_400 = tpu.memref_squeeze %dma_wait3A_399 : memref<1x128xi32, #tpu.memory_space<vmem>> -> memref<128xi32, #tpu.memory_space<vmem>>
        %dma_wait3A_401 = arith.constant 0 : i32
        %dma_wait3A_402 = arith.constant 0 : i32
        %dma_wait3A_403 = tpu.memref_slice %arg18[%dma_wait3A_401, %dma_wait3A_402] : memref<10240x128xf32, #tpu.memory_space<vmem_shared>> -> memref<10240x128xf32, #tpu.memory_space<vmem_shared>>
        tpu.wait_indirect_dma semaphore(%run_scoped3A : memref<!tpu.dma_semaphore, #tpu.memory_space<semaphore_mem>>) src(%arg15 : memref<128x128xf32, #tpu.memory_space<vmem>>) dst(%dma_wait3A_403 : memref<10240x128xf32, #tpu.memory_space<vmem_shared>>)
        tpu.yield
      }) : () -> ()
      "tpu.region"() ({
        %run_scoped3A = tpu.sem_alloc : memref<!tpu.dma_semaphore, #tpu.memory_space<semaphore_mem>>
        %dma_start3A_392 = arith.constant 0 : i32
        %dma_start3A_393 = tpu.memref_slice %arg14[%rem3A_179, %dma_start3A_392] : memref<2x128xi32, #tpu.memory_space<vmem>> -> memref<1x128xi32, #tpu.memory_space<vmem>>
        %dma_start3A_394 = tpu.memref_squeeze %dma_start3A_393 : memref<1x128xi32, #tpu.memory_space<vmem>> -> memref<128xi32, #tpu.memory_space<vmem>>
        %dma_start3A_395 = arith.constant 0 : i32
        %dma_start3A_396 = tpu.memref_slice %arg19[%dma_start3A_395] : memref<10240xf32, #tpu.memory_space<vmem_shared>> -> memref<10240xf32, #tpu.memory_space<vmem_shared>>
        tpu.enqueue_indirect_dma source(%arg16 : memref<128xf32, #tpu.memory_space<vmem>>) target(%dma_start3A_396 : memref<10240xf32, #tpu.memory_space<vmem_shared>>) offsets(%dma_start3A_394 : memref<128xi32, #tpu.memory_space<vmem>>) semaphore(%run_scoped3A : memref<!tpu.dma_semaphore, #tpu.memory_space<semaphore_mem>>) {add = true}
        %dma_wait3A_397 = arith.constant 0 : i32
        %dma_wait3A_398 = tpu.memref_slice %arg14[%rem3A_179, %dma_wait3A_397] : memref<2x128xi32, #tpu.memory_space<vmem>> -> memref<1x128xi32, #tpu.memory_space<vmem>>
        %dma_wait3A_399 = tpu.memref_squeeze %dma_wait3A_398 : memref<1x128xi32, #tpu.memory_space<vmem>> -> memref<128xi32, #tpu.memory_space<vmem>>
        %dma_wait3A_400 = arith.constant 0 : i32
        %dma_wait3A_401 = tpu.memref_slice %arg19[%dma_wait3A_400] : memref<10240xf32, #tpu.memory_space<vmem_shared>> -> memref<10240xf32, #tpu.memory_space<vmem_shared>>
        tpu.wait_indirect_dma semaphore(%run_scoped3A : memref<!tpu.dma_semaphore, #tpu.memory_space<semaphore_mem>>) src(%arg16 : memref<128xf32, #tpu.memory_space<vmem>>) dst(%dma_wait3A_401 : memref<10240xf32, #tpu.memory_space<vmem_shared>>)
        tpu.yield
      }) : () -> ()
      %add3A_360 = arith.constant 2 : i32
      %add3A_361 = arith.addi %scan3A_177, %add3A_360 : i32
      %min3A = arith.constant 80 : i32
      %min3A_362 = arith.minsi %add3A_361, %min3A : i32
      %dma_start3A_363 = arith.constant 0 : i32
      %dma_start3A_364 = tpu.memref_slice %arg13[%rem3A_179, %dma_start3A_363] : memref<2x128xi32, #tpu.memory_space<vmem>> -> memref<1x128xi32, #tpu.memory_space<vmem>>
      %dma_start3A_365 = tpu.memref_squeeze %dma_start3A_364 : memref<1x128xi32, #tpu.memory_space<vmem>> -> memref<128xi32, #tpu.memory_space<vmem>>
      %dma_start3A_366 = arith.constant 0 : i32
      %dma_start3A_367 = tpu.memref_slice %arg6[%arg0, %arg1, %min3A_362, %dma_start3A_366] : memref<2x16x81x128xi32, #tpu.memory_space<hbm>> -> memref<1x1x1x128xi32, #tpu.memory_space<hbm>>
      %dma_start3A_368 = tpu.memref_squeeze %dma_start3A_367 : memref<1x1x1x128xi32, #tpu.memory_space<hbm>> -> memref<128xi32, #tpu.memory_space<hbm>>
      %dma_start3A_369 = tpu.memref_slice %arg21[%rem3A_179] : memref<2x!tpu.dma_semaphore, #tpu.memory_space<semaphore_mem>> -> memref<1x!tpu.dma_semaphore, #tpu.memory_space<semaphore_mem>>
      %dma_start3A_370 = tpu.memref_squeeze %dma_start3A_369 : memref<1x!tpu.dma_semaphore, #tpu.memory_space<semaphore_mem>> -> memref<!tpu.dma_semaphore, #tpu.memory_space<semaphore_mem>>
      %dma_start3A_371 = arith.constant 0 : i32
      %dma_start3A_372 = tpu.memref_slice %arg13[%rem3A_179, %dma_start3A_371] : memref<2x128xi32, #tpu.memory_space<vmem>> -> memref<1x128xi32, #tpu.memory_space<vmem>>
      %dma_start3A_373 = tpu.memref_squeeze %dma_start3A_372 : memref<1x128xi32, #tpu.memory_space<vmem>> -> memref<128xi32, #tpu.memory_space<vmem>>
      %dma_start3A_374 = arith.constant 0 : i32
      %dma_start3A_375 = tpu.memref_slice %arg6[%arg0, %arg1, %min3A_362, %dma_start3A_374] : memref<2x16x81x128xi32, #tpu.memory_space<hbm>> -> memref<1x1x1x128xi32, #tpu.memory_space<hbm>>
      %dma_start3A_376 = tpu.memref_squeeze %dma_start3A_375 : memref<1x1x1x128xi32, #tpu.memory_space<hbm>> -> memref<128xi32, #tpu.memory_space<hbm>>
      tpu.enqueue_dma source(%dma_start3A_376 : memref<128xi32, #tpu.memory_space<hbm>>) target(%dma_start3A_373 : memref<128xi32, #tpu.memory_space<vmem>>) target_semaphore(%dma_start3A_370 : memref<!tpu.dma_semaphore, #tpu.memory_space<semaphore_mem>>)
      %dma_start3A_377 = arith.constant 0 : i32
      %dma_start3A_378 = tpu.memref_slice %arg14[%rem3A_179, %dma_start3A_377] : memref<2x128xi32, #tpu.memory_space<vmem>> -> memref<1x128xi32, #tpu.memory_space<vmem>>
      %dma_start3A_379 = tpu.memref_squeeze %dma_start3A_378 : memref<1x128xi32, #tpu.memory_space<vmem>> -> memref<128xi32, #tpu.memory_space<vmem>>
      %dma_start3A_380 = arith.constant 0 : i32
      %dma_start3A_381 = tpu.memref_slice %arg7[%arg0, %arg1, %min3A_362, %dma_start3A_380] : memref<2x16x81x128xi32, #tpu.memory_space<hbm>> -> memref<1x1x1x128xi32, #tpu.memory_space<hbm>>
      %dma_start3A_382 = tpu.memref_squeeze %dma_start3A_381 : memref<1x1x1x128xi32, #tpu.memory_space<hbm>> -> memref<128xi32, #tpu.memory_space<hbm>>
      %dma_start3A_383 = tpu.memref_slice %arg21[%rem3A_179] : memref<2x!tpu.dma_semaphore, #tpu.memory_space<semaphore_mem>> -> memref<1x!tpu.dma_semaphore, #tpu.memory_space<semaphore_mem>>
      %dma_start3A_384 = tpu.memref_squeeze %dma_start3A_383 : memref<1x!tpu.dma_semaphore, #tpu.memory_space<semaphore_mem>> -> memref<!tpu.dma_semaphore, #tpu.memory_space<semaphore_mem>>
      %dma_start3A_385 = arith.constant 0 : i32
      %dma_start3A_386 = tpu.memref_slice %arg14[%rem3A_179, %dma_start3A_385] : memref<2x128xi32, #tpu.memory_space<vmem>> -> memref<1x128xi32, #tpu.memory_space<vmem>>
      %dma_start3A_387 = tpu.memref_squeeze %dma_start3A_386 : memref<1x128xi32, #tpu.memory_space<vmem>> -> memref<128xi32, #tpu.memory_space<vmem>>
      %dma_start3A_388 = arith.constant 0 : i32
      %dma_start3A_389 = tpu.memref_slice %arg7[%arg0, %arg1, %min3A_362, %dma_start3A_388] : memref<2x16x81x128xi32, #tpu.memory_space<hbm>> -> memref<1x1x1x128xi32, #tpu.memory_space<hbm>>
      %dma_start3A_390 = tpu.memref_squeeze %dma_start3A_389 : memref<1x1x1x128xi32, #tpu.memory_space<hbm>> -> memref<128xi32, #tpu.memory_space<hbm>>
      tpu.enqueue_dma source(%dma_start3A_390 : memref<128xi32, #tpu.memory_space<hbm>>) target(%dma_start3A_387 : memref<128xi32, #tpu.memory_space<vmem>>) target_semaphore(%dma_start3A_384 : memref<!tpu.dma_semaphore, #tpu.memory_space<semaphore_mem>>)
      %scan3A_391 = arith.constant 0 : i32
      scf.yield %scan3A_391 : i32
    }
    %scan3A_98 = arith.constant 81 : i32
    %dma_wait3A = arith.constant 0 : i32
    %dma_wait3A_99 = arith.constant 0 : i32
    %dma_wait3A_100 = arith.constant 0 : i32
    %dma_wait3A_101 = arith.constant 0 : i32
    %dma_wait3A_102 = tpu.memref_slice %arg13[%dma_wait3A_99, %dma_wait3A_101] : memref<2x128xi32, #tpu.memory_space<vmem>> -> memref<1x128xi32, #tpu.memory_space<vmem>>
    %dma_wait3A_103 = tpu.memref_squeeze %dma_wait3A_102 : memref<1x128xi32, #tpu.memory_space<vmem>> -> memref<128xi32, #tpu.memory_space<vmem>>
    %dma_wait3A_104 = arith.constant 0 : i32
    %dma_wait3A_105 = tpu.memref_slice %arg6[%arg0, %arg1, %dma_wait3A, %dma_wait3A_104] : memref<2x16x81x128xi32, #tpu.memory_space<hbm>> -> memref<1x1x1x128xi32, #tpu.memory_space<hbm>>
    %dma_wait3A_106 = tpu.memref_squeeze %dma_wait3A_105 : memref<1x1x1x128xi32, #tpu.memory_space<hbm>> -> memref<128xi32, #tpu.memory_space<hbm>>
    %dma_wait3A_107 = tpu.memref_slice %arg21[%dma_wait3A_100] : memref<2x!tpu.dma_semaphore, #tpu.memory_space<semaphore_mem>> -> memref<1x!tpu.dma_semaphore, #tpu.memory_space<semaphore_mem>>
    %dma_wait3A_108 = tpu.memref_squeeze %dma_wait3A_107 : memref<1x!tpu.dma_semaphore, #tpu.memory_space<semaphore_mem>> -> memref<!tpu.dma_semaphore, #tpu.memory_space<semaphore_mem>>
    %dma_wait3A_109 = arith.constant 0 : i32
    %dma_wait3A_110 = tpu.memref_slice %arg13[%dma_wait3A_99, %dma_wait3A_109] : memref<2x128xi32, #tpu.memory_space<vmem>> -> memref<1x128xi32, #tpu.memory_space<vmem>>
    %dma_wait3A_111 = tpu.memref_squeeze %dma_wait3A_110 : memref<1x128xi32, #tpu.memory_space<vmem>> -> memref<128xi32, #tpu.memory_space<vmem>>
    %dma_wait3A_112 = arith.constant 0 : i32
    %dma_wait3A_113 = tpu.memref_slice %arg6[%arg0, %arg1, %dma_wait3A, %dma_wait3A_112] : memref<2x16x81x128xi32, #tpu.memory_space<hbm>> -> memref<1x1x1x128xi32, #tpu.memory_space<hbm>>
    %dma_wait3A_114 = tpu.memref_squeeze %dma_wait3A_113 : memref<1x1x1x128xi32, #tpu.memory_space<hbm>> -> memref<128xi32, #tpu.memory_space<hbm>>
    tpu.wait_dma2 semaphore(%dma_wait3A_108 : memref<!tpu.dma_semaphore, #tpu.memory_space<semaphore_mem>>) src(%dma_wait3A_114 : memref<128xi32, #tpu.memory_space<hbm>>) dst(%dma_wait3A_111 : memref<128xi32, #tpu.memory_space<vmem>>)
    %dma_wait3A_115 = arith.constant 0 : i32
    %dma_wait3A_116 = arith.constant 0 : i32
    %dma_wait3A_117 = arith.constant 0 : i32
    %dma_wait3A_118 = arith.constant 0 : i32
    %dma_wait3A_119 = tpu.memref_slice %arg14[%dma_wait3A_116, %dma_wait3A_118] : memref<2x128xi32, #tpu.memory_space<vmem>> -> memref<1x128xi32, #tpu.memory_space<vmem>>
    %dma_wait3A_120 = tpu.memref_squeeze %dma_wait3A_119 : memref<1x128xi32, #tpu.memory_space<vmem>> -> memref<128xi32, #tpu.memory_space<vmem>>
    %dma_wait3A_121 = arith.constant 0 : i32
    %dma_wait3A_122 = tpu.memref_slice %arg7[%arg0, %arg1, %dma_wait3A_115, %dma_wait3A_121] : memref<2x16x81x128xi32, #tpu.memory_space<hbm>> -> memref<1x1x1x128xi32, #tpu.memory_space<hbm>>
    %dma_wait3A_123 = tpu.memref_squeeze %dma_wait3A_122 : memref<1x1x1x128xi32, #tpu.memory_space<hbm>> -> memref<128xi32, #tpu.memory_space<hbm>>
    %dma_wait3A_124 = tpu.memref_slice %arg21[%dma_wait3A_117] : memref<2x!tpu.dma_semaphore, #tpu.memory_space<semaphore_mem>> -> memref<1x!tpu.dma_semaphore, #tpu.memory_space<semaphore_mem>>
    %dma_wait3A_125 = tpu.memref_squeeze %dma_wait3A_124 : memref<1x!tpu.dma_semaphore, #tpu.memory_space<semaphore_mem>> -> memref<!tpu.dma_semaphore, #tpu.memory_space<semaphore_mem>>
    %dma_wait3A_126 = arith.constant 0 : i32
    %dma_wait3A_127 = tpu.memref_slice %arg14[%dma_wait3A_116, %dma_wait3A_126] : memref<2x128xi32, #tpu.memory_space<vmem>> -> memref<1x128xi32, #tpu.memory_space<vmem>>
    %dma_wait3A_128 = tpu.memref_squeeze %dma_wait3A_127 : memref<1x128xi32, #tpu.memory_space<vmem>> -> memref<128xi32, #tpu.memory_space<vmem>>
    %dma_wait3A_129 = arith.constant 0 : i32
    %dma_wait3A_130 = tpu.memref_slice %arg7[%arg0, %arg1, %dma_wait3A_115, %dma_wait3A_129] : memref<2x16x81x128xi32, #tpu.memory_space<hbm>> -> memref<1x1x1x128xi32, #tpu.memory_space<hbm>>
    %dma_wait3A_131 = tpu.memref_squeeze %dma_wait3A_130 : memref<1x1x1x128xi32, #tpu.memory_space<hbm>> -> memref<128xi32, #tpu.memory_space<hbm>>
    tpu.wait_dma2 semaphore(%dma_wait3A_125 : memref<!tpu.dma_semaphore, #tpu.memory_space<semaphore_mem>>) src(%dma_wait3A_131 : memref<128xi32, #tpu.memory_space<hbm>>) dst(%dma_wait3A_128 : memref<128xi32, #tpu.memory_space<vmem>>)
    %dma_wait3A_132 = arith.constant 0 : i32
    %dma_wait3A_133 = arith.constant 1 : i32
    %dma_wait3A_134 = arith.constant 1 : i32
    %dma_wait3A_135 = arith.constant 0 : i32
    %dma_wait3A_136 = tpu.memref_slice %arg13[%dma_wait3A_133, %dma_wait3A_135] : memref<2x128xi32, #tpu.memory_space<vmem>> -> memref<1x128xi32, #tpu.memory_space<vmem>>
    %dma_wait3A_137 = tpu.memref_squeeze %dma_wait3A_136 : memref<1x128xi32, #tpu.memory_space<vmem>> -> memref<128xi32, #tpu.memory_space<vmem>>
    %dma_wait3A_138 = arith.constant 0 : i32
    %dma_wait3A_139 = tpu.memref_slice %arg6[%arg0, %arg1, %dma_wait3A_132, %dma_wait3A_138] : memref<2x16x81x128xi32, #tpu.memory_space<hbm>> -> memref<1x1x1x128xi32, #tpu.memory_space<hbm>>
    %dma_wait3A_140 = tpu.memref_squeeze %dma_wait3A_139 : memref<1x1x1x128xi32, #tpu.memory_space<hbm>> -> memref<128xi32, #tpu.memory_space<hbm>>
    %dma_wait3A_141 = tpu.memref_slice %arg21[%dma_wait3A_134] : memref<2x!tpu.dma_semaphore, #tpu.memory_space<semaphore_mem>> -> memref<1x!tpu.dma_semaphore, #tpu.memory_space<semaphore_mem>>
    %dma_wait3A_142 = tpu.memref_squeeze %dma_wait3A_141 : memref<1x!tpu.dma_semaphore, #tpu.memory_space<semaphore_mem>> -> memref<!tpu.dma_semaphore, #tpu.memory_space<semaphore_mem>>
    %dma_wait3A_143 = arith.constant 0 : i32
    %dma_wait3A_144 = tpu.memref_slice %arg13[%dma_wait3A_133, %dma_wait3A_143] : memref<2x128xi32, #tpu.memory_space<vmem>> -> memref<1x128xi32, #tpu.memory_space<vmem>>
    %dma_wait3A_145 = tpu.memref_squeeze %dma_wait3A_144 : memref<1x128xi32, #tpu.memory_space<vmem>> -> memref<128xi32, #tpu.memory_space<vmem>>
    %dma_wait3A_146 = arith.constant 0 : i32
    %dma_wait3A_147 = tpu.memref_slice %arg6[%arg0, %arg1, %dma_wait3A_132, %dma_wait3A_146] : memref<2x16x81x128xi32, #tpu.memory_space<hbm>> -> memref<1x1x1x128xi32, #tpu.memory_space<hbm>>
    %dma_wait3A_148 = tpu.memref_squeeze %dma_wait3A_147 : memref<1x1x1x128xi32, #tpu.memory_space<hbm>> -> memref<128xi32, #tpu.memory_space<hbm>>
    tpu.wait_dma2 semaphore(%dma_wait3A_142 : memref<!tpu.dma_semaphore, #tpu.memory_space<semaphore_mem>>) src(%dma_wait3A_148 : memref<128xi32, #tpu.memory_space<hbm>>) dst(%dma_wait3A_145 : memref<128xi32, #tpu.memory_space<vmem>>)
    %dma_wait3A_149 = arith.constant 0 : i32
    %dma_wait3A_150 = arith.constant 1 : i32
    %dma_wait3A_151 = arith.constant 1 : i32
    %dma_wait3A_152 = arith.constant 0 : i32
    %dma_wait3A_153 = tpu.memref_slice %arg14[%dma_wait3A_150, %dma_wait3A_152] : memref<2x128xi32, #tpu.memory_space<vmem>> -> memref<1x128xi32, #tpu.memory_space<vmem>>
    %dma_wait3A_154 = tpu.memref_squeeze %dma_wait3A_153 : memref<1x128xi32, #tpu.memory_space<vmem>> -> memref<128xi32, #tpu.memory_space<vmem>>
    %dma_wait3A_155 = arith.constant 0 : i32
    %dma_wait3A_156 = tpu.memref_slice %arg7[%arg0, %arg1, %dma_wait3A_149, %dma_wait3A_155] : memref<2x16x81x128xi32, #tpu.memory_space<hbm>> -> memref<1x1x1x128xi32, #tpu.memory_space<hbm>>
    %dma_wait3A_157 = tpu.memref_squeeze %dma_wait3A_156 : memref<1x1x1x128xi32, #tpu.memory_space<hbm>> -> memref<128xi32, #tpu.memory_space<hbm>>
    %dma_wait3A_158 = tpu.memref_slice %arg21[%dma_wait3A_151] : memref<2x!tpu.dma_semaphore, #tpu.memory_space<semaphore_mem>> -> memref<1x!tpu.dma_semaphore, #tpu.memory_space<semaphore_mem>>
    %dma_wait3A_159 = tpu.memref_squeeze %dma_wait3A_158 : memref<1x!tpu.dma_semaphore, #tpu.memory_space<semaphore_mem>> -> memref<!tpu.dma_semaphore, #tpu.memory_space<semaphore_mem>>
    %dma_wait3A_160 = arith.constant 0 : i32
    %dma_wait3A_161 = tpu.memref_slice %arg14[%dma_wait3A_150, %dma_wait3A_160] : memref<2x128xi32, #tpu.memory_space<vmem>> -> memref<1x128xi32, #tpu.memory_space<vmem>>
    %dma_wait3A_162 = tpu.memref_squeeze %dma_wait3A_161 : memref<1x128xi32, #tpu.memory_space<vmem>> -> memref<128xi32, #tpu.memory_space<vmem>>
    %dma_wait3A_163 = arith.constant 0 : i32
    %dma_wait3A_164 = tpu.memref_slice %arg7[%arg0, %arg1, %dma_wait3A_149, %dma_wait3A_163] : memref<2x16x81x128xi32, #tpu.memory_space<hbm>> -> memref<1x1x1x128xi32, #tpu.memory_space<hbm>>
    %dma_wait3A_165 = tpu.memref_squeeze %dma_wait3A_164 : memref<1x1x1x128xi32, #tpu.memory_space<hbm>> -> memref<128xi32, #tpu.memory_space<hbm>>
    tpu.wait_dma2 semaphore(%dma_wait3A_159 : memref<!tpu.dma_semaphore, #tpu.memory_space<semaphore_mem>>) src(%dma_wait3A_165 : memref<128xi32, #tpu.memory_space<hbm>>) dst(%dma_wait3A_162 : memref<128xi32, #tpu.memory_space<vmem>>)
    %barrier3A_166 = arith.constant 0 : index
    tpu.barrier barrier_id(%barrier3A_166)
    %add3A_167 = arith.constant 0 : i32
    %add3A_168 = arith.addi %mul3A_81, %add3A_167 : i32
    "tpu.region"() ({
      %run_scoped3A = tpu.sem_alloc : memref<!tpu.dma_semaphore, #tpu.memory_space<semaphore_mem>>
      %dma_start3A_177 = arith.constant 0 : i32
      %dma_start3A_178 = tpu.memref_slice %arg8[%arg0, %add3A_168, %dma_start3A_177] : memref<2x10240x128xf32, #tpu.memory_space<hbm>> -> memref<1x128x128xf32, #tpu.memory_space<hbm>>
      %dma_start3A_179 = tpu.memref_squeeze %dma_start3A_178 : memref<1x128x128xf32, #tpu.memory_space<hbm>> -> memref<128x128xf32, #tpu.memory_space<hbm>>
      %dma_start3A_180 = arith.constant 0 : i32
      %dma_start3A_181 = tpu.memref_slice %arg18[%add3A_168, %dma_start3A_180] : memref<10240x128xf32, #tpu.memory_space<vmem_shared>> -> memref<128x128xf32, #tpu.memory_space<vmem_shared>>
      tpu.enqueue_dma source(%dma_start3A_181 : memref<128x128xf32, #tpu.memory_space<vmem_shared>>) target(%dma_start3A_179 : memref<128x128xf32, #tpu.memory_space<hbm>>) target_semaphore(%run_scoped3A : memref<!tpu.dma_semaphore, #tpu.memory_space<semaphore_mem>>)
      %dma_wait3A_182 = arith.constant 0 : i32
      %dma_wait3A_183 = tpu.memref_slice %arg8[%arg0, %add3A_168, %dma_wait3A_182] : memref<2x10240x128xf32, #tpu.memory_space<hbm>> -> memref<1x128x128xf32, #tpu.memory_space<hbm>>
      %dma_wait3A_184 = tpu.memref_squeeze %dma_wait3A_183 : memref<1x128x128xf32, #tpu.memory_space<hbm>> -> memref<128x128xf32, #tpu.memory_space<hbm>>
      %dma_wait3A_185 = arith.constant 0 : i32
      %dma_wait3A_186 = tpu.memref_slice %arg18[%add3A_168, %dma_wait3A_185] : memref<10240x128xf32, #tpu.memory_space<vmem_shared>> -> memref<128x128xf32, #tpu.memory_space<vmem_shared>>
      tpu.wait_dma2 semaphore(%run_scoped3A : memref<!tpu.dma_semaphore, #tpu.memory_space<semaphore_mem>>) src(%dma_wait3A_186 : memref<128x128xf32, #tpu.memory_space<vmem_shared>>) dst(%dma_wait3A_184 : memref<128x128xf32, #tpu.memory_space<hbm>>)
      tpu.yield
    }) : () -> ()
    %add3A_169 = arith.constant 128 : i32
    %add3A_170 = arith.addi %mul3A_81, %add3A_169 : i32
    "tpu.region"() ({
      %run_scoped3A = tpu.sem_alloc : memref<!tpu.dma_semaphore, #tpu.memory_space<semaphore_mem>>
      %dma_start3A_177 = arith.constant 0 : i32
      %dma_start3A_178 = tpu.memref_slice %arg8[%arg0, %add3A_170, %dma_start3A_177] : memref<2x10240x128xf32, #tpu.memory_space<hbm>> -> memref<1x128x128xf32, #tpu.memory_space<hbm>>
      %dma_start3A_179 = tpu.memref_squeeze %dma_start3A_178 : memref<1x128x128xf32, #tpu.memory_space<hbm>> -> memref<128x128xf32, #tpu.memory_space<hbm>>
      %dma_start3A_180 = arith.constant 0 : i32
      %dma_start3A_181 = tpu.memref_slice %arg18[%add3A_170, %dma_start3A_180] : memref<10240x128xf32, #tpu.memory_space<vmem_shared>> -> memref<128x128xf32, #tpu.memory_space<vmem_shared>>
      tpu.enqueue_dma source(%dma_start3A_181 : memref<128x128xf32, #tpu.memory_space<vmem_shared>>) target(%dma_start3A_179 : memref<128x128xf32, #tpu.memory_space<hbm>>) target_semaphore(%run_scoped3A : memref<!tpu.dma_semaphore, #tpu.memory_space<semaphore_mem>>)
      %dma_wait3A_182 = arith.constant 0 : i32
      %dma_wait3A_183 = tpu.memref_slice %arg8[%arg0, %add3A_170, %dma_wait3A_182] : memref<2x10240x128xf32, #tpu.memory_space<hbm>> -> memref<1x128x128xf32, #tpu.memory_space<hbm>>
      %dma_wait3A_184 = tpu.memref_squeeze %dma_wait3A_183 : memref<1x128x128xf32, #tpu.memory_space<hbm>> -> memref<128x128xf32, #tpu.memory_space<hbm>>
      %dma_wait3A_185 = arith.constant 0 : i32
      %dma_wait3A_186 = tpu.memref_slice %arg18[%add3A_170, %dma_wait3A_185] : memref<10240x128xf32, #tpu.memory_space<vmem_shared>> -> memref<128x128xf32, #tpu.memory_space<vmem_shared>>
      tpu.wait_dma2 semaphore(%run_scoped3A : memref<!tpu.dma_semaphore, #tpu.memory_space<semaphore_mem>>) src(%dma_wait3A_186 : memref<128x128xf32, #tpu.memory_space<vmem_shared>>) dst(%dma_wait3A_184 : memref<128x128xf32, #tpu.memory_space<hbm>>)
      tpu.yield
    }) : () -> ()
    %add3A_171 = arith.constant 256 : i32
    %add3A_172 = arith.addi %mul3A_81, %add3A_171 : i32
    "tpu.region"() ({
      %run_scoped3A = tpu.sem_alloc : memref<!tpu.dma_semaphore, #tpu.memory_space<semaphore_mem>>
      %dma_start3A_177 = arith.constant 0 : i32
      %dma_start3A_178 = tpu.memref_slice %arg8[%arg0, %add3A_172, %dma_start3A_177] : memref<2x10240x128xf32, #tpu.memory_space<hbm>> -> memref<1x128x128xf32, #tpu.memory_space<hbm>>
      %dma_start3A_179 = tpu.memref_squeeze %dma_start3A_178 : memref<1x128x128xf32, #tpu.memory_space<hbm>> -> memref<128x128xf32, #tpu.memory_space<hbm>>
      %dma_start3A_180 = arith.constant 0 : i32
      %dma_start3A_181 = tpu.memref_slice %arg18[%add3A_172, %dma_start3A_180] : memref<10240x128xf32, #tpu.memory_space<vmem_shared>> -> memref<128x128xf32, #tpu.memory_space<vmem_shared>>
      tpu.enqueue_dma source(%dma_start3A_181 : memref<128x128xf32, #tpu.memory_space<vmem_shared>>) target(%dma_start3A_179 : memref<128x128xf32, #tpu.memory_space<hbm>>) target_semaphore(%run_scoped3A : memref<!tpu.dma_semaphore, #tpu.memory_space<semaphore_mem>>)
      %dma_wait3A_182 = arith.constant 0 : i32
      %dma_wait3A_183 = tpu.memref_slice %arg8[%arg0, %add3A_172, %dma_wait3A_182] : memref<2x10240x128xf32, #tpu.memory_space<hbm>> -> memref<1x128x128xf32, #tpu.memory_space<hbm>>
      %dma_wait3A_184 = tpu.memref_squeeze %dma_wait3A_183 : memref<1x128x128xf32, #tpu.memory_space<hbm>> -> memref<128x128xf32, #tpu.memory_space<hbm>>
      %dma_wait3A_185 = arith.constant 0 : i32
      %dma_wait3A_186 = tpu.memref_slice %arg18[%add3A_172, %dma_wait3A_185] : memref<10240x128xf32, #tpu.memory_space<vmem_shared>> -> memref<128x128xf32, #tpu.memory_space<vmem_shared>>
      tpu.wait_dma2 semaphore(%run_scoped3A : memref<!tpu.dma_semaphore, #tpu.memory_space<semaphore_mem>>) src(%dma_wait3A_186 : memref<128x128xf32, #tpu.memory_space<vmem_shared>>) dst(%dma_wait3A_184 : memref<128x128xf32, #tpu.memory_space<hbm>>)
      tpu.yield
    }) : () -> ()
    %add3A_173 = arith.constant 384 : i32
    %add3A_174 = arith.addi %mul3A_81, %add3A_173 : i32
    "tpu.region"() ({
      %run_scoped3A = tpu.sem_alloc : memref<!tpu.dma_semaphore, #tpu.memory_space<semaphore_mem>>
      %dma_start3A_177 = arith.constant 0 : i32
      %dma_start3A_178 = tpu.memref_slice %arg8[%arg0, %add3A_174, %dma_start3A_177] : memref<2x10240x128xf32, #tpu.memory_space<hbm>> -> memref<1x128x128xf32, #tpu.memory_space<hbm>>
      %dma_start3A_179 = tpu.memref_squeeze %dma_start3A_178 : memref<1x128x128xf32, #tpu.memory_space<hbm>> -> memref<128x128xf32, #tpu.memory_space<hbm>>
      %dma_start3A_180 = arith.constant 0 : i32
      %dma_start3A_181 = tpu.memref_slice %arg18[%add3A_174, %dma_start3A_180] : memref<10240x128xf32, #tpu.memory_space<vmem_shared>> -> memref<128x128xf32, #tpu.memory_space<vmem_shared>>
      tpu.enqueue_dma source(%dma_start3A_181 : memref<128x128xf32, #tpu.memory_space<vmem_shared>>) target(%dma_start3A_179 : memref<128x128xf32, #tpu.memory_space<hbm>>) target_semaphore(%run_scoped3A : memref<!tpu.dma_semaphore, #tpu.memory_space<semaphore_mem>>)
      %dma_wait3A_182 = arith.constant 0 : i32
      %dma_wait3A_183 = tpu.memref_slice %arg8[%arg0, %add3A_174, %dma_wait3A_182] : memref<2x10240x128xf32, #tpu.memory_space<hbm>> -> memref<1x128x128xf32, #tpu.memory_space<hbm>>
      %dma_wait3A_184 = tpu.memref_squeeze %dma_wait3A_183 : memref<1x128x128xf32, #tpu.memory_space<hbm>> -> memref<128x128xf32, #tpu.memory_space<hbm>>
      %dma_wait3A_185 = arith.constant 0 : i32
      %dma_wait3A_186 = tpu.memref_slice %arg18[%add3A_174, %dma_wait3A_185] : memref<10240x128xf32, #tpu.memory_space<vmem_shared>> -> memref<128x128xf32, #tpu.memory_space<vmem_shared>>
      tpu.wait_dma2 semaphore(%run_scoped3A : memref<!tpu.dma_semaphore, #tpu.memory_space<semaphore_mem>>) src(%dma_wait3A_186 : memref<128x128xf32, #tpu.memory_space<vmem_shared>>) dst(%dma_wait3A_184 : memref<128x128xf32, #tpu.memory_space<hbm>>)
      tpu.yield
    }) : () -> ()
    %add3A_175 = arith.constant 512 : i32
    %add3A_176 = arith.addi %mul3A_81, %add3A_175 : i32
    "tpu.region"() ({
      %run_scoped3A = tpu.sem_alloc : memref<!tpu.dma_semaphore, #tpu.memory_space<semaphore_mem>>
      %dma_start3A_177 = arith.constant 0 : i32
      %dma_start3A_178 = tpu.memref_slice %arg8[%arg0, %add3A_176, %dma_start3A_177] : memref<2x10240x128xf32, #tpu.memory_space<hbm>> -> memref<1x128x128xf32, #tpu.memory_space<hbm>>
      %dma_start3A_179 = tpu.memref_squeeze %dma_start3A_178 : memref<1x128x128xf32, #tpu.memory_space<hbm>> -> memref<128x128xf32, #tpu.memory_space<hbm>>
      %dma_start3A_180 = arith.constant 0 : i32
      %dma_start3A_181 = tpu.memref_slice %arg18[%add3A_176, %dma_start3A_180] : memref<10240x128xf32, #tpu.memory_space<vmem_shared>> -> memref<128x128xf32, #tpu.memory_space<vmem_shared>>
      tpu.enqueue_dma source(%dma_start3A_181 : memref<128x128xf32, #tpu.memory_space<vmem_shared>>) target(%dma_start3A_179 : memref<128x128xf32, #tpu.memory_space<hbm>>) target_semaphore(%run_scoped3A : memref<!tpu.dma_semaphore, #tpu.memory_space<semaphore_mem>>)
      %dma_wait3A_182 = arith.constant 0 : i32
      %dma_wait3A_183 = tpu.memref_slice %arg8[%arg0, %add3A_176, %dma_wait3A_182] : memref<2x10240x128xf32, #tpu.memory_space<hbm>> -> memref<1x128x128xf32, #tpu.memory_space<hbm>>
      %dma_wait3A_184 = tpu.memref_squeeze %dma_wait3A_183 : memref<1x128x128xf32, #tpu.memory_space<hbm>> -> memref<128x128xf32, #tpu.memory_space<hbm>>
      %dma_wait3A_185 = arith.constant 0 : i32
      %dma_wait3A_186 = tpu.memref_slice %arg18[%add3A_176, %dma_wait3A_185] : memref<10240x128xf32, #tpu.memory_space<vmem_shared>> -> memref<128x128xf32, #tpu.memory_space<vmem_shared>>
      tpu.wait_dma2 semaphore(%run_scoped3A : memref<!tpu.dma_semaphore, #tpu.memory_space<semaphore_mem>>) src(%dma_wait3A_186 : memref<128x128xf32, #tpu.memory_space<vmem_shared>>) dst(%dma_wait3A_184 : memref<128x128xf32, #tpu.memory_space<hbm>>)
      tpu.yield
    }) : () -> ()
    "tpu.region"() ({
      %run_scoped3A = tpu.sem_alloc : memref<!tpu.dma_semaphore, #tpu.memory_space<semaphore_mem>>
      %dma_start3A_177 = tpu.memref_slice %arg9[%arg0, %mul3A_81] : memref<2x10240xf32, #tpu.memory_space<hbm>> -> memref<1x640xf32, #tpu.memory_space<hbm>>
      %dma_start3A_178 = tpu.memref_squeeze %dma_start3A_177 : memref<1x640xf32, #tpu.memory_space<hbm>> -> memref<640xf32, #tpu.memory_space<hbm>>
      %dma_start3A_179 = tpu.memref_slice %arg19[%mul3A_81] : memref<10240xf32, #tpu.memory_space<vmem_shared>> -> memref<640xf32, #tpu.memory_space<vmem_shared>>
      tpu.enqueue_dma source(%dma_start3A_179 : memref<640xf32, #tpu.memory_space<vmem_shared>>) target(%dma_start3A_178 : memref<640xf32, #tpu.memory_space<hbm>>) target_semaphore(%run_scoped3A : memref<!tpu.dma_semaphore, #tpu.memory_space<semaphore_mem>>)
      %dma_wait3A_180 = tpu.memref_slice %arg9[%arg0, %mul3A_81] : memref<2x10240xf32, #tpu.memory_space<hbm>> -> memref<1x640xf32, #tpu.memory_space<hbm>>
      %dma_wait3A_181 = tpu.memref_squeeze %dma_wait3A_180 : memref<1x640xf32, #tpu.memory_space<hbm>> -> memref<640xf32, #tpu.memory_space<hbm>>
      %dma_wait3A_182 = tpu.memref_slice %arg19[%mul3A_81] : memref<10240xf32, #tpu.memory_space<vmem_shared>> -> memref<640xf32, #tpu.memory_space<vmem_shared>>
      tpu.wait_dma2 semaphore(%run_scoped3A : memref<!tpu.dma_semaphore, #tpu.memory_space<semaphore_mem>>) src(%dma_wait3A_182 : memref<640xf32, #tpu.memory_space<vmem_shared>>) dst(%dma_wait3A_181 : memref<640xf32, #tpu.memory_space<hbm>>)
      tpu.yield
    }) : () -> ()
    return
  }
}

#map = affine_map<(d0, d1) -> (0, 0)>
#map1 = affine_map<(d0, d1) -> (0)>
#map2 = affine_map<(d0, d1) -> (0, 0, 0, 0)>
#map3 = affine_map<(d0, d1) -> (0, 0, 0)>
module attributes {stable_mosaic.version = 14 : i64} {
  func.func @body(%arg0: i32, %arg1: i32, %arg2: memref<10240x128xf32, #tpu.memory_space<hbm>>, %arg3: memref<10240xf32, #tpu.memory_space<hbm>>, %arg4: memref<10240xf32, #tpu.memory_space<hbm>>, %arg5: memref<16xf32, #tpu.memory_space<hbm>>, %arg6: memref<2x16x81x128xi32, #tpu.memory_space<hbm>>, %arg7: memref<2x16x81x128xi32, #tpu.memory_space<hbm>>, %arg8: memref<2x10240x128xf32, #tpu.memory_space<hbm>>, %arg9: memref<2x10240xf32, #tpu.memory_space<hbm>>, %arg10: memref<10240xf32, #tpu.memory_space<vmem>>, %arg11: memref<10240xf32, #tpu.memory_space<vmem>>, %arg12: memref<16xf32, #tpu.memory_space<vmem>>, %arg13: memref<2x128xi32, #tpu.memory_space<vmem>>, %arg14: memref<2x128xi32, #tpu.memory_space<vmem>>, %arg15: memref<128x128xf32, #tpu.memory_space<vmem>>, %arg16: memref<128xf32, #tpu.memory_space<vmem>>, %arg17: memref<640xf32, #tpu.memory_space<vmem>>, %arg18: memref<10240x128xf32, #tpu.memory_space<vmem_shared>>, %arg19: memref<10240xf32, #tpu.memory_space<vmem_shared>>, %arg20: memref<!tpu.dma_semaphore, #tpu.memory_space<semaphore_mem>>, %arg21: memref<2x!tpu.dma_semaphore, #tpu.memory_space<semaphore_mem>>) attributes {dimension_semantics = [#tpu.dimension_semantics<core_parallel>, #tpu.dimension_semantics<subcore_parallel>], iteration_bounds = array<i64: 2, 16>, scalar_prefetch = 0 : i64, scratch_operands = 12 : i64, tpu.core_type = #tpu.core_type<sc_vector_subcore>, window_params = [{transform_indices = #map}, {transform_indices = #map1}, {transform_indices = #map1}, {transform_indices = #map1}, {transform_indices = #map2}, {transform_indices = #map2}, {transform_indices = #map3}, {transform_indices = #map}]} {
    "tpu.region"() ({
      %run_scoped3A = tpu.sem_alloc : memref<!tpu.dma_semaphore, #tpu.memory_space<semaphore_mem>>
      tpu.enqueue_dma source(%arg3 : memref<10240xf32, #tpu.memory_space<hbm>>) target(%arg10 : memref<10240xf32, #tpu.memory_space<vmem>>) target_semaphore(%run_scoped3A : memref<!tpu.dma_semaphore, #tpu.memory_space<semaphore_mem>>)
      tpu.wait_dma2 semaphore(%run_scoped3A : memref<!tpu.dma_semaphore, #tpu.memory_space<semaphore_mem>>) src(%arg3 : memref<10240xf32, #tpu.memory_space<hbm>>) dst(%arg10 : memref<10240xf32, #tpu.memory_space<vmem>>)
      tpu.yield
    }) : () -> ()
    "tpu.region"() ({
      %run_scoped3A = tpu.sem_alloc : memref<!tpu.dma_semaphore, #tpu.memory_space<semaphore_mem>>
      tpu.enqueue_dma source(%arg4 : memref<10240xf32, #tpu.memory_space<hbm>>) target(%arg11 : memref<10240xf32, #tpu.memory_space<vmem>>) target_semaphore(%run_scoped3A : memref<!tpu.dma_semaphore, #tpu.memory_space<semaphore_mem>>)
      tpu.wait_dma2 semaphore(%run_scoped3A : memref<!tpu.dma_semaphore, #tpu.memory_space<semaphore_mem>>) src(%arg4 : memref<10240xf32, #tpu.memory_space<hbm>>) dst(%arg11 : memref<10240xf32, #tpu.memory_space<vmem>>)
      tpu.yield
    }) : () -> ()
    "tpu.region"() ({
      %run_scoped3A = tpu.sem_alloc : memref<!tpu.dma_semaphore, #tpu.memory_space<semaphore_mem>>
      tpu.enqueue_dma source(%arg5 : memref<16xf32, #tpu.memory_space<hbm>>) target(%arg12 : memref<16xf32, #tpu.memory_space<vmem>>) target_semaphore(%run_scoped3A : memref<!tpu.dma_semaphore, #tpu.memory_space<semaphore_mem>>)
      tpu.wait_dma2 semaphore(%run_scoped3A : memref<!tpu.dma_semaphore, #tpu.memory_space<semaphore_mem>>) src(%arg5 : memref<16xf32, #tpu.memory_space<hbm>>) dst(%arg12 : memref<16xf32, #tpu.memory_space<vmem>>)
      tpu.yield
    }) : () -> ()
    %dma_start3A = arith.constant 0 : i32
    %dma_start3A_0 = arith.constant 0 : i32
    %dma_start3A_1 = arith.constant 0 : i32
    %dma_start3A_2 = arith.constant 0 : i32
    %dma_start3A_3 = tpu.memref_slice %arg13[%dma_start3A_0, %dma_start3A_2] : memref<2x128xi32, #tpu.memory_space<vmem>> -> memref<1x128xi32, #tpu.memory_space<vmem>>
    %dma_start3A_4 = tpu.memref_squeeze %dma_start3A_3 : memref<1x128xi32, #tpu.memory_space<vmem>> -> memref<128xi32, #tpu.memory_space<vmem>>
    %dma_start3A_5 = arith.constant 0 : i32
    %dma_start3A_6 = tpu.memref_slice %arg6[%arg0, %arg1, %dma_start3A, %dma_start3A_5] : memref<2x16x81x128xi32, #tpu.memory_space<hbm>> -> memref<1x1x1x128xi32, #tpu.memory_space<hbm>>
    %dma_start3A_7 = tpu.memref_squeeze %dma_start3A_6 : memref<1x1x1x128xi32, #tpu.memory_space<hbm>> -> memref<128xi32, #tpu.memory_space<hbm>>
    %dma_start3A_8 = tpu.memref_slice %arg21[%dma_start3A_1] : memref<2x!tpu.dma_semaphore, #tpu.memory_space<semaphore_mem>> -> memref<1x!tpu.dma_semaphore, #tpu.memory_space<semaphore_mem>>
    %dma_start3A_9 = tpu.memref_squeeze %dma_start3A_8 : memref<1x!tpu.dma_semaphore, #tpu.memory_space<semaphore_mem>> -> memref<!tpu.dma_semaphore, #tpu.memory_space<semaphore_mem>>
    %dma_start3A_10 = arith.constant 0 : i32
    %dma_start3A_11 = tpu.memref_slice %arg13[%dma_start3A_0, %dma_start3A_10] : memref<2x128xi32, #tpu.memory_space<vmem>> -> memref<1x128xi32, #tpu.memory_space<vmem>>
    %dma_start3A_12 = tpu.memref_squeeze %dma_start3A_11 : memref<1x128xi32, #tpu.memory_space<vmem>> -> memref<128xi32, #tpu.memory_space<vmem>>
    %dma_start3A_13 = arith.constant 0 : i32
    %dma_start3A_14 = tpu.memref_slice %arg6[%arg0, %arg1, %dma_start3A, %dma_start3A_13] : memref<2x16x81x128xi32, #tpu.memory_space<hbm>> -> memref<1x1x1x128xi32, #tpu.memory_space<hbm>>
    %dma_start3A_15 = tpu.memref_squeeze %dma_start3A_14 : memref<1x1x1x128xi32, #tpu.memory_space<hbm>> -> memref<128xi32, #tpu.memory_space<hbm>>
    tpu.enqueue_dma source(%dma_start3A_15 : memref<128xi32, #tpu.memory_space<hbm>>) target(%dma_start3A_12 : memref<128xi32, #tpu.memory_space<vmem>>) target_semaphore(%dma_start3A_9 : memref<!tpu.dma_semaphore, #tpu.memory_space<semaphore_mem>>)
    %dma_start3A_16 = arith.constant 0 : i32
    %dma_start3A_17 = arith.constant 0 : i32
    %dma_start3A_18 = arith.constant 0 : i32
    %dma_start3A_19 = arith.constant 0 : i32
    %dma_start3A_20 = tpu.memref_slice %arg14[%dma_start3A_17, %dma_start3A_19] : memref<2x128xi32, #tpu.memory_space<vmem>> -> memref<1x128xi32, #tpu.memory_space<vmem>>
    %dma_start3A_21 = tpu.memref_squeeze %dma_start3A_20 : memref<1x128xi32, #tpu.memory_space<vmem>> -> memref<128xi32, #tpu.memory_space<vmem>>
    %dma_start3A_22 = arith.constant 0 : i32
    %dma_start3A_23 = tpu.memref_slice %arg7[%arg0, %arg1, %dma_start3A_16, %dma_start3A_22] : memref<2x16x81x128xi32, #tpu.memory_space<hbm>> -> memref<1x1x1x128xi32, #tpu.memory_space<hbm>>
    %dma_start3A_24 = tpu.memref_squeeze %dma_start3A_23 : memref<1x1x1x128xi32, #tpu.memory_space<hbm>> -> memref<128xi32, #tpu.memory_space<hbm>>
    %dma_start3A_25 = tpu.memref_slice %arg21[%dma_start3A_18] : memref<2x!tpu.dma_semaphore, #tpu.memory_space<semaphore_mem>> -> memref<1x!tpu.dma_semaphore, #tpu.memory_space<semaphore_mem>>
    %dma_start3A_26 = tpu.memref_squeeze %dma_start3A_25 : memref<1x!tpu.dma_semaphore, #tpu.memory_space<semaphore_mem>> -> memref<!tpu.dma_semaphore, #tpu.memory_space<semaphore_mem>>
    %dma_start3A_27 = arith.constant 0 : i32
    %dma_start3A_28 = tpu.memref_slice %arg14[%dma_start3A_17, %dma_start3A_27] : memref<2x128xi32, #tpu.memory_space<vmem>> -> memref<1x128xi32, #tpu.memory_space<vmem>>
    %dma_start3A_29 = tpu.memref_squeeze %dma_start3A_28 : memref<1x128xi32, #tpu.memory_space<vmem>> -> memref<128xi32, #tpu.memory_space<vmem>>
    %dma_start3A_30 = arith.constant 0 : i32
    %dma_start3A_31 = tpu.memref_slice %arg7[%arg0, %arg1, %dma_start3A_16, %dma_start3A_30] : memref<2x16x81x128xi32, #tpu.memory_space<hbm>> -> memref<1x1x1x128xi32, #tpu.memory_space<hbm>>
    %dma_start3A_32 = tpu.memref_squeeze %dma_start3A_31 : memref<1x1x1x128xi32, #tpu.memory_space<hbm>> -> memref<128xi32, #tpu.memory_space<hbm>>
    tpu.enqueue_dma source(%dma_start3A_32 : memref<128xi32, #tpu.memory_space<hbm>>) target(%dma_start3A_29 : memref<128xi32, #tpu.memory_space<vmem>>) target_semaphore(%dma_start3A_26 : memref<!tpu.dma_semaphore, #tpu.memory_space<semaphore_mem>>)
    %dma_start3A_33 = arith.constant 1 : i32
    %dma_start3A_34 = arith.constant 1 : i32
    %dma_start3A_35 = arith.constant 1 : i32
    %dma_start3A_36 = arith.constant 0 : i32
    %dma_start3A_37 = tpu.memref_slice %arg13[%dma_start3A_34, %dma_start3A_36] : memref<2x128xi32, #tpu.memory_space<vmem>> -> memref<1x128xi32, #tpu.memory_space<vmem>>
    %dma_start3A_38 = tpu.memref_squeeze %dma_start3A_37 : memref<1x128xi32, #tpu.memory_space<vmem>> -> memref<128xi32, #tpu.memory_space<vmem>>
    %dma_start3A_39 = arith.constant 0 : i32
    %dma_start3A_40 = tpu.memref_slice %arg6[%arg0, %arg1, %dma_start3A_33, %dma_start3A_39] : memref<2x16x81x128xi32, #tpu.memory_space<hbm>> -> memref<1x1x1x128xi32, #tpu.memory_space<hbm>>
    %dma_start3A_41 = tpu.memref_squeeze %dma_start3A_40 : memref<1x1x1x128xi32, #tpu.memory_space<hbm>> -> memref<128xi32, #tpu.memory_space<hbm>>
    %dma_start3A_42 = tpu.memref_slice %arg21[%dma_start3A_35] : memref<2x!tpu.dma_semaphore, #tpu.memory_space<semaphore_mem>> -> memref<1x!tpu.dma_semaphore, #tpu.memory_space<semaphore_mem>>
    %dma_start3A_43 = tpu.memref_squeeze %dma_start3A_42 : memref<1x!tpu.dma_semaphore, #tpu.memory_space<semaphore_mem>> -> memref<!tpu.dma_semaphore, #tpu.memory_space<semaphore_mem>>
    %dma_start3A_44 = arith.constant 0 : i32
    %dma_start3A_45 = tpu.memref_slice %arg13[%dma_start3A_34, %dma_start3A_44] : memref<2x128xi32, #tpu.memory_space<vmem>> -> memref<1x128xi32, #tpu.memory_space<vmem>>
    %dma_start3A_46 = tpu.memref_squeeze %dma_start3A_45 : memref<1x128xi32, #tpu.memory_space<vmem>> -> memref<128xi32, #tpu.memory_space<vmem>>
    %dma_start3A_47 = arith.constant 0 : i32
    %dma_start3A_48 = tpu.memref_slice %arg6[%arg0, %arg1, %dma_start3A_33, %dma_start3A_47] : memref<2x16x81x128xi32, #tpu.memory_space<hbm>> -> memref<1x1x1x128xi32, #tpu.memory_space<hbm>>
    %dma_start3A_49 = tpu.memref_squeeze %dma_start3A_48 : memref<1x1x1x128xi32, #tpu.memory_space<hbm>> -> memref<128xi32, #tpu.memory_space<hbm>>
    tpu.enqueue_dma source(%dma_start3A_49 : memref<128xi32, #tpu.memory_space<hbm>>) target(%dma_start3A_46 : memref<128xi32, #tpu.memory_space<vmem>>) target_semaphore(%dma_start3A_43 : memref<!tpu.dma_semaphore, #tpu.memory_space<semaphore_mem>>)
    %dma_start3A_50 = arith.constant 1 : i32
    %dma_start3A_51 = arith.constant 1 : i32
    %dma_start3A_52 = arith.constant 1 : i32
    %dma_start3A_53 = arith.constant 0 : i32
    %dma_start3A_54 = tpu.memref_slice %arg14[%dma_start3A_51, %dma_start3A_53] : memref<2x128xi32, #tpu.memory_space<vmem>> -> memref<1x128xi32, #tpu.memory_space<vmem>>
    %dma_start3A_55 = tpu.memref_squeeze %dma_start3A_54 : memref<1x128xi32, #tpu.memory_space<vmem>> -> memref<128xi32, #tpu.memory_space<vmem>>
    %dma_start3A_56 = arith.constant 0 : i32
    %dma_start3A_57 = tpu.memref_slice %arg7[%arg0, %arg1, %dma_start3A_50, %dma_start3A_56] : memref<2x16x81x128xi32, #tpu.memory_space<hbm>> -> memref<1x1x1x128xi32, #tpu.memory_space<hbm>>
    %dma_start3A_58 = tpu.memref_squeeze %dma_start3A_57 : memref<1x1x1x128xi32, #tpu.memory_space<hbm>> -> memref<128xi32, #tpu.memory_space<hbm>>
    %dma_start3A_59 = tpu.memref_slice %arg21[%dma_start3A_52] : memref<2x!tpu.dma_semaphore, #tpu.memory_space<semaphore_mem>> -> memref<1x!tpu.dma_semaphore, #tpu.memory_space<semaphore_mem>>
    %dma_start3A_60 = tpu.memref_squeeze %dma_start3A_59 : memref<1x!tpu.dma_semaphore, #tpu.memory_space<semaphore_mem>> -> memref<!tpu.dma_semaphore, #tpu.memory_space<semaphore_mem>>
    %dma_start3A_61 = arith.constant 0 : i32
    %dma_start3A_62 = tpu.memref_slice %arg14[%dma_start3A_51, %dma_start3A_61] : memref<2x128xi32, #tpu.memory_space<vmem>> -> memref<1x128xi32, #tpu.memory_space<vmem>>
    %dma_start3A_63 = tpu.memref_squeeze %dma_start3A_62 : memref<1x128xi32, #tpu.memory_space<vmem>> -> memref<128xi32, #tpu.memory_space<vmem>>
    %dma_start3A_64 = arith.constant 0 : i32
    %dma_start3A_65 = tpu.memref_slice %arg7[%arg0, %arg1, %dma_start3A_50, %dma_start3A_64] : memref<2x16x81x128xi32, #tpu.memory_space<hbm>> -> memref<1x1x1x128xi32, #tpu.memory_space<hbm>>
    %dma_start3A_66 = tpu.memref_squeeze %dma_start3A_65 : memref<1x1x1x128xi32, #tpu.memory_space<hbm>> -> memref<128xi32, #tpu.memory_space<hbm>>
    tpu.enqueue_dma source(%dma_start3A_66 : memref<128xi32, #tpu.memory_space<hbm>>) target(%dma_start3A_63 : memref<128xi32, #tpu.memory_space<vmem>>) target_semaphore(%dma_start3A_60 : memref<!tpu.dma_semaphore, #tpu.memory_space<semaphore_mem>>)
    %broadcast_in_dim3A = arith.constant 0.000000e+00 : f32
    %broadcast_in_dim3A_67 = vector.broadcast %broadcast_in_dim3A : f32 to vector<16xf32>
    %scan3A = arith.constant 0 : i32
    %scan3A_68 = arith.constant 0 : i32
    %scan3A_69 = arith.constant 128 : i32
    %scan3A_70 = arith.addi %scan3A_68, %scan3A_69 : i32
    %scan3A_71 = arith.constant 1 : i32
    %scan3A_72 = scf.for %scan3A_177 = %scan3A_68 to %scan3A_70 step %scan3A_71 iter_args(%scan3A_178 = %scan3A) -> (i32)  : i32 {
      %swap3A = arith.index_cast %scan3A_177 : i32 to index
      %swap3A_179 = arith.constant 0 : index
      %swap3A_180 = tpu.vector_load %arg15[%swap3A, %swap3A_179] {strides = array<i32>} : memref<128x128xf32, #tpu.memory_space<vmem>>, vector<16xf32>,
      tpu.vector_store %arg15[%swap3A, %swap3A_179], %broadcast_in_dim3A_67 {strides = array<i32>} : memref<128x128xf32, #tpu.memory_space<vmem>>, vector<16xf32>,
      %swap3A_181 = arith.index_cast %scan3A_177 : i32 to index
      %swap3A_182 = arith.constant 16 : index
      %swap3A_183 = tpu.vector_load %arg15[%swap3A_181, %swap3A_182] {strides = array<i32>} : memref<128x128xf32, #tpu.memory_space<vmem>>, vector<16xf32>,
      tpu.vector_store %arg15[%swap3A_181, %swap3A_182], %broadcast_in_dim3A_67 {strides = array<i32>} : memref<128x128xf32, #tpu.memory_space<vmem>>, vector<16xf32>,
      %swap3A_184 = arith.index_cast %scan3A_177 : i32 to index
      %swap3A_185 = arith.constant 32 : index
      %swap3A_186 = tpu.vector_load %arg15[%swap3A_184, %swap3A_185] {strides = array<i32>} : memref<128x128xf32, #tpu.memory_space<vmem>>, vector<16xf32>,
      tpu.vector_store %arg15[%swap3A_184, %swap3A_185], %broadcast_in_dim3A_67 {strides = array<i32>} : memref<128x128xf32, #tpu.memory_space<vmem>>, vector<16xf32>,
      %swap3A_187 = arith.index_cast %scan3A_177 : i32 to index
      %swap3A_188 = arith.constant 48 : index
      %swap3A_189 = tpu.vector_load %arg15[%swap3A_187, %swap3A_188] {strides = array<i32>} : memref<128x128xf32, #tpu.memory_space<vmem>>, vector<16xf32>,
      tpu.vector_store %arg15[%swap3A_187, %swap3A_188], %broadcast_in_dim3A_67 {strides = array<i32>} : memref<128x128xf32, #tpu.memory_space<vmem>>, vector<16xf32>,
      %swap3A_190 = arith.index_cast %scan3A_177 : i32 to index
      %swap3A_191 = arith.constant 64 : index
      %swap3A_192 = tpu.vector_load %arg15[%swap3A_190, %swap3A_191] {strides = array<i32>} : memref<128x128xf32, #tpu.memory_space<vmem>>, vector<16xf32>,
      tpu.vector_store %arg15[%swap3A_190, %swap3A_191], %broadcast_in_dim3A_67 {strides = array<i32>} : memref<128x128xf32, #tpu.memory_space<vmem>>, vector<16xf32>,
      %swap3A_193 = arith.index_cast %scan3A_177 : i32 to index
      %swap3A_194 = arith.constant 80 : index
      %swap3A_195 = tpu.vector_load %arg15[%swap3A_193, %swap3A_194] {strides = array<i32>} : memref<128x128xf32, #tpu.memory_space<vmem>>, vector<16xf32>,
      tpu.vector_store %arg15[%swap3A_193, %swap3A_194], %broadcast_in_dim3A_67 {strides = array<i32>} : memref<128x128xf32, #tpu.memory_space<vmem>>, vector<16xf32>,
      %swap3A_196 = arith.index_cast %scan3A_177 : i32 to index
      %swap3A_197 = arith.constant 96 : index
      %swap3A_198 = tpu.vector_load %arg15[%swap3A_196, %swap3A_197] {strides = array<i32>} : memref<128x128xf32, #tpu.memory_space<vmem>>, vector<16xf32>,
      tpu.vector_store %arg15[%swap3A_196, %swap3A_197], %broadcast_in_dim3A_67 {strides = array<i32>} : memref<128x128xf32, #tpu.memory_space<vmem>>, vector<16xf32>,
      %swap3A_199 = arith.index_cast %scan3A_177 : i32 to index
      %swap3A_200 = arith.constant 112 : index
      %swap3A_201 = tpu.vector_load %arg15[%swap3A_199, %swap3A_200] {strides = array<i32>} : memref<128x128xf32, #tpu.memory_space<vmem>>, vector<16xf32>,
      tpu.vector_store %arg15[%swap3A_199, %swap3A_200], %broadcast_in_dim3A_67 {strides = array<i32>} : memref<128x128xf32, #tpu.memory_space<vmem>>, vector<16xf32>,
      %scan3A_202 = arith.constant 0 : i32
      scf.yield %scan3A_202 : i32
    }
    %scan3A_73 = arith.constant 128 : i32
    %scan3A_74 = arith.constant 0 : i32
    %scan3A_75 = arith.constant 0 : i32
    %scan3A_76 = arith.constant 40 : i32
    %scan3A_77 = arith.addi %scan3A_75, %scan3A_76 : i32
    %scan3A_78 = arith.constant 1 : i32
    %scan3A_79 = scf.for %scan3A_177 = %scan3A_75 to %scan3A_77 step %scan3A_78 iter_args(%scan3A_178 = %scan3A_74) -> (i32)  : i32 {
      %mul3A_179 = arith.constant 16 : i32
      %mul3A_180 = arith.muli %scan3A_177, %mul3A_179 : i32
      %swap3A = arith.index_cast %mul3A_180 : i32 to index
      %swap3A_181 = tpu.vector_load %arg17[%swap3A] {strides = array<i32>} : memref<640xf32, #tpu.memory_space<vmem>>, vector<16xf32>,
      tpu.vector_store %arg17[%swap3A], %broadcast_in_dim3A_67 {strides = array<i32>} : memref<640xf32, #tpu.memory_space<vmem>>, vector<16xf32>,
      %scan3A_182 = arith.constant 0 : i32
      scf.yield %scan3A_182 : i32
    }
    %scan3A_80 = arith.constant 40 : i32
    %mul3A = arith.constant 640 : i32
    %mul3A_81 = arith.muli %arg1, %mul3A : i32
    %add3A = arith.constant 0 : i32
    %add3A_82 = arith.addi %mul3A_81, %add3A : i32
    "tpu.region"() ({
      %run_scoped3A = tpu.sem_alloc : memref<!tpu.dma_semaphore, #tpu.memory_space<semaphore_mem>>
      %dma_start3A_177 = arith.constant 0 : i32
      %dma_start3A_178 = tpu.memref_slice %arg18[%add3A_82, %dma_start3A_177] : memref<10240x128xf32, #tpu.memory_space<vmem_shared>> -> memref<128x128xf32, #tpu.memory_space<vmem_shared>>
      %dma_start3A_179 = arith.constant 0 : i32
      %dma_start3A_180 = tpu.memref_slice %arg18[%add3A_82, %dma_start3A_179] : memref<10240x128xf32, #tpu.memory_space<vmem_shared>> -> memref<128x128xf32, #tpu.memory_space<vmem_shared>>
      tpu.enqueue_dma source(%arg15 : memref<128x128xf32, #tpu.memory_space<vmem>>) target(%dma_start3A_180 : memref<128x128xf32, #tpu.memory_space<vmem_shared>>) target_semaphore(%run_scoped3A : memref<!tpu.dma_semaphore, #tpu.memory_space<semaphore_mem>>)
      %dma_wait3A_181 = arith.constant 0 : i32
      %dma_wait3A_182 = tpu.memref_slice %arg18[%add3A_82, %dma_wait3A_181] : memref<10240x128xf32, #tpu.memory_space<vmem_shared>> -> memref<128x128xf32, #tpu.memory_space<vmem_shared>>
      %dma_wait3A_183 = arith.constant 0 : i32
      %dma_wait3A_184 = tpu.memref_slice %arg18[%add3A_82, %dma_wait3A_183] : memref<10240x128xf32, #tpu.memory_space<vmem_shared>> -> memref<128x128xf32, #tpu.memory_space<vmem_shared>>
      tpu.wait_dma2 semaphore(%run_scoped3A : memref<!tpu.dma_semaphore, #tpu.memory_space<semaphore_mem>>) src(%arg15 : memref<128x128xf32, #tpu.memory_space<vmem>>) dst(%dma_wait3A_184 : memref<128x128xf32, #tpu.memory_space<vmem_shared>>)
      tpu.yield
    }) : () -> ()
    %add3A_83 = arith.constant 128 : i32
    %add3A_84 = arith.addi %mul3A_81, %add3A_83 : i32
    "tpu.region"() ({
      %run_scoped3A = tpu.sem_alloc : memref<!tpu.dma_semaphore, #tpu.memory_space<semaphore_mem>>
      %dma_start3A_177 = arith.constant 0 : i32
      %dma_start3A_178 = tpu.memref_slice %arg18[%add3A_84, %dma_start3A_177] : memref<10240x128xf32, #tpu.memory_space<vmem_shared>> -> memref<128x128xf32, #tpu.memory_space<vmem_shared>>
      %dma_start3A_179 = arith.constant 0 : i32
      %dma_start3A_180 = tpu.memref_slice %arg18[%add3A_84, %dma_start3A_179] : memref<10240x128xf32, #tpu.memory_space<vmem_shared>> -> memref<128x128xf32, #tpu.memory_space<vmem_shared>>
      tpu.enqueue_dma source(%arg15 : memref<128x128xf32, #tpu.memory_space<vmem>>) target(%dma_start3A_180 : memref<128x128xf32, #tpu.memory_space<vmem_shared>>) target_semaphore(%run_scoped3A : memref<!tpu.dma_semaphore, #tpu.memory_space<semaphore_mem>>)
      %dma_wait3A_181 = arith.constant 0 : i32
      %dma_wait3A_182 = tpu.memref_slice %arg18[%add3A_84, %dma_wait3A_181] : memref<10240x128xf32, #tpu.memory_space<vmem_shared>> -> memref<128x128xf32, #tpu.memory_space<vmem_shared>>
      %dma_wait3A_183 = arith.constant 0 : i32
      %dma_wait3A_184 = tpu.memref_slice %arg18[%add3A_84, %dma_wait3A_183] : memref<10240x128xf32, #tpu.memory_space<vmem_shared>> -> memref<128x128xf32, #tpu.memory_space<vmem_shared>>
      tpu.wait_dma2 semaphore(%run_scoped3A : memref<!tpu.dma_semaphore, #tpu.memory_space<semaphore_mem>>) src(%arg15 : memref<128x128xf32, #tpu.memory_space<vmem>>) dst(%dma_wait3A_184 : memref<128x128xf32, #tpu.memory_space<vmem_shared>>)
      tpu.yield
    }) : () -> ()
    %add3A_85 = arith.constant 256 : i32
    %add3A_86 = arith.addi %mul3A_81, %add3A_85 : i32
    "tpu.region"() ({
      %run_scoped3A = tpu.sem_alloc : memref<!tpu.dma_semaphore, #tpu.memory_space<semaphore_mem>>
      %dma_start3A_177 = arith.constant 0 : i32
      %dma_start3A_178 = tpu.memref_slice %arg18[%add3A_86, %dma_start3A_177] : memref<10240x128xf32, #tpu.memory_space<vmem_shared>> -> memref<128x128xf32, #tpu.memory_space<vmem_shared>>
      %dma_start3A_179 = arith.constant 0 : i32
      %dma_start3A_180 = tpu.memref_slice %arg18[%add3A_86, %dma_start3A_179] : memref<10240x128xf32, #tpu.memory_space<vmem_shared>> -> memref<128x128xf32, #tpu.memory_space<vmem_shared>>
      tpu.enqueue_dma source(%arg15 : memref<128x128xf32, #tpu.memory_space<vmem>>) target(%dma_start3A_180 : memref<128x128xf32, #tpu.memory_space<vmem_shared>>) target_semaphore(%run_scoped3A : memref<!tpu.dma_semaphore, #tpu.memory_space<semaphore_mem>>)
      %dma_wait3A_181 = arith.constant 0 : i32
      %dma_wait3A_182 = tpu.memref_slice %arg18[%add3A_86, %dma_wait3A_181] : memref<10240x128xf32, #tpu.memory_space<vmem_shared>> -> memref<128x128xf32, #tpu.memory_space<vmem_shared>>
      %dma_wait3A_183 = arith.constant 0 : i32
      %dma_wait3A_184 = tpu.memref_slice %arg18[%add3A_86, %dma_wait3A_183] : memref<10240x128xf32, #tpu.memory_space<vmem_shared>> -> memref<128x128xf32, #tpu.memory_space<vmem_shared>>
      tpu.wait_dma2 semaphore(%run_scoped3A : memref<!tpu.dma_semaphore, #tpu.memory_space<semaphore_mem>>) src(%arg15 : memref<128x128xf32, #tpu.memory_space<vmem>>) dst(%dma_wait3A_184 : memref<128x128xf32, #tpu.memory_space<vmem_shared>>)
      tpu.yield
    }) : () -> ()
    %add3A_87 = arith.constant 384 : i32
    %add3A_88 = arith.addi %mul3A_81, %add3A_87 : i32
    "tpu.region"() ({
      %run_scoped3A = tpu.sem_alloc : memref<!tpu.dma_semaphore, #tpu.memory_space<semaphore_mem>>
      %dma_start3A_177 = arith.constant 0 : i32
      %dma_start3A_178 = tpu.memref_slice %arg18[%add3A_88, %dma_start3A_177] : memref<10240x128xf32, #tpu.memory_space<vmem_shared>> -> memref<128x128xf32, #tpu.memory_space<vmem_shared>>
      %dma_start3A_179 = arith.constant 0 : i32
      %dma_start3A_180 = tpu.memref_slice %arg18[%add3A_88, %dma_start3A_179] : memref<10240x128xf32, #tpu.memory_space<vmem_shared>> -> memref<128x128xf32, #tpu.memory_space<vmem_shared>>
      tpu.enqueue_dma source(%arg15 : memref<128x128xf32, #tpu.memory_space<vmem>>) target(%dma_start3A_180 : memref<128x128xf32, #tpu.memory_space<vmem_shared>>) target_semaphore(%run_scoped3A : memref<!tpu.dma_semaphore, #tpu.memory_space<semaphore_mem>>)
      %dma_wait3A_181 = arith.constant 0 : i32
      %dma_wait3A_182 = tpu.memref_slice %arg18[%add3A_88, %dma_wait3A_181] : memref<10240x128xf32, #tpu.memory_space<vmem_shared>> -> memref<128x128xf32, #tpu.memory_space<vmem_shared>>
      %dma_wait3A_183 = arith.constant 0 : i32
      %dma_wait3A_184 = tpu.memref_slice %arg18[%add3A_88, %dma_wait3A_183] : memref<10240x128xf32, #tpu.memory_space<vmem_shared>> -> memref<128x128xf32, #tpu.memory_space<vmem_shared>>
      tpu.wait_dma2 semaphore(%run_scoped3A : memref<!tpu.dma_semaphore, #tpu.memory_space<semaphore_mem>>) src(%arg15 : memref<128x128xf32, #tpu.memory_space<vmem>>) dst(%dma_wait3A_184 : memref<128x128xf32, #tpu.memory_space<vmem_shared>>)
      tpu.yield
    }) : () -> ()
    %add3A_89 = arith.constant 512 : i32
    %add3A_90 = arith.addi %mul3A_81, %add3A_89 : i32
    "tpu.region"() ({
      %run_scoped3A = tpu.sem_alloc : memref<!tpu.dma_semaphore, #tpu.memory_space<semaphore_mem>>
      %dma_start3A_177 = arith.constant 0 : i32
      %dma_start3A_178 = tpu.memref_slice %arg18[%add3A_90, %dma_start3A_177] : memref<10240x128xf32, #tpu.memory_space<vmem_shared>> -> memref<128x128xf32, #tpu.memory_space<vmem_shared>>
      %dma_start3A_179 = arith.constant 0 : i32
      %dma_start3A_180 = tpu.memref_slice %arg18[%add3A_90, %dma_start3A_179] : memref<10240x128xf32, #tpu.memory_space<vmem_shared>> -> memref<128x128xf32, #tpu.memory_space<vmem_shared>>
      tpu.enqueue_dma source(%arg15 : memref<128x128xf32, #tpu.memory_space<vmem>>) target(%dma_start3A_180 : memref<128x128xf32, #tpu.memory_space<vmem_shared>>) target_semaphore(%run_scoped3A : memref<!tpu.dma_semaphore, #tpu.memory_space<semaphore_mem>>)
      %dma_wait3A_181 = arith.constant 0 : i32
      %dma_wait3A_182 = tpu.memref_slice %arg18[%add3A_90, %dma_wait3A_181] : memref<10240x128xf32, #tpu.memory_space<vmem_shared>> -> memref<128x128xf32, #tpu.memory_space<vmem_shared>>
      %dma_wait3A_183 = arith.constant 0 : i32
      %dma_wait3A_184 = tpu.memref_slice %arg18[%add3A_90, %dma_wait3A_183] : memref<10240x128xf32, #tpu.memory_space<vmem_shared>> -> memref<128x128xf32, #tpu.memory_space<vmem_shared>>
      tpu.wait_dma2 semaphore(%run_scoped3A : memref<!tpu.dma_semaphore, #tpu.memory_space<semaphore_mem>>) src(%arg15 : memref<128x128xf32, #tpu.memory_space<vmem>>) dst(%dma_wait3A_184 : memref<128x128xf32, #tpu.memory_space<vmem_shared>>)
      tpu.yield
    }) : () -> ()
    "tpu.region"() ({
      %run_scoped3A = tpu.sem_alloc : memref<!tpu.dma_semaphore, #tpu.memory_space<semaphore_mem>>
      %dma_start3A_177 = tpu.memref_slice %arg19[%mul3A_81] : memref<10240xf32, #tpu.memory_space<vmem_shared>> -> memref<640xf32, #tpu.memory_space<vmem_shared>>
      %dma_start3A_178 = tpu.memref_slice %arg19[%mul3A_81] : memref<10240xf32, #tpu.memory_space<vmem_shared>> -> memref<640xf32, #tpu.memory_space<vmem_shared>>
      tpu.enqueue_dma source(%arg17 : memref<640xf32, #tpu.memory_space<vmem>>) target(%dma_start3A_178 : memref<640xf32, #tpu.memory_space<vmem_shared>>) target_semaphore(%run_scoped3A : memref<!tpu.dma_semaphore, #tpu.memory_space<semaphore_mem>>)
      %dma_wait3A_179 = tpu.memref_slice %arg19[%mul3A_81] : memref<10240xf32, #tpu.memory_space<vmem_shared>> -> memref<640xf32, #tpu.memory_space<vmem_shared>>
      %dma_wait3A_180 = tpu.memref_slice %arg19[%mul3A_81] : memref<10240xf32, #tpu.memory_space<vmem_shared>> -> memref<640xf32, #tpu.memory_space<vmem_shared>>
      tpu.wait_dma2 semaphore(%run_scoped3A : memref<!tpu.dma_semaphore, #tpu.memory_space<semaphore_mem>>) src(%arg17 : memref<640xf32, #tpu.memory_space<vmem>>) dst(%dma_wait3A_180 : memref<640xf32, #tpu.memory_space<vmem_shared>>)
      tpu.yield
    }) : () -> ()
    %barrier3A = arith.constant 0 : index
    tpu.barrier barrier_id(%barrier3A)
    %get3A = arith.constant 0 : index
    %get3A_91 = tpu.vector_load %arg12[%get3A] {strides = array<i32>} : memref<16xf32, #tpu.memory_space<vmem>>, vector<16xf32>,
    %scan3A_92 = arith.constant 0 : i32
    %scan3A_93 = arith.constant 0 : i32
    %scan3A_94 = arith.constant 81 : i32
    %scan3A_95 = arith.addi %scan3A_93, %scan3A_94 : i32
    %scan3A_96 = arith.constant 1 : i32
    %scan3A_97 = scf.for %scan3A_177 = %scan3A_93 to %scan3A_95 step %scan3A_96 iter_args(%scan3A_178 = %scan3A_92) -> (i32)  : i32 {
      %rem3A = arith.constant 2 : i32
      %rem3A_179 = arith.remsi %scan3A_177, %rem3A : i32
      %dma_wait3A_180 = arith.constant 0 : i32
      %dma_wait3A_181 = arith.constant 0 : i32
      %dma_wait3A_182 = tpu.memref_slice %arg13[%rem3A_179, %dma_wait3A_181] : memref<2x128xi32, #tpu.memory_space<vmem>> -> memref<1x128xi32, #tpu.memory_space<vmem>>
      %dma_wait3A_183 = tpu.memref_squeeze %dma_wait3A_182 : memref<1x128xi32, #tpu.memory_space<vmem>> -> memref<128xi32, #tpu.memory_space<vmem>>
      %dma_wait3A_184 = arith.constant 0 : i32
      %dma_wait3A_185 = tpu.memref_slice %arg6[%arg0, %arg1, %dma_wait3A_180, %dma_wait3A_184] : memref<2x16x81x128xi32, #tpu.memory_space<hbm>> -> memref<1x1x1x128xi32, #tpu.memory_space<hbm>>
      %dma_wait3A_186 = tpu.memref_squeeze %dma_wait3A_185 : memref<1x1x1x128xi32, #tpu.memory_space<hbm>> -> memref<128xi32, #tpu.memory_space<hbm>>
      %dma_wait3A_187 = tpu.memref_slice %arg21[%rem3A_179] : memref<2x!tpu.dma_semaphore, #tpu.memory_space<semaphore_mem>> -> memref<1x!tpu.dma_semaphore, #tpu.memory_space<semaphore_mem>>
      %dma_wait3A_188 = tpu.memref_squeeze %dma_wait3A_187 : memref<1x!tpu.dma_semaphore, #tpu.memory_space<semaphore_mem>> -> memref<!tpu.dma_semaphore, #tpu.memory_space<semaphore_mem>>
      %dma_wait3A_189 = arith.constant 0 : i32
      %dma_wait3A_190 = tpu.memref_slice %arg13[%rem3A_179, %dma_wait3A_189] : memref<2x128xi32, #tpu.memory_space<vmem>> -> memref<1x128xi32, #tpu.memory_space<vmem>>
      %dma_wait3A_191 = tpu.memref_squeeze %dma_wait3A_190 : memref<1x128xi32, #tpu.memory_space<vmem>> -> memref<128xi32, #tpu.memory_space<vmem>>
      %dma_wait3A_192 = arith.constant 0 : i32
      %dma_wait3A_193 = tpu.memref_slice %arg6[%arg0, %arg1, %dma_wait3A_180, %dma_wait3A_192] : memref<2x16x81x128xi32, #tpu.memory_space<hbm>> -> memref<1x1x1x128xi32, #tpu.memory_space<hbm>>
      %dma_wait3A_194 = tpu.memref_squeeze %dma_wait3A_193 : memref<1x1x1x128xi32, #tpu.memory_space<hbm>> -> memref<128xi32, #tpu.memory_space<hbm>>
      tpu.wait_dma2 semaphore(%dma_wait3A_188 : memref<!tpu.dma_semaphore, #tpu.memory_space<semaphore_mem>>) src(%dma_wait3A_194 : memref<128xi32, #tpu.memory_space<hbm>>) dst(%dma_wait3A_191 : memref<128xi32, #tpu.memory_space<vmem>>)
      %dma_wait3A_195 = arith.constant 0 : i32
      %dma_wait3A_196 = arith.constant 0 : i32
      %dma_wait3A_197 = tpu.memref_slice %arg14[%rem3A_179, %dma_wait3A_196] : memref<2x128xi32, #tpu.memory_space<vmem>> -> memref<1x128xi32, #tpu.memory_space<vmem>>
      %dma_wait3A_198 = tpu.memref_squeeze %dma_wait3A_197 : memref<1x128xi32, #tpu.memory_space<vmem>> -> memref<128xi32, #tpu.memory_space<vmem>>
      %dma_wait3A_199 = arith.constant 0 : i32
      %dma_wait3A_200 = tpu.memref_slice %arg7[%arg0, %arg1, %dma_wait3A_195, %dma_wait3A_199] : memref<2x16x81x128xi32, #tpu.memory_space<hbm>> -> memref<1x1x1x128xi32, #tpu.memory_space<hbm>>
      %dma_wait3A_201 = tpu.memref_squeeze %dma_wait3A_200 : memref<1x1x1x128xi32, #tpu.memory_space<hbm>> -> memref<128xi32, #tpu.memory_space<hbm>>
      %dma_wait3A_202 = tpu.memref_slice %arg21[%rem3A_179] : memref<2x!tpu.dma_semaphore, #tpu.memory_space<semaphore_mem>> -> memref<1x!tpu.dma_semaphore, #tpu.memory_space<semaphore_mem>>
      %dma_wait3A_203 = tpu.memref_squeeze %dma_wait3A_202 : memref<1x!tpu.dma_semaphore, #tpu.memory_space<semaphore_mem>> -> memref<!tpu.dma_semaphore, #tpu.memory_space<semaphore_mem>>
      %dma_wait3A_204 = arith.constant 0 : i32
      %dma_wait3A_205 = tpu.memref_slice %arg14[%rem3A_179, %dma_wait3A_204] : memref<2x128xi32, #tpu.memory_space<vmem>> -> memref<1x128xi32, #tpu.memory_space<vmem>>
      %dma_wait3A_206 = tpu.memref_squeeze %dma_wait3A_205 : memref<1x128xi32, #tpu.memory_space<vmem>> -> memref<128xi32, #tpu.memory_space<vmem>>
      %dma_wait3A_207 = arith.constant 0 : i32
      %dma_wait3A_208 = tpu.memref_slice %arg7[%arg0, %arg1, %dma_wait3A_195, %dma_wait3A_207] : memref<2x16x81x128xi32, #tpu.memory_space<hbm>> -> memref<1x1x1x128xi32, #tpu.memory_space<hbm>>
      %dma_wait3A_209 = tpu.memref_squeeze %dma_wait3A_208 : memref<1x1x1x128xi32, #tpu.memory_space<hbm>> -> memref<128xi32, #tpu.memory_space<hbm>>
      tpu.wait_dma2 semaphore(%dma_wait3A_203 : memref<!tpu.dma_semaphore, #tpu.memory_space<semaphore_mem>>) src(%dma_wait3A_209 : memref<128xi32, #tpu.memory_space<hbm>>) dst(%dma_wait3A_206 : memref<128xi32, #tpu.memory_space<vmem>>)
      %dma_start3A_210 = arith.constant 0 : i32
      %dma_start3A_211 = tpu.memref_slice %arg13[%rem3A_179, %dma_start3A_210] : memref<2x128xi32, #tpu.memory_space<vmem>> -> memref<1x128xi32, #tpu.memory_space<vmem>>
      %dma_start3A_212 = tpu.memref_squeeze %dma_start3A_211 : memref<1x128xi32, #tpu.memory_space<vmem>> -> memref<128xi32, #tpu.memory_space<vmem>>
      %dma_start3A_213 = arith.constant 0 : i32
      %dma_start3A_214 = arith.constant 0 : i32
      %dma_start3A_215 = tpu.memref_slice %arg2[%dma_start3A_213, %dma_start3A_214] : memref<10240x128xf32, #tpu.memory_space<hbm>> -> memref<10240x128xf32, #tpu.memory_space<hbm>>
      tpu.enqueue_indirect_dma source(%dma_start3A_215 : memref<10240x128xf32, #tpu.memory_space<hbm>>) target(%arg15 : memref<128x128xf32, #tpu.memory_space<vmem>>) offsets(%dma_start3A_212 : memref<128xi32, #tpu.memory_space<vmem>>) semaphore(%arg20 : memref<!tpu.dma_semaphore, #tpu.memory_space<semaphore_mem>>)
      %get3A_216 = arith.index_cast %rem3A_179 : i32 to index
      %get3A_217 = arith.constant 0 : index
      %get3A_218 = tpu.vector_load %arg13[%get3A_216, %get3A_217] {strides = array<i32>} : memref<2x128xi32, #tpu.memory_space<vmem>>, vector<16xi32>,
      %get3A_219 = arith.index_cast %rem3A_179 : i32 to index
      %get3A_220 = arith.constant 0 : index
      %get3A_221 = tpu.vector_load %arg14[%get3A_219, %get3A_220] {strides = array<i32>} : memref<2x128xi32, #tpu.memory_space<vmem>>, vector<16xi32>,
      %gather3A = tpu.vector_load_idx %arg10[%get3A_218] : memref<10240xf32, #tpu.memory_space<vmem>>[vector<16xi32>], vector<16xf32>,
      %gather3A_222 = tpu.vector_load_idx %arg11[%get3A_221] : memref<10240xf32, #tpu.memory_space<vmem>>[vector<16xi32>], vector<16xf32>,
      %add3A_223 = arith.addf %gather3A, %gather3A_222 : vector<16xf32>
      %mul3A_224 = arith.constant 2.000000e-01 : f32
      %mul3A_225 = vector.broadcast %mul3A_224 : f32 to vector<16xf32>
      %mul3A_226 = arith.mulf %mul3A_225, %add3A_223 : vector<16xf32>
      %max3A = arith.maximumf %add3A_223, %mul3A_226 : vector<16xf32>
      %sub3A = arith.subf %max3A, %get3A_91 : vector<16xf32>
      %exp3A = math.exp %sub3A : vector<16xf32>
      %swap3A = arith.constant 0 : index
      %swap3A_227 = tpu.vector_load %arg16[%swap3A] {strides = array<i32>} : memref<128xf32, #tpu.memory_space<vmem>>, vector<16xf32>,
      tpu.vector_store %arg16[%swap3A], %exp3A {strides = array<i32>} : memref<128xf32, #tpu.memory_space<vmem>>, vector<16xf32>,
      %get3A_228 = arith.index_cast %rem3A_179 : i32 to index
      %get3A_229 = arith.constant 16 : index
      %get3A_230 = tpu.vector_load %arg13[%get3A_228, %get3A_229] {strides = array<i32>} : memref<2x128xi32, #tpu.memory_space<vmem>>, vector<16xi32>,
      %get3A_231 = arith.index_cast %rem3A_179 : i32 to index
      %get3A_232 = arith.constant 16 : index
      %get3A_233 = tpu.vector_load %arg14[%get3A_231, %get3A_232] {strides = array<i32>} : memref<2x128xi32, #tpu.memory_space<vmem>>, vector<16xi32>,
      %gather3A_234 = tpu.vector_load_idx %arg10[%get3A_230] : memref<10240xf32, #tpu.memory_space<vmem>>[vector<16xi32>], vector<16xf32>,
      %gather3A_235 = tpu.vector_load_idx %arg11[%get3A_233] : memref<10240xf32, #tpu.memory_space<vmem>>[vector<16xi32>], vector<16xf32>,
      %add3A_236 = arith.addf %gather3A_234, %gather3A_235 : vector<16xf32>
      %mul3A_237 = arith.constant 2.000000e-01 : f32
      %mul3A_238 = vector.broadcast %mul3A_237 : f32 to vector<16xf32>
      %mul3A_239 = arith.mulf %mul3A_238, %add3A_236 : vector<16xf32>
      %max3A_240 = arith.maximumf %add3A_236, %mul3A_239 : vector<16xf32>
      %sub3A_241 = arith.subf %max3A_240, %get3A_91 : vector<16xf32>
      %exp3A_242 = math.exp %sub3A_241 : vector<16xf32>
      %swap3A_243 = arith.constant 16 : index
      %swap3A_244 = tpu.vector_load %arg16[%swap3A_243] {strides = array<i32>} : memref<128xf32, #tpu.memory_space<vmem>>, vector<16xf32>,
      tpu.vector_store %arg16[%swap3A_243], %exp3A_242 {strides = array<i32>} : memref<128xf32, #tpu.memory_space<vmem>>, vector<16xf32>,
      %get3A_245 = arith.index_cast %rem3A_179 : i32 to index
      %get3A_246 = arith.constant 32 : index
      %get3A_247 = tpu.vector_load %arg13[%get3A_245, %get3A_246] {strides = array<i32>} : memref<2x128xi32, #tpu.memory_space<vmem>>, vector<16xi32>,
      %get3A_248 = arith.index_cast %rem3A_179 : i32 to index
      %get3A_249 = arith.constant 32 : index
      %get3A_250 = tpu.vector_load %arg14[%get3A_248, %get3A_249] {strides = array<i32>} : memref<2x128xi32, #tpu.memory_space<vmem>>, vector<16xi32>,
      %gather3A_251 = tpu.vector_load_idx %arg10[%get3A_247] : memref<10240xf32, #tpu.memory_space<vmem>>[vector<16xi32>], vector<16xf32>,
      %gather3A_252 = tpu.vector_load_idx %arg11[%get3A_250] : memref<10240xf32, #tpu.memory_space<vmem>>[vector<16xi32>], vector<16xf32>,
      %add3A_253 = arith.addf %gather3A_251, %gather3A_252 : vector<16xf32>
      %mul3A_254 = arith.constant 2.000000e-01 : f32
      %mul3A_255 = vector.broadcast %mul3A_254 : f32 to vector<16xf32>
      %mul3A_256 = arith.mulf %mul3A_255, %add3A_253 : vector<16xf32>
      %max3A_257 = arith.maximumf %add3A_253, %mul3A_256 : vector<16xf32>
      %sub3A_258 = arith.subf %max3A_257, %get3A_91 : vector<16xf32>
      %exp3A_259 = math.exp %sub3A_258 : vector<16xf32>
      %swap3A_260 = arith.constant 32 : index
      %swap3A_261 = tpu.vector_load %arg16[%swap3A_260] {strides = array<i32>} : memref<128xf32, #tpu.memory_space<vmem>>, vector<16xf32>,
      tpu.vector_store %arg16[%swap3A_260], %exp3A_259 {strides = array<i32>} : memref<128xf32, #tpu.memory_space<vmem>>, vector<16xf32>,
      %get3A_262 = arith.index_cast %rem3A_179 : i32 to index
      %get3A_263 = arith.constant 48 : index
      %get3A_264 = tpu.vector_load %arg13[%get3A_262, %get3A_263] {strides = array<i32>} : memref<2x128xi32, #tpu.memory_space<vmem>>, vector<16xi32>,
      %get3A_265 = arith.index_cast %rem3A_179 : i32 to index
      %get3A_266 = arith.constant 48 : index
      %get3A_267 = tpu.vector_load %arg14[%get3A_265, %get3A_266] {strides = array<i32>} : memref<2x128xi32, #tpu.memory_space<vmem>>, vector<16xi32>,
      %gather3A_268 = tpu.vector_load_idx %arg10[%get3A_264] : memref<10240xf32, #tpu.memory_space<vmem>>[vector<16xi32>], vector<16xf32>,
      %gather3A_269 = tpu.vector_load_idx %arg11[%get3A_267] : memref<10240xf32, #tpu.memory_space<vmem>>[vector<16xi32>], vector<16xf32>,
      %add3A_270 = arith.addf %gather3A_268, %gather3A_269 : vector<16xf32>
      %mul3A_271 = arith.constant 2.000000e-01 : f32
      %mul3A_272 = vector.broadcast %mul3A_271 : f32 to vector<16xf32>
      %mul3A_273 = arith.mulf %mul3A_272, %add3A_270 : vector<16xf32>
      %max3A_274 = arith.maximumf %add3A_270, %mul3A_273 : vector<16xf32>
      %sub3A_275 = arith.subf %max3A_274, %get3A_91 : vector<16xf32>
      %exp3A_276 = math.exp %sub3A_275 : vector<16xf32>
      %swap3A_277 = arith.constant 48 : index
      %swap3A_278 = tpu.vector_load %arg16[%swap3A_277] {strides = array<i32>} : memref<128xf32, #tpu.memory_space<vmem>>, vector<16xf32>,
      tpu.vector_store %arg16[%swap3A_277], %exp3A_276 {strides = array<i32>} : memref<128xf32, #tpu.memory_space<vmem>>, vector<16xf32>,
      %get3A_279 = arith.index_cast %rem3A_179 : i32 to index
      %get3A_280 = arith.constant 64 : index
      %get3A_281 = tpu.vector_load %arg13[%get3A_279, %get3A_280] {strides = array<i32>} : memref<2x128xi32, #tpu.memory_space<vmem>>, vector<16xi32>,
      %get3A_282 = arith.index_cast %rem3A_179 : i32 to index
      %get3A_283 = arith.constant 64 : index
      %get3A_284 = tpu.vector_load %arg14[%get3A_282, %get3A_283] {strides = array<i32>} : memref<2x128xi32, #tpu.memory_space<vmem>>, vector<16xi32>,
      %gather3A_285 = tpu.vector_load_idx %arg10[%get3A_281] : memref<10240xf32, #tpu.memory_space<vmem>>[vector<16xi32>], vector<16xf32>,
      %gather3A_286 = tpu.vector_load_idx %arg11[%get3A_284] : memref<10240xf32, #tpu.memory_space<vmem>>[vector<16xi32>], vector<16xf32>,
      %add3A_287 = arith.addf %gather3A_285, %gather3A_286 : vector<16xf32>
      %mul3A_288 = arith.constant 2.000000e-01 : f32
      %mul3A_289 = vector.broadcast %mul3A_288 : f32 to vector<16xf32>
      %mul3A_290 = arith.mulf %mul3A_289, %add3A_287 : vector<16xf32>
      %max3A_291 = arith.maximumf %add3A_287, %mul3A_290 : vector<16xf32>
      %sub3A_292 = arith.subf %max3A_291, %get3A_91 : vector<16xf32>
      %exp3A_293 = math.exp %sub3A_292 : vector<16xf32>
      %swap3A_294 = arith.constant 64 : index
      %swap3A_295 = tpu.vector_load %arg16[%swap3A_294] {strides = array<i32>} : memref<128xf32, #tpu.memory_space<vmem>>, vector<16xf32>,
      tpu.vector_store %arg16[%swap3A_294], %exp3A_293 {strides = array<i32>} : memref<128xf32, #tpu.memory_space<vmem>>, vector<16xf32>,
      %get3A_296 = arith.index_cast %rem3A_179 : i32 to index
      %get3A_297 = arith.constant 80 : index
      %get3A_298 = tpu.vector_load %arg13[%get3A_296, %get3A_297] {strides = array<i32>} : memref<2x128xi32, #tpu.memory_space<vmem>>, vector<16xi32>,
      %get3A_299 = arith.index_cast %rem3A_179 : i32 to index
      %get3A_300 = arith.constant 80 : index
      %get3A_301 = tpu.vector_load %arg14[%get3A_299, %get3A_300] {strides = array<i32>} : memref<2x128xi32, #tpu.memory_space<vmem>>, vector<16xi32>,
      %gather3A_302 = tpu.vector_load_idx %arg10[%get3A_298] : memref<10240xf32, #tpu.memory_space<vmem>>[vector<16xi32>], vector<16xf32>,
      %gather3A_303 = tpu.vector_load_idx %arg11[%get3A_301] : memref<10240xf32, #tpu.memory_space<vmem>>[vector<16xi32>], vector<16xf32>,
      %add3A_304 = arith.addf %gather3A_302, %gather3A_303 : vector<16xf32>
      %mul3A_305 = arith.constant 2.000000e-01 : f32
      %mul3A_306 = vector.broadcast %mul3A_305 : f32 to vector<16xf32>
      %mul3A_307 = arith.mulf %mul3A_306, %add3A_304 : vector<16xf32>
      %max3A_308 = arith.maximumf %add3A_304, %mul3A_307 : vector<16xf32>
      %sub3A_309 = arith.subf %max3A_308, %get3A_91 : vector<16xf32>
      %exp3A_310 = math.exp %sub3A_309 : vector<16xf32>
      %swap3A_311 = arith.constant 80 : index
      %swap3A_312 = tpu.vector_load %arg16[%swap3A_311] {strides = array<i32>} : memref<128xf32, #tpu.memory_space<vmem>>, vector<16xf32>,
      tpu.vector_store %arg16[%swap3A_311], %exp3A_310 {strides = array<i32>} : memref<128xf32, #tpu.memory_space<vmem>>, vector<16xf32>,
      %get3A_313 = arith.index_cast %rem3A_179 : i32 to index
      %get3A_314 = arith.constant 96 : index
      %get3A_315 = tpu.vector_load %arg13[%get3A_313, %get3A_314] {strides = array<i32>} : memref<2x128xi32, #tpu.memory_space<vmem>>, vector<16xi32>,
      %get3A_316 = arith.index_cast %rem3A_179 : i32 to index
      %get3A_317 = arith.constant 96 : index
      %get3A_318 = tpu.vector_load %arg14[%get3A_316, %get3A_317] {strides = array<i32>} : memref<2x128xi32, #tpu.memory_space<vmem>>, vector<16xi32>,
      %gather3A_319 = tpu.vector_load_idx %arg10[%get3A_315] : memref<10240xf32, #tpu.memory_space<vmem>>[vector<16xi32>], vector<16xf32>,
      %gather3A_320 = tpu.vector_load_idx %arg11[%get3A_318] : memref<10240xf32, #tpu.memory_space<vmem>>[vector<16xi32>], vector<16xf32>,
      %add3A_321 = arith.addf %gather3A_319, %gather3A_320 : vector<16xf32>
      %mul3A_322 = arith.constant 2.000000e-01 : f32
      %mul3A_323 = vector.broadcast %mul3A_322 : f32 to vector<16xf32>
      %mul3A_324 = arith.mulf %mul3A_323, %add3A_321 : vector<16xf32>
      %max3A_325 = arith.maximumf %add3A_321, %mul3A_324 : vector<16xf32>
      %sub3A_326 = arith.subf %max3A_325, %get3A_91 : vector<16xf32>
      %exp3A_327 = math.exp %sub3A_326 : vector<16xf32>
      %swap3A_328 = arith.constant 96 : index
      %swap3A_329 = tpu.vector_load %arg16[%swap3A_328] {strides = array<i32>} : memref<128xf32, #tpu.memory_space<vmem>>, vector<16xf32>,
      tpu.vector_store %arg16[%swap3A_328], %exp3A_327 {strides = array<i32>} : memref<128xf32, #tpu.memory_space<vmem>>, vector<16xf32>,
      %get3A_330 = arith.index_cast %rem3A_179 : i32 to index
      %get3A_331 = arith.constant 112 : index
      %get3A_332 = tpu.vector_load %arg13[%get3A_330, %get3A_331] {strides = array<i32>} : memref<2x128xi32, #tpu.memory_space<vmem>>, vector<16xi32>,
      %get3A_333 = arith.index_cast %rem3A_179 : i32 to index
      %get3A_334 = arith.constant 112 : index
      %get3A_335 = tpu.vector_load %arg14[%get3A_333, %get3A_334] {strides = array<i32>} : memref<2x128xi32, #tpu.memory_space<vmem>>, vector<16xi32>,
      %gather3A_336 = tpu.vector_load_idx %arg10[%get3A_332] : memref<10240xf32, #tpu.memory_space<vmem>>[vector<16xi32>], vector<16xf32>,
      %gather3A_337 = tpu.vector_load_idx %arg11[%get3A_335] : memref<10240xf32, #tpu.memory_space<vmem>>[vector<16xi32>], vector<16xf32>,
      %add3A_338 = arith.addf %gather3A_336, %gather3A_337 : vector<16xf32>
      %mul3A_339 = arith.constant 2.000000e-01 : f32
      %mul3A_340 = vector.broadcast %mul3A_339 : f32 to vector<16xf32>
      %mul3A_341 = arith.mulf %mul3A_340, %add3A_338 : vector<16xf32>
      %max3A_342 = arith.maximumf %add3A_338, %mul3A_341 : vector<16xf32>
      %sub3A_343 = arith.subf %max3A_342, %get3A_91 : vector<16xf32>
      %exp3A_344 = math.exp %sub3A_343 : vector<16xf32>
      %swap3A_345 = arith.constant 112 : index
      %swap3A_346 = tpu.vector_load %arg16[%swap3A_345] {strides = array<i32>} : memref<128xf32, #tpu.memory_space<vmem>>, vector<16xf32>,
      tpu.vector_store %arg16[%swap3A_345], %exp3A_344 {strides = array<i32>} : memref<128xf32, #tpu.memory_space<vmem>>, vector<16xf32>,
      %dma_wait3A_347 = arith.constant 0 : i32
      %dma_wait3A_348 = tpu.memref_slice %arg13[%rem3A_179, %dma_wait3A_347] : memref<2x128xi32, #tpu.memory_space<vmem>> -> memref<1x128xi32, #tpu.memory_space<vmem>>
      %dma_wait3A_349 = tpu.memref_squeeze %dma_wait3A_348 : memref<1x128xi32, #tpu.memory_space<vmem>> -> memref<128xi32, #tpu.memory_space<vmem>>
      %dma_wait3A_350 = arith.constant 0 : i32
      %dma_wait3A_351 = arith.constant 0 : i32
      %dma_wait3A_352 = tpu.memref_slice %arg2[%dma_wait3A_350, %dma_wait3A_351] : memref<10240x128xf32, #tpu.memory_space<hbm>> -> memref<10240x128xf32, #tpu.memory_space<hbm>>
      tpu.wait_indirect_dma semaphore(%arg20 : memref<!tpu.dma_semaphore, #tpu.memory_space<semaphore_mem>>) src(%dma_wait3A_352 : memref<10240x128xf32, #tpu.memory_space<hbm>>) dst(%arg15 : memref<128x128xf32, #tpu.memory_space<vmem>>)
      %scan3A_353 = arith.constant 0 : i32
      %scan3A_354 = arith.constant 0 : i32
      %scan3A_355 = arith.constant 8 : i32
      %scan3A_356 = arith.addi %scan3A_354, %scan3A_355 : i32
      %scan3A_357 = arith.constant 1 : i32
      %scan3A_358 = scf.for %scan3A_392 = %scan3A_354 to %scan3A_356 step %scan3A_357 iter_args(%scan3A_393 = %scan3A_353) -> (i32)  : i32 {
        %mul3A_394 = arith.constant 16 : i32
        %mul3A_395 = arith.muli %scan3A_392, %mul3A_394 : i32
        %get3A_396 = arith.index_cast %mul3A_395 : i32 to index
        %get3A_397 = tpu.vector_load %arg16[%get3A_396] {strides = array<i32>} : memref<128xf32, #tpu.memory_space<vmem>>, vector<16xf32>,
        %slice3A = vector.extract_strided_slice %get3A_397 {offsets = [0], sizes = [1], strides = [1]} : vector<16xf32> to vector<1xf32>
        %squeeze3A = vector.extract %slice3A[0] : f32 from vector<1xf32>
        %broadcast_in_dim3A_398 = vector.broadcast %squeeze3A : f32 to vector<16xf32>
        %mul3A_399 = arith.constant 16 : i32
        %mul3A_400 = arith.muli %scan3A_392, %mul3A_399 : i32
        %add3A_401 = arith.constant 0 : i32
        %add3A_402 = arith.addi %mul3A_400, %add3A_401 : i32
        %get3A_403 = arith.index_cast %add3A_402 : i32 to index
        %get3A_404 = arith.constant 0 : index
        %get3A_405 = tpu.vector_load %arg15[%get3A_403, %get3A_404] {strides = array<i32>} : memref<128x128xf32, #tpu.memory_space<vmem>>, vector<16xf32>,
        %mul3A_406 = arith.mulf %get3A_405, %broadcast_in_dim3A_398 : vector<16xf32>
        %swap3A_407 = arith.index_cast %add3A_402 : i32 to index
        %swap3A_408 = arith.constant 0 : index
        %swap3A_409 = tpu.vector_load %arg15[%swap3A_407, %swap3A_408] {strides = array<i32>} : memref<128x128xf32, #tpu.memory_space<vmem>>, vector<16xf32>,
        tpu.vector_store %arg15[%swap3A_407, %swap3A_408], %mul3A_406 {strides = array<i32>} : memref<128x128xf32, #tpu.memory_space<vmem>>, vector<16xf32>,
        %get3A_410 = arith.index_cast %add3A_402 : i32 to index
        %get3A_411 = arith.constant 16 : index
        %get3A_412 = tpu.vector_load %arg15[%get3A_410, %get3A_411] {strides = array<i32>} : memref<128x128xf32, #tpu.memory_space<vmem>>, vector<16xf32>,
        %mul3A_413 = arith.mulf %get3A_412, %broadcast_in_dim3A_398 : vector<16xf32>
        %swap3A_414 = arith.index_cast %add3A_402 : i32 to index
        %swap3A_415 = arith.constant 16 : index
        %swap3A_416 = tpu.vector_load %arg15[%swap3A_414, %swap3A_415] {strides = array<i32>} : memref<128x128xf32, #tpu.memory_space<vmem>>, vector<16xf32>,
        tpu.vector_store %arg15[%swap3A_414, %swap3A_415], %mul3A_413 {strides = array<i32>} : memref<128x128xf32, #tpu.memory_space<vmem>>, vector<16xf32>,
        %get3A_417 = arith.index_cast %add3A_402 : i32 to index
        %get3A_418 = arith.constant 32 : index
        %get3A_419 = tpu.vector_load %arg15[%get3A_417, %get3A_418] {strides = array<i32>} : memref<128x128xf32, #tpu.memory_space<vmem>>, vector<16xf32>,
        %mul3A_420 = arith.mulf %get3A_419, %broadcast_in_dim3A_398 : vector<16xf32>
        %swap3A_421 = arith.index_cast %add3A_402 : i32 to index
        %swap3A_422 = arith.constant 32 : index
        %swap3A_423 = tpu.vector_load %arg15[%swap3A_421, %swap3A_422] {strides = array<i32>} : memref<128x128xf32, #tpu.memory_space<vmem>>, vector<16xf32>,
        tpu.vector_store %arg15[%swap3A_421, %swap3A_422], %mul3A_420 {strides = array<i32>} : memref<128x128xf32, #tpu.memory_space<vmem>>, vector<16xf32>,
        %get3A_424 = arith.index_cast %add3A_402 : i32 to index
        %get3A_425 = arith.constant 48 : index
        %get3A_426 = tpu.vector_load %arg15[%get3A_424, %get3A_425] {strides = array<i32>} : memref<128x128xf32, #tpu.memory_space<vmem>>, vector<16xf32>,
        %mul3A_427 = arith.mulf %get3A_426, %broadcast_in_dim3A_398 : vector<16xf32>
        %swap3A_428 = arith.index_cast %add3A_402 : i32 to index
        %swap3A_429 = arith.constant 48 : index
        %swap3A_430 = tpu.vector_load %arg15[%swap3A_428, %swap3A_429] {strides = array<i32>} : memref<128x128xf32, #tpu.memory_space<vmem>>, vector<16xf32>,
        tpu.vector_store %arg15[%swap3A_428, %swap3A_429], %mul3A_427 {strides = array<i32>} : memref<128x128xf32, #tpu.memory_space<vmem>>, vector<16xf32>,
        %get3A_431 = arith.index_cast %add3A_402 : i32 to index
        %get3A_432 = arith.constant 64 : index
        %get3A_433 = tpu.vector_load %arg15[%get3A_431, %get3A_432] {strides = array<i32>} : memref<128x128xf32, #tpu.memory_space<vmem>>, vector<16xf32>,
        %mul3A_434 = arith.mulf %get3A_433, %broadcast_in_dim3A_398 : vector<16xf32>
        %swap3A_435 = arith.index_cast %add3A_402 : i32 to index
        %swap3A_436 = arith.constant 64 : index
        %swap3A_437 = tpu.vector_load %arg15[%swap3A_435, %swap3A_436] {strides = array<i32>} : memref<128x128xf32, #tpu.memory_space<vmem>>, vector<16xf32>,
        tpu.vector_store %arg15[%swap3A_435, %swap3A_436], %mul3A_434 {strides = array<i32>} : memref<128x128xf32, #tpu.memory_space<vmem>>, vector<16xf32>,
        %get3A_438 = arith.index_cast %add3A_402 : i32 to index
        %get3A_439 = arith.constant 80 : index
        %get3A_440 = tpu.vector_load %arg15[%get3A_438, %get3A_439] {strides = array<i32>} : memref<128x128xf32, #tpu.memory_space<vmem>>, vector<16xf32>,
        %mul3A_441 = arith.mulf %get3A_440, %broadcast_in_dim3A_398 : vector<16xf32>
        %swap3A_442 = arith.index_cast %add3A_402 : i32 to index
        %swap3A_443 = arith.constant 80 : index
        %swap3A_444 = tpu.vector_load %arg15[%swap3A_442, %swap3A_443] {strides = array<i32>} : memref<128x128xf32, #tpu.memory_space<vmem>>, vector<16xf32>,
        tpu.vector_store %arg15[%swap3A_442, %swap3A_443], %mul3A_441 {strides = array<i32>} : memref<128x128xf32, #tpu.memory_space<vmem>>, vector<16xf32>,
        %get3A_445 = arith.index_cast %add3A_402 : i32 to index
        %get3A_446 = arith.constant 96 : index
        %get3A_447 = tpu.vector_load %arg15[%get3A_445, %get3A_446] {strides = array<i32>} : memref<128x128xf32, #tpu.memory_space<vmem>>, vector<16xf32>,
        %mul3A_448 = arith.mulf %get3A_447, %broadcast_in_dim3A_398 : vector<16xf32>
        %swap3A_449 = arith.index_cast %add3A_402 : i32 to index
        %swap3A_450 = arith.constant 96 : index
        %swap3A_451 = tpu.vector_load %arg15[%swap3A_449, %swap3A_450] {strides = array<i32>} : memref<128x128xf32, #tpu.memory_space<vmem>>, vector<16xf32>,
        tpu.vector_store %arg15[%swap3A_449, %swap3A_450], %mul3A_448 {strides = array<i32>} : memref<128x128xf32, #tpu.memory_space<vmem>>, vector<16xf32>,
        %get3A_452 = arith.index_cast %add3A_402 : i32 to index
        %get3A_453 = arith.constant 112 : index
        %get3A_454 = tpu.vector_load %arg15[%get3A_452, %get3A_453] {strides = array<i32>} : memref<128x128xf32, #tpu.memory_space<vmem>>, vector<16xf32>,
        %mul3A_455 = arith.mulf %get3A_454, %broadcast_in_dim3A_398 : vector<16xf32>
        %swap3A_456 = arith.index_cast %add3A_402 : i32 to index
        %swap3A_457 = arith.constant 112 : index
        %swap3A_458 = tpu.vector_load %arg15[%swap3A_456, %swap3A_457] {strides = array<i32>} : memref<128x128xf32, #tpu.memory_space<vmem>>, vector<16xf32>,
        tpu.vector_store %arg15[%swap3A_456, %swap3A_457], %mul3A_455 {strides = array<i32>} : memref<128x128xf32, #tpu.memory_space<vmem>>, vector<16xf32>,
        %slice3A_459 = vector.extract_strided_slice %get3A_397 {offsets = [1], sizes = [1], strides = [1]} : vector<16xf32> to vector<1xf32>
        %squeeze3A_460 = vector.extract %slice3A_459[0] : f32 from vector<1xf32>
        %broadcast_in_dim3A_461 = vector.broadcast %squeeze3A_460 : f32 to vector<16xf32>
        %mul3A_462 = arith.constant 16 : i32
        %mul3A_463 = arith.muli %scan3A_392, %mul3A_462 : i32
        %add3A_464 = arith.constant 1 : i32
        %add3A_465 = arith.addi %mul3A_463, %add3A_464 : i32
        %get3A_466 = arith.index_cast %add3A_465 : i32 to index
        %get3A_467 = arith.constant 0 : index
        %get3A_468 = tpu.vector_load %arg15[%get3A_466, %get3A_467] {strides = array<i32>} : memref<128x128xf32, #tpu.memory_space<vmem>>, vector<16xf32>,
        %mul3A_469 = arith.mulf %get3A_468, %broadcast_in_dim3A_461 : vector<16xf32>
        %swap3A_470 = arith.index_cast %add3A_465 : i32 to index
        %swap3A_471 = arith.constant 0 : index
        %swap3A_472 = tpu.vector_load %arg15[%swap3A_470, %swap3A_471] {strides = array<i32>} : memref<128x128xf32, #tpu.memory_space<vmem>>, vector<16xf32>,
        tpu.vector_store %arg15[%swap3A_470, %swap3A_471], %mul3A_469 {strides = array<i32>} : memref<128x128xf32, #tpu.memory_space<vmem>>, vector<16xf32>,
        %get3A_473 = arith.index_cast %add3A_465 : i32 to index
        %get3A_474 = arith.constant 16 : index
        %get3A_475 = tpu.vector_load %arg15[%get3A_473, %get3A_474] {strides = array<i32>} : memref<128x128xf32, #tpu.memory_space<vmem>>, vector<16xf32>,
        %mul3A_476 = arith.mulf %get3A_475, %broadcast_in_dim3A_461 : vector<16xf32>
        %swap3A_477 = arith.index_cast %add3A_465 : i32 to index
        %swap3A_478 = arith.constant 16 : index
        %swap3A_479 = tpu.vector_load %arg15[%swap3A_477, %swap3A_478] {strides = array<i32>} : memref<128x128xf32, #tpu.memory_space<vmem>>, vector<16xf32>,
        tpu.vector_store %arg15[%swap3A_477, %swap3A_478], %mul3A_476 {strides = array<i32>} : memref<128x128xf32, #tpu.memory_space<vmem>>, vector<16xf32>,
        %get3A_480 = arith.index_cast %add3A_465 : i32 to index
        %get3A_481 = arith.constant 32 : index
        %get3A_482 = tpu.vector_load %arg15[%get3A_480, %get3A_481] {strides = array<i32>} : memref<128x128xf32, #tpu.memory_space<vmem>>, vector<16xf32>,
        %mul3A_483 = arith.mulf %get3A_482, %broadcast_in_dim3A_461 : vector<16xf32>
        %swap3A_484 = arith.index_cast %add3A_465 : i32 to index
        %swap3A_485 = arith.constant 32 : index
        %swap3A_486 = tpu.vector_load %arg15[%swap3A_484, %swap3A_485] {strides = array<i32>} : memref<128x128xf32, #tpu.memory_space<vmem>>, vector<16xf32>,
        tpu.vector_store %arg15[%swap3A_484, %swap3A_485], %mul3A_483 {strides = array<i32>} : memref<128x128xf32, #tpu.memory_space<vmem>>, vector<16xf32>,
        %get3A_487 = arith.index_cast %add3A_465 : i32 to index
        %get3A_488 = arith.constant 48 : index
        %get3A_489 = tpu.vector_load %arg15[%get3A_487, %get3A_488] {strides = array<i32>} : memref<128x128xf32, #tpu.memory_space<vmem>>, vector<16xf32>,
        %mul3A_490 = arith.mulf %get3A_489, %broadcast_in_dim3A_461 : vector<16xf32>
        %swap3A_491 = arith.index_cast %add3A_465 : i32 to index
        %swap3A_492 = arith.constant 48 : index
        %swap3A_493 = tpu.vector_load %arg15[%swap3A_491, %swap3A_492] {strides = array<i32>} : memref<128x128xf32, #tpu.memory_space<vmem>>, vector<16xf32>,
        tpu.vector_store %arg15[%swap3A_491, %swap3A_492], %mul3A_490 {strides = array<i32>} : memref<128x128xf32, #tpu.memory_space<vmem>>, vector<16xf32>,
        %get3A_494 = arith.index_cast %add3A_465 : i32 to index
        %get3A_495 = arith.constant 64 : index
        %get3A_496 = tpu.vector_load %arg15[%get3A_494, %get3A_495] {strides = array<i32>} : memref<128x128xf32, #tpu.memory_space<vmem>>, vector<16xf32>,
        %mul3A_497 = arith.mulf %get3A_496, %broadcast_in_dim3A_461 : vector<16xf32>
        %swap3A_498 = arith.index_cast %add3A_465 : i32 to index
        %swap3A_499 = arith.constant 64 : index
        %swap3A_500 = tpu.vector_load %arg15[%swap3A_498, %swap3A_499] {strides = array<i32>} : memref<128x128xf32, #tpu.memory_space<vmem>>, vector<16xf32>,
        tpu.vector_store %arg15[%swap3A_498, %swap3A_499], %mul3A_497 {strides = array<i32>} : memref<128x128xf32, #tpu.memory_space<vmem>>, vector<16xf32>,
        %get3A_501 = arith.index_cast %add3A_465 : i32 to index
        %get3A_502 = arith.constant 80 : index
        %get3A_503 = tpu.vector_load %arg15[%get3A_501, %get3A_502] {strides = array<i32>} : memref<128x128xf32, #tpu.memory_space<vmem>>, vector<16xf32>,
        %mul3A_504 = arith.mulf %get3A_503, %broadcast_in_dim3A_461 : vector<16xf32>
        %swap3A_505 = arith.index_cast %add3A_465 : i32 to index
        %swap3A_506 = arith.constant 80 : index
        %swap3A_507 = tpu.vector_load %arg15[%swap3A_505, %swap3A_506] {strides = array<i32>} : memref<128x128xf32, #tpu.memory_space<vmem>>, vector<16xf32>,
        tpu.vector_store %arg15[%swap3A_505, %swap3A_506], %mul3A_504 {strides = array<i32>} : memref<128x128xf32, #tpu.memory_space<vmem>>, vector<16xf32>,
        %get3A_508 = arith.index_cast %add3A_465 : i32 to index
        %get3A_509 = arith.constant 96 : index
        %get3A_510 = tpu.vector_load %arg15[%get3A_508, %get3A_509] {strides = array<i32>} : memref<128x128xf32, #tpu.memory_space<vmem>>, vector<16xf32>,
        %mul3A_511 = arith.mulf %get3A_510, %broadcast_in_dim3A_461 : vector<16xf32>
        %swap3A_512 = arith.index_cast %add3A_465 : i32 to index
        %swap3A_513 = arith.constant 96 : index
        %swap3A_514 = tpu.vector_load %arg15[%swap3A_512, %swap3A_513] {strides = array<i32>} : memref<128x128xf32, #tpu.memory_space<vmem>>, vector<16xf32>,
        tpu.vector_store %arg15[%swap3A_512, %swap3A_513], %mul3A_511 {strides = array<i32>} : memref<128x128xf32, #tpu.memory_space<vmem>>, vector<16xf32>,
        %get3A_515 = arith.index_cast %add3A_465 : i32 to index
        %get3A_516 = arith.constant 112 : index
        %get3A_517 = tpu.vector_load %arg15[%get3A_515, %get3A_516] {strides = array<i32>} : memref<128x128xf32, #tpu.memory_space<vmem>>, vector<16xf32>,
        %mul3A_518 = arith.mulf %get3A_517, %broadcast_in_dim3A_461 : vector<16xf32>
        %swap3A_519 = arith.index_cast %add3A_465 : i32 to index
        %swap3A_520 = arith.constant 112 : index
        %swap3A_521 = tpu.vector_load %arg15[%swap3A_519, %swap3A_520] {strides = array<i32>} : memref<128x128xf32, #tpu.memory_space<vmem>>, vector<16xf32>,
        tpu.vector_store %arg15[%swap3A_519, %swap3A_520], %mul3A_518 {strides = array<i32>} : memref<128x128xf32, #tpu.memory_space<vmem>>, vector<16xf32>,
        %slice3A_522 = vector.extract_strided_slice %get3A_397 {offsets = [2], sizes = [1], strides = [1]} : vector<16xf32> to vector<1xf32>
        %squeeze3A_523 = vector.extract %slice3A_522[0] : f32 from vector<1xf32>
        %broadcast_in_dim3A_524 = vector.broadcast %squeeze3A_523 : f32 to vector<16xf32>
        %mul3A_525 = arith.constant 16 : i32
        %mul3A_526 = arith.muli %scan3A_392, %mul3A_525 : i32
        %add3A_527 = arith.constant 2 : i32
        %add3A_528 = arith.addi %mul3A_526, %add3A_527 : i32
        %get3A_529 = arith.index_cast %add3A_528 : i32 to index
        %get3A_530 = arith.constant 0 : index
        %get3A_531 = tpu.vector_load %arg15[%get3A_529, %get3A_530] {strides = array<i32>} : memref<128x128xf32, #tpu.memory_space<vmem>>, vector<16xf32>,
        %mul3A_532 = arith.mulf %get3A_531, %broadcast_in_dim3A_524 : vector<16xf32>
        %swap3A_533 = arith.index_cast %add3A_528 : i32 to index
        %swap3A_534 = arith.constant 0 : index
        %swap3A_535 = tpu.vector_load %arg15[%swap3A_533, %swap3A_534] {strides = array<i32>} : memref<128x128xf32, #tpu.memory_space<vmem>>, vector<16xf32>,
        tpu.vector_store %arg15[%swap3A_533, %swap3A_534], %mul3A_532 {strides = array<i32>} : memref<128x128xf32, #tpu.memory_space<vmem>>, vector<16xf32>,
        %get3A_536 = arith.index_cast %add3A_528 : i32 to index
        %get3A_537 = arith.constant 16 : index
        %get3A_538 = tpu.vector_load %arg15[%get3A_536, %get3A_537] {strides = array<i32>} : memref<128x128xf32, #tpu.memory_space<vmem>>, vector<16xf32>,
        %mul3A_539 = arith.mulf %get3A_538, %broadcast_in_dim3A_524 : vector<16xf32>
        %swap3A_540 = arith.index_cast %add3A_528 : i32 to index
        %swap3A_541 = arith.constant 16 : index
        %swap3A_542 = tpu.vector_load %arg15[%swap3A_540, %swap3A_541] {strides = array<i32>} : memref<128x128xf32, #tpu.memory_space<vmem>>, vector<16xf32>,
        tpu.vector_store %arg15[%swap3A_540, %swap3A_541], %mul3A_539 {strides = array<i32>} : memref<128x128xf32, #tpu.memory_space<vmem>>, vector<16xf32>,
        %get3A_543 = arith.index_cast %add3A_528 : i32 to index
        %get3A_544 = arith.constant 32 : index
        %get3A_545 = tpu.vector_load %arg15[%get3A_543, %get3A_544] {strides = array<i32>} : memref<128x128xf32, #tpu.memory_space<vmem>>, vector<16xf32>,
        %mul3A_546 = arith.mulf %get3A_545, %broadcast_in_dim3A_524 : vector<16xf32>
        %swap3A_547 = arith.index_cast %add3A_528 : i32 to index
        %swap3A_548 = arith.constant 32 : index
        %swap3A_549 = tpu.vector_load %arg15[%swap3A_547, %swap3A_548] {strides = array<i32>} : memref<128x128xf32, #tpu.memory_space<vmem>>, vector<16xf32>,
        tpu.vector_store %arg15[%swap3A_547, %swap3A_548], %mul3A_546 {strides = array<i32>} : memref<128x128xf32, #tpu.memory_space<vmem>>, vector<16xf32>,
        %get3A_550 = arith.index_cast %add3A_528 : i32 to index
        %get3A_551 = arith.constant 48 : index
        %get3A_552 = tpu.vector_load %arg15[%get3A_550, %get3A_551] {strides = array<i32>} : memref<128x128xf32, #tpu.memory_space<vmem>>, vector<16xf32>,
        %mul3A_553 = arith.mulf %get3A_552, %broadcast_in_dim3A_524 : vector<16xf32>
        %swap3A_554 = arith.index_cast %add3A_528 : i32 to index
        %swap3A_555 = arith.constant 48 : index
        %swap3A_556 = tpu.vector_load %arg15[%swap3A_554, %swap3A_555] {strides = array<i32>} : memref<128x128xf32, #tpu.memory_space<vmem>>, vector<16xf32>,
        tpu.vector_store %arg15[%swap3A_554, %swap3A_555], %mul3A_553 {strides = array<i32>} : memref<128x128xf32, #tpu.memory_space<vmem>>, vector<16xf32>,
        %get3A_557 = arith.index_cast %add3A_528 : i32 to index
        %get3A_558 = arith.constant 64 : index
        %get3A_559 = tpu.vector_load %arg15[%get3A_557, %get3A_558] {strides = array<i32>} : memref<128x128xf32, #tpu.memory_space<vmem>>, vector<16xf32>,
        %mul3A_560 = arith.mulf %get3A_559, %broadcast_in_dim3A_524 : vector<16xf32>
        %swap3A_561 = arith.index_cast %add3A_528 : i32 to index
        %swap3A_562 = arith.constant 64 : index
        %swap3A_563 = tpu.vector_load %arg15[%swap3A_561, %swap3A_562] {strides = array<i32>} : memref<128x128xf32, #tpu.memory_space<vmem>>, vector<16xf32>,
        tpu.vector_store %arg15[%swap3A_561, %swap3A_562], %mul3A_560 {strides = array<i32>} : memref<128x128xf32, #tpu.memory_space<vmem>>, vector<16xf32>,
        %get3A_564 = arith.index_cast %add3A_528 : i32 to index
        %get3A_565 = arith.constant 80 : index
        %get3A_566 = tpu.vector_load %arg15[%get3A_564, %get3A_565] {strides = array<i32>} : memref<128x128xf32, #tpu.memory_space<vmem>>, vector<16xf32>,
        %mul3A_567 = arith.mulf %get3A_566, %broadcast_in_dim3A_524 : vector<16xf32>
        %swap3A_568 = arith.index_cast %add3A_528 : i32 to index
        %swap3A_569 = arith.constant 80 : index
        %swap3A_570 = tpu.vector_load %arg15[%swap3A_568, %swap3A_569] {strides = array<i32>} : memref<128x128xf32, #tpu.memory_space<vmem>>, vector<16xf32>,
        tpu.vector_store %arg15[%swap3A_568, %swap3A_569], %mul3A_567 {strides = array<i32>} : memref<128x128xf32, #tpu.memory_space<vmem>>, vector<16xf32>,
        %get3A_571 = arith.index_cast %add3A_528 : i32 to index
        %get3A_572 = arith.constant 96 : index
        %get3A_573 = tpu.vector_load %arg15[%get3A_571, %get3A_572] {strides = array<i32>} : memref<128x128xf32, #tpu.memory_space<vmem>>, vector<16xf32>,
        %mul3A_574 = arith.mulf %get3A_573, %broadcast_in_dim3A_524 : vector<16xf32>
        %swap3A_575 = arith.index_cast %add3A_528 : i32 to index
        %swap3A_576 = arith.constant 96 : index
        %swap3A_577 = tpu.vector_load %arg15[%swap3A_575, %swap3A_576] {strides = array<i32>} : memref<128x128xf32, #tpu.memory_space<vmem>>, vector<16xf32>,
        tpu.vector_store %arg15[%swap3A_575, %swap3A_576], %mul3A_574 {strides = array<i32>} : memref<128x128xf32, #tpu.memory_space<vmem>>, vector<16xf32>,
        %get3A_578 = arith.index_cast %add3A_528 : i32 to index
        %get3A_579 = arith.constant 112 : index
        %get3A_580 = tpu.vector_load %arg15[%get3A_578, %get3A_579] {strides = array<i32>} : memref<128x128xf32, #tpu.memory_space<vmem>>, vector<16xf32>,
        %mul3A_581 = arith.mulf %get3A_580, %broadcast_in_dim3A_524 : vector<16xf32>
        %swap3A_582 = arith.index_cast %add3A_528 : i32 to index
        %swap3A_583 = arith.constant 112 : index
        %swap3A_584 = tpu.vector_load %arg15[%swap3A_582, %swap3A_583] {strides = array<i32>} : memref<128x128xf32, #tpu.memory_space<vmem>>, vector<16xf32>,
        tpu.vector_store %arg15[%swap3A_582, %swap3A_583], %mul3A_581 {strides = array<i32>} : memref<128x128xf32, #tpu.memory_space<vmem>>, vector<16xf32>,
        %slice3A_585 = vector.extract_strided_slice %get3A_397 {offsets = [3], sizes = [1], strides = [1]} : vector<16xf32> to vector<1xf32>
        %squeeze3A_586 = vector.extract %slice3A_585[0] : f32 from vector<1xf32>
        %broadcast_in_dim3A_587 = vector.broadcast %squeeze3A_586 : f32 to vector<16xf32>
        %mul3A_588 = arith.constant 16 : i32
        %mul3A_589 = arith.muli %scan3A_392, %mul3A_588 : i32
        %add3A_590 = arith.constant 3 : i32
        %add3A_591 = arith.addi %mul3A_589, %add3A_590 : i32
        %get3A_592 = arith.index_cast %add3A_591 : i32 to index
        %get3A_593 = arith.constant 0 : index
        %get3A_594 = tpu.vector_load %arg15[%get3A_592, %get3A_593] {strides = array<i32>} : memref<128x128xf32, #tpu.memory_space<vmem>>, vector<16xf32>,
        %mul3A_595 = arith.mulf %get3A_594, %broadcast_in_dim3A_587 : vector<16xf32>
        %swap3A_596 = arith.index_cast %add3A_591 : i32 to index
        %swap3A_597 = arith.constant 0 : index
        %swap3A_598 = tpu.vector_load %arg15[%swap3A_596, %swap3A_597] {strides = array<i32>} : memref<128x128xf32, #tpu.memory_space<vmem>>, vector<16xf32>,
        tpu.vector_store %arg15[%swap3A_596, %swap3A_597], %mul3A_595 {strides = array<i32>} : memref<128x128xf32, #tpu.memory_space<vmem>>, vector<16xf32>,
        %get3A_599 = arith.index_cast %add3A_591 : i32 to index
        %get3A_600 = arith.constant 16 : index
        %get3A_601 = tpu.vector_load %arg15[%get3A_599, %get3A_600] {strides = array<i32>} : memref<128x128xf32, #tpu.memory_space<vmem>>, vector<16xf32>,
        %mul3A_602 = arith.mulf %get3A_601, %broadcast_in_dim3A_587 : vector<16xf32>
        %swap3A_603 = arith.index_cast %add3A_591 : i32 to index
        %swap3A_604 = arith.constant 16 : index
        %swap3A_605 = tpu.vector_load %arg15[%swap3A_603, %swap3A_604] {strides = array<i32>} : memref<128x128xf32, #tpu.memory_space<vmem>>, vector<16xf32>,
        tpu.vector_store %arg15[%swap3A_603, %swap3A_604], %mul3A_602 {strides = array<i32>} : memref<128x128xf32, #tpu.memory_space<vmem>>, vector<16xf32>,
        %get3A_606 = arith.index_cast %add3A_591 : i32 to index
        %get3A_607 = arith.constant 32 : index
        %get3A_608 = tpu.vector_load %arg15[%get3A_606, %get3A_607] {strides = array<i32>} : memref<128x128xf32, #tpu.memory_space<vmem>>, vector<16xf32>,
        %mul3A_609 = arith.mulf %get3A_608, %broadcast_in_dim3A_587 : vector<16xf32>
        %swap3A_610 = arith.index_cast %add3A_591 : i32 to index
        %swap3A_611 = arith.constant 32 : index
        %swap3A_612 = tpu.vector_load %arg15[%swap3A_610, %swap3A_611] {strides = array<i32>} : memref<128x128xf32, #tpu.memory_space<vmem>>, vector<16xf32>,
        tpu.vector_store %arg15[%swap3A_610, %swap3A_611], %mul3A_609 {strides = array<i32>} : memref<128x128xf32, #tpu.memory_space<vmem>>, vector<16xf32>,
        %get3A_613 = arith.index_cast %add3A_591 : i32 to index
        %get3A_614 = arith.constant 48 : index
        %get3A_615 = tpu.vector_load %arg15[%get3A_613, %get3A_614] {strides = array<i32>} : memref<128x128xf32, #tpu.memory_space<vmem>>, vector<16xf32>,
        %mul3A_616 = arith.mulf %get3A_615, %broadcast_in_dim3A_587 : vector<16xf32>
        %swap3A_617 = arith.index_cast %add3A_591 : i32 to index
        %swap3A_618 = arith.constant 48 : index
        %swap3A_619 = tpu.vector_load %arg15[%swap3A_617, %swap3A_618] {strides = array<i32>} : memref<128x128xf32, #tpu.memory_space<vmem>>, vector<16xf32>,
        tpu.vector_store %arg15[%swap3A_617, %swap3A_618], %mul3A_616 {strides = array<i32>} : memref<128x128xf32, #tpu.memory_space<vmem>>, vector<16xf32>,
        %get3A_620 = arith.index_cast %add3A_591 : i32 to index
        %get3A_621 = arith.constant 64 : index
        %get3A_622 = tpu.vector_load %arg15[%get3A_620, %get3A_621] {strides = array<i32>} : memref<128x128xf32, #tpu.memory_space<vmem>>, vector<16xf32>,
        %mul3A_623 = arith.mulf %get3A_622, %broadcast_in_dim3A_587 : vector<16xf32>
        %swap3A_624 = arith.index_cast %add3A_591 : i32 to index
        %swap3A_625 = arith.constant 64 : index
        %swap3A_626 = tpu.vector_load %arg15[%swap3A_624, %swap3A_625] {strides = array<i32>} : memref<128x128xf32, #tpu.memory_space<vmem>>, vector<16xf32>,
        tpu.vector_store %arg15[%swap3A_624, %swap3A_625], %mul3A_623 {strides = array<i32>} : memref<128x128xf32, #tpu.memory_space<vmem>>, vector<16xf32>,
        %get3A_627 = arith.index_cast %add3A_591 : i32 to index
        %get3A_628 = arith.constant 80 : index
        %get3A_629 = tpu.vector_load %arg15[%get3A_627, %get3A_628] {strides = array<i32>} : memref<128x128xf32, #tpu.memory_space<vmem>>, vector<16xf32>,
        %mul3A_630 = arith.mulf %get3A_629, %broadcast_in_dim3A_587 : vector<16xf32>
        %swap3A_631 = arith.index_cast %add3A_591 : i32 to index
        %swap3A_632 = arith.constant 80 : index
        %swap3A_633 = tpu.vector_load %arg15[%swap3A_631, %swap3A_632] {strides = array<i32>} : memref<128x128xf32, #tpu.memory_space<vmem>>, vector<16xf32>,
        tpu.vector_store %arg15[%swap3A_631, %swap3A_632], %mul3A_630 {strides = array<i32>} : memref<128x128xf32, #tpu.memory_space<vmem>>, vector<16xf32>,
        %get3A_634 = arith.index_cast %add3A_591 : i32 to index
        %get3A_635 = arith.constant 96 : index
        %get3A_636 = tpu.vector_load %arg15[%get3A_634, %get3A_635] {strides = array<i32>} : memref<128x128xf32, #tpu.memory_space<vmem>>, vector<16xf32>,
        %mul3A_637 = arith.mulf %get3A_636, %broadcast_in_dim3A_587 : vector<16xf32>
        %swap3A_638 = arith.index_cast %add3A_591 : i32 to index
        %swap3A_639 = arith.constant 96 : index
        %swap3A_640 = tpu.vector_load %arg15[%swap3A_638, %swap3A_639] {strides = array<i32>} : memref<128x128xf32, #tpu.memory_space<vmem>>, vector<16xf32>,
        tpu.vector_store %arg15[%swap3A_638, %swap3A_639], %mul3A_637 {strides = array<i32>} : memref<128x128xf32, #tpu.memory_space<vmem>>, vector<16xf32>,
        %get3A_641 = arith.index_cast %add3A_591 : i32 to index
        %get3A_642 = arith.constant 112 : index
        %get3A_643 = tpu.vector_load %arg15[%get3A_641, %get3A_642] {strides = array<i32>} : memref<128x128xf32, #tpu.memory_space<vmem>>, vector<16xf32>,
        %mul3A_644 = arith.mulf %get3A_643, %broadcast_in_dim3A_587 : vector<16xf32>
        %swap3A_645 = arith.index_cast %add3A_591 : i32 to index
        %swap3A_646 = arith.constant 112 : index
        %swap3A_647 = tpu.vector_load %arg15[%swap3A_645, %swap3A_646] {strides = array<i32>} : memref<128x128xf32, #tpu.memory_space<vmem>>, vector<16xf32>,
        tpu.vector_store %arg15[%swap3A_645, %swap3A_646], %mul3A_644 {strides = array<i32>} : memref<128x128xf32, #tpu.memory_space<vmem>>, vector<16xf32>,
        %slice3A_648 = vector.extract_strided_slice %get3A_397 {offsets = [4], sizes = [1], strides = [1]} : vector<16xf32> to vector<1xf32>
        %squeeze3A_649 = vector.extract %slice3A_648[0] : f32 from vector<1xf32>
        %broadcast_in_dim3A_650 = vector.broadcast %squeeze3A_649 : f32 to vector<16xf32>
        %mul3A_651 = arith.constant 16 : i32
        %mul3A_652 = arith.muli %scan3A_392, %mul3A_651 : i32
        %add3A_653 = arith.constant 4 : i32
        %add3A_654 = arith.addi %mul3A_652, %add3A_653 : i32
        %get3A_655 = arith.index_cast %add3A_654 : i32 to index
        %get3A_656 = arith.constant 0 : index
        %get3A_657 = tpu.vector_load %arg15[%get3A_655, %get3A_656] {strides = array<i32>} : memref<128x128xf32, #tpu.memory_space<vmem>>, vector<16xf32>,
        %mul3A_658 = arith.mulf %get3A_657, %broadcast_in_dim3A_650 : vector<16xf32>
        %swap3A_659 = arith.index_cast %add3A_654 : i32 to index
        %swap3A_660 = arith.constant 0 : index
        %swap3A_661 = tpu.vector_load %arg15[%swap3A_659, %swap3A_660] {strides = array<i32>} : memref<128x128xf32, #tpu.memory_space<vmem>>, vector<16xf32>,
        tpu.vector_store %arg15[%swap3A_659, %swap3A_660], %mul3A_658 {strides = array<i32>} : memref<128x128xf32, #tpu.memory_space<vmem>>, vector<16xf32>,
        %get3A_662 = arith.index_cast %add3A_654 : i32 to index
        %get3A_663 = arith.constant 16 : index
        %get3A_664 = tpu.vector_load %arg15[%get3A_662, %get3A_663] {strides = array<i32>} : memref<128x128xf32, #tpu.memory_space<vmem>>, vector<16xf32>,
        %mul3A_665 = arith.mulf %get3A_664, %broadcast_in_dim3A_650 : vector<16xf32>
        %swap3A_666 = arith.index_cast %add3A_654 : i32 to index
        %swap3A_667 = arith.constant 16 : index
        %swap3A_668 = tpu.vector_load %arg15[%swap3A_666, %swap3A_667] {strides = array<i32>} : memref<128x128xf32, #tpu.memory_space<vmem>>, vector<16xf32>,
        tpu.vector_store %arg15[%swap3A_666, %swap3A_667], %mul3A_665 {strides = array<i32>} : memref<128x128xf32, #tpu.memory_space<vmem>>, vector<16xf32>,
        %get3A_669 = arith.index_cast %add3A_654 : i32 to index
        %get3A_670 = arith.constant 32 : index
        %get3A_671 = tpu.vector_load %arg15[%get3A_669, %get3A_670] {strides = array<i32>} : memref<128x128xf32, #tpu.memory_space<vmem>>, vector<16xf32>,
        %mul3A_672 = arith.mulf %get3A_671, %broadcast_in_dim3A_650 : vector<16xf32>
        %swap3A_673 = arith.index_cast %add3A_654 : i32 to index
        %swap3A_674 = arith.constant 32 : index
        %swap3A_675 = tpu.vector_load %arg15[%swap3A_673, %swap3A_674] {strides = array<i32>} : memref<128x128xf32, #tpu.memory_space<vmem>>, vector<16xf32>,
        tpu.vector_store %arg15[%swap3A_673, %swap3A_674], %mul3A_672 {strides = array<i32>} : memref<128x128xf32, #tpu.memory_space<vmem>>, vector<16xf32>,
        %get3A_676 = arith.index_cast %add3A_654 : i32 to index
        %get3A_677 = arith.constant 48 : index
        %get3A_678 = tpu.vector_load %arg15[%get3A_676, %get3A_677] {strides = array<i32>} : memref<128x128xf32, #tpu.memory_space<vmem>>, vector<16xf32>,
        %mul3A_679 = arith.mulf %get3A_678, %broadcast_in_dim3A_650 : vector<16xf32>
        %swap3A_680 = arith.index_cast %add3A_654 : i32 to index
        %swap3A_681 = arith.constant 48 : index
        %swap3A_682 = tpu.vector_load %arg15[%swap3A_680, %swap3A_681] {strides = array<i32>} : memref<128x128xf32, #tpu.memory_space<vmem>>, vector<16xf32>,
        tpu.vector_store %arg15[%swap3A_680, %swap3A_681], %mul3A_679 {strides = array<i32>} : memref<128x128xf32, #tpu.memory_space<vmem>>, vector<16xf32>,
        %get3A_683 = arith.index_cast %add3A_654 : i32 to index
        %get3A_684 = arith.constant 64 : index
        %get3A_685 = tpu.vector_load %arg15[%get3A_683, %get3A_684] {strides = array<i32>} : memref<128x128xf32, #tpu.memory_space<vmem>>, vector<16xf32>,
        %mul3A_686 = arith.mulf %get3A_685, %broadcast_in_dim3A_650 : vector<16xf32>
        %swap3A_687 = arith.index_cast %add3A_654 : i32 to index
        %swap3A_688 = arith.constant 64 : index
        %swap3A_689 = tpu.vector_load %arg15[%swap3A_687, %swap3A_688] {strides = array<i32>} : memref<128x128xf32, #tpu.memory_space<vmem>>, vector<16xf32>,
        tpu.vector_store %arg15[%swap3A_687, %swap3A_688], %mul3A_686 {strides = array<i32>} : memref<128x128xf32, #tpu.memory_space<vmem>>, vector<16xf32>,
        %get3A_690 = arith.index_cast %add3A_654 : i32 to index
        %get3A_691 = arith.constant 80 : index
        %get3A_692 = tpu.vector_load %arg15[%get3A_690, %get3A_691] {strides = array<i32>} : memref<128x128xf32, #tpu.memory_space<vmem>>, vector<16xf32>,
        %mul3A_693 = arith.mulf %get3A_692, %broadcast_in_dim3A_650 : vector<16xf32>
        %swap3A_694 = arith.index_cast %add3A_654 : i32 to index
        %swap3A_695 = arith.constant 80 : index
        %swap3A_696 = tpu.vector_load %arg15[%swap3A_694, %swap3A_695] {strides = array<i32>} : memref<128x128xf32, #tpu.memory_space<vmem>>, vector<16xf32>,
        tpu.vector_store %arg15[%swap3A_694, %swap3A_695], %mul3A_693 {strides = array<i32>} : memref<128x128xf32, #tpu.memory_space<vmem>>, vector<16xf32>,
        %get3A_697 = arith.index_cast %add3A_654 : i32 to index
        %get3A_698 = arith.constant 96 : index
        %get3A_699 = tpu.vector_load %arg15[%get3A_697, %get3A_698] {strides = array<i32>} : memref<128x128xf32, #tpu.memory_space<vmem>>, vector<16xf32>,
        %mul3A_700 = arith.mulf %get3A_699, %broadcast_in_dim3A_650 : vector<16xf32>
        %swap3A_701 = arith.index_cast %add3A_654 : i32 to index
        %swap3A_702 = arith.constant 96 : index
        %swap3A_703 = tpu.vector_load %arg15[%swap3A_701, %swap3A_702] {strides = array<i32>} : memref<128x128xf32, #tpu.memory_space<vmem>>, vector<16xf32>,
        tpu.vector_store %arg15[%swap3A_701, %swap3A_702], %mul3A_700 {strides = array<i32>} : memref<128x128xf32, #tpu.memory_space<vmem>>, vector<16xf32>,
        %get3A_704 = arith.index_cast %add3A_654 : i32 to index
        %get3A_705 = arith.constant 112 : index
        %get3A_706 = tpu.vector_load %arg15[%get3A_704, %get3A_705] {strides = array<i32>} : memref<128x128xf32, #tpu.memory_space<vmem>>, vector<16xf32>,
        %mul3A_707 = arith.mulf %get3A_706, %broadcast_in_dim3A_650 : vector<16xf32>
        %swap3A_708 = arith.index_cast %add3A_654 : i32 to index
        %swap3A_709 = arith.constant 112 : index
        %swap3A_710 = tpu.vector_load %arg15[%swap3A_708, %swap3A_709] {strides = array<i32>} : memref<128x128xf32, #tpu.memory_space<vmem>>, vector<16xf32>,
        tpu.vector_store %arg15[%swap3A_708, %swap3A_709], %mul3A_707 {strides = array<i32>} : memref<128x128xf32, #tpu.memory_space<vmem>>, vector<16xf32>,
        %slice3A_711 = vector.extract_strided_slice %get3A_397 {offsets = [5], sizes = [1], strides = [1]} : vector<16xf32> to vector<1xf32>
        %squeeze3A_712 = vector.extract %slice3A_711[0] : f32 from vector<1xf32>
        %broadcast_in_dim3A_713 = vector.broadcast %squeeze3A_712 : f32 to vector<16xf32>
        %mul3A_714 = arith.constant 16 : i32
        %mul3A_715 = arith.muli %scan3A_392, %mul3A_714 : i32
        %add3A_716 = arith.constant 5 : i32
        %add3A_717 = arith.addi %mul3A_715, %add3A_716 : i32
        %get3A_718 = arith.index_cast %add3A_717 : i32 to index
        %get3A_719 = arith.constant 0 : index
        %get3A_720 = tpu.vector_load %arg15[%get3A_718, %get3A_719] {strides = array<i32>} : memref<128x128xf32, #tpu.memory_space<vmem>>, vector<16xf32>,
        %mul3A_721 = arith.mulf %get3A_720, %broadcast_in_dim3A_713 : vector<16xf32>
        %swap3A_722 = arith.index_cast %add3A_717 : i32 to index
        %swap3A_723 = arith.constant 0 : index
        %swap3A_724 = tpu.vector_load %arg15[%swap3A_722, %swap3A_723] {strides = array<i32>} : memref<128x128xf32, #tpu.memory_space<vmem>>, vector<16xf32>,
        tpu.vector_store %arg15[%swap3A_722, %swap3A_723], %mul3A_721 {strides = array<i32>} : memref<128x128xf32, #tpu.memory_space<vmem>>, vector<16xf32>,
        %get3A_725 = arith.index_cast %add3A_717 : i32 to index
        %get3A_726 = arith.constant 16 : index
        %get3A_727 = tpu.vector_load %arg15[%get3A_725, %get3A_726] {strides = array<i32>} : memref<128x128xf32, #tpu.memory_space<vmem>>, vector<16xf32>,
        %mul3A_728 = arith.mulf %get3A_727, %broadcast_in_dim3A_713 : vector<16xf32>
        %swap3A_729 = arith.index_cast %add3A_717 : i32 to index
        %swap3A_730 = arith.constant 16 : index
        %swap3A_731 = tpu.vector_load %arg15[%swap3A_729, %swap3A_730] {strides = array<i32>} : memref<128x128xf32, #tpu.memory_space<vmem>>, vector<16xf32>,
        tpu.vector_store %arg15[%swap3A_729, %swap3A_730], %mul3A_728 {strides = array<i32>} : memref<128x128xf32, #tpu.memory_space<vmem>>, vector<16xf32>,
        %get3A_732 = arith.index_cast %add3A_717 : i32 to index
        %get3A_733 = arith.constant 32 : index
        %get3A_734 = tpu.vector_load %arg15[%get3A_732, %get3A_733] {strides = array<i32>} : memref<128x128xf32, #tpu.memory_space<vmem>>, vector<16xf32>,
        %mul3A_735 = arith.mulf %get3A_734, %broadcast_in_dim3A_713 : vector<16xf32>
        %swap3A_736 = arith.index_cast %add3A_717 : i32 to index
        %swap3A_737 = arith.constant 32 : index
        %swap3A_738 = tpu.vector_load %arg15[%swap3A_736, %swap3A_737] {strides = array<i32>} : memref<128x128xf32, #tpu.memory_space<vmem>>, vector<16xf32>,
        tpu.vector_store %arg15[%swap3A_736, %swap3A_737], %mul3A_735 {strides = array<i32>} : memref<128x128xf32, #tpu.memory_space<vmem>>, vector<16xf32>,
        %get3A_739 = arith.index_cast %add3A_717 : i32 to index
        %get3A_740 = arith.constant 48 : index
        %get3A_741 = tpu.vector_load %arg15[%get3A_739, %get3A_740] {strides = array<i32>} : memref<128x128xf32, #tpu.memory_space<vmem>>, vector<16xf32>,
        %mul3A_742 = arith.mulf %get3A_741, %broadcast_in_dim3A_713 : vector<16xf32>
        %swap3A_743 = arith.index_cast %add3A_717 : i32 to index
        %swap3A_744 = arith.constant 48 : index
        %swap3A_745 = tpu.vector_load %arg15[%swap3A_743, %swap3A_744] {strides = array<i32>} : memref<128x128xf32, #tpu.memory_space<vmem>>, vector<16xf32>,
        tpu.vector_store %arg15[%swap3A_743, %swap3A_744], %mul3A_742 {strides = array<i32>} : memref<128x128xf32, #tpu.memory_space<vmem>>, vector<16xf32>,
        %get3A_746 = arith.index_cast %add3A_717 : i32 to index
        %get3A_747 = arith.constant 64 : index
        %get3A_748 = tpu.vector_load %arg15[%get3A_746, %get3A_747] {strides = array<i32>} : memref<128x128xf32, #tpu.memory_space<vmem>>, vector<16xf32>,
        %mul3A_749 = arith.mulf %get3A_748, %broadcast_in_dim3A_713 : vector<16xf32>
        %swap3A_750 = arith.index_cast %add3A_717 : i32 to index
        %swap3A_751 = arith.constant 64 : index
        %swap3A_752 = tpu.vector_load %arg15[%swap3A_750, %swap3A_751] {strides = array<i32>} : memref<128x128xf32, #tpu.memory_space<vmem>>, vector<16xf32>,
        tpu.vector_store %arg15[%swap3A_750, %swap3A_751], %mul3A_749 {strides = array<i32>} : memref<128x128xf32, #tpu.memory_space<vmem>>, vector<16xf32>,
        %get3A_753 = arith.index_cast %add3A_717 : i32 to index
        %get3A_754 = arith.constant 80 : index
        %get3A_755 = tpu.vector_load %arg15[%get3A_753, %get3A_754] {strides = array<i32>} : memref<128x128xf32, #tpu.memory_space<vmem>>, vector<16xf32>,
        %mul3A_756 = arith.mulf %get3A_755, %broadcast_in_dim3A_713 : vector<16xf32>
        %swap3A_757 = arith.index_cast %add3A_717 : i32 to index
        %swap3A_758 = arith.constant 80 : index
        %swap3A_759 = tpu.vector_load %arg15[%swap3A_757, %swap3A_758] {strides = array<i32>} : memref<128x128xf32, #tpu.memory_space<vmem>>, vector<16xf32>,
        tpu.vector_store %arg15[%swap3A_757, %swap3A_758], %mul3A_756 {strides = array<i32>} : memref<128x128xf32, #tpu.memory_space<vmem>>, vector<16xf32>,
        %get3A_760 = arith.index_cast %add3A_717 : i32 to index
        %get3A_761 = arith.constant 96 : index
        %get3A_762 = tpu.vector_load %arg15[%get3A_760, %get3A_761] {strides = array<i32>} : memref<128x128xf32, #tpu.memory_space<vmem>>, vector<16xf32>,
        %mul3A_763 = arith.mulf %get3A_762, %broadcast_in_dim3A_713 : vector<16xf32>
        %swap3A_764 = arith.index_cast %add3A_717 : i32 to index
        %swap3A_765 = arith.constant 96 : index
        %swap3A_766 = tpu.vector_load %arg15[%swap3A_764, %swap3A_765] {strides = array<i32>} : memref<128x128xf32, #tpu.memory_space<vmem>>, vector<16xf32>,
        tpu.vector_store %arg15[%swap3A_764, %swap3A_765], %mul3A_763 {strides = array<i32>} : memref<128x128xf32, #tpu.memory_space<vmem>>, vector<16xf32>,
        %get3A_767 = arith.index_cast %add3A_717 : i32 to index
        %get3A_768 = arith.constant 112 : index
        %get3A_769 = tpu.vector_load %arg15[%get3A_767, %get3A_768] {strides = array<i32>} : memref<128x128xf32, #tpu.memory_space<vmem>>, vector<16xf32>,
        %mul3A_770 = arith.mulf %get3A_769, %broadcast_in_dim3A_713 : vector<16xf32>
        %swap3A_771 = arith.index_cast %add3A_717 : i32 to index
        %swap3A_772 = arith.constant 112 : index
        %swap3A_773 = tpu.vector_load %arg15[%swap3A_771, %swap3A_772] {strides = array<i32>} : memref<128x128xf32, #tpu.memory_space<vmem>>, vector<16xf32>,
        tpu.vector_store %arg15[%swap3A_771, %swap3A_772], %mul3A_770 {strides = array<i32>} : memref<128x128xf32, #tpu.memory_space<vmem>>, vector<16xf32>,
        %slice3A_774 = vector.extract_strided_slice %get3A_397 {offsets = [6], sizes = [1], strides = [1]} : vector<16xf32> to vector<1xf32>
        %squeeze3A_775 = vector.extract %slice3A_774[0] : f32 from vector<1xf32>
        %broadcast_in_dim3A_776 = vector.broadcast %squeeze3A_775 : f32 to vector<16xf32>
        %mul3A_777 = arith.constant 16 : i32
        %mul3A_778 = arith.muli %scan3A_392, %mul3A_777 : i32
        %add3A_779 = arith.constant 6 : i32
        %add3A_780 = arith.addi %mul3A_778, %add3A_779 : i32
        %get3A_781 = arith.index_cast %add3A_780 : i32 to index
        %get3A_782 = arith.constant 0 : index
        %get3A_783 = tpu.vector_load %arg15[%get3A_781, %get3A_782] {strides = array<i32>} : memref<128x128xf32, #tpu.memory_space<vmem>>, vector<16xf32>,
        %mul3A_784 = arith.mulf %get3A_783, %broadcast_in_dim3A_776 : vector<16xf32>
        %swap3A_785 = arith.index_cast %add3A_780 : i32 to index
        %swap3A_786 = arith.constant 0 : index
        %swap3A_787 = tpu.vector_load %arg15[%swap3A_785, %swap3A_786] {strides = array<i32>} : memref<128x128xf32, #tpu.memory_space<vmem>>, vector<16xf32>,
        tpu.vector_store %arg15[%swap3A_785, %swap3A_786], %mul3A_784 {strides = array<i32>} : memref<128x128xf32, #tpu.memory_space<vmem>>, vector<16xf32>,
        %get3A_788 = arith.index_cast %add3A_780 : i32 to index
        %get3A_789 = arith.constant 16 : index
        %get3A_790 = tpu.vector_load %arg15[%get3A_788, %get3A_789] {strides = array<i32>} : memref<128x128xf32, #tpu.memory_space<vmem>>, vector<16xf32>,
        %mul3A_791 = arith.mulf %get3A_790, %broadcast_in_dim3A_776 : vector<16xf32>
        %swap3A_792 = arith.index_cast %add3A_780 : i32 to index
        %swap3A_793 = arith.constant 16 : index
        %swap3A_794 = tpu.vector_load %arg15[%swap3A_792, %swap3A_793] {strides = array<i32>} : memref<128x128xf32, #tpu.memory_space<vmem>>, vector<16xf32>,
        tpu.vector_store %arg15[%swap3A_792, %swap3A_793], %mul3A_791 {strides = array<i32>} : memref<128x128xf32, #tpu.memory_space<vmem>>, vector<16xf32>,
        %get3A_795 = arith.index_cast %add3A_780 : i32 to index
        %get3A_796 = arith.constant 32 : index
        %get3A_797 = tpu.vector_load %arg15[%get3A_795, %get3A_796] {strides = array<i32>} : memref<128x128xf32, #tpu.memory_space<vmem>>, vector<16xf32>,
        %mul3A_798 = arith.mulf %get3A_797, %broadcast_in_dim3A_776 : vector<16xf32>
        %swap3A_799 = arith.index_cast %add3A_780 : i32 to index
        %swap3A_800 = arith.constant 32 : index
        %swap3A_801 = tpu.vector_load %arg15[%swap3A_799, %swap3A_800] {strides = array<i32>} : memref<128x128xf32, #tpu.memory_space<vmem>>, vector<16xf32>,
        tpu.vector_store %arg15[%swap3A_799, %swap3A_800], %mul3A_798 {strides = array<i32>} : memref<128x128xf32, #tpu.memory_space<vmem>>, vector<16xf32>,
        %get3A_802 = arith.index_cast %add3A_780 : i32 to index
        %get3A_803 = arith.constant 48 : index
        %get3A_804 = tpu.vector_load %arg15[%get3A_802, %get3A_803] {strides = array<i32>} : memref<128x128xf32, #tpu.memory_space<vmem>>, vector<16xf32>,
        %mul3A_805 = arith.mulf %get3A_804, %broadcast_in_dim3A_776 : vector<16xf32>
        %swap3A_806 = arith.index_cast %add3A_780 : i32 to index
        %swap3A_807 = arith.constant 48 : index
        %swap3A_808 = tpu.vector_load %arg15[%swap3A_806, %swap3A_807] {strides = array<i32>} : memref<128x128xf32, #tpu.memory_space<vmem>>, vector<16xf32>,
        tpu.vector_store %arg15[%swap3A_806, %swap3A_807], %mul3A_805 {strides = array<i32>} : memref<128x128xf32, #tpu.memory_space<vmem>>, vector<16xf32>,
        %get3A_809 = arith.index_cast %add3A_780 : i32 to index
        %get3A_810 = arith.constant 64 : index
        %get3A_811 = tpu.vector_load %arg15[%get3A_809, %get3A_810] {strides = array<i32>} : memref<128x128xf32, #tpu.memory_space<vmem>>, vector<16xf32>,
        %mul3A_812 = arith.mulf %get3A_811, %broadcast_in_dim3A_776 : vector<16xf32>
        %swap3A_813 = arith.index_cast %add3A_780 : i32 to index
        %swap3A_814 = arith.constant 64 : index
        %swap3A_815 = tpu.vector_load %arg15[%swap3A_813, %swap3A_814] {strides = array<i32>} : memref<128x128xf32, #tpu.memory_space<vmem>>, vector<16xf32>,
        tpu.vector_store %arg15[%swap3A_813, %swap3A_814], %mul3A_812 {strides = array<i32>} : memref<128x128xf32, #tpu.memory_space<vmem>>, vector<16xf32>,
        %get3A_816 = arith.index_cast %add3A_780 : i32 to index
        %get3A_817 = arith.constant 80 : index
        %get3A_818 = tpu.vector_load %arg15[%get3A_816, %get3A_817] {strides = array<i32>} : memref<128x128xf32, #tpu.memory_space<vmem>>, vector<16xf32>,
        %mul3A_819 = arith.mulf %get3A_818, %broadcast_in_dim3A_776 : vector<16xf32>
        %swap3A_820 = arith.index_cast %add3A_780 : i32 to index
        %swap3A_821 = arith.constant 80 : index
        %swap3A_822 = tpu.vector_load %arg15[%swap3A_820, %swap3A_821] {strides = array<i32>} : memref<128x128xf32, #tpu.memory_space<vmem>>, vector<16xf32>,
        tpu.vector_store %arg15[%swap3A_820, %swap3A_821], %mul3A_819 {strides = array<i32>} : memref<128x128xf32, #tpu.memory_space<vmem>>, vector<16xf32>,
        %get3A_823 = arith.index_cast %add3A_780 : i32 to index
        %get3A_824 = arith.constant 96 : index
        %get3A_825 = tpu.vector_load %arg15[%get3A_823, %get3A_824] {strides = array<i32>} : memref<128x128xf32, #tpu.memory_space<vmem>>, vector<16xf32>,
        %mul3A_826 = arith.mulf %get3A_825, %broadcast_in_dim3A_776 : vector<16xf32>
        %swap3A_827 = arith.index_cast %add3A_780 : i32 to index
        %swap3A_828 = arith.constant 96 : index
        %swap3A_829 = tpu.vector_load %arg15[%swap3A_827, %swap3A_828] {strides = array<i32>} : memref<128x128xf32, #tpu.memory_space<vmem>>, vector<16xf32>,
        tpu.vector_store %arg15[%swap3A_827, %swap3A_828], %mul3A_826 {strides = array<i32>} : memref<128x128xf32, #tpu.memory_space<vmem>>, vector<16xf32>,
        %get3A_830 = arith.index_cast %add3A_780 : i32 to index
        %get3A_831 = arith.constant 112 : index
        %get3A_832 = tpu.vector_load %arg15[%get3A_830, %get3A_831] {strides = array<i32>} : memref<128x128xf32, #tpu.memory_space<vmem>>, vector<16xf32>,
        %mul3A_833 = arith.mulf %get3A_832, %broadcast_in_dim3A_776 : vector<16xf32>
        %swap3A_834 = arith.index_cast %add3A_780 : i32 to index
        %swap3A_835 = arith.constant 112 : index
        %swap3A_836 = tpu.vector_load %arg15[%swap3A_834, %swap3A_835] {strides = array<i32>} : memref<128x128xf32, #tpu.memory_space<vmem>>, vector<16xf32>,
        tpu.vector_store %arg15[%swap3A_834, %swap3A_835], %mul3A_833 {strides = array<i32>} : memref<128x128xf32, #tpu.memory_space<vmem>>, vector<16xf32>,
        %slice3A_837 = vector.extract_strided_slice %get3A_397 {offsets = [7], sizes = [1], strides = [1]} : vector<16xf32> to vector<1xf32>
        %squeeze3A_838 = vector.extract %slice3A_837[0] : f32 from vector<1xf32>
        %broadcast_in_dim3A_839 = vector.broadcast %squeeze3A_838 : f32 to vector<16xf32>
        %mul3A_840 = arith.constant 16 : i32
        %mul3A_841 = arith.muli %scan3A_392, %mul3A_840 : i32
        %add3A_842 = arith.constant 7 : i32
        %add3A_843 = arith.addi %mul3A_841, %add3A_842 : i32
        %get3A_844 = arith.index_cast %add3A_843 : i32 to index
        %get3A_845 = arith.constant 0 : index
        %get3A_846 = tpu.vector_load %arg15[%get3A_844, %get3A_845] {strides = array<i32>} : memref<128x128xf32, #tpu.memory_space<vmem>>, vector<16xf32>,
        %mul3A_847 = arith.mulf %get3A_846, %broadcast_in_dim3A_839 : vector<16xf32>
        %swap3A_848 = arith.index_cast %add3A_843 : i32 to index
        %swap3A_849 = arith.constant 0 : index
        %swap3A_850 = tpu.vector_load %arg15[%swap3A_848, %swap3A_849] {strides = array<i32>} : memref<128x128xf32, #tpu.memory_space<vmem>>, vector<16xf32>,
        tpu.vector_store %arg15[%swap3A_848, %swap3A_849], %mul3A_847 {strides = array<i32>} : memref<128x128xf32, #tpu.memory_space<vmem>>, vector<16xf32>,
        %get3A_851 = arith.index_cast %add3A_843 : i32 to index
        %get3A_852 = arith.constant 16 : index
        %get3A_853 = tpu.vector_load %arg15[%get3A_851, %get3A_852] {strides = array<i32>} : memref<128x128xf32, #tpu.memory_space<vmem>>, vector<16xf32>,
        %mul3A_854 = arith.mulf %get3A_853, %broadcast_in_dim3A_839 : vector<16xf32>
        %swap3A_855 = arith.index_cast %add3A_843 : i32 to index
        %swap3A_856 = arith.constant 16 : index
        %swap3A_857 = tpu.vector_load %arg15[%swap3A_855, %swap3A_856] {strides = array<i32>} : memref<128x128xf32, #tpu.memory_space<vmem>>, vector<16xf32>,
        tpu.vector_store %arg15[%swap3A_855, %swap3A_856], %mul3A_854 {strides = array<i32>} : memref<128x128xf32, #tpu.memory_space<vmem>>, vector<16xf32>,
        %get3A_858 = arith.index_cast %add3A_843 : i32 to index
        %get3A_859 = arith.constant 32 : index
        %get3A_860 = tpu.vector_load %arg15[%get3A_858, %get3A_859] {strides = array<i32>} : memref<128x128xf32, #tpu.memory_space<vmem>>, vector<16xf32>,
        %mul3A_861 = arith.mulf %get3A_860, %broadcast_in_dim3A_839 : vector<16xf32>
        %swap3A_862 = arith.index_cast %add3A_843 : i32 to index
        %swap3A_863 = arith.constant 32 : index
        %swap3A_864 = tpu.vector_load %arg15[%swap3A_862, %swap3A_863] {strides = array<i32>} : memref<128x128xf32, #tpu.memory_space<vmem>>, vector<16xf32>,
        tpu.vector_store %arg15[%swap3A_862, %swap3A_863], %mul3A_861 {strides = array<i32>} : memref<128x128xf32, #tpu.memory_space<vmem>>, vector<16xf32>,
        %get3A_865 = arith.index_cast %add3A_843 : i32 to index
        %get3A_866 = arith.constant 48 : index
        %get3A_867 = tpu.vector_load %arg15[%get3A_865, %get3A_866] {strides = array<i32>} : memref<128x128xf32, #tpu.memory_space<vmem>>, vector<16xf32>,
        %mul3A_868 = arith.mulf %get3A_867, %broadcast_in_dim3A_839 : vector<16xf32>
        %swap3A_869 = arith.index_cast %add3A_843 : i32 to index
        %swap3A_870 = arith.constant 48 : index
        %swap3A_871 = tpu.vector_load %arg15[%swap3A_869, %swap3A_870] {strides = array<i32>} : memref<128x128xf32, #tpu.memory_space<vmem>>, vector<16xf32>,
        tpu.vector_store %arg15[%swap3A_869, %swap3A_870], %mul3A_868 {strides = array<i32>} : memref<128x128xf32, #tpu.memory_space<vmem>>, vector<16xf32>,
        %get3A_872 = arith.index_cast %add3A_843 : i32 to index
        %get3A_873 = arith.constant 64 : index
        %get3A_874 = tpu.vector_load %arg15[%get3A_872, %get3A_873] {strides = array<i32>} : memref<128x128xf32, #tpu.memory_space<vmem>>, vector<16xf32>,
        %mul3A_875 = arith.mulf %get3A_874, %broadcast_in_dim3A_839 : vector<16xf32>
        %swap3A_876 = arith.index_cast %add3A_843 : i32 to index
        %swap3A_877 = arith.constant 64 : index
        %swap3A_878 = tpu.vector_load %arg15[%swap3A_876, %swap3A_877] {strides = array<i32>} : memref<128x128xf32, #tpu.memory_space<vmem>>, vector<16xf32>,
        tpu.vector_store %arg15[%swap3A_876, %swap3A_877], %mul3A_875 {strides = array<i32>} : memref<128x128xf32, #tpu.memory_space<vmem>>, vector<16xf32>,
        %get3A_879 = arith.index_cast %add3A_843 : i32 to index
        %get3A_880 = arith.constant 80 : index
        %get3A_881 = tpu.vector_load %arg15[%get3A_879, %get3A_880] {strides = array<i32>} : memref<128x128xf32, #tpu.memory_space<vmem>>, vector<16xf32>,
        %mul3A_882 = arith.mulf %get3A_881, %broadcast_in_dim3A_839 : vector<16xf32>
        %swap3A_883 = arith.index_cast %add3A_843 : i32 to index
        %swap3A_884 = arith.constant 80 : index
        %swap3A_885 = tpu.vector_load %arg15[%swap3A_883, %swap3A_884] {strides = array<i32>} : memref<128x128xf32, #tpu.memory_space<vmem>>, vector<16xf32>,
        tpu.vector_store %arg15[%swap3A_883, %swap3A_884], %mul3A_882 {strides = array<i32>} : memref<128x128xf32, #tpu.memory_space<vmem>>, vector<16xf32>,
        %get3A_886 = arith.index_cast %add3A_843 : i32 to index
        %get3A_887 = arith.constant 96 : index
        %get3A_888 = tpu.vector_load %arg15[%get3A_886, %get3A_887] {strides = array<i32>} : memref<128x128xf32, #tpu.memory_space<vmem>>, vector<16xf32>,
        %mul3A_889 = arith.mulf %get3A_888, %broadcast_in_dim3A_839 : vector<16xf32>
        %swap3A_890 = arith.index_cast %add3A_843 : i32 to index
        %swap3A_891 = arith.constant 96 : index
        %swap3A_892 = tpu.vector_load %arg15[%swap3A_890, %swap3A_891] {strides = array<i32>} : memref<128x128xf32, #tpu.memory_space<vmem>>, vector<16xf32>,
        tpu.vector_store %arg15[%swap3A_890, %swap3A_891], %mul3A_889 {strides = array<i32>} : memref<128x128xf32, #tpu.memory_space<vmem>>, vector<16xf32>,
        %get3A_893 = arith.index_cast %add3A_843 : i32 to index
        %get3A_894 = arith.constant 112 : index
        %get3A_895 = tpu.vector_load %arg15[%get3A_893, %get3A_894] {strides = array<i32>} : memref<128x128xf32, #tpu.memory_space<vmem>>, vector<16xf32>,
        %mul3A_896 = arith.mulf %get3A_895, %broadcast_in_dim3A_839 : vector<16xf32>
        %swap3A_897 = arith.index_cast %add3A_843 : i32 to index
        %swap3A_898 = arith.constant 112 : index
        %swap3A_899 = tpu.vector_load %arg15[%swap3A_897, %swap3A_898] {strides = array<i32>} : memref<128x128xf32, #tpu.memory_space<vmem>>, vector<16xf32>,
        tpu.vector_store %arg15[%swap3A_897, %swap3A_898], %mul3A_896 {strides = array<i32>} : memref<128x128xf32, #tpu.memory_space<vmem>>, vector<16xf32>,
        %slice3A_900 = vector.extract_strided_slice %get3A_397 {offsets = [8], sizes = [1], strides = [1]} : vector<16xf32> to vector<1xf32>
        %squeeze3A_901 = vector.extract %slice3A_900[0] : f32 from vector<1xf32>
        %broadcast_in_dim3A_902 = vector.broadcast %squeeze3A_901 : f32 to vector<16xf32>
        %mul3A_903 = arith.constant 16 : i32
        %mul3A_904 = arith.muli %scan3A_392, %mul3A_903 : i32
        %add3A_905 = arith.constant 8 : i32
        %add3A_906 = arith.addi %mul3A_904, %add3A_905 : i32
        %get3A_907 = arith.index_cast %add3A_906 : i32 to index
        %get3A_908 = arith.constant 0 : index
        %get3A_909 = tpu.vector_load %arg15[%get3A_907, %get3A_908] {strides = array<i32>} : memref<128x128xf32, #tpu.memory_space<vmem>>, vector<16xf32>,
        %mul3A_910 = arith.mulf %get3A_909, %broadcast_in_dim3A_902 : vector<16xf32>
        %swap3A_911 = arith.index_cast %add3A_906 : i32 to index
        %swap3A_912 = arith.constant 0 : index
        %swap3A_913 = tpu.vector_load %arg15[%swap3A_911, %swap3A_912] {strides = array<i32>} : memref<128x128xf32, #tpu.memory_space<vmem>>, vector<16xf32>,
        tpu.vector_store %arg15[%swap3A_911, %swap3A_912], %mul3A_910 {strides = array<i32>} : memref<128x128xf32, #tpu.memory_space<vmem>>, vector<16xf32>,
        %get3A_914 = arith.index_cast %add3A_906 : i32 to index
        %get3A_915 = arith.constant 16 : index
        %get3A_916 = tpu.vector_load %arg15[%get3A_914, %get3A_915] {strides = array<i32>} : memref<128x128xf32, #tpu.memory_space<vmem>>, vector<16xf32>,
        %mul3A_917 = arith.mulf %get3A_916, %broadcast_in_dim3A_902 : vector<16xf32>
        %swap3A_918 = arith.index_cast %add3A_906 : i32 to index
        %swap3A_919 = arith.constant 16 : index
        %swap3A_920 = tpu.vector_load %arg15[%swap3A_918, %swap3A_919] {strides = array<i32>} : memref<128x128xf32, #tpu.memory_space<vmem>>, vector<16xf32>,
        tpu.vector_store %arg15[%swap3A_918, %swap3A_919], %mul3A_917 {strides = array<i32>} : memref<128x128xf32, #tpu.memory_space<vmem>>, vector<16xf32>,
        %get3A_921 = arith.index_cast %add3A_906 : i32 to index
        %get3A_922 = arith.constant 32 : index
        %get3A_923 = tpu.vector_load %arg15[%get3A_921, %get3A_922] {strides = array<i32>} : memref<128x128xf32, #tpu.memory_space<vmem>>, vector<16xf32>,
        %mul3A_924 = arith.mulf %get3A_923, %broadcast_in_dim3A_902 : vector<16xf32>
        %swap3A_925 = arith.index_cast %add3A_906 : i32 to index
        %swap3A_926 = arith.constant 32 : index
        %swap3A_927 = tpu.vector_load %arg15[%swap3A_925, %swap3A_926] {strides = array<i32>} : memref<128x128xf32, #tpu.memory_space<vmem>>, vector<16xf32>,
        tpu.vector_store %arg15[%swap3A_925, %swap3A_926], %mul3A_924 {strides = array<i32>} : memref<128x128xf32, #tpu.memory_space<vmem>>, vector<16xf32>,
        %get3A_928 = arith.index_cast %add3A_906 : i32 to index
        %get3A_929 = arith.constant 48 : index
        %get3A_930 = tpu.vector_load %arg15[%get3A_928, %get3A_929] {strides = array<i32>} : memref<128x128xf32, #tpu.memory_space<vmem>>, vector<16xf32>,
        %mul3A_931 = arith.mulf %get3A_930, %broadcast_in_dim3A_902 : vector<16xf32>
        %swap3A_932 = arith.index_cast %add3A_906 : i32 to index
        %swap3A_933 = arith.constant 48 : index
        %swap3A_934 = tpu.vector_load %arg15[%swap3A_932, %swap3A_933] {strides = array<i32>} : memref<128x128xf32, #tpu.memory_space<vmem>>, vector<16xf32>,
        tpu.vector_store %arg15[%swap3A_932, %swap3A_933], %mul3A_931 {strides = array<i32>} : memref<128x128xf32, #tpu.memory_space<vmem>>, vector<16xf32>,
        %get3A_935 = arith.index_cast %add3A_906 : i32 to index
        %get3A_936 = arith.constant 64 : index
        %get3A_937 = tpu.vector_load %arg15[%get3A_935, %get3A_936] {strides = array<i32>} : memref<128x128xf32, #tpu.memory_space<vmem>>, vector<16xf32>,
        %mul3A_938 = arith.mulf %get3A_937, %broadcast_in_dim3A_902 : vector<16xf32>
        %swap3A_939 = arith.index_cast %add3A_906 : i32 to index
        %swap3A_940 = arith.constant 64 : index
        %swap3A_941 = tpu.vector_load %arg15[%swap3A_939, %swap3A_940] {strides = array<i32>} : memref<128x128xf32, #tpu.memory_space<vmem>>, vector<16xf32>,
        tpu.vector_store %arg15[%swap3A_939, %swap3A_940], %mul3A_938 {strides = array<i32>} : memref<128x128xf32, #tpu.memory_space<vmem>>, vector<16xf32>,
        %get3A_942 = arith.index_cast %add3A_906 : i32 to index
        %get3A_943 = arith.constant 80 : index
        %get3A_944 = tpu.vector_load %arg15[%get3A_942, %get3A_943] {strides = array<i32>} : memref<128x128xf32, #tpu.memory_space<vmem>>, vector<16xf32>,
        %mul3A_945 = arith.mulf %get3A_944, %broadcast_in_dim3A_902 : vector<16xf32>
        %swap3A_946 = arith.index_cast %add3A_906 : i32 to index
        %swap3A_947 = arith.constant 80 : index
        %swap3A_948 = tpu.vector_load %arg15[%swap3A_946, %swap3A_947] {strides = array<i32>} : memref<128x128xf32, #tpu.memory_space<vmem>>, vector<16xf32>,
        tpu.vector_store %arg15[%swap3A_946, %swap3A_947], %mul3A_945 {strides = array<i32>} : memref<128x128xf32, #tpu.memory_space<vmem>>, vector<16xf32>,
        %get3A_949 = arith.index_cast %add3A_906 : i32 to index
        %get3A_950 = arith.constant 96 : index
        %get3A_951 = tpu.vector_load %arg15[%get3A_949, %get3A_950] {strides = array<i32>} : memref<128x128xf32, #tpu.memory_space<vmem>>, vector<16xf32>,
        %mul3A_952 = arith.mulf %get3A_951, %broadcast_in_dim3A_902 : vector<16xf32>
        %swap3A_953 = arith.index_cast %add3A_906 : i32 to index
        %swap3A_954 = arith.constant 96 : index
        %swap3A_955 = tpu.vector_load %arg15[%swap3A_953, %swap3A_954] {strides = array<i32>} : memref<128x128xf32, #tpu.memory_space<vmem>>, vector<16xf32>,
        tpu.vector_store %arg15[%swap3A_953, %swap3A_954], %mul3A_952 {strides = array<i32>} : memref<128x128xf32, #tpu.memory_space<vmem>>, vector<16xf32>,
        %get3A_956 = arith.index_cast %add3A_906 : i32 to index
        %get3A_957 = arith.constant 112 : index
        %get3A_958 = tpu.vector_load %arg15[%get3A_956, %get3A_957] {strides = array<i32>} : memref<128x128xf32, #tpu.memory_space<vmem>>, vector<16xf32>,
        %mul3A_959 = arith.mulf %get3A_958, %broadcast_in_dim3A_902 : vector<16xf32>
        %swap3A_960 = arith.index_cast %add3A_906 : i32 to index
        %swap3A_961 = arith.constant 112 : index
        %swap3A_962 = tpu.vector_load %arg15[%swap3A_960, %swap3A_961] {strides = array<i32>} : memref<128x128xf32, #tpu.memory_space<vmem>>, vector<16xf32>,
        tpu.vector_store %arg15[%swap3A_960, %swap3A_961], %mul3A_959 {strides = array<i32>} : memref<128x128xf32, #tpu.memory_space<vmem>>, vector<16xf32>,
        %slice3A_963 = vector.extract_strided_slice %get3A_397 {offsets = [9], sizes = [1], strides = [1]} : vector<16xf32> to vector<1xf32>
        %squeeze3A_964 = vector.extract %slice3A_963[0] : f32 from vector<1xf32>
        %broadcast_in_dim3A_965 = vector.broadcast %squeeze3A_964 : f32 to vector<16xf32>
        %mul3A_966 = arith.constant 16 : i32
        %mul3A_967 = arith.muli %scan3A_392, %mul3A_966 : i32
        %add3A_968 = arith.constant 9 : i32
        %add3A_969 = arith.addi %mul3A_967, %add3A_968 : i32
        %get3A_970 = arith.index_cast %add3A_969 : i32 to index
        %get3A_971 = arith.constant 0 : index
        %get3A_972 = tpu.vector_load %arg15[%get3A_970, %get3A_971] {strides = array<i32>} : memref<128x128xf32, #tpu.memory_space<vmem>>, vector<16xf32>,
        %mul3A_973 = arith.mulf %get3A_972, %broadcast_in_dim3A_965 : vector<16xf32>
        %swap3A_974 = arith.index_cast %add3A_969 : i32 to index
        %swap3A_975 = arith.constant 0 : index
        %swap3A_976 = tpu.vector_load %arg15[%swap3A_974, %swap3A_975] {strides = array<i32>} : memref<128x128xf32, #tpu.memory_space<vmem>>, vector<16xf32>,
        tpu.vector_store %arg15[%swap3A_974, %swap3A_975], %mul3A_973 {strides = array<i32>} : memref<128x128xf32, #tpu.memory_space<vmem>>, vector<16xf32>,
        %get3A_977 = arith.index_cast %add3A_969 : i32 to index
        %get3A_978 = arith.constant 16 : index
        %get3A_979 = tpu.vector_load %arg15[%get3A_977, %get3A_978] {strides = array<i32>} : memref<128x128xf32, #tpu.memory_space<vmem>>, vector<16xf32>,
        %mul3A_980 = arith.mulf %get3A_979, %broadcast_in_dim3A_965 : vector<16xf32>
        %swap3A_981 = arith.index_cast %add3A_969 : i32 to index
        %swap3A_982 = arith.constant 16 : index
        %swap3A_983 = tpu.vector_load %arg15[%swap3A_981, %swap3A_982] {strides = array<i32>} : memref<128x128xf32, #tpu.memory_space<vmem>>, vector<16xf32>,
        tpu.vector_store %arg15[%swap3A_981, %swap3A_982], %mul3A_980 {strides = array<i32>} : memref<128x128xf32, #tpu.memory_space<vmem>>, vector<16xf32>,
        %get3A_984 = arith.index_cast %add3A_969 : i32 to index
        %get3A_985 = arith.constant 32 : index
        %get3A_986 = tpu.vector_load %arg15[%get3A_984, %get3A_985] {strides = array<i32>} : memref<128x128xf32, #tpu.memory_space<vmem>>, vector<16xf32>,
        %mul3A_987 = arith.mulf %get3A_986, %broadcast_in_dim3A_965 : vector<16xf32>
        %swap3A_988 = arith.index_cast %add3A_969 : i32 to index
        %swap3A_989 = arith.constant 32 : index
        %swap3A_990 = tpu.vector_load %arg15[%swap3A_988, %swap3A_989] {strides = array<i32>} : memref<128x128xf32, #tpu.memory_space<vmem>>, vector<16xf32>,
        tpu.vector_store %arg15[%swap3A_988, %swap3A_989], %mul3A_987 {strides = array<i32>} : memref<128x128xf32, #tpu.memory_space<vmem>>, vector<16xf32>,
        %get3A_991 = arith.index_cast %add3A_969 : i32 to index
        %get3A_992 = arith.constant 48 : index
        %get3A_993 = tpu.vector_load %arg15[%get3A_991, %get3A_992] {strides = array<i32>} : memref<128x128xf32, #tpu.memory_space<vmem>>, vector<16xf32>,
        %mul3A_994 = arith.mulf %get3A_993, %broadcast_in_dim3A_965 : vector<16xf32>
        %swap3A_995 = arith.index_cast %add3A_969 : i32 to index
        %swap3A_996 = arith.constant 48 : index
        %swap3A_997 = tpu.vector_load %arg15[%swap3A_995, %swap3A_996] {strides = array<i32>} : memref<128x128xf32, #tpu.memory_space<vmem>>, vector<16xf32>,
        tpu.vector_store %arg15[%swap3A_995, %swap3A_996], %mul3A_994 {strides = array<i32>} : memref<128x128xf32, #tpu.memory_space<vmem>>, vector<16xf32>,
        %get3A_998 = arith.index_cast %add3A_969 : i32 to index
        %get3A_999 = arith.constant 64 : index
        %get3A_1000 = tpu.vector_load %arg15[%get3A_998, %get3A_999] {strides = array<i32>} : memref<128x128xf32, #tpu.memory_space<vmem>>, vector<16xf32>,
        %mul3A_1001 = arith.mulf %get3A_1000, %broadcast_in_dim3A_965 : vector<16xf32>
        %swap3A_1002 = arith.index_cast %add3A_969 : i32 to index
        %swap3A_1003 = arith.constant 64 : index
        %swap3A_1004 = tpu.vector_load %arg15[%swap3A_1002, %swap3A_1003] {strides = array<i32>} : memref<128x128xf32, #tpu.memory_space<vmem>>, vector<16xf32>,
        tpu.vector_store %arg15[%swap3A_1002, %swap3A_1003], %mul3A_1001 {strides = array<i32>} : memref<128x128xf32, #tpu.memory_space<vmem>>, vector<16xf32>,
        %get3A_1005 = arith.index_cast %add3A_969 : i32 to index
        %get3A_1006 = arith.constant 80 : index
        %get3A_1007 = tpu.vector_load %arg15[%get3A_1005, %get3A_1006] {strides = array<i32>} : memref<128x128xf32, #tpu.memory_space<vmem>>, vector<16xf32>,
        %mul3A_1008 = arith.mulf %get3A_1007, %broadcast_in_dim3A_965 : vector<16xf32>
        %swap3A_1009 = arith.index_cast %add3A_969 : i32 to index
        %swap3A_1010 = arith.constant 80 : index
        %swap3A_1011 = tpu.vector_load %arg15[%swap3A_1009, %swap3A_1010] {strides = array<i32>} : memref<128x128xf32, #tpu.memory_space<vmem>>, vector<16xf32>,
        tpu.vector_store %arg15[%swap3A_1009, %swap3A_1010], %mul3A_1008 {strides = array<i32>} : memref<128x128xf32, #tpu.memory_space<vmem>>, vector<16xf32>,
        %get3A_1012 = arith.index_cast %add3A_969 : i32 to index
        %get3A_1013 = arith.constant 96 : index
        %get3A_1014 = tpu.vector_load %arg15[%get3A_1012, %get3A_1013] {strides = array<i32>} : memref<128x128xf32, #tpu.memory_space<vmem>>, vector<16xf32>,
        %mul3A_1015 = arith.mulf %get3A_1014, %broadcast_in_dim3A_965 : vector<16xf32>
        %swap3A_1016 = arith.index_cast %add3A_969 : i32 to index
        %swap3A_1017 = arith.constant 96 : index
        %swap3A_1018 = tpu.vector_load %arg15[%swap3A_1016, %swap3A_1017] {strides = array<i32>} : memref<128x128xf32, #tpu.memory_space<vmem>>, vector<16xf32>,
        tpu.vector_store %arg15[%swap3A_1016, %swap3A_1017], %mul3A_1015 {strides = array<i32>} : memref<128x128xf32, #tpu.memory_space<vmem>>, vector<16xf32>,
        %get3A_1019 = arith.index_cast %add3A_969 : i32 to index
        %get3A_1020 = arith.constant 112 : index
        %get3A_1021 = tpu.vector_load %arg15[%get3A_1019, %get3A_1020] {strides = array<i32>} : memref<128x128xf32, #tpu.memory_space<vmem>>, vector<16xf32>,
        %mul3A_1022 = arith.mulf %get3A_1021, %broadcast_in_dim3A_965 : vector<16xf32>
        %swap3A_1023 = arith.index_cast %add3A_969 : i32 to index
        %swap3A_1024 = arith.constant 112 : index
        %swap3A_1025 = tpu.vector_load %arg15[%swap3A_1023, %swap3A_1024] {strides = array<i32>} : memref<128x128xf32, #tpu.memory_space<vmem>>, vector<16xf32>,
        tpu.vector_store %arg15[%swap3A_1023, %swap3A_1024], %mul3A_1022 {strides = array<i32>} : memref<128x128xf32, #tpu.memory_space<vmem>>, vector<16xf32>,
        %slice3A_1026 = vector.extract_strided_slice %get3A_397 {offsets = [10], sizes = [1], strides = [1]} : vector<16xf32> to vector<1xf32>
        %squeeze3A_1027 = vector.extract %slice3A_1026[0] : f32 from vector<1xf32>
        %broadcast_in_dim3A_1028 = vector.broadcast %squeeze3A_1027 : f32 to vector<16xf32>
        %mul3A_1029 = arith.constant 16 : i32
        %mul3A_1030 = arith.muli %scan3A_392, %mul3A_1029 : i32
        %add3A_1031 = arith.constant 10 : i32
        %add3A_1032 = arith.addi %mul3A_1030, %add3A_1031 : i32
        %get3A_1033 = arith.index_cast %add3A_1032 : i32 to index
        %get3A_1034 = arith.constant 0 : index
        %get3A_1035 = tpu.vector_load %arg15[%get3A_1033, %get3A_1034] {strides = array<i32>} : memref<128x128xf32, #tpu.memory_space<vmem>>, vector<16xf32>,
        %mul3A_1036 = arith.mulf %get3A_1035, %broadcast_in_dim3A_1028 : vector<16xf32>
        %swap3A_1037 = arith.index_cast %add3A_1032 : i32 to index
        %swap3A_1038 = arith.constant 0 : index
        %swap3A_1039 = tpu.vector_load %arg15[%swap3A_1037, %swap3A_1038] {strides = array<i32>} : memref<128x128xf32, #tpu.memory_space<vmem>>, vector<16xf32>,
        tpu.vector_store %arg15[%swap3A_1037, %swap3A_1038], %mul3A_1036 {strides = array<i32>} : memref<128x128xf32, #tpu.memory_space<vmem>>, vector<16xf32>,
        %get3A_1040 = arith.index_cast %add3A_1032 : i32 to index
        %get3A_1041 = arith.constant 16 : index
        %get3A_1042 = tpu.vector_load %arg15[%get3A_1040, %get3A_1041] {strides = array<i32>} : memref<128x128xf32, #tpu.memory_space<vmem>>, vector<16xf32>,
        %mul3A_1043 = arith.mulf %get3A_1042, %broadcast_in_dim3A_1028 : vector<16xf32>
        %swap3A_1044 = arith.index_cast %add3A_1032 : i32 to index
        %swap3A_1045 = arith.constant 16 : index
        %swap3A_1046 = tpu.vector_load %arg15[%swap3A_1044, %swap3A_1045] {strides = array<i32>} : memref<128x128xf32, #tpu.memory_space<vmem>>, vector<16xf32>,
        tpu.vector_store %arg15[%swap3A_1044, %swap3A_1045], %mul3A_1043 {strides = array<i32>} : memref<128x128xf32, #tpu.memory_space<vmem>>, vector<16xf32>,
        %get3A_1047 = arith.index_cast %add3A_1032 : i32 to index
        %get3A_1048 = arith.constant 32 : index
        %get3A_1049 = tpu.vector_load %arg15[%get3A_1047, %get3A_1048] {strides = array<i32>} : memref<128x128xf32, #tpu.memory_space<vmem>>, vector<16xf32>,
        %mul3A_1050 = arith.mulf %get3A_1049, %broadcast_in_dim3A_1028 : vector<16xf32>
        %swap3A_1051 = arith.index_cast %add3A_1032 : i32 to index
        %swap3A_1052 = arith.constant 32 : index
        %swap3A_1053 = tpu.vector_load %arg15[%swap3A_1051, %swap3A_1052] {strides = array<i32>} : memref<128x128xf32, #tpu.memory_space<vmem>>, vector<16xf32>,
        tpu.vector_store %arg15[%swap3A_1051, %swap3A_1052], %mul3A_1050 {strides = array<i32>} : memref<128x128xf32, #tpu.memory_space<vmem>>, vector<16xf32>,
        %get3A_1054 = arith.index_cast %add3A_1032 : i32 to index
        %get3A_1055 = arith.constant 48 : index
        %get3A_1056 = tpu.vector_load %arg15[%get3A_1054, %get3A_1055] {strides = array<i32>} : memref<128x128xf32, #tpu.memory_space<vmem>>, vector<16xf32>,
        %mul3A_1057 = arith.mulf %get3A_1056, %broadcast_in_dim3A_1028 : vector<16xf32>
        %swap3A_1058 = arith.index_cast %add3A_1032 : i32 to index
        %swap3A_1059 = arith.constant 48 : index
        %swap3A_1060 = tpu.vector_load %arg15[%swap3A_1058, %swap3A_1059] {strides = array<i32>} : memref<128x128xf32, #tpu.memory_space<vmem>>, vector<16xf32>,
        tpu.vector_store %arg15[%swap3A_1058, %swap3A_1059], %mul3A_1057 {strides = array<i32>} : memref<128x128xf32, #tpu.memory_space<vmem>>, vector<16xf32>,
        %get3A_1061 = arith.index_cast %add3A_1032 : i32 to index
        %get3A_1062 = arith.constant 64 : index
        %get3A_1063 = tpu.vector_load %arg15[%get3A_1061, %get3A_1062] {strides = array<i32>} : memref<128x128xf32, #tpu.memory_space<vmem>>, vector<16xf32>,
        %mul3A_1064 = arith.mulf %get3A_1063, %broadcast_in_dim3A_1028 : vector<16xf32>
        %swap3A_1065 = arith.index_cast %add3A_1032 : i32 to index
        %swap3A_1066 = arith.constant 64 : index
        %swap3A_1067 = tpu.vector_load %arg15[%swap3A_1065, %swap3A_1066] {strides = array<i32>} : memref<128x128xf32, #tpu.memory_space<vmem>>, vector<16xf32>,
        tpu.vector_store %arg15[%swap3A_1065, %swap3A_1066], %mul3A_1064 {strides = array<i32>} : memref<128x128xf32, #tpu.memory_space<vmem>>, vector<16xf32>,
        %get3A_1068 = arith.index_cast %add3A_1032 : i32 to index
        %get3A_1069 = arith.constant 80 : index
        %get3A_1070 = tpu.vector_load %arg15[%get3A_1068, %get3A_1069] {strides = array<i32>} : memref<128x128xf32, #tpu.memory_space<vmem>>, vector<16xf32>,
        %mul3A_1071 = arith.mulf %get3A_1070, %broadcast_in_dim3A_1028 : vector<16xf32>
        %swap3A_1072 = arith.index_cast %add3A_1032 : i32 to index
        %swap3A_1073 = arith.constant 80 : index
        %swap3A_1074 = tpu.vector_load %arg15[%swap3A_1072, %swap3A_1073] {strides = array<i32>} : memref<128x128xf32, #tpu.memory_space<vmem>>, vector<16xf32>,
        tpu.vector_store %arg15[%swap3A_1072, %swap3A_1073], %mul3A_1071 {strides = array<i32>} : memref<128x128xf32, #tpu.memory_space<vmem>>, vector<16xf32>,
        %get3A_1075 = arith.index_cast %add3A_1032 : i32 to index
        %get3A_1076 = arith.constant 96 : index
        %get3A_1077 = tpu.vector_load %arg15[%get3A_1075, %get3A_1076] {strides = array<i32>} : memref<128x128xf32, #tpu.memory_space<vmem>>, vector<16xf32>,
        %mul3A_1078 = arith.mulf %get3A_1077, %broadcast_in_dim3A_1028 : vector<16xf32>
        %swap3A_1079 = arith.index_cast %add3A_1032 : i32 to index
        %swap3A_1080 = arith.constant 96 : index
        %swap3A_1081 = tpu.vector_load %arg15[%swap3A_1079, %swap3A_1080] {strides = array<i32>} : memref<128x128xf32, #tpu.memory_space<vmem>>, vector<16xf32>,
        tpu.vector_store %arg15[%swap3A_1079, %swap3A_1080], %mul3A_1078 {strides = array<i32>} : memref<128x128xf32, #tpu.memory_space<vmem>>, vector<16xf32>,
        %get3A_1082 = arith.index_cast %add3A_1032 : i32 to index
        %get3A_1083 = arith.constant 112 : index
        %get3A_1084 = tpu.vector_load %arg15[%get3A_1082, %get3A_1083] {strides = array<i32>} : memref<128x128xf32, #tpu.memory_space<vmem>>, vector<16xf32>,
        %mul3A_1085 = arith.mulf %get3A_1084, %broadcast_in_dim3A_1028 : vector<16xf32>
        %swap3A_1086 = arith.index_cast %add3A_1032 : i32 to index
        %swap3A_1087 = arith.constant 112 : index
        %swap3A_1088 = tpu.vector_load %arg15[%swap3A_1086, %swap3A_1087] {strides = array<i32>} : memref<128x128xf32, #tpu.memory_space<vmem>>, vector<16xf32>,
        tpu.vector_store %arg15[%swap3A_1086, %swap3A_1087], %mul3A_1085 {strides = array<i32>} : memref<128x128xf32, #tpu.memory_space<vmem>>, vector<16xf32>,
        %slice3A_1089 = vector.extract_strided_slice %get3A_397 {offsets = [11], sizes = [1], strides = [1]} : vector<16xf32> to vector<1xf32>
        %squeeze3A_1090 = vector.extract %slice3A_1089[0] : f32 from vector<1xf32>
        %broadcast_in_dim3A_1091 = vector.broadcast %squeeze3A_1090 : f32 to vector<16xf32>
        %mul3A_1092 = arith.constant 16 : i32
        %mul3A_1093 = arith.muli %scan3A_392, %mul3A_1092 : i32
        %add3A_1094 = arith.constant 11 : i32
        %add3A_1095 = arith.addi %mul3A_1093, %add3A_1094 : i32
        %get3A_1096 = arith.index_cast %add3A_1095 : i32 to index
        %get3A_1097 = arith.constant 0 : index
        %get3A_1098 = tpu.vector_load %arg15[%get3A_1096, %get3A_1097] {strides = array<i32>} : memref<128x128xf32, #tpu.memory_space<vmem>>, vector<16xf32>,
        %mul3A_1099 = arith.mulf %get3A_1098, %broadcast_in_dim3A_1091 : vector<16xf32>
        %swap3A_1100 = arith.index_cast %add3A_1095 : i32 to index
        %swap3A_1101 = arith.constant 0 : index
        %swap3A_1102 = tpu.vector_load %arg15[%swap3A_1100, %swap3A_1101] {strides = array<i32>} : memref<128x128xf32, #tpu.memory_space<vmem>>, vector<16xf32>,
        tpu.vector_store %arg15[%swap3A_1100, %swap3A_1101], %mul3A_1099 {strides = array<i32>} : memref<128x128xf32, #tpu.memory_space<vmem>>, vector<16xf32>,
        %get3A_1103 = arith.index_cast %add3A_1095 : i32 to index
        %get3A_1104 = arith.constant 16 : index
        %get3A_1105 = tpu.vector_load %arg15[%get3A_1103, %get3A_1104] {strides = array<i32>} : memref<128x128xf32, #tpu.memory_space<vmem>>, vector<16xf32>,
        %mul3A_1106 = arith.mulf %get3A_1105, %broadcast_in_dim3A_1091 : vector<16xf32>
        %swap3A_1107 = arith.index_cast %add3A_1095 : i32 to index
        %swap3A_1108 = arith.constant 16 : index
        %swap3A_1109 = tpu.vector_load %arg15[%swap3A_1107, %swap3A_1108] {strides = array<i32>} : memref<128x128xf32, #tpu.memory_space<vmem>>, vector<16xf32>,
        tpu.vector_store %arg15[%swap3A_1107, %swap3A_1108], %mul3A_1106 {strides = array<i32>} : memref<128x128xf32, #tpu.memory_space<vmem>>, vector<16xf32>,
        %get3A_1110 = arith.index_cast %add3A_1095 : i32 to index
        %get3A_1111 = arith.constant 32 : index
        %get3A_1112 = tpu.vector_load %arg15[%get3A_1110, %get3A_1111] {strides = array<i32>} : memref<128x128xf32, #tpu.memory_space<vmem>>, vector<16xf32>,
        %mul3A_1113 = arith.mulf %get3A_1112, %broadcast_in_dim3A_1091 : vector<16xf32>
        %swap3A_1114 = arith.index_cast %add3A_1095 : i32 to index
        %swap3A_1115 = arith.constant 32 : index
        %swap3A_1116 = tpu.vector_load %arg15[%swap3A_1114, %swap3A_1115] {strides = array<i32>} : memref<128x128xf32, #tpu.memory_space<vmem>>, vector<16xf32>,
        tpu.vector_store %arg15[%swap3A_1114, %swap3A_1115], %mul3A_1113 {strides = array<i32>} : memref<128x128xf32, #tpu.memory_space<vmem>>, vector<16xf32>,
        %get3A_1117 = arith.index_cast %add3A_1095 : i32 to index
        %get3A_1118 = arith.constant 48 : index
        %get3A_1119 = tpu.vector_load %arg15[%get3A_1117, %get3A_1118] {strides = array<i32>} : memref<128x128xf32, #tpu.memory_space<vmem>>, vector<16xf32>,
        %mul3A_1120 = arith.mulf %get3A_1119, %broadcast_in_dim3A_1091 : vector<16xf32>
        %swap3A_1121 = arith.index_cast %add3A_1095 : i32 to index
        %swap3A_1122 = arith.constant 48 : index
        %swap3A_1123 = tpu.vector_load %arg15[%swap3A_1121, %swap3A_1122] {strides = array<i32>} : memref<128x128xf32, #tpu.memory_space<vmem>>, vector<16xf32>,
        tpu.vector_store %arg15[%swap3A_1121, %swap3A_1122], %mul3A_1120 {strides = array<i32>} : memref<128x128xf32, #tpu.memory_space<vmem>>, vector<16xf32>,
        %get3A_1124 = arith.index_cast %add3A_1095 : i32 to index
        %get3A_1125 = arith.constant 64 : index
        %get3A_1126 = tpu.vector_load %arg15[%get3A_1124, %get3A_1125] {strides = array<i32>} : memref<128x128xf32, #tpu.memory_space<vmem>>, vector<16xf32>,
        %mul3A_1127 = arith.mulf %get3A_1126, %broadcast_in_dim3A_1091 : vector<16xf32>
        %swap3A_1128 = arith.index_cast %add3A_1095 : i32 to index
        %swap3A_1129 = arith.constant 64 : index
        %swap3A_1130 = tpu.vector_load %arg15[%swap3A_1128, %swap3A_1129] {strides = array<i32>} : memref<128x128xf32, #tpu.memory_space<vmem>>, vector<16xf32>,
        tpu.vector_store %arg15[%swap3A_1128, %swap3A_1129], %mul3A_1127 {strides = array<i32>} : memref<128x128xf32, #tpu.memory_space<vmem>>, vector<16xf32>,
        %get3A_1131 = arith.index_cast %add3A_1095 : i32 to index
        %get3A_1132 = arith.constant 80 : index
        %get3A_1133 = tpu.vector_load %arg15[%get3A_1131, %get3A_1132] {strides = array<i32>} : memref<128x128xf32, #tpu.memory_space<vmem>>, vector<16xf32>,
        %mul3A_1134 = arith.mulf %get3A_1133, %broadcast_in_dim3A_1091 : vector<16xf32>
        %swap3A_1135 = arith.index_cast %add3A_1095 : i32 to index
        %swap3A_1136 = arith.constant 80 : index
        %swap3A_1137 = tpu.vector_load %arg15[%swap3A_1135, %swap3A_1136] {strides = array<i32>} : memref<128x128xf32, #tpu.memory_space<vmem>>, vector<16xf32>,
        tpu.vector_store %arg15[%swap3A_1135, %swap3A_1136], %mul3A_1134 {strides = array<i32>} : memref<128x128xf32, #tpu.memory_space<vmem>>, vector<16xf32>,
        %get3A_1138 = arith.index_cast %add3A_1095 : i32 to index
        %get3A_1139 = arith.constant 96 : index
        %get3A_1140 = tpu.vector_load %arg15[%get3A_1138, %get3A_1139] {strides = array<i32>} : memref<128x128xf32, #tpu.memory_space<vmem>>, vector<16xf32>,
        %mul3A_1141 = arith.mulf %get3A_1140, %broadcast_in_dim3A_1091 : vector<16xf32>
        %swap3A_1142 = arith.index_cast %add3A_1095 : i32 to index
        %swap3A_1143 = arith.constant 96 : index
        %swap3A_1144 = tpu.vector_load %arg15[%swap3A_1142, %swap3A_1143] {strides = array<i32>} : memref<128x128xf32, #tpu.memory_space<vmem>>, vector<16xf32>,
        tpu.vector_store %arg15[%swap3A_1142, %swap3A_1143], %mul3A_1141 {strides = array<i32>} : memref<128x128xf32, #tpu.memory_space<vmem>>, vector<16xf32>,
        %get3A_1145 = arith.index_cast %add3A_1095 : i32 to index
        %get3A_1146 = arith.constant 112 : index
        %get3A_1147 = tpu.vector_load %arg15[%get3A_1145, %get3A_1146] {strides = array<i32>} : memref<128x128xf32, #tpu.memory_space<vmem>>, vector<16xf32>,
        %mul3A_1148 = arith.mulf %get3A_1147, %broadcast_in_dim3A_1091 : vector<16xf32>
        %swap3A_1149 = arith.index_cast %add3A_1095 : i32 to index
        %swap3A_1150 = arith.constant 112 : index
        %swap3A_1151 = tpu.vector_load %arg15[%swap3A_1149, %swap3A_1150] {strides = array<i32>} : memref<128x128xf32, #tpu.memory_space<vmem>>, vector<16xf32>,
        tpu.vector_store %arg15[%swap3A_1149, %swap3A_1150], %mul3A_1148 {strides = array<i32>} : memref<128x128xf32, #tpu.memory_space<vmem>>, vector<16xf32>,
        %slice3A_1152 = vector.extract_strided_slice %get3A_397 {offsets = [12], sizes = [1], strides = [1]} : vector<16xf32> to vector<1xf32>
        %squeeze3A_1153 = vector.extract %slice3A_1152[0] : f32 from vector<1xf32>
        %broadcast_in_dim3A_1154 = vector.broadcast %squeeze3A_1153 : f32 to vector<16xf32>
        %mul3A_1155 = arith.constant 16 : i32
        %mul3A_1156 = arith.muli %scan3A_392, %mul3A_1155 : i32
        %add3A_1157 = arith.constant 12 : i32
        %add3A_1158 = arith.addi %mul3A_1156, %add3A_1157 : i32
        %get3A_1159 = arith.index_cast %add3A_1158 : i32 to index
        %get3A_1160 = arith.constant 0 : index
        %get3A_1161 = tpu.vector_load %arg15[%get3A_1159, %get3A_1160] {strides = array<i32>} : memref<128x128xf32, #tpu.memory_space<vmem>>, vector<16xf32>,
        %mul3A_1162 = arith.mulf %get3A_1161, %broadcast_in_dim3A_1154 : vector<16xf32>
        %swap3A_1163 = arith.index_cast %add3A_1158 : i32 to index
        %swap3A_1164 = arith.constant 0 : index
        %swap3A_1165 = tpu.vector_load %arg15[%swap3A_1163, %swap3A_1164] {strides = array<i32>} : memref<128x128xf32, #tpu.memory_space<vmem>>, vector<16xf32>,
        tpu.vector_store %arg15[%swap3A_1163, %swap3A_1164], %mul3A_1162 {strides = array<i32>} : memref<128x128xf32, #tpu.memory_space<vmem>>, vector<16xf32>,
        %get3A_1166 = arith.index_cast %add3A_1158 : i32 to index
        %get3A_1167 = arith.constant 16 : index
        %get3A_1168 = tpu.vector_load %arg15[%get3A_1166, %get3A_1167] {strides = array<i32>} : memref<128x128xf32, #tpu.memory_space<vmem>>, vector<16xf32>,
        %mul3A_1169 = arith.mulf %get3A_1168, %broadcast_in_dim3A_1154 : vector<16xf32>
        %swap3A_1170 = arith.index_cast %add3A_1158 : i32 to index
        %swap3A_1171 = arith.constant 16 : index
        %swap3A_1172 = tpu.vector_load %arg15[%swap3A_1170, %swap3A_1171] {strides = array<i32>} : memref<128x128xf32, #tpu.memory_space<vmem>>, vector<16xf32>,
        tpu.vector_store %arg15[%swap3A_1170, %swap3A_1171], %mul3A_1169 {strides = array<i32>} : memref<128x128xf32, #tpu.memory_space<vmem>>, vector<16xf32>,
        %get3A_1173 = arith.index_cast %add3A_1158 : i32 to index
        %get3A_1174 = arith.constant 32 : index
        %get3A_1175 = tpu.vector_load %arg15[%get3A_1173, %get3A_1174] {strides = array<i32>} : memref<128x128xf32, #tpu.memory_space<vmem>>, vector<16xf32>,
        %mul3A_1176 = arith.mulf %get3A_1175, %broadcast_in_dim3A_1154 : vector<16xf32>
        %swap3A_1177 = arith.index_cast %add3A_1158 : i32 to index
        %swap3A_1178 = arith.constant 32 : index
        %swap3A_1179 = tpu.vector_load %arg15[%swap3A_1177, %swap3A_1178] {strides = array<i32>} : memref<128x128xf32, #tpu.memory_space<vmem>>, vector<16xf32>,
        tpu.vector_store %arg15[%swap3A_1177, %swap3A_1178], %mul3A_1176 {strides = array<i32>} : memref<128x128xf32, #tpu.memory_space<vmem>>, vector<16xf32>,
        %get3A_1180 = arith.index_cast %add3A_1158 : i32 to index
        %get3A_1181 = arith.constant 48 : index
        %get3A_1182 = tpu.vector_load %arg15[%get3A_1180, %get3A_1181] {strides = array<i32>} : memref<128x128xf32, #tpu.memory_space<vmem>>, vector<16xf32>,
        %mul3A_1183 = arith.mulf %get3A_1182, %broadcast_in_dim3A_1154 : vector<16xf32>
        %swap3A_1184 = arith.index_cast %add3A_1158 : i32 to index
        %swap3A_1185 = arith.constant 48 : index
        %swap3A_1186 = tpu.vector_load %arg15[%swap3A_1184, %swap3A_1185] {strides = array<i32>} : memref<128x128xf32, #tpu.memory_space<vmem>>, vector<16xf32>,
        tpu.vector_store %arg15[%swap3A_1184, %swap3A_1185], %mul3A_1183 {strides = array<i32>} : memref<128x128xf32, #tpu.memory_space<vmem>>, vector<16xf32>,
        %get3A_1187 = arith.index_cast %add3A_1158 : i32 to index
        %get3A_1188 = arith.constant 64 : index
        %get3A_1189 = tpu.vector_load %arg15[%get3A_1187, %get3A_1188] {strides = array<i32>} : memref<128x128xf32, #tpu.memory_space<vmem>>, vector<16xf32>,
        %mul3A_1190 = arith.mulf %get3A_1189, %broadcast_in_dim3A_1154 : vector<16xf32>
        %swap3A_1191 = arith.index_cast %add3A_1158 : i32 to index
        %swap3A_1192 = arith.constant 64 : index
        %swap3A_1193 = tpu.vector_load %arg15[%swap3A_1191, %swap3A_1192] {strides = array<i32>} : memref<128x128xf32, #tpu.memory_space<vmem>>, vector<16xf32>,
        tpu.vector_store %arg15[%swap3A_1191, %swap3A_1192], %mul3A_1190 {strides = array<i32>} : memref<128x128xf32, #tpu.memory_space<vmem>>, vector<16xf32>,
        %get3A_1194 = arith.index_cast %add3A_1158 : i32 to index
        %get3A_1195 = arith.constant 80 : index
        %get3A_1196 = tpu.vector_load %arg15[%get3A_1194, %get3A_1195] {strides = array<i32>} : memref<128x128xf32, #tpu.memory_space<vmem>>, vector<16xf32>,
        %mul3A_1197 = arith.mulf %get3A_1196, %broadcast_in_dim3A_1154 : vector<16xf32>
        %swap3A_1198 = arith.index_cast %add3A_1158 : i32 to index
        %swap3A_1199 = arith.constant 80 : index
        %swap3A_1200 = tpu.vector_load %arg15[%swap3A_1198, %swap3A_1199] {strides = array<i32>} : memref<128x128xf32, #tpu.memory_space<vmem>>, vector<16xf32>,
        tpu.vector_store %arg15[%swap3A_1198, %swap3A_1199], %mul3A_1197 {strides = array<i32>} : memref<128x128xf32, #tpu.memory_space<vmem>>, vector<16xf32>,
        %get3A_1201 = arith.index_cast %add3A_1158 : i32 to index
        %get3A_1202 = arith.constant 96 : index
        %get3A_1203 = tpu.vector_load %arg15[%get3A_1201, %get3A_1202] {strides = array<i32>} : memref<128x128xf32, #tpu.memory_space<vmem>>, vector<16xf32>,
        %mul3A_1204 = arith.mulf %get3A_1203, %broadcast_in_dim3A_1154 : vector<16xf32>
        %swap3A_1205 = arith.index_cast %add3A_1158 : i32 to index
        %swap3A_1206 = arith.constant 96 : index
        %swap3A_1207 = tpu.vector_load %arg15[%swap3A_1205, %swap3A_1206] {strides = array<i32>} : memref<128x128xf32, #tpu.memory_space<vmem>>, vector<16xf32>,
        tpu.vector_store %arg15[%swap3A_1205, %swap3A_1206], %mul3A_1204 {strides = array<i32>} : memref<128x128xf32, #tpu.memory_space<vmem>>, vector<16xf32>,
        %get3A_1208 = arith.index_cast %add3A_1158 : i32 to index
        %get3A_1209 = arith.constant 112 : index
        %get3A_1210 = tpu.vector_load %arg15[%get3A_1208, %get3A_1209] {strides = array<i32>} : memref<128x128xf32, #tpu.memory_space<vmem>>, vector<16xf32>,
        %mul3A_1211 = arith.mulf %get3A_1210, %broadcast_in_dim3A_1154 : vector<16xf32>
        %swap3A_1212 = arith.index_cast %add3A_1158 : i32 to index
        %swap3A_1213 = arith.constant 112 : index
        %swap3A_1214 = tpu.vector_load %arg15[%swap3A_1212, %swap3A_1213] {strides = array<i32>} : memref<128x128xf32, #tpu.memory_space<vmem>>, vector<16xf32>,
        tpu.vector_store %arg15[%swap3A_1212, %swap3A_1213], %mul3A_1211 {strides = array<i32>} : memref<128x128xf32, #tpu.memory_space<vmem>>, vector<16xf32>,
        %slice3A_1215 = vector.extract_strided_slice %get3A_397 {offsets = [13], sizes = [1], strides = [1]} : vector<16xf32> to vector<1xf32>
        %squeeze3A_1216 = vector.extract %slice3A_1215[0] : f32 from vector<1xf32>
        %broadcast_in_dim3A_1217 = vector.broadcast %squeeze3A_1216 : f32 to vector<16xf32>
        %mul3A_1218 = arith.constant 16 : i32
        %mul3A_1219 = arith.muli %scan3A_392, %mul3A_1218 : i32
        %add3A_1220 = arith.constant 13 : i32
        %add3A_1221 = arith.addi %mul3A_1219, %add3A_1220 : i32
        %get3A_1222 = arith.index_cast %add3A_1221 : i32 to index
        %get3A_1223 = arith.constant 0 : index
        %get3A_1224 = tpu.vector_load %arg15[%get3A_1222, %get3A_1223] {strides = array<i32>} : memref<128x128xf32, #tpu.memory_space<vmem>>, vector<16xf32>,
        %mul3A_1225 = arith.mulf %get3A_1224, %broadcast_in_dim3A_1217 : vector<16xf32>
        %swap3A_1226 = arith.index_cast %add3A_1221 : i32 to index
        %swap3A_1227 = arith.constant 0 : index
        %swap3A_1228 = tpu.vector_load %arg15[%swap3A_1226, %swap3A_1227] {strides = array<i32>} : memref<128x128xf32, #tpu.memory_space<vmem>>, vector<16xf32>,
        tpu.vector_store %arg15[%swap3A_1226, %swap3A_1227], %mul3A_1225 {strides = array<i32>} : memref<128x128xf32, #tpu.memory_space<vmem>>, vector<16xf32>,
        %get3A_1229 = arith.index_cast %add3A_1221 : i32 to index
        %get3A_1230 = arith.constant 16 : index
        %get3A_1231 = tpu.vector_load %arg15[%get3A_1229, %get3A_1230] {strides = array<i32>} : memref<128x128xf32, #tpu.memory_space<vmem>>, vector<16xf32>,
        %mul3A_1232 = arith.mulf %get3A_1231, %broadcast_in_dim3A_1217 : vector<16xf32>
        %swap3A_1233 = arith.index_cast %add3A_1221 : i32 to index
        %swap3A_1234 = arith.constant 16 : index
        %swap3A_1235 = tpu.vector_load %arg15[%swap3A_1233, %swap3A_1234] {strides = array<i32>} : memref<128x128xf32, #tpu.memory_space<vmem>>, vector<16xf32>,
        tpu.vector_store %arg15[%swap3A_1233, %swap3A_1234], %mul3A_1232 {strides = array<i32>} : memref<128x128xf32, #tpu.memory_space<vmem>>, vector<16xf32>,
        %get3A_1236 = arith.index_cast %add3A_1221 : i32 to index
        %get3A_1237 = arith.constant 32 : index
        %get3A_1238 = tpu.vector_load %arg15[%get3A_1236, %get3A_1237] {strides = array<i32>} : memref<128x128xf32, #tpu.memory_space<vmem>>, vector<16xf32>,
        %mul3A_1239 = arith.mulf %get3A_1238, %broadcast_in_dim3A_1217 : vector<16xf32>
        %swap3A_1240 = arith.index_cast %add3A_1221 : i32 to index
        %swap3A_1241 = arith.constant 32 : index
        %swap3A_1242 = tpu.vector_load %arg15[%swap3A_1240, %swap3A_1241] {strides = array<i32>} : memref<128x128xf32, #tpu.memory_space<vmem>>, vector<16xf32>,
        tpu.vector_store %arg15[%swap3A_1240, %swap3A_1241], %mul3A_1239 {strides = array<i32>} : memref<128x128xf32, #tpu.memory_space<vmem>>, vector<16xf32>,
        %get3A_1243 = arith.index_cast %add3A_1221 : i32 to index
        %get3A_1244 = arith.constant 48 : index
        %get3A_1245 = tpu.vector_load %arg15[%get3A_1243, %get3A_1244] {strides = array<i32>} : memref<128x128xf32, #tpu.memory_space<vmem>>, vector<16xf32>,
        %mul3A_1246 = arith.mulf %get3A_1245, %broadcast_in_dim3A_1217 : vector<16xf32>
        %swap3A_1247 = arith.index_cast %add3A_1221 : i32 to index
        %swap3A_1248 = arith.constant 48 : index
        %swap3A_1249 = tpu.vector_load %arg15[%swap3A_1247, %swap3A_1248] {strides = array<i32>} : memref<128x128xf32, #tpu.memory_space<vmem>>, vector<16xf32>,
        tpu.vector_store %arg15[%swap3A_1247, %swap3A_1248], %mul3A_1246 {strides = array<i32>} : memref<128x128xf32, #tpu.memory_space<vmem>>, vector<16xf32>,
        %get3A_1250 = arith.index_cast %add3A_1221 : i32 to index
        %get3A_1251 = arith.constant 64 : index
        %get3A_1252 = tpu.vector_load %arg15[%get3A_1250, %get3A_1251] {strides = array<i32>} : memref<128x128xf32, #tpu.memory_space<vmem>>, vector<16xf32>,
        %mul3A_1253 = arith.mulf %get3A_1252, %broadcast_in_dim3A_1217 : vector<16xf32>
        %swap3A_1254 = arith.index_cast %add3A_1221 : i32 to index
        %swap3A_1255 = arith.constant 64 : index
        %swap3A_1256 = tpu.vector_load %arg15[%swap3A_1254, %swap3A_1255] {strides = array<i32>} : memref<128x128xf32, #tpu.memory_space<vmem>>, vector<16xf32>,
        tpu.vector_store %arg15[%swap3A_1254, %swap3A_1255], %mul3A_1253 {strides = array<i32>} : memref<128x128xf32, #tpu.memory_space<vmem>>, vector<16xf32>,
        %get3A_1257 = arith.index_cast %add3A_1221 : i32 to index
        %get3A_1258 = arith.constant 80 : index
        %get3A_1259 = tpu.vector_load %arg15[%get3A_1257, %get3A_1258] {strides = array<i32>} : memref<128x128xf32, #tpu.memory_space<vmem>>, vector<16xf32>,
        %mul3A_1260 = arith.mulf %get3A_1259, %broadcast_in_dim3A_1217 : vector<16xf32>
        %swap3A_1261 = arith.index_cast %add3A_1221 : i32 to index
        %swap3A_1262 = arith.constant 80 : index
        %swap3A_1263 = tpu.vector_load %arg15[%swap3A_1261, %swap3A_1262] {strides = array<i32>} : memref<128x128xf32, #tpu.memory_space<vmem>>, vector<16xf32>,
        tpu.vector_store %arg15[%swap3A_1261, %swap3A_1262], %mul3A_1260 {strides = array<i32>} : memref<128x128xf32, #tpu.memory_space<vmem>>, vector<16xf32>,
        %get3A_1264 = arith.index_cast %add3A_1221 : i32 to index
        %get3A_1265 = arith.constant 96 : index
        %get3A_1266 = tpu.vector_load %arg15[%get3A_1264, %get3A_1265] {strides = array<i32>} : memref<128x128xf32, #tpu.memory_space<vmem>>, vector<16xf32>,
        %mul3A_1267 = arith.mulf %get3A_1266, %broadcast_in_dim3A_1217 : vector<16xf32>
        %swap3A_1268 = arith.index_cast %add3A_1221 : i32 to index
        %swap3A_1269 = arith.constant 96 : index
        %swap3A_1270 = tpu.vector_load %arg15[%swap3A_1268, %swap3A_1269] {strides = array<i32>} : memref<128x128xf32, #tpu.memory_space<vmem>>, vector<16xf32>,
        tpu.vector_store %arg15[%swap3A_1268, %swap3A_1269], %mul3A_1267 {strides = array<i32>} : memref<128x128xf32, #tpu.memory_space<vmem>>, vector<16xf32>,
        %get3A_1271 = arith.index_cast %add3A_1221 : i32 to index
        %get3A_1272 = arith.constant 112 : index
        %get3A_1273 = tpu.vector_load %arg15[%get3A_1271, %get3A_1272] {strides = array<i32>} : memref<128x128xf32, #tpu.memory_space<vmem>>, vector<16xf32>,
        %mul3A_1274 = arith.mulf %get3A_1273, %broadcast_in_dim3A_1217 : vector<16xf32>
        %swap3A_1275 = arith.index_cast %add3A_1221 : i32 to index
        %swap3A_1276 = arith.constant 112 : index
        %swap3A_1277 = tpu.vector_load %arg15[%swap3A_1275, %swap3A_1276] {strides = array<i32>} : memref<128x128xf32, #tpu.memory_space<vmem>>, vector<16xf32>,
        tpu.vector_store %arg15[%swap3A_1275, %swap3A_1276], %mul3A_1274 {strides = array<i32>} : memref<128x128xf32, #tpu.memory_space<vmem>>, vector<16xf32>,
        %slice3A_1278 = vector.extract_strided_slice %get3A_397 {offsets = [14], sizes = [1], strides = [1]} : vector<16xf32> to vector<1xf32>
        %squeeze3A_1279 = vector.extract %slice3A_1278[0] : f32 from vector<1xf32>
        %broadcast_in_dim3A_1280 = vector.broadcast %squeeze3A_1279 : f32 to vector<16xf32>
        %mul3A_1281 = arith.constant 16 : i32
        %mul3A_1282 = arith.muli %scan3A_392, %mul3A_1281 : i32
        %add3A_1283 = arith.constant 14 : i32
        %add3A_1284 = arith.addi %mul3A_1282, %add3A_1283 : i32
        %get3A_1285 = arith.index_cast %add3A_1284 : i32 to index
        %get3A_1286 = arith.constant 0 : index
        %get3A_1287 = tpu.vector_load %arg15[%get3A_1285, %get3A_1286] {strides = array<i32>} : memref<128x128xf32, #tpu.memory_space<vmem>>, vector<16xf32>,
        %mul3A_1288 = arith.mulf %get3A_1287, %broadcast_in_dim3A_1280 : vector<16xf32>
        %swap3A_1289 = arith.index_cast %add3A_1284 : i32 to index
        %swap3A_1290 = arith.constant 0 : index
        %swap3A_1291 = tpu.vector_load %arg15[%swap3A_1289, %swap3A_1290] {strides = array<i32>} : memref<128x128xf32, #tpu.memory_space<vmem>>, vector<16xf32>,
        tpu.vector_store %arg15[%swap3A_1289, %swap3A_1290], %mul3A_1288 {strides = array<i32>} : memref<128x128xf32, #tpu.memory_space<vmem>>, vector<16xf32>,
        %get3A_1292 = arith.index_cast %add3A_1284 : i32 to index
        %get3A_1293 = arith.constant 16 : index
        %get3A_1294 = tpu.vector_load %arg15[%get3A_1292, %get3A_1293] {strides = array<i32>} : memref<128x128xf32, #tpu.memory_space<vmem>>, vector<16xf32>,
        %mul3A_1295 = arith.mulf %get3A_1294, %broadcast_in_dim3A_1280 : vector<16xf32>
        %swap3A_1296 = arith.index_cast %add3A_1284 : i32 to index
        %swap3A_1297 = arith.constant 16 : index
        %swap3A_1298 = tpu.vector_load %arg15[%swap3A_1296, %swap3A_1297] {strides = array<i32>} : memref<128x128xf32, #tpu.memory_space<vmem>>, vector<16xf32>,
        tpu.vector_store %arg15[%swap3A_1296, %swap3A_1297], %mul3A_1295 {strides = array<i32>} : memref<128x128xf32, #tpu.memory_space<vmem>>, vector<16xf32>,
        %get3A_1299 = arith.index_cast %add3A_1284 : i32 to index
        %get3A_1300 = arith.constant 32 : index
        %get3A_1301 = tpu.vector_load %arg15[%get3A_1299, %get3A_1300] {strides = array<i32>} : memref<128x128xf32, #tpu.memory_space<vmem>>, vector<16xf32>,
        %mul3A_1302 = arith.mulf %get3A_1301, %broadcast_in_dim3A_1280 : vector<16xf32>
        %swap3A_1303 = arith.index_cast %add3A_1284 : i32 to index
        %swap3A_1304 = arith.constant 32 : index
        %swap3A_1305 = tpu.vector_load %arg15[%swap3A_1303, %swap3A_1304] {strides = array<i32>} : memref<128x128xf32, #tpu.memory_space<vmem>>, vector<16xf32>,
        tpu.vector_store %arg15[%swap3A_1303, %swap3A_1304], %mul3A_1302 {strides = array<i32>} : memref<128x128xf32, #tpu.memory_space<vmem>>, vector<16xf32>,
        %get3A_1306 = arith.index_cast %add3A_1284 : i32 to index
        %get3A_1307 = arith.constant 48 : index
        %get3A_1308 = tpu.vector_load %arg15[%get3A_1306, %get3A_1307] {strides = array<i32>} : memref<128x128xf32, #tpu.memory_space<vmem>>, vector<16xf32>,
        %mul3A_1309 = arith.mulf %get3A_1308, %broadcast_in_dim3A_1280 : vector<16xf32>
        %swap3A_1310 = arith.index_cast %add3A_1284 : i32 to index
        %swap3A_1311 = arith.constant 48 : index
        %swap3A_1312 = tpu.vector_load %arg15[%swap3A_1310, %swap3A_1311] {strides = array<i32>} : memref<128x128xf32, #tpu.memory_space<vmem>>, vector<16xf32>,
        tpu.vector_store %arg15[%swap3A_1310, %swap3A_1311], %mul3A_1309 {strides = array<i32>} : memref<128x128xf32, #tpu.memory_space<vmem>>, vector<16xf32>,
        %get3A_1313 = arith.index_cast %add3A_1284 : i32 to index
        %get3A_1314 = arith.constant 64 : index
        %get3A_1315 = tpu.vector_load %arg15[%get3A_1313, %get3A_1314] {strides = array<i32>} : memref<128x128xf32, #tpu.memory_space<vmem>>, vector<16xf32>,
        %mul3A_1316 = arith.mulf %get3A_1315, %broadcast_in_dim3A_1280 : vector<16xf32>
        %swap3A_1317 = arith.index_cast %add3A_1284 : i32 to index
        %swap3A_1318 = arith.constant 64 : index
        %swap3A_1319 = tpu.vector_load %arg15[%swap3A_1317, %swap3A_1318] {strides = array<i32>} : memref<128x128xf32, #tpu.memory_space<vmem>>, vector<16xf32>,
        tpu.vector_store %arg15[%swap3A_1317, %swap3A_1318], %mul3A_1316 {strides = array<i32>} : memref<128x128xf32, #tpu.memory_space<vmem>>, vector<16xf32>,
        %get3A_1320 = arith.index_cast %add3A_1284 : i32 to index
        %get3A_1321 = arith.constant 80 : index
        %get3A_1322 = tpu.vector_load %arg15[%get3A_1320, %get3A_1321] {strides = array<i32>} : memref<128x128xf32, #tpu.memory_space<vmem>>, vector<16xf32>,
        %mul3A_1323 = arith.mulf %get3A_1322, %broadcast_in_dim3A_1280 : vector<16xf32>
        %swap3A_1324 = arith.index_cast %add3A_1284 : i32 to index
        %swap3A_1325 = arith.constant 80 : index
        %swap3A_1326 = tpu.vector_load %arg15[%swap3A_1324, %swap3A_1325] {strides = array<i32>} : memref<128x128xf32, #tpu.memory_space<vmem>>, vector<16xf32>,
        tpu.vector_store %arg15[%swap3A_1324, %swap3A_1325], %mul3A_1323 {strides = array<i32>} : memref<128x128xf32, #tpu.memory_space<vmem>>, vector<16xf32>,
        %get3A_1327 = arith.index_cast %add3A_1284 : i32 to index
        %get3A_1328 = arith.constant 96 : index
        %get3A_1329 = tpu.vector_load %arg15[%get3A_1327, %get3A_1328] {strides = array<i32>} : memref<128x128xf32, #tpu.memory_space<vmem>>, vector<16xf32>,
        %mul3A_1330 = arith.mulf %get3A_1329, %broadcast_in_dim3A_1280 : vector<16xf32>
        %swap3A_1331 = arith.index_cast %add3A_1284 : i32 to index
        %swap3A_1332 = arith.constant 96 : index
        %swap3A_1333 = tpu.vector_load %arg15[%swap3A_1331, %swap3A_1332] {strides = array<i32>} : memref<128x128xf32, #tpu.memory_space<vmem>>, vector<16xf32>,
        tpu.vector_store %arg15[%swap3A_1331, %swap3A_1332], %mul3A_1330 {strides = array<i32>} : memref<128x128xf32, #tpu.memory_space<vmem>>, vector<16xf32>,
        %get3A_1334 = arith.index_cast %add3A_1284 : i32 to index
        %get3A_1335 = arith.constant 112 : index
        %get3A_1336 = tpu.vector_load %arg15[%get3A_1334, %get3A_1335] {strides = array<i32>} : memref<128x128xf32, #tpu.memory_space<vmem>>, vector<16xf32>,
        %mul3A_1337 = arith.mulf %get3A_1336, %broadcast_in_dim3A_1280 : vector<16xf32>
        %swap3A_1338 = arith.index_cast %add3A_1284 : i32 to index
        %swap3A_1339 = arith.constant 112 : index
        %swap3A_1340 = tpu.vector_load %arg15[%swap3A_1338, %swap3A_1339] {strides = array<i32>} : memref<128x128xf32, #tpu.memory_space<vmem>>, vector<16xf32>,
        tpu.vector_store %arg15[%swap3A_1338, %swap3A_1339], %mul3A_1337 {strides = array<i32>} : memref<128x128xf32, #tpu.memory_space<vmem>>, vector<16xf32>,
        %slice3A_1341 = vector.extract_strided_slice %get3A_397 {offsets = [15], sizes = [1], strides = [1]} : vector<16xf32> to vector<1xf32>
        %squeeze3A_1342 = vector.extract %slice3A_1341[0] : f32 from vector<1xf32>
        %broadcast_in_dim3A_1343 = vector.broadcast %squeeze3A_1342 : f32 to vector<16xf32>
        %mul3A_1344 = arith.constant 16 : i32
        %mul3A_1345 = arith.muli %scan3A_392, %mul3A_1344 : i32
        %add3A_1346 = arith.constant 15 : i32
        %add3A_1347 = arith.addi %mul3A_1345, %add3A_1346 : i32
        %get3A_1348 = arith.index_cast %add3A_1347 : i32 to index
        %get3A_1349 = arith.constant 0 : index
        %get3A_1350 = tpu.vector_load %arg15[%get3A_1348, %get3A_1349] {strides = array<i32>} : memref<128x128xf32, #tpu.memory_space<vmem>>, vector<16xf32>,
        %mul3A_1351 = arith.mulf %get3A_1350, %broadcast_in_dim3A_1343 : vector<16xf32>
        %swap3A_1352 = arith.index_cast %add3A_1347 : i32 to index
        %swap3A_1353 = arith.constant 0 : index
        %swap3A_1354 = tpu.vector_load %arg15[%swap3A_1352, %swap3A_1353] {strides = array<i32>} : memref<128x128xf32, #tpu.memory_space<vmem>>, vector<16xf32>,
        tpu.vector_store %arg15[%swap3A_1352, %swap3A_1353], %mul3A_1351 {strides = array<i32>} : memref<128x128xf32, #tpu.memory_space<vmem>>, vector<16xf32>,
        %get3A_1355 = arith.index_cast %add3A_1347 : i32 to index
        %get3A_1356 = arith.constant 16 : index
        %get3A_1357 = tpu.vector_load %arg15[%get3A_1355, %get3A_1356] {strides = array<i32>} : memref<128x128xf32, #tpu.memory_space<vmem>>, vector<16xf32>,
        %mul3A_1358 = arith.mulf %get3A_1357, %broadcast_in_dim3A_1343 : vector<16xf32>
        %swap3A_1359 = arith.index_cast %add3A_1347 : i32 to index
        %swap3A_1360 = arith.constant 16 : index
        %swap3A_1361 = tpu.vector_load %arg15[%swap3A_1359, %swap3A_1360] {strides = array<i32>} : memref<128x128xf32, #tpu.memory_space<vmem>>, vector<16xf32>,
        tpu.vector_store %arg15[%swap3A_1359, %swap3A_1360], %mul3A_1358 {strides = array<i32>} : memref<128x128xf32, #tpu.memory_space<vmem>>, vector<16xf32>,
        %get3A_1362 = arith.index_cast %add3A_1347 : i32 to index
        %get3A_1363 = arith.constant 32 : index
        %get3A_1364 = tpu.vector_load %arg15[%get3A_1362, %get3A_1363] {strides = array<i32>} : memref<128x128xf32, #tpu.memory_space<vmem>>, vector<16xf32>,
        %mul3A_1365 = arith.mulf %get3A_1364, %broadcast_in_dim3A_1343 : vector<16xf32>
        %swap3A_1366 = arith.index_cast %add3A_1347 : i32 to index
        %swap3A_1367 = arith.constant 32 : index
        %swap3A_1368 = tpu.vector_load %arg15[%swap3A_1366, %swap3A_1367] {strides = array<i32>} : memref<128x128xf32, #tpu.memory_space<vmem>>, vector<16xf32>,
        tpu.vector_store %arg15[%swap3A_1366, %swap3A_1367], %mul3A_1365 {strides = array<i32>} : memref<128x128xf32, #tpu.memory_space<vmem>>, vector<16xf32>,
        %get3A_1369 = arith.index_cast %add3A_1347 : i32 to index
        %get3A_1370 = arith.constant 48 : index
        %get3A_1371 = tpu.vector_load %arg15[%get3A_1369, %get3A_1370] {strides = array<i32>} : memref<128x128xf32, #tpu.memory_space<vmem>>, vector<16xf32>,
        %mul3A_1372 = arith.mulf %get3A_1371, %broadcast_in_dim3A_1343 : vector<16xf32>
        %swap3A_1373 = arith.index_cast %add3A_1347 : i32 to index
        %swap3A_1374 = arith.constant 48 : index
        %swap3A_1375 = tpu.vector_load %arg15[%swap3A_1373, %swap3A_1374] {strides = array<i32>} : memref<128x128xf32, #tpu.memory_space<vmem>>, vector<16xf32>,
        tpu.vector_store %arg15[%swap3A_1373, %swap3A_1374], %mul3A_1372 {strides = array<i32>} : memref<128x128xf32, #tpu.memory_space<vmem>>, vector<16xf32>,
        %get3A_1376 = arith.index_cast %add3A_1347 : i32 to index
        %get3A_1377 = arith.constant 64 : index
        %get3A_1378 = tpu.vector_load %arg15[%get3A_1376, %get3A_1377] {strides = array<i32>} : memref<128x128xf32, #tpu.memory_space<vmem>>, vector<16xf32>,
        %mul3A_1379 = arith.mulf %get3A_1378, %broadcast_in_dim3A_1343 : vector<16xf32>
        %swap3A_1380 = arith.index_cast %add3A_1347 : i32 to index
        %swap3A_1381 = arith.constant 64 : index
        %swap3A_1382 = tpu.vector_load %arg15[%swap3A_1380, %swap3A_1381] {strides = array<i32>} : memref<128x128xf32, #tpu.memory_space<vmem>>, vector<16xf32>,
        tpu.vector_store %arg15[%swap3A_1380, %swap3A_1381], %mul3A_1379 {strides = array<i32>} : memref<128x128xf32, #tpu.memory_space<vmem>>, vector<16xf32>,
        %get3A_1383 = arith.index_cast %add3A_1347 : i32 to index
        %get3A_1384 = arith.constant 80 : index
        %get3A_1385 = tpu.vector_load %arg15[%get3A_1383, %get3A_1384] {strides = array<i32>} : memref<128x128xf32, #tpu.memory_space<vmem>>, vector<16xf32>,
        %mul3A_1386 = arith.mulf %get3A_1385, %broadcast_in_dim3A_1343 : vector<16xf32>
        %swap3A_1387 = arith.index_cast %add3A_1347 : i32 to index
        %swap3A_1388 = arith.constant 80 : index
        %swap3A_1389 = tpu.vector_load %arg15[%swap3A_1387, %swap3A_1388] {strides = array<i32>} : memref<128x128xf32, #tpu.memory_space<vmem>>, vector<16xf32>,
        tpu.vector_store %arg15[%swap3A_1387, %swap3A_1388], %mul3A_1386 {strides = array<i32>} : memref<128x128xf32, #tpu.memory_space<vmem>>, vector<16xf32>,
        %get3A_1390 = arith.index_cast %add3A_1347 : i32 to index
        %get3A_1391 = arith.constant 96 : index
        %get3A_1392 = tpu.vector_load %arg15[%get3A_1390, %get3A_1391] {strides = array<i32>} : memref<128x128xf32, #tpu.memory_space<vmem>>, vector<16xf32>,
        %mul3A_1393 = arith.mulf %get3A_1392, %broadcast_in_dim3A_1343 : vector<16xf32>
        %swap3A_1394 = arith.index_cast %add3A_1347 : i32 to index
        %swap3A_1395 = arith.constant 96 : index
        %swap3A_1396 = tpu.vector_load %arg15[%swap3A_1394, %swap3A_1395] {strides = array<i32>} : memref<128x128xf32, #tpu.memory_space<vmem>>, vector<16xf32>,
        tpu.vector_store %arg15[%swap3A_1394, %swap3A_1395], %mul3A_1393 {strides = array<i32>} : memref<128x128xf32, #tpu.memory_space<vmem>>, vector<16xf32>,
        %get3A_1397 = arith.index_cast %add3A_1347 : i32 to index
        %get3A_1398 = arith.constant 112 : index
        %get3A_1399 = tpu.vector_load %arg15[%get3A_1397, %get3A_1398] {strides = array<i32>} : memref<128x128xf32, #tpu.memory_space<vmem>>, vector<16xf32>,
        %mul3A_1400 = arith.mulf %get3A_1399, %broadcast_in_dim3A_1343 : vector<16xf32>
        %swap3A_1401 = arith.index_cast %add3A_1347 : i32 to index
        %swap3A_1402 = arith.constant 112 : index
        %swap3A_1403 = tpu.vector_load %arg15[%swap3A_1401, %swap3A_1402] {strides = array<i32>} : memref<128x128xf32, #tpu.memory_space<vmem>>, vector<16xf32>,
        tpu.vector_store %arg15[%swap3A_1401, %swap3A_1402], %mul3A_1400 {strides = array<i32>} : memref<128x128xf32, #tpu.memory_space<vmem>>, vector<16xf32>,
        %scan3A_1404 = arith.constant 0 : i32
        scf.yield %scan3A_1404 : i32
      }
      %scan3A_359 = arith.constant 8 : i32
      "tpu.region"() ({
        %run_scoped3A = tpu.sem_alloc : memref<!tpu.dma_semaphore, #tpu.memory_space<semaphore_mem>>
        %dma_start3A_392 = arith.constant 0 : i32
        %dma_start3A_393 = tpu.memref_slice %arg14[%rem3A_179, %dma_start3A_392] : memref<2x128xi32, #tpu.memory_space<vmem>> -> memref<1x128xi32, #tpu.memory_space<vmem>>
        %dma_start3A_394 = tpu.memref_squeeze %dma_start3A_393 : memref<1x128xi32, #tpu.memory_space<vmem>> -> memref<128xi32, #tpu.memory_space<vmem>>
        %dma_start3A_395 = arith.constant 0 : i32
        %dma_start3A_396 = arith.constant 0 : i32
        %dma_start3A_397 = tpu.memref_slice %arg18[%dma_start3A_395, %dma_start3A_396] : memref<10240x128xf32, #tpu.memory_space<vmem_shared>> -> memref<10240x128xf32, #tpu.memory_space<vmem_shared>>
        tpu.enqueue_indirect_dma source(%arg15 : memref<128x128xf32, #tpu.memory_space<vmem>>) target(%dma_start3A_397 : memref<10240x128xf32, #tpu.memory_space<vmem_shared>>) offsets(%dma_start3A_394 : memref<128xi32, #tpu.memory_space<vmem>>) semaphore(%run_scoped3A : memref<!tpu.dma_semaphore, #tpu.memory_space<semaphore_mem>>) {add = true}
        %dma_wait3A_398 = arith.constant 0 : i32
        %dma_wait3A_399 = tpu.memref_slice %arg14[%rem3A_179, %dma_wait3A_398] : memref<2x128xi32, #tpu.memory_space<vmem>> -> memref<1x128xi32, #tpu.memory_space<vmem>>
        %dma_wait3A_400 = tpu.memref_squeeze %dma_wait3A_399 : memref<1x128xi32, #tpu.memory_space<vmem>> -> memref<128xi32, #tpu.memory_space<vmem>>
        %dma_wait3A_401 = arith.constant 0 : i32
        %dma_wait3A_402 = arith.constant 0 : i32
        %dma_wait3A_403 = tpu.memref_slice %arg18[%dma_wait3A_401, %dma_wait3A_402] : memref<10240x128xf32, #tpu.memory_space<vmem_shared>> -> memref<10240x128xf32, #tpu.memory_space<vmem_shared>>
        tpu.wait_indirect_dma semaphore(%run_scoped3A : memref<!tpu.dma_semaphore, #tpu.memory_space<semaphore_mem>>) src(%arg15 : memref<128x128xf32, #tpu.memory_space<vmem>>) dst(%dma_wait3A_403 : memref<10240x128xf32, #tpu.memory_space<vmem_shared>>)
        tpu.yield
      }) : () -> ()
      "tpu.region"() ({
        %run_scoped3A = tpu.sem_alloc : memref<!tpu.dma_semaphore, #tpu.memory_space<semaphore_mem>>
        %dma_start3A_392 = arith.constant 0 : i32
        %dma_start3A_393 = tpu.memref_slice %arg14[%rem3A_179, %dma_start3A_392] : memref<2x128xi32, #tpu.memory_space<vmem>> -> memref<1x128xi32, #tpu.memory_space<vmem>>
        %dma_start3A_394 = tpu.memref_squeeze %dma_start3A_393 : memref<1x128xi32, #tpu.memory_space<vmem>> -> memref<128xi32, #tpu.memory_space<vmem>>
        %dma_start3A_395 = arith.constant 0 : i32
        %dma_start3A_396 = tpu.memref_slice %arg19[%dma_start3A_395] : memref<10240xf32, #tpu.memory_space<vmem_shared>> -> memref<10240xf32, #tpu.memory_space<vmem_shared>>
        tpu.enqueue_indirect_dma source(%arg16 : memref<128xf32, #tpu.memory_space<vmem>>) target(%dma_start3A_396 : memref<10240xf32, #tpu.memory_space<vmem_shared>>) offsets(%dma_start3A_394 : memref<128xi32, #tpu.memory_space<vmem>>) semaphore(%run_scoped3A : memref<!tpu.dma_semaphore, #tpu.memory_space<semaphore_mem>>) {add = true}
        %dma_wait3A_397 = arith.constant 0 : i32
        %dma_wait3A_398 = tpu.memref_slice %arg14[%rem3A_179, %dma_wait3A_397] : memref<2x128xi32, #tpu.memory_space<vmem>> -> memref<1x128xi32, #tpu.memory_space<vmem>>
        %dma_wait3A_399 = tpu.memref_squeeze %dma_wait3A_398 : memref<1x128xi32, #tpu.memory_space<vmem>> -> memref<128xi32, #tpu.memory_space<vmem>>
        %dma_wait3A_400 = arith.constant 0 : i32
        %dma_wait3A_401 = tpu.memref_slice %arg19[%dma_wait3A_400] : memref<10240xf32, #tpu.memory_space<vmem_shared>> -> memref<10240xf32, #tpu.memory_space<vmem_shared>>
        tpu.wait_indirect_dma semaphore(%run_scoped3A : memref<!tpu.dma_semaphore, #tpu.memory_space<semaphore_mem>>) src(%arg16 : memref<128xf32, #tpu.memory_space<vmem>>) dst(%dma_wait3A_401 : memref<10240xf32, #tpu.memory_space<vmem_shared>>)
        tpu.yield
      }) : () -> ()
      %add3A_360 = arith.constant 2 : i32
      %add3A_361 = arith.addi %scan3A_177, %add3A_360 : i32
      %min3A = arith.constant 80 : i32
      %min3A_362 = arith.minsi %add3A_361, %min3A : i32
      %dma_start3A_363 = arith.constant 0 : i32
      %dma_start3A_364 = tpu.memref_slice %arg13[%rem3A_179, %dma_start3A_363] : memref<2x128xi32, #tpu.memory_space<vmem>> -> memref<1x128xi32, #tpu.memory_space<vmem>>
      %dma_start3A_365 = tpu.memref_squeeze %dma_start3A_364 : memref<1x128xi32, #tpu.memory_space<vmem>> -> memref<128xi32, #tpu.memory_space<vmem>>
      %dma_start3A_366 = arith.constant 0 : i32
      %dma_start3A_367 = tpu.memref_slice %arg6[%arg0, %arg1, %min3A_362, %dma_start3A_366] : memref<2x16x81x128xi32, #tpu.memory_space<hbm>> -> memref<1x1x1x128xi32, #tpu.memory_space<hbm>>
      %dma_start3A_368 = tpu.memref_squeeze %dma_start3A_367 : memref<1x1x1x128xi32, #tpu.memory_space<hbm>> -> memref<128xi32, #tpu.memory_space<hbm>>
      %dma_start3A_369 = tpu.memref_slice %arg21[%rem3A_179] : memref<2x!tpu.dma_semaphore, #tpu.memory_space<semaphore_mem>> -> memref<1x!tpu.dma_semaphore, #tpu.memory_space<semaphore_mem>>
      %dma_start3A_370 = tpu.memref_squeeze %dma_start3A_369 : memref<1x!tpu.dma_semaphore, #tpu.memory_space<semaphore_mem>> -> memref<!tpu.dma_semaphore, #tpu.memory_space<semaphore_mem>>
      %dma_start3A_371 = arith.constant 0 : i32
      %dma_start3A_372 = tpu.memref_slice %arg13[%rem3A_179, %dma_start3A_371] : memref<2x128xi32, #tpu.memory_space<vmem>> -> memref<1x128xi32, #tpu.memory_space<vmem>>
      %dma_start3A_373 = tpu.memref_squeeze %dma_start3A_372 : memref<1x128xi32, #tpu.memory_space<vmem>> -> memref<128xi32, #tpu.memory_space<vmem>>
      %dma_start3A_374 = arith.constant 0 : i32
      %dma_start3A_375 = tpu.memref_slice %arg6[%arg0, %arg1, %min3A_362, %dma_start3A_374] : memref<2x16x81x128xi32, #tpu.memory_space<hbm>> -> memref<1x1x1x128xi32, #tpu.memory_space<hbm>>
      %dma_start3A_376 = tpu.memref_squeeze %dma_start3A_375 : memref<1x1x1x128xi32, #tpu.memory_space<hbm>> -> memref<128xi32, #tpu.memory_space<hbm>>
      tpu.enqueue_dma source(%dma_start3A_376 : memref<128xi32, #tpu.memory_space<hbm>>) target(%dma_start3A_373 : memref<128xi32, #tpu.memory_space<vmem>>) target_semaphore(%dma_start3A_370 : memref<!tpu.dma_semaphore, #tpu.memory_space<semaphore_mem>>)
      %dma_start3A_377 = arith.constant 0 : i32
      %dma_start3A_378 = tpu.memref_slice %arg14[%rem3A_179, %dma_start3A_377] : memref<2x128xi32, #tpu.memory_space<vmem>> -> memref<1x128xi32, #tpu.memory_space<vmem>>
      %dma_start3A_379 = tpu.memref_squeeze %dma_start3A_378 : memref<1x128xi32, #tpu.memory_space<vmem>> -> memref<128xi32, #tpu.memory_space<vmem>>
      %dma_start3A_380 = arith.constant 0 : i32
      %dma_start3A_381 = tpu.memref_slice %arg7[%arg0, %arg1, %min3A_362, %dma_start3A_380] : memref<2x16x81x128xi32, #tpu.memory_space<hbm>> -> memref<1x1x1x128xi32, #tpu.memory_space<hbm>>
      %dma_start3A_382 = tpu.memref_squeeze %dma_start3A_381 : memref<1x1x1x128xi32, #tpu.memory_space<hbm>> -> memref<128xi32, #tpu.memory_space<hbm>>
      %dma_start3A_383 = tpu.memref_slice %arg21[%rem3A_179] : memref<2x!tpu.dma_semaphore, #tpu.memory_space<semaphore_mem>> -> memref<1x!tpu.dma_semaphore, #tpu.memory_space<semaphore_mem>>
      %dma_start3A_384 = tpu.memref_squeeze %dma_start3A_383 : memref<1x!tpu.dma_semaphore, #tpu.memory_space<semaphore_mem>> -> memref<!tpu.dma_semaphore, #tpu.memory_space<semaphore_mem>>
      %dma_start3A_385 = arith.constant 0 : i32
      %dma_start3A_386 = tpu.memref_slice %arg14[%rem3A_179, %dma_start3A_385] : memref<2x128xi32, #tpu.memory_space<vmem>> -> memref<1x128xi32, #tpu.memory_space<vmem>>
      %dma_start3A_387 = tpu.memref_squeeze %dma_start3A_386 : memref<1x128xi32, #tpu.memory_space<vmem>> -> memref<128xi32, #tpu.memory_space<vmem>>
      %dma_start3A_388 = arith.constant 0 : i32
      %dma_start3A_389 = tpu.memref_slice %arg7[%arg0, %arg1, %min3A_362, %dma_start3A_388] : memref<2x16x81x128xi32, #tpu.memory_space<hbm>> -> memref<1x1x1x128xi32, #tpu.memory_space<hbm>>
      %dma_start3A_390 = tpu.memref_squeeze %dma_start3A_389 : memref<1x1x1x128xi32, #tpu.memory_space<hbm>> -> memref<128xi32, #tpu.memory_space<hbm>>
      tpu.enqueue_dma source(%dma_start3A_390 : memref<128xi32, #tpu.memory_space<hbm>>) target(%dma_start3A_387 : memref<128xi32, #tpu.memory_space<vmem>>) target_semaphore(%dma_start3A_384 : memref<!tpu.dma_semaphore, #tpu.memory_space<semaphore_mem>>)
      %scan3A_391 = arith.constant 0 : i32
      scf.yield %scan3A_391 : i32
    }
    %scan3A_98 = arith.constant 81 : i32
    %dma_wait3A = arith.constant 0 : i32
    %dma_wait3A_99 = arith.constant 0 : i32
    %dma_wait3A_100 = arith.constant 0 : i32
    %dma_wait3A_101 = arith.constant 0 : i32
    %dma_wait3A_102 = tpu.memref_slice %arg13[%dma_wait3A_99, %dma_wait3A_101] : memref<2x128xi32, #tpu.memory_space<vmem>> -> memref<1x128xi32, #tpu.memory_space<vmem>>
    %dma_wait3A_103 = tpu.memref_squeeze %dma_wait3A_102 : memref<1x128xi32, #tpu.memory_space<vmem>> -> memref<128xi32, #tpu.memory_space<vmem>>
    %dma_wait3A_104 = arith.constant 0 : i32
    %dma_wait3A_105 = tpu.memref_slice %arg6[%arg0, %arg1, %dma_wait3A, %dma_wait3A_104] : memref<2x16x81x128xi32, #tpu.memory_space<hbm>> -> memref<1x1x1x128xi32, #tpu.memory_space<hbm>>
    %dma_wait3A_106 = tpu.memref_squeeze %dma_wait3A_105 : memref<1x1x1x128xi32, #tpu.memory_space<hbm>> -> memref<128xi32, #tpu.memory_space<hbm>>
    %dma_wait3A_107 = tpu.memref_slice %arg21[%dma_wait3A_100] : memref<2x!tpu.dma_semaphore, #tpu.memory_space<semaphore_mem>> -> memref<1x!tpu.dma_semaphore, #tpu.memory_space<semaphore_mem>>
    %dma_wait3A_108 = tpu.memref_squeeze %dma_wait3A_107 : memref<1x!tpu.dma_semaphore, #tpu.memory_space<semaphore_mem>> -> memref<!tpu.dma_semaphore, #tpu.memory_space<semaphore_mem>>
    %dma_wait3A_109 = arith.constant 0 : i32
    %dma_wait3A_110 = tpu.memref_slice %arg13[%dma_wait3A_99, %dma_wait3A_109] : memref<2x128xi32, #tpu.memory_space<vmem>> -> memref<1x128xi32, #tpu.memory_space<vmem>>
    %dma_wait3A_111 = tpu.memref_squeeze %dma_wait3A_110 : memref<1x128xi32, #tpu.memory_space<vmem>> -> memref<128xi32, #tpu.memory_space<vmem>>
    %dma_wait3A_112 = arith.constant 0 : i32
    %dma_wait3A_113 = tpu.memref_slice %arg6[%arg0, %arg1, %dma_wait3A, %dma_wait3A_112] : memref<2x16x81x128xi32, #tpu.memory_space<hbm>> -> memref<1x1x1x128xi32, #tpu.memory_space<hbm>>
    %dma_wait3A_114 = tpu.memref_squeeze %dma_wait3A_113 : memref<1x1x1x128xi32, #tpu.memory_space<hbm>> -> memref<128xi32, #tpu.memory_space<hbm>>
    tpu.wait_dma2 semaphore(%dma_wait3A_108 : memref<!tpu.dma_semaphore, #tpu.memory_space<semaphore_mem>>) src(%dma_wait3A_114 : memref<128xi32, #tpu.memory_space<hbm>>) dst(%dma_wait3A_111 : memref<128xi32, #tpu.memory_space<vmem>>)
    %dma_wait3A_115 = arith.constant 0 : i32
    %dma_wait3A_116 = arith.constant 0 : i32
    %dma_wait3A_117 = arith.constant 0 : i32
    %dma_wait3A_118 = arith.constant 0 : i32
    %dma_wait3A_119 = tpu.memref_slice %arg14[%dma_wait3A_116, %dma_wait3A_118] : memref<2x128xi32, #tpu.memory_space<vmem>> -> memref<1x128xi32, #tpu.memory_space<vmem>>
    %dma_wait3A_120 = tpu.memref_squeeze %dma_wait3A_119 : memref<1x128xi32, #tpu.memory_space<vmem>> -> memref<128xi32, #tpu.memory_space<vmem>>
    %dma_wait3A_121 = arith.constant 0 : i32
    %dma_wait3A_122 = tpu.memref_slice %arg7[%arg0, %arg1, %dma_wait3A_115, %dma_wait3A_121] : memref<2x16x81x128xi32, #tpu.memory_space<hbm>> -> memref<1x1x1x128xi32, #tpu.memory_space<hbm>>
    %dma_wait3A_123 = tpu.memref_squeeze %dma_wait3A_122 : memref<1x1x1x128xi32, #tpu.memory_space<hbm>> -> memref<128xi32, #tpu.memory_space<hbm>>
    %dma_wait3A_124 = tpu.memref_slice %arg21[%dma_wait3A_117] : memref<2x!tpu.dma_semaphore, #tpu.memory_space<semaphore_mem>> -> memref<1x!tpu.dma_semaphore, #tpu.memory_space<semaphore_mem>>
    %dma_wait3A_125 = tpu.memref_squeeze %dma_wait3A_124 : memref<1x!tpu.dma_semaphore, #tpu.memory_space<semaphore_mem>> -> memref<!tpu.dma_semaphore, #tpu.memory_space<semaphore_mem>>
    %dma_wait3A_126 = arith.constant 0 : i32
    %dma_wait3A_127 = tpu.memref_slice %arg14[%dma_wait3A_116, %dma_wait3A_126] : memref<2x128xi32, #tpu.memory_space<vmem>> -> memref<1x128xi32, #tpu.memory_space<vmem>>
    %dma_wait3A_128 = tpu.memref_squeeze %dma_wait3A_127 : memref<1x128xi32, #tpu.memory_space<vmem>> -> memref<128xi32, #tpu.memory_space<vmem>>
    %dma_wait3A_129 = arith.constant 0 : i32
    %dma_wait3A_130 = tpu.memref_slice %arg7[%arg0, %arg1, %dma_wait3A_115, %dma_wait3A_129] : memref<2x16x81x128xi32, #tpu.memory_space<hbm>> -> memref<1x1x1x128xi32, #tpu.memory_space<hbm>>
    %dma_wait3A_131 = tpu.memref_squeeze %dma_wait3A_130 : memref<1x1x1x128xi32, #tpu.memory_space<hbm>> -> memref<128xi32, #tpu.memory_space<hbm>>
    tpu.wait_dma2 semaphore(%dma_wait3A_125 : memref<!tpu.dma_semaphore, #tpu.memory_space<semaphore_mem>>) src(%dma_wait3A_131 : memref<128xi32, #tpu.memory_space<hbm>>) dst(%dma_wait3A_128 : memref<128xi32, #tpu.memory_space<vmem>>)
    %dma_wait3A_132 = arith.constant 0 : i32
    %dma_wait3A_133 = arith.constant 1 : i32
    %dma_wait3A_134 = arith.constant 1 : i32
    %dma_wait3A_135 = arith.constant 0 : i32
    %dma_wait3A_136 = tpu.memref_slice %arg13[%dma_wait3A_133, %dma_wait3A_135] : memref<2x128xi32, #tpu.memory_space<vmem>> -> memref<1x128xi32, #tpu.memory_space<vmem>>
    %dma_wait3A_137 = tpu.memref_squeeze %dma_wait3A_136 : memref<1x128xi32, #tpu.memory_space<vmem>> -> memref<128xi32, #tpu.memory_space<vmem>>
    %dma_wait3A_138 = arith.constant 0 : i32
    %dma_wait3A_139 = tpu.memref_slice %arg6[%arg0, %arg1, %dma_wait3A_132, %dma_wait3A_138] : memref<2x16x81x128xi32, #tpu.memory_space<hbm>> -> memref<1x1x1x128xi32, #tpu.memory_space<hbm>>
    %dma_wait3A_140 = tpu.memref_squeeze %dma_wait3A_139 : memref<1x1x1x128xi32, #tpu.memory_space<hbm>> -> memref<128xi32, #tpu.memory_space<hbm>>
    %dma_wait3A_141 = tpu.memref_slice %arg21[%dma_wait3A_134] : memref<2x!tpu.dma_semaphore, #tpu.memory_space<semaphore_mem>> -> memref<1x!tpu.dma_semaphore, #tpu.memory_space<semaphore_mem>>
    %dma_wait3A_142 = tpu.memref_squeeze %dma_wait3A_141 : memref<1x!tpu.dma_semaphore, #tpu.memory_space<semaphore_mem>> -> memref<!tpu.dma_semaphore, #tpu.memory_space<semaphore_mem>>
    %dma_wait3A_143 = arith.constant 0 : i32
    %dma_wait3A_144 = tpu.memref_slice %arg13[%dma_wait3A_133, %dma_wait3A_143] : memref<2x128xi32, #tpu.memory_space<vmem>> -> memref<1x128xi32, #tpu.memory_space<vmem>>
    %dma_wait3A_145 = tpu.memref_squeeze %dma_wait3A_144 : memref<1x128xi32, #tpu.memory_space<vmem>> -> memref<128xi32, #tpu.memory_space<vmem>>
    %dma_wait3A_146 = arith.constant 0 : i32
    %dma_wait3A_147 = tpu.memref_slice %arg6[%arg0, %arg1, %dma_wait3A_132, %dma_wait3A_146] : memref<2x16x81x128xi32, #tpu.memory_space<hbm>> -> memref<1x1x1x128xi32, #tpu.memory_space<hbm>>
    %dma_wait3A_148 = tpu.memref_squeeze %dma_wait3A_147 : memref<1x1x1x128xi32, #tpu.memory_space<hbm>> -> memref<128xi32, #tpu.memory_space<hbm>>
    tpu.wait_dma2 semaphore(%dma_wait3A_142 : memref<!tpu.dma_semaphore, #tpu.memory_space<semaphore_mem>>) src(%dma_wait3A_148 : memref<128xi32, #tpu.memory_space<hbm>>) dst(%dma_wait3A_145 : memref<128xi32, #tpu.memory_space<vmem>>)
    %dma_wait3A_149 = arith.constant 0 : i32
    %dma_wait3A_150 = arith.constant 1 : i32
    %dma_wait3A_151 = arith.constant 1 : i32
    %dma_wait3A_152 = arith.constant 0 : i32
    %dma_wait3A_153 = tpu.memref_slice %arg14[%dma_wait3A_150, %dma_wait3A_152] : memref<2x128xi32, #tpu.memory_space<vmem>> -> memref<1x128xi32, #tpu.memory_space<vmem>>
    %dma_wait3A_154 = tpu.memref_squeeze %dma_wait3A_153 : memref<1x128xi32, #tpu.memory_space<vmem>> -> memref<128xi32, #tpu.memory_space<vmem>>
    %dma_wait3A_155 = arith.constant 0 : i32
    %dma_wait3A_156 = tpu.memref_slice %arg7[%arg0, %arg1, %dma_wait3A_149, %dma_wait3A_155] : memref<2x16x81x128xi32, #tpu.memory_space<hbm>> -> memref<1x1x1x128xi32, #tpu.memory_space<hbm>>
    %dma_wait3A_157 = tpu.memref_squeeze %dma_wait3A_156 : memref<1x1x1x128xi32, #tpu.memory_space<hbm>> -> memref<128xi32, #tpu.memory_space<hbm>>
    %dma_wait3A_158 = tpu.memref_slice %arg21[%dma_wait3A_151] : memref<2x!tpu.dma_semaphore, #tpu.memory_space<semaphore_mem>> -> memref<1x!tpu.dma_semaphore, #tpu.memory_space<semaphore_mem>>
    %dma_wait3A_159 = tpu.memref_squeeze %dma_wait3A_158 : memref<1x!tpu.dma_semaphore, #tpu.memory_space<semaphore_mem>> -> memref<!tpu.dma_semaphore, #tpu.memory_space<semaphore_mem>>
    %dma_wait3A_160 = arith.constant 0 : i32
    %dma_wait3A_161 = tpu.memref_slice %arg14[%dma_wait3A_150, %dma_wait3A_160] : memref<2x128xi32, #tpu.memory_space<vmem>> -> memref<1x128xi32, #tpu.memory_space<vmem>>
    %dma_wait3A_162 = tpu.memref_squeeze %dma_wait3A_161 : memref<1x128xi32, #tpu.memory_space<vmem>> -> memref<128xi32, #tpu.memory_space<vmem>>
    %dma_wait3A_163 = arith.constant 0 : i32
    %dma_wait3A_164 = tpu.memref_slice %arg7[%arg0, %arg1, %dma_wait3A_149, %dma_wait3A_163] : memref<2x16x81x128xi32, #tpu.memory_space<hbm>> -> memref<1x1x1x128xi32, #tpu.memory_space<hbm>>
    %dma_wait3A_165 = tpu.memref_squeeze %dma_wait3A_164 : memref<1x1x1x128xi32, #tpu.memory_space<hbm>> -> memref<128xi32, #tpu.memory_space<hbm>>
    tpu.wait_dma2 semaphore(%dma_wait3A_159 : memref<!tpu.dma_semaphore, #tpu.memory_space<semaphore_mem>>) src(%dma_wait3A_165 : memref<128xi32, #tpu.memory_space<hbm>>) dst(%dma_wait3A_162 : memref<128xi32, #tpu.memory_space<vmem>>)
    %barrier3A_166 = arith.constant 0 : index
    tpu.barrier barrier_id(%barrier3A_166)
    %add3A_167 = arith.constant 0 : i32
    %add3A_168 = arith.addi %mul3A_81, %add3A_167 : i32
    "tpu.region"() ({
      %run_scoped3A = tpu.sem_alloc : memref<!tpu.dma_semaphore, #tpu.memory_space<semaphore_mem>>
      %dma_start3A_177 = arith.constant 0 : i32
      %dma_start3A_178 = tpu.memref_slice %arg8[%arg0, %add3A_168, %dma_start3A_177] : memref<2x10240x128xf32, #tpu.memory_space<hbm>> -> memref<1x128x128xf32, #tpu.memory_space<hbm>>
      %dma_start3A_179 = tpu.memref_squeeze %dma_start3A_178 : memref<1x128x128xf32, #tpu.memory_space<hbm>> -> memref<128x128xf32, #tpu.memory_space<hbm>>
      %dma_start3A_180 = arith.constant 0 : i32
      %dma_start3A_181 = tpu.memref_slice %arg18[%add3A_168, %dma_start3A_180] : memref<10240x128xf32, #tpu.memory_space<vmem_shared>> -> memref<128x128xf32, #tpu.memory_space<vmem_shared>>
      tpu.enqueue_dma source(%dma_start3A_181 : memref<128x128xf32, #tpu.memory_space<vmem_shared>>) target(%dma_start3A_179 : memref<128x128xf32, #tpu.memory_space<hbm>>) target_semaphore(%run_scoped3A : memref<!tpu.dma_semaphore, #tpu.memory_space<semaphore_mem>>)
      %dma_wait3A_182 = arith.constant 0 : i32
      %dma_wait3A_183 = tpu.memref_slice %arg8[%arg0, %add3A_168, %dma_wait3A_182] : memref<2x10240x128xf32, #tpu.memory_space<hbm>> -> memref<1x128x128xf32, #tpu.memory_space<hbm>>
      %dma_wait3A_184 = tpu.memref_squeeze %dma_wait3A_183 : memref<1x128x128xf32, #tpu.memory_space<hbm>> -> memref<128x128xf32, #tpu.memory_space<hbm>>
      %dma_wait3A_185 = arith.constant 0 : i32
      %dma_wait3A_186 = tpu.memref_slice %arg18[%add3A_168, %dma_wait3A_185] : memref<10240x128xf32, #tpu.memory_space<vmem_shared>> -> memref<128x128xf32, #tpu.memory_space<vmem_shared>>
      tpu.wait_dma2 semaphore(%run_scoped3A : memref<!tpu.dma_semaphore, #tpu.memory_space<semaphore_mem>>) src(%dma_wait3A_186 : memref<128x128xf32, #tpu.memory_space<vmem_shared>>) dst(%dma_wait3A_184 : memref<128x128xf32, #tpu.memory_space<hbm>>)
      tpu.yield
    }) : () -> ()
    %add3A_169 = arith.constant 128 : i32
    %add3A_170 = arith.addi %mul3A_81, %add3A_169 : i32
    "tpu.region"() ({
      %run_scoped3A = tpu.sem_alloc : memref<!tpu.dma_semaphore, #tpu.memory_space<semaphore_mem>>
      %dma_start3A_177 = arith.constant 0 : i32
      %dma_start3A_178 = tpu.memref_slice %arg8[%arg0, %add3A_170, %dma_start3A_177] : memref<2x10240x128xf32, #tpu.memory_space<hbm>> -> memref<1x128x128xf32, #tpu.memory_space<hbm>>
      %dma_start3A_179 = tpu.memref_squeeze %dma_start3A_178 : memref<1x128x128xf32, #tpu.memory_space<hbm>> -> memref<128x128xf32, #tpu.memory_space<hbm>>
      %dma_start3A_180 = arith.constant 0 : i32
      %dma_start3A_181 = tpu.memref_slice %arg18[%add3A_170, %dma_start3A_180] : memref<10240x128xf32, #tpu.memory_space<vmem_shared>> -> memref<128x128xf32, #tpu.memory_space<vmem_shared>>
      tpu.enqueue_dma source(%dma_start3A_181 : memref<128x128xf32, #tpu.memory_space<vmem_shared>>) target(%dma_start3A_179 : memref<128x128xf32, #tpu.memory_space<hbm>>) target_semaphore(%run_scoped3A : memref<!tpu.dma_semaphore, #tpu.memory_space<semaphore_mem>>)
      %dma_wait3A_182 = arith.constant 0 : i32
      %dma_wait3A_183 = tpu.memref_slice %arg8[%arg0, %add3A_170, %dma_wait3A_182] : memref<2x10240x128xf32, #tpu.memory_space<hbm>> -> memref<1x128x128xf32, #tpu.memory_space<hbm>>
      %dma_wait3A_184 = tpu.memref_squeeze %dma_wait3A_183 : memref<1x128x128xf32, #tpu.memory_space<hbm>> -> memref<128x128xf32, #tpu.memory_space<hbm>>
      %dma_wait3A_185 = arith.constant 0 : i32
      %dma_wait3A_186 = tpu.memref_slice %arg18[%add3A_170, %dma_wait3A_185] : memref<10240x128xf32, #tpu.memory_space<vmem_shared>> -> memref<128x128xf32, #tpu.memory_space<vmem_shared>>
      tpu.wait_dma2 semaphore(%run_scoped3A : memref<!tpu.dma_semaphore, #tpu.memory_space<semaphore_mem>>) src(%dma_wait3A_186 : memref<128x128xf32, #tpu.memory_space<vmem_shared>>) dst(%dma_wait3A_184 : memref<128x128xf32, #tpu.memory_space<hbm>>)
      tpu.yield
    }) : () -> ()
    %add3A_171 = arith.constant 256 : i32
    %add3A_172 = arith.addi %mul3A_81, %add3A_171 : i32
    "tpu.region"() ({
      %run_scoped3A = tpu.sem_alloc : memref<!tpu.dma_semaphore, #tpu.memory_space<semaphore_mem>>
      %dma_start3A_177 = arith.constant 0 : i32
      %dma_start3A_178 = tpu.memref_slice %arg8[%arg0, %add3A_172, %dma_start3A_177] : memref<2x10240x128xf32, #tpu.memory_space<hbm>> -> memref<1x128x128xf32, #tpu.memory_space<hbm>>
      %dma_start3A_179 = tpu.memref_squeeze %dma_start3A_178 : memref<1x128x128xf32, #tpu.memory_space<hbm>> -> memref<128x128xf32, #tpu.memory_space<hbm>>
      %dma_start3A_180 = arith.constant 0 : i32
      %dma_start3A_181 = tpu.memref_slice %arg18[%add3A_172, %dma_start3A_180] : memref<10240x128xf32, #tpu.memory_space<vmem_shared>> -> memref<128x128xf32, #tpu.memory_space<vmem_shared>>
      tpu.enqueue_dma source(%dma_start3A_181 : memref<128x128xf32, #tpu.memory_space<vmem_shared>>) target(%dma_start3A_179 : memref<128x128xf32, #tpu.memory_space<hbm>>) target_semaphore(%run_scoped3A : memref<!tpu.dma_semaphore, #tpu.memory_space<semaphore_mem>>)
      %dma_wait3A_182 = arith.constant 0 : i32
      %dma_wait3A_183 = tpu.memref_slice %arg8[%arg0, %add3A_172, %dma_wait3A_182] : memref<2x10240x128xf32, #tpu.memory_space<hbm>> -> memref<1x128x128xf32, #tpu.memory_space<hbm>>
      %dma_wait3A_184 = tpu.memref_squeeze %dma_wait3A_183 : memref<1x128x128xf32, #tpu.memory_space<hbm>> -> memref<128x128xf32, #tpu.memory_space<hbm>>
      %dma_wait3A_185 = arith.constant 0 : i32
      %dma_wait3A_186 = tpu.memref_slice %arg18[%add3A_172, %dma_wait3A_185] : memref<10240x128xf32, #tpu.memory_space<vmem_shared>> -> memref<128x128xf32, #tpu.memory_space<vmem_shared>>
      tpu.wait_dma2 semaphore(%run_scoped3A : memref<!tpu.dma_semaphore, #tpu.memory_space<semaphore_mem>>) src(%dma_wait3A_186 : memref<128x128xf32, #tpu.memory_space<vmem_shared>>) dst(%dma_wait3A_184 : memref<128x128xf32, #tpu.memory_space<hbm>>)
      tpu.yield
    }) : () -> ()
    %add3A_173 = arith.constant 384 : i32
    %add3A_174 = arith.addi %mul3A_81, %add3A_173 : i32
    "tpu.region"() ({
      %run_scoped3A = tpu.sem_alloc : memref<!tpu.dma_semaphore, #tpu.memory_space<semaphore_mem>>
      %dma_start3A_177 = arith.constant 0 : i32
      %dma_start3A_178 = tpu.memref_slice %arg8[%arg0, %add3A_174, %dma_start3A_177] : memref<2x10240x128xf32, #tpu.memory_space<hbm>> -> memref<1x128x128xf32, #tpu.memory_space<hbm>>
      %dma_start3A_179 = tpu.memref_squeeze %dma_start3A_178 : memref<1x128x128xf32, #tpu.memory_space<hbm>> -> memref<128x128xf32, #tpu.memory_space<hbm>>
      %dma_start3A_180 = arith.constant 0 : i32
      %dma_start3A_181 = tpu.memref_slice %arg18[%add3A_174, %dma_start3A_180] : memref<10240x128xf32, #tpu.memory_space<vmem_shared>> -> memref<128x128xf32, #tpu.memory_space<vmem_shared>>
      tpu.enqueue_dma source(%dma_start3A_181 : memref<128x128xf32, #tpu.memory_space<vmem_shared>>) target(%dma_start3A_179 : memref<128x128xf32, #tpu.memory_space<hbm>>) target_semaphore(%run_scoped3A : memref<!tpu.dma_semaphore, #tpu.memory_space<semaphore_mem>>)
      %dma_wait3A_182 = arith.constant 0 : i32
      %dma_wait3A_183 = tpu.memref_slice %arg8[%arg0, %add3A_174, %dma_wait3A_182] : memref<2x10240x128xf32, #tpu.memory_space<hbm>> -> memref<1x128x128xf32, #tpu.memory_space<hbm>>
      %dma_wait3A_184 = tpu.memref_squeeze %dma_wait3A_183 : memref<1x128x128xf32, #tpu.memory_space<hbm>> -> memref<128x128xf32, #tpu.memory_space<hbm>>
      %dma_wait3A_185 = arith.constant 0 : i32
      %dma_wait3A_186 = tpu.memref_slice %arg18[%add3A_174, %dma_wait3A_185] : memref<10240x128xf32, #tpu.memory_space<vmem_shared>> -> memref<128x128xf32, #tpu.memory_space<vmem_shared>>
      tpu.wait_dma2 semaphore(%run_scoped3A : memref<!tpu.dma_semaphore, #tpu.memory_space<semaphore_mem>>) src(%dma_wait3A_186 : memref<128x128xf32, #tpu.memory_space<vmem_shared>>) dst(%dma_wait3A_184 : memref<128x128xf32, #tpu.memory_space<hbm>>)
      tpu.yield
    }) : () -> ()
    %add3A_175 = arith.constant 512 : i32
    %add3A_176 = arith.addi %mul3A_81, %add3A_175 : i32
    "tpu.region"() ({
      %run_scoped3A = tpu.sem_alloc : memref<!tpu.dma_semaphore, #tpu.memory_space<semaphore_mem>>
      %dma_start3A_177 = arith.constant 0 : i32
      %dma_start3A_178 = tpu.memref_slice %arg8[%arg0, %add3A_176, %dma_start3A_177] : memref<2x10240x128xf32, #tpu.memory_space<hbm>> -> memref<1x128x128xf32, #tpu.memory_space<hbm>>
      %dma_start3A_179 = tpu.memref_squeeze %dma_start3A_178 : memref<1x128x128xf32, #tpu.memory_space<hbm>> -> memref<128x128xf32, #tpu.memory_space<hbm>>
      %dma_start3A_180 = arith.constant 0 : i32
      %dma_start3A_181 = tpu.memref_slice %arg18[%add3A_176, %dma_start3A_180] : memref<10240x128xf32, #tpu.memory_space<vmem_shared>> -> memref<128x128xf32, #tpu.memory_space<vmem_shared>>
      tpu.enqueue_dma source(%dma_start3A_181 : memref<128x128xf32, #tpu.memory_space<vmem_shared>>) target(%dma_start3A_179 : memref<128x128xf32, #tpu.memory_space<hbm>>) target_semaphore(%run_scoped3A : memref<!tpu.dma_semaphore, #tpu.memory_space<semaphore_mem>>)
      %dma_wait3A_182 = arith.constant 0 : i32
      %dma_wait3A_183 = tpu.memref_slice %arg8[%arg0, %add3A_176, %dma_wait3A_182] : memref<2x10240x128xf32, #tpu.memory_space<hbm>> -> memref<1x128x128xf32, #tpu.memory_space<hbm>>
      %dma_wait3A_184 = tpu.memref_squeeze %dma_wait3A_183 : memref<1x128x128xf32, #tpu.memory_space<hbm>> -> memref<128x128xf32, #tpu.memory_space<hbm>>
      %dma_wait3A_185 = arith.constant 0 : i32
      %dma_wait3A_186 = tpu.memref_slice %arg18[%add3A_176, %dma_wait3A_185] : memref<10240x128xf32, #tpu.memory_space<vmem_shared>> -> memref<128x128xf32, #tpu.memory_space<vmem_shared>>
      tpu.wait_dma2 semaphore(%run_scoped3A : memref<!tpu.dma_semaphore, #tpu.memory_space<semaphore_mem>>) src(%dma_wait3A_186 : memref<128x128xf32, #tpu.memory_space<vmem_shared>>) dst(%dma_wait3A_184 : memref<128x128xf32, #tpu.memory_space<hbm>>)
      tpu.yield
    }) : () -> ()
    "tpu.region"() ({
      %run_scoped3A = tpu.sem_alloc : memref<!tpu.dma_semaphore, #tpu.memory_space<semaphore_mem>>
      %dma_start3A_177 = tpu.memref_slice %arg9[%arg0, %mul3A_81] : memref<2x10240xf32, #tpu.memory_space<hbm>> -> memref<1x640xf32, #tpu.memory_space<hbm>>
      %dma_start3A_178 = tpu.memref_squeeze %dma_start3A_177 : memref<1x640xf32, #tpu.memory_space<hbm>> -> memref<640xf32, #tpu.memory_space<hbm>>
      %dma_start3A_179 = tpu.memref_slice %arg19[%mul3A_81] : memref<10240xf32, #tpu.memory_space<vmem_shared>> -> memref<640xf32, #tpu.memory_space<vmem_shared>>
      tpu.enqueue_dma source(%dma_start3A_179 : memref<640xf32, #tpu.memory_space<vmem_shared>>) target(%dma_start3A_178 : memref<640xf32, #tpu.memory_space<hbm>>) target_semaphore(%run_scoped3A : memref<!tpu.dma_semaphore, #tpu.memory_space<semaphore_mem>>)
      %dma_wait3A_180 = tpu.memref_slice %arg9[%arg0, %mul3A_81] : memref<2x10240xf32, #tpu.memory_space<hbm>> -> memref<1x640xf32, #tpu.memory_space<hbm>>
      %dma_wait3A_181 = tpu.memref_squeeze %dma_wait3A_180 : memref<1x640xf32, #tpu.memory_space<hbm>> -> memref<640xf32, #tpu.memory_space<hbm>>
      %dma_wait3A_182 = tpu.memref_slice %arg19[%mul3A_81] : memref<10240xf32, #tpu.memory_space<vmem_shared>> -> memref<640xf32, #tpu.memory_space<vmem_shared>>
      tpu.wait_dma2 semaphore(%run_scoped3A : memref<!tpu.dma_semaphore, #tpu.memory_space<semaphore_mem>>) src(%dma_wait3A_182 : memref<640xf32, #tpu.memory_space<vmem_shared>>) dst(%dma_wait3A_181 : memref<640xf32, #tpu.memory_space<hbm>>)
      tpu.yield
    }) : () -> ()
    return
  }
}

module attributes {stable_mosaic.version = 14 : i64} {
  func.func @_mm_att_body(%arg0: i32, %arg1: memref<128x128xf32, #tpu.memory_space<vmem>>, %arg2: memref<128x128xf32, #tpu.memory_space<vmem>>, %arg3: memref<1x128xf32, #tpu.memory_space<vmem>>, %arg4: memref<1x128xf32, #tpu.memory_space<vmem>>, %arg5: memref<128x128xf32, #tpu.memory_space<vmem>>, %arg6: memref<1x1x128xf32, #tpu.memory_space<vmem>>, %arg7: memref<1x1x128xf32, #tpu.memory_space<vmem>>, %arg8: memref<1x1xf32, #tpu.memory_space<vmem>>, %arg9: memref<1x1xf32, #tpu.memory_space<vmem>>) attributes {dimension_semantics = [#tpu.dimension_semantics<arbitrary>], iteration_bounds = array<i64: 80>, scalar_prefetch = 0 : i64, scratch_operands = 0 : i64, tpu.core_type = #tpu.core_type<tc>, window_params = [{transform_indices = @transform_0, window_bounds = array<i64: 128, 128>}, {pipeline_mode = #tpu.pipeline_mode<synchronous>, transform_indices = @transform_1, window_bounds = array<i64: 128, 128>}, {pipeline_mode = #tpu.pipeline_mode<synchronous>, transform_indices = @transform_2, window_bounds = array<i64: 1, 128>}, {pipeline_mode = #tpu.pipeline_mode<synchronous>, transform_indices = @transform_3, window_bounds = array<i64: 1, 128>}, {transform_indices = @transform_4, window_bounds = array<i64: 128, 128>}, {transform_indices = @transform_5, window_bounds = array<i64: 1, 1, 128>}, {transform_indices = @transform_6, window_bounds = array<i64: 1, 1, 128>}, {pipeline_mode = #tpu.pipeline_mode<synchronous>, transform_indices = @transform_7, window_bounds = array<i64: 1, 1>}, {pipeline_mode = #tpu.pipeline_mode<synchronous>, transform_indices = @transform_8, window_bounds = array<i64: 1, 1>}]} {
    %get3A = arith.constant 0 : index
    %get3A_0 = arith.constant 0 : index
    %get3A_1 = vector.load %arg1[%get3A, %get3A_0] : memref<128x128xf32, #tpu.memory_space<vmem>>, vector<128x128xf32>
    %get3A_2 = arith.constant 0 : index
    %get3A_3 = arith.constant 0 : index
    %get3A_4 = vector.load %arg2[%get3A_2, %get3A_3] : memref<128x128xf32, #tpu.memory_space<vmem>>, vector<128x128xf32>
    %dot_general3A = arith.constant dense<0.000000e+00> : vector<128x128xf32>
    %dot_general3A_5 = tpu.matmul %get3A_1, %get3A_4, %dot_general3A {dimension_numbers = #tpu.dot_dimension_numbers<[1], [0], [0], [1], [0, 0, 1, 1], [], []>, transpose_lhs_hint = false} : vector<128x128xf32>, vector<128x128xf32>, vector<128x128xf32> -> vector<128x128xf32>
    %swap3A = arith.constant 0 : index
    %swap3A_6 = arith.constant 0 : index
    %swap3A_7 = vector.load %arg5[%swap3A, %swap3A_6] : memref<128x128xf32, #tpu.memory_space<vmem>>, vector<128x128xf32>
    tpu.vector_store %arg5[%swap3A, %swap3A_6], %dot_general3A_5 {strides = array<i32>} : memref<128x128xf32, #tpu.memory_space<vmem>>, vector<128x128xf32>,
    %get3A_8 = arith.constant 0 : index
    %get3A_9 = arith.constant 0 : index
    %get3A_10 = vector.load %arg3[%get3A_8, %get3A_9] : memref<1x128xf32, #tpu.memory_space<vmem>>, vector<1x128xf32>
    %mul3A = vector.broadcast %get3A_10 : vector<1x128xf32> to vector<128x128xf32>
    %mul3A_11 = arith.mulf %dot_general3A_5, %mul3A : vector<128x128xf32>
    %reduce_sum3A = arith.constant dense<0.000000e+00> : vector<128xf32>
    %reduce_sum3A_12 = vector.multi_reduction <add>, %mul3A_11, %reduce_sum3A [1] : vector<128x128xf32> to vector<128xf32>
    %get3A_13 = arith.constant 0 : index
    %get3A_14 = arith.constant 0 : index
    %get3A_15 = vector.load %arg4[%get3A_13, %get3A_14] : memref<1x128xf32, #tpu.memory_space<vmem>>, vector<1x128xf32>
    %mul3A_16 = vector.broadcast %get3A_15 : vector<1x128xf32> to vector<128x128xf32>
    %mul3A_17 = arith.mulf %dot_general3A_5, %mul3A_16 : vector<128x128xf32>
    %reduce_sum3A_18 = arith.constant dense<0.000000e+00> : vector<128xf32>
    %reduce_sum3A_19 = vector.multi_reduction <add>, %mul3A_17, %reduce_sum3A_18 [1] : vector<128x128xf32> to vector<128xf32>
    %reshape3A = vector.shape_cast %reduce_sum3A_12 : vector<128xf32> to vector<1x1x128xf32>
    %swap3A_20 = arith.constant 0 : index
    %swap3A_21 = arith.constant 0 : index
    %swap3A_22 = arith.constant 0 : index
    %swap3A_23 = vector.load %arg6[%swap3A_20, %swap3A_21, %swap3A_22] : memref<1x1x128xf32, #tpu.memory_space<vmem>>, vector<1x1x128xf32>
    tpu.vector_store %arg6[%swap3A_20, %swap3A_21, %swap3A_22], %reshape3A {strides = array<i32>} : memref<1x1x128xf32, #tpu.memory_space<vmem>>, vector<1x1x128xf32>,
    %reshape3A_24 = vector.shape_cast %reduce_sum3A_19 : vector<128xf32> to vector<1x1x128xf32>
    %swap3A_25 = arith.constant 0 : index
    %swap3A_26 = arith.constant 0 : index
    %swap3A_27 = arith.constant 0 : index
    %swap3A_28 = vector.load %arg7[%swap3A_25, %swap3A_26, %swap3A_27] : memref<1x1x128xf32, #tpu.memory_space<vmem>>, vector<1x1x128xf32>
    tpu.vector_store %arg7[%swap3A_25, %swap3A_26, %swap3A_27], %reshape3A_24 {strides = array<i32>} : memref<1x1x128xf32, #tpu.memory_space<vmem>>, vector<1x1x128xf32>,
    %eq3A = arith.constant 0 : i32
    %eq3A_29 = arith.cmpi eq, %arg0, %eq3A : i32
    %convert_element_type3A = arith.extui %eq3A_29 : i1 to i32
    %cond3A = arith.constant 0 : i32
    %cond3A_30 = arith.cmpi ne, %convert_element_type3A, %cond3A : i32
    scf.if %cond3A_30 {
      %broadcast_in_dim3A = arith.constant -1.000000e+30 : f32
      %broadcast_in_dim3A_55 = vector.broadcast %broadcast_in_dim3A : f32 to vector<1x1xf32>
      %swap3A_56 = arith.constant 0 : index
      %swap3A_57 = arith.constant 0 : index
      %swap3A_58 = vector.load %arg8[%swap3A_56, %swap3A_57] : memref<1x1xf32, #tpu.memory_space<vmem>>, vector<1x1xf32>
      tpu.vector_store %arg8[%swap3A_56, %swap3A_57], %broadcast_in_dim3A_55 {strides = array<i32>} : memref<1x1xf32, #tpu.memory_space<vmem>>, vector<1x1xf32>,
      %broadcast_in_dim3A_59 = arith.constant -1.000000e+30 : f32
      %broadcast_in_dim3A_60 = vector.broadcast %broadcast_in_dim3A_59 : f32 to vector<1x1xf32>
      %swap3A_61 = arith.constant 0 : index
      %swap3A_62 = arith.constant 0 : index
      %swap3A_63 = vector.load %arg9[%swap3A_61, %swap3A_62] : memref<1x1xf32, #tpu.memory_space<vmem>>, vector<1x1xf32>
      tpu.vector_store %arg9[%swap3A_61, %swap3A_62], %broadcast_in_dim3A_60 {strides = array<i32>} : memref<1x1xf32, #tpu.memory_space<vmem>>, vector<1x1xf32>,
    } else {
    }
    %get3A_31 = arith.constant 0 : index
    %get3A_32 = arith.constant 0 : index
    %get3A_33 = vector.load %arg8[%get3A_31, %get3A_32] : memref<1x1xf32, #tpu.memory_space<vmem>>, vector<1x1xf32>
    %reduce_max3A = vector.shape_cast %reduce_sum3A_12 : vector<128xf32> to vector<1x128xf32>
    %reduce_max3A_34 = arith.constant dense<0xFF800000> : vector<1xf32>
    %reduce_max3A_35 = vector.multi_reduction <maximumf>, %reduce_max3A, %reduce_max3A_34 [1] : vector<1x128xf32> to vector<1xf32>
    %reduce_max3A_36 = vector.shape_cast %reduce_max3A_35 : vector<1xf32> to vector<1x1xf32>
    %reduce_max3A_37 = vector.extract %reduce_max3A_36[0, 0] : f32 from vector<1x1xf32>
    %reshape3A_38 = vector.broadcast %reduce_max3A_37 : f32 to vector<1x1xf32>
    %max3A = arith.maximumf %get3A_33, %reshape3A_38 : vector<1x1xf32>
    %swap3A_39 = arith.constant 0 : index
    %swap3A_40 = arith.constant 0 : index
    %swap3A_41 = vector.load %arg8[%swap3A_39, %swap3A_40] : memref<1x1xf32, #tpu.memory_space<vmem>>, vector<1x1xf32>
    tpu.vector_store %arg8[%swap3A_39, %swap3A_40], %max3A {strides = array<i32>} : memref<1x1xf32, #tpu.memory_space<vmem>>, vector<1x1xf32>,
    %get3A_42 = arith.constant 0 : index
    %get3A_43 = arith.constant 0 : index
    %get3A_44 = vector.load %arg9[%get3A_42, %get3A_43] : memref<1x1xf32, #tpu.memory_space<vmem>>, vector<1x1xf32>
    %reduce_max3A_45 = vector.shape_cast %reduce_sum3A_19 : vector<128xf32> to vector<1x128xf32>
    %reduce_max3A_46 = arith.constant dense<0xFF800000> : vector<1xf32>
    %reduce_max3A_47 = vector.multi_reduction <maximumf>, %reduce_max3A_45, %reduce_max3A_46 [1] : vector<1x128xf32> to vector<1xf32>
    %reduce_max3A_48 = vector.shape_cast %reduce_max3A_47 : vector<1xf32> to vector<1x1xf32>
    %reduce_max3A_49 = vector.extract %reduce_max3A_48[0, 0] : f32 from vector<1x1xf32>
    %reshape3A_50 = vector.broadcast %reduce_max3A_49 : f32 to vector<1x1xf32>
    %max3A_51 = arith.maximumf %get3A_44, %reshape3A_50 : vector<1x1xf32>
    %swap3A_52 = arith.constant 0 : index
    %swap3A_53 = arith.constant 0 : index
    %swap3A_54 = vector.load %arg9[%swap3A_52, %swap3A_53] : memref<1x1xf32, #tpu.memory_space<vmem>>, vector<1x1xf32>
    tpu.vector_store %arg9[%swap3A_52, %swap3A_53], %max3A_51 {strides = array<i32>} : memref<1x1xf32, #tpu.memory_space<vmem>>, vector<1x1xf32>,
    return
  }
  func.func @transform_0(%arg0: i32) -> (i32, i32) {
    %c0_i32 = arith.constant 0 : i32
    %c0_i32_0 = arith.constant 0 : i32
    return %arg0, %c0_i32 : i32, i32
  }
  func.func @transform_1(%arg0: i32) -> (i32, i32) {
    %c0_i32 = arith.constant 0 : i32
    %c0_i32_0 = arith.constant 0 : i32
    %c0_i32_1 = arith.constant 0 : i32
    return %c0_i32, %c0_i32_0 : i32, i32
  }
  func.func @transform_2(%arg0: i32) -> (i32, i32) {
    %c0_i32 = arith.constant 0 : i32
    %c0_i32_0 = arith.constant 0 : i32
    %c0_i32_1 = arith.constant 0 : i32
    return %c0_i32, %c0_i32_0 : i32, i32
  }
  func.func @transform_3(%arg0: i32) -> (i32, i32) {
    %c0_i32 = arith.constant 0 : i32
    %c0_i32_0 = arith.constant 0 : i32
    %c0_i32_1 = arith.constant 0 : i32
    return %c0_i32, %c0_i32_0 : i32, i32
  }
  func.func @transform_4(%arg0: i32) -> (i32, i32) {
    %c0_i32 = arith.constant 0 : i32
    %c0_i32_0 = arith.constant 0 : i32
    return %arg0, %c0_i32 : i32, i32
  }
  func.func @transform_5(%arg0: i32) -> (i32, i32, i32) {
    %c0_i32 = arith.constant 0 : i32
    %c0_i32_0 = arith.constant 0 : i32
    %c0_i32_1 = arith.constant 0 : i32
    return %arg0, %c0_i32, %c0_i32_0 : i32, i32, i32
  }
  func.func @transform_6(%arg0: i32) -> (i32, i32, i32) {
    %c0_i32 = arith.constant 0 : i32
    %c0_i32_0 = arith.constant 0 : i32
    %c0_i32_1 = arith.constant 0 : i32
    return %arg0, %c0_i32, %c0_i32_0 : i32, i32, i32
  }
  func.func @transform_7(%arg0: i32) -> (i32, i32) {
    %c0_i32 = arith.constant 0 : i32
    %c0_i32_0 = arith.constant 0 : i32
    %c0_i32_1 = arith.constant 0 : i32
    return %c0_i32, %c0_i32_0 : i32, i32
  }
  func.func @transform_8(%arg0: i32) -> (i32, i32) {
    %c0_i32 = arith.constant 0 : i32
    %c0_i32_0 = arith.constant 0 : i32
    %c0_i32_1 = arith.constant 0 : i32
    return %c0_i32, %c0_i32_0 : i32, i32
  }
}

module attributes {stable_mosaic.version = 14 : i64} {
  func.func @_comb_mm_body(%arg0: i32, %arg1: memref<128x128xf32, #tpu.memory_space<vmem>>, %arg2: memref<128x128xf32, #tpu.memory_space<vmem>>, %arg3: memref<128x1xf32, #tpu.memory_space<vmem>>, %arg4: memref<128x1xf32, #tpu.memory_space<vmem>>, %arg5: memref<1x128xf32, #tpu.memory_space<vmem>>, %arg6: memref<128x128xf32, #tpu.memory_space<vmem>>, %arg7: memref<1x128xf32, #tpu.memory_space<vmem>>, %arg8: memref<1x128xf32, #tpu.memory_space<vmem>>, %arg9: memref<128x128xf32, #tpu.memory_space<vmem>>, %arg10: memref<1x1x128xf32, #tpu.memory_space<vmem>>, %arg11: memref<1x1x128xf32, #tpu.memory_space<vmem>>, %arg12: memref<1x1xf32, #tpu.memory_space<vmem>>, %arg13: memref<1x1xf32, #tpu.memory_space<vmem>>) attributes {dimension_semantics = [#tpu.dimension_semantics<arbitrary>], iteration_bounds = array<i64: 80>, scalar_prefetch = 0 : i64, scratch_operands = 0 : i64, tpu.core_type = #tpu.core_type<tc>, window_params = [{transform_indices = @transform_0, window_bounds = array<i64: 128, 128>}, {transform_indices = @transform_1, window_bounds = array<i64: 128, 128>}, {transform_indices = @transform_2, window_bounds = array<i64: 128, 1>}, {transform_indices = @transform_3, window_bounds = array<i64: 128, 1>}, {pipeline_mode = #tpu.pipeline_mode<synchronous>, transform_indices = @transform_4, window_bounds = array<i64: 1, 128>}, {pipeline_mode = #tpu.pipeline_mode<synchronous>, transform_indices = @transform_5, window_bounds = array<i64: 128, 128>}, {pipeline_mode = #tpu.pipeline_mode<synchronous>, transform_indices = @transform_6, window_bounds = array<i64: 1, 128>}, {pipeline_mode = #tpu.pipeline_mode<synchronous>, transform_indices = @transform_7, window_bounds = array<i64: 1, 128>}, {transform_indices = @transform_8, window_bounds = array<i64: 128, 128>}, {transform_indices = @transform_9, window_bounds = array<i64: 1, 1, 128>}, {transform_indices = @transform_10, window_bounds = array<i64: 1, 1, 128>}, {pipeline_mode = #tpu.pipeline_mode<synchronous>, transform_indices = @transform_11, window_bounds = array<i64: 1, 1>}, {pipeline_mode = #tpu.pipeline_mode<synchronous>, transform_indices = @transform_12, window_bounds = array<i64: 1, 1>}]} {
    %get3A = arith.constant 0 : index
    %get3A_0 = arith.constant 0 : index
    %get3A_1 = vector.load %arg3[%get3A, %get3A_0] : memref<128x1xf32, #tpu.memory_space<vmem>>, vector<128x1xf32>
    %get3A_2 = arith.constant 0 : index
    %get3A_3 = arith.constant 0 : index
    %get3A_4 = vector.load %arg4[%get3A_2, %get3A_3] : memref<128x1xf32, #tpu.memory_space<vmem>>, vector<128x1xf32>
    %add3A = arith.addf %get3A_1, %get3A_4 : vector<128x1xf32>
    %add3A_5 = arith.constant 1.000000e-16 : f32
    %add3A_6 = vector.broadcast %add3A_5 : f32 to vector<128x1xf32>
    %add3A_7 = arith.addf %add3A, %add3A_6 : vector<128x1xf32>
    %get3A_8 = arith.constant 0 : index
    %get3A_9 = arith.constant 0 : index
    %get3A_10 = vector.load %arg1[%get3A_8, %get3A_9] : memref<128x128xf32, #tpu.memory_space<vmem>>, vector<128x128xf32>
    %get3A_11 = arith.constant 0 : index
    %get3A_12 = arith.constant 0 : index
    %get3A_13 = vector.load %arg2[%get3A_11, %get3A_12] : memref<128x128xf32, #tpu.memory_space<vmem>>, vector<128x128xf32>
    %add3A_14 = arith.addf %get3A_10, %get3A_13 : vector<128x128xf32>
    %div3A = vector.broadcast %add3A_7 : vector<128x1xf32> to vector<128x128xf32>
    %div3A_15 = arith.divf %add3A_14, %div3A : vector<128x128xf32>
    %get3A_16 = arith.constant 0 : index
    %get3A_17 = arith.constant 0 : index
    %get3A_18 = vector.load %arg5[%get3A_16, %get3A_17] : memref<1x128xf32, #tpu.memory_space<vmem>>, vector<1x128xf32>
    %add3A_19 = vector.broadcast %get3A_18 : vector<1x128xf32> to vector<128x128xf32>
    %add3A_20 = arith.addf %div3A_15, %add3A_19 : vector<128x128xf32>
    %max3A = arith.constant 0.000000e+00 : f32
    %max3A_21 = vector.broadcast %max3A : f32 to vector<128x128xf32>
    %max3A_22 = arith.maximumf %add3A_20, %max3A_21 : vector<128x128xf32>
    %mul3A = arith.constant 128 : i32
    %mul3A_23 = arith.muli %arg0, %mul3A : i32
    %iota3A = tpu.iota {dimensions = array<i32: 0>} : vector<128x128xi32>
    %add3A_24 = vector.broadcast %mul3A_23 : i32 to vector<128x128xi32>
    %add3A_25 = arith.addi %add3A_24, %iota3A : vector<128x128xi32>
    %lt3A = arith.constant 10000 : i32
    %lt3A_26 = vector.broadcast %lt3A : i32 to vector<128x128xi32>
    %lt3A_27 = arith.cmpi slt, %add3A_25, %lt3A_26 : vector<128x128xi32>
    %jit3A = arith.constant 0.000000e+00 : f32
    %broadcast_in_dim3A = vector.broadcast %jit3A : f32 to vector<128x128xf32>
    %select_n3A = arith.select %lt3A_27, %max3A_22, %broadcast_in_dim3A : vector<128x128xi1>, vector<128x128xf32>
    %get3A_28 = arith.constant 0 : index
    %get3A_29 = arith.constant 0 : index
    %get3A_30 = vector.load %arg6[%get3A_28, %get3A_29] : memref<128x128xf32, #tpu.memory_space<vmem>>, vector<128x128xf32>
    %dot_general3A = arith.constant dense<0.000000e+00> : vector<128x128xf32>
    %dot_general3A_31 = tpu.matmul %select_n3A, %get3A_30, %dot_general3A {dimension_numbers = #tpu.dot_dimension_numbers<[1], [0], [0], [1], [0, 0, 1, 1], [], []>, transpose_lhs_hint = false} : vector<128x128xf32>, vector<128x128xf32>, vector<128x128xf32> -> vector<128x128xf32>
    %swap3A = arith.constant 0 : index
    %swap3A_32 = arith.constant 0 : index
    %swap3A_33 = vector.load %arg9[%swap3A, %swap3A_32] : memref<128x128xf32, #tpu.memory_space<vmem>>, vector<128x128xf32>
    tpu.vector_store %arg9[%swap3A, %swap3A_32], %dot_general3A_31 {strides = array<i32>} : memref<128x128xf32, #tpu.memory_space<vmem>>, vector<128x128xf32>,
    %get3A_34 = arith.constant 0 : index
    %get3A_35 = arith.constant 0 : index
    %get3A_36 = vector.load %arg7[%get3A_34, %get3A_35] : memref<1x128xf32, #tpu.memory_space<vmem>>, vector<1x128xf32>
    %mul3A_37 = vector.broadcast %get3A_36 : vector<1x128xf32> to vector<128x128xf32>
    %mul3A_38 = arith.mulf %dot_general3A_31, %mul3A_37 : vector<128x128xf32>
    %reduce_sum3A = arith.constant dense<0.000000e+00> : vector<128xf32>
    %reduce_sum3A_39 = vector.multi_reduction <add>, %mul3A_38, %reduce_sum3A [1] : vector<128x128xf32> to vector<128xf32>
    %get3A_40 = arith.constant 0 : index
    %get3A_41 = arith.constant 0 : index
    %get3A_42 = vector.load %arg8[%get3A_40, %get3A_41] : memref<1x128xf32, #tpu.memory_space<vmem>>, vector<1x128xf32>
    %mul3A_43 = vector.broadcast %get3A_42 : vector<1x128xf32> to vector<128x128xf32>
    %mul3A_44 = arith.mulf %dot_general3A_31, %mul3A_43 : vector<128x128xf32>
    %reduce_sum3A_45 = arith.constant dense<0.000000e+00> : vector<128xf32>
    %reduce_sum3A_46 = vector.multi_reduction <add>, %mul3A_44, %reduce_sum3A_45 [1] : vector<128x128xf32> to vector<128xf32>
    %reshape3A = vector.shape_cast %reduce_sum3A_39 : vector<128xf32> to vector<1x1x128xf32>
    %swap3A_47 = arith.constant 0 : index
    %swap3A_48 = arith.constant 0 : index
    %swap3A_49 = arith.constant 0 : index
    %swap3A_50 = vector.load %arg10[%swap3A_47, %swap3A_48, %swap3A_49] : memref<1x1x128xf32, #tpu.memory_space<vmem>>, vector<1x1x128xf32>
    tpu.vector_store %arg10[%swap3A_47, %swap3A_48, %swap3A_49], %reshape3A {strides = array<i32>} : memref<1x1x128xf32, #tpu.memory_space<vmem>>, vector<1x1x128xf32>,
    %reshape3A_51 = vector.shape_cast %reduce_sum3A_46 : vector<128xf32> to vector<1x1x128xf32>
    %swap3A_52 = arith.constant 0 : index
    %swap3A_53 = arith.constant 0 : index
    %swap3A_54 = arith.constant 0 : index
    %swap3A_55 = vector.load %arg11[%swap3A_52, %swap3A_53, %swap3A_54] : memref<1x1x128xf32, #tpu.memory_space<vmem>>, vector<1x1x128xf32>
    tpu.vector_store %arg11[%swap3A_52, %swap3A_53, %swap3A_54], %reshape3A_51 {strides = array<i32>} : memref<1x1x128xf32, #tpu.memory_space<vmem>>, vector<1x1x128xf32>,
    %eq3A = arith.constant 0 : i32
    %eq3A_56 = arith.cmpi eq, %arg0, %eq3A : i32
    %convert_element_type3A = arith.extui %eq3A_56 : i1 to i32
    %cond3A = arith.constant 0 : i32
    %cond3A_57 = arith.cmpi ne, %convert_element_type3A, %cond3A : i32
    scf.if %cond3A_57 {
      %broadcast_in_dim3A_83 = arith.constant -1.000000e+30 : f32
      %broadcast_in_dim3A_84 = vector.broadcast %broadcast_in_dim3A_83 : f32 to vector<1x1xf32>
      %swap3A_85 = arith.constant 0 : index
      %swap3A_86 = arith.constant 0 : index
      %swap3A_87 = vector.load %arg12[%swap3A_85, %swap3A_86] : memref<1x1xf32, #tpu.memory_space<vmem>>, vector<1x1xf32>
      tpu.vector_store %arg12[%swap3A_85, %swap3A_86], %broadcast_in_dim3A_84 {strides = array<i32>} : memref<1x1xf32, #tpu.memory_space<vmem>>, vector<1x1xf32>,
      %broadcast_in_dim3A_88 = arith.constant -1.000000e+30 : f32
      %broadcast_in_dim3A_89 = vector.broadcast %broadcast_in_dim3A_88 : f32 to vector<1x1xf32>
      %swap3A_90 = arith.constant 0 : index
      %swap3A_91 = arith.constant 0 : index
      %swap3A_92 = vector.load %arg13[%swap3A_90, %swap3A_91] : memref<1x1xf32, #tpu.memory_space<vmem>>, vector<1x1xf32>
      tpu.vector_store %arg13[%swap3A_90, %swap3A_91], %broadcast_in_dim3A_89 {strides = array<i32>} : memref<1x1xf32, #tpu.memory_space<vmem>>, vector<1x1xf32>,
    } else {
    }
    %get3A_58 = arith.constant 0 : index
    %get3A_59 = arith.constant 0 : index
    %get3A_60 = vector.load %arg12[%get3A_58, %get3A_59] : memref<1x1xf32, #tpu.memory_space<vmem>>, vector<1x1xf32>
    %reduce_max3A = vector.shape_cast %reduce_sum3A_39 : vector<128xf32> to vector<1x128xf32>
    %reduce_max3A_61 = arith.constant dense<0xFF800000> : vector<1xf32>
    %reduce_max3A_62 = vector.multi_reduction <maximumf>, %reduce_max3A, %reduce_max3A_61 [1] : vector<1x128xf32> to vector<1xf32>
    %reduce_max3A_63 = vector.shape_cast %reduce_max3A_62 : vector<1xf32> to vector<1x1xf32>
    %reduce_max3A_64 = vector.extract %reduce_max3A_63[0, 0] : f32 from vector<1x1xf32>
    %reshape3A_65 = vector.broadcast %reduce_max3A_64 : f32 to vector<1x1xf32>
    %max3A_66 = arith.maximumf %get3A_60, %reshape3A_65 : vector<1x1xf32>
    %swap3A_67 = arith.constant 0 : index
    %swap3A_68 = arith.constant 0 : index
    %swap3A_69 = vector.load %arg12[%swap3A_67, %swap3A_68] : memref<1x1xf32, #tpu.memory_space<vmem>>, vector<1x1xf32>
    tpu.vector_store %arg12[%swap3A_67, %swap3A_68], %max3A_66 {strides = array<i32>} : memref<1x1xf32, #tpu.memory_space<vmem>>, vector<1x1xf32>,
    %get3A_70 = arith.constant 0 : index
    %get3A_71 = arith.constant 0 : index
    %get3A_72 = vector.load %arg13[%get3A_70, %get3A_71] : memref<1x1xf32, #tpu.memory_space<vmem>>, vector<1x1xf32>
    %reduce_max3A_73 = vector.shape_cast %reduce_sum3A_46 : vector<128xf32> to vector<1x128xf32>
    %reduce_max3A_74 = arith.constant dense<0xFF800000> : vector<1xf32>
    %reduce_max3A_75 = vector.multi_reduction <maximumf>, %reduce_max3A_73, %reduce_max3A_74 [1] : vector<1x128xf32> to vector<1xf32>
    %reduce_max3A_76 = vector.shape_cast %reduce_max3A_75 : vector<1xf32> to vector<1x1xf32>
    %reduce_max3A_77 = vector.extract %reduce_max3A_76[0, 0] : f32 from vector<1x1xf32>
    %reshape3A_78 = vector.broadcast %reduce_max3A_77 : f32 to vector<1x1xf32>
    %max3A_79 = arith.maximumf %get3A_72, %reshape3A_78 : vector<1x1xf32>
    %swap3A_80 = arith.constant 0 : index
    %swap3A_81 = arith.constant 0 : index
    %swap3A_82 = vector.load %arg13[%swap3A_80, %swap3A_81] : memref<1x1xf32, #tpu.memory_space<vmem>>, vector<1x1xf32>
    tpu.vector_store %arg13[%swap3A_80, %swap3A_81], %max3A_79 {strides = array<i32>} : memref<1x1xf32, #tpu.memory_space<vmem>>, vector<1x1xf32>,
    return
  }
  func.func @transform_0(%arg0: i32) -> (i32, i32) {
    %c0_i32 = arith.constant 0 : i32
    %c0_i32_0 = arith.constant 0 : i32
    return %arg0, %c0_i32 : i32, i32
  }
  func.func @transform_1(%arg0: i32) -> (i32, i32) {
    %c0_i32 = arith.constant 0 : i32
    %c0_i32_0 = arith.constant 0 : i32
    return %arg0, %c0_i32 : i32, i32
  }
  func.func @transform_2(%arg0: i32) -> (i32, i32) {
    %c0_i32 = arith.constant 0 : i32
    %c0_i32_0 = arith.constant 0 : i32
    return %arg0, %c0_i32 : i32, i32
  }
  func.func @transform_3(%arg0: i32) -> (i32, i32) {
    %c0_i32 = arith.constant 0 : i32
    %c0_i32_0 = arith.constant 0 : i32
    return %arg0, %c0_i32 : i32, i32
  }
  func.func @transform_4(%arg0: i32) -> (i32, i32) {
    %c0_i32 = arith.constant 0 : i32
    %c0_i32_0 = arith.constant 0 : i32
    %c0_i32_1 = arith.constant 0 : i32
    return %c0_i32, %c0_i32_0 : i32, i32
  }
  func.func @transform_5(%arg0: i32) -> (i32, i32) {
    %c0_i32 = arith.constant 0 : i32
    %c0_i32_0 = arith.constant 0 : i32
    %c0_i32_1 = arith.constant 0 : i32
    return %c0_i32, %c0_i32_0 : i32, i32
  }
  func.func @transform_6(%arg0: i32) -> (i32, i32) {
    %c0_i32 = arith.constant 0 : i32
    %c0_i32_0 = arith.constant 0 : i32
    %c0_i32_1 = arith.constant 0 : i32
    return %c0_i32, %c0_i32_0 : i32, i32
  }
  func.func @transform_7(%arg0: i32) -> (i32, i32) {
    %c0_i32 = arith.constant 0 : i32
    %c0_i32_0 = arith.constant 0 : i32
    %c0_i32_1 = arith.constant 0 : i32
    return %c0_i32, %c0_i32_0 : i32, i32
  }
  func.func @transform_8(%arg0: i32) -> (i32, i32) {
    %c0_i32 = arith.constant 0 : i32
    %c0_i32_0 = arith.constant 0 : i32
    return %arg0, %c0_i32 : i32, i32
  }
  func.func @transform_9(%arg0: i32) -> (i32, i32, i32) {
    %c0_i32 = arith.constant 0 : i32
    %c0_i32_0 = arith.constant 0 : i32
    %c0_i32_1 = arith.constant 0 : i32
    return %arg0, %c0_i32, %c0_i32_0 : i32, i32, i32
  }
  func.func @transform_10(%arg0: i32) -> (i32, i32, i32) {
    %c0_i32 = arith.constant 0 : i32
    %c0_i32_0 = arith.constant 0 : i32
    %c0_i32_1 = arith.constant 0 : i32
    return %arg0, %c0_i32, %c0_i32_0 : i32, i32, i32
  }
  func.func @transform_11(%arg0: i32) -> (i32, i32) {
    %c0_i32 = arith.constant 0 : i32
    %c0_i32_0 = arith.constant 0 : i32
    %c0_i32_1 = arith.constant 0 : i32
    return %c0_i32, %c0_i32_0 : i32, i32
  }
  func.func @transform_12(%arg0: i32) -> (i32, i32) {
    %c0_i32 = arith.constant 0 : i32
    %c0_i32_0 = arith.constant 0 : i32
    %c0_i32_1 = arith.constant 0 : i32
    return %c0_i32, %c0_i32_0 : i32, i32
  }
}

module attributes {stable_mosaic.version = 14 : i64} {
  func.func @_final_body(%arg0: i32, %arg1: memref<128x128xf32, #tpu.memory_space<vmem>>, %arg2: memref<128x128xf32, #tpu.memory_space<vmem>>, %arg3: memref<128x1xf32, #tpu.memory_space<vmem>>, %arg4: memref<128x1xf32, #tpu.memory_space<vmem>>, %arg5: memref<1x128xf32, #tpu.memory_space<vmem>>, %arg6: memref<128x128xf32, #tpu.memory_space<vmem>>) attributes {dimension_semantics = [#tpu.dimension_semantics<arbitrary>], iteration_bounds = array<i64: 80>, scalar_prefetch = 0 : i64, scratch_operands = 0 : i64, tpu.core_type = #tpu.core_type<tc>, window_params = [{transform_indices = @transform_0, window_bounds = array<i64: 128, 128>}, {transform_indices = @transform_1, window_bounds = array<i64: 128, 128>}, {transform_indices = @transform_2, window_bounds = array<i64: 128, 1>}, {transform_indices = @transform_3, window_bounds = array<i64: 128, 1>}, {pipeline_mode = #tpu.pipeline_mode<synchronous>, transform_indices = @transform_4, window_bounds = array<i64: 1, 128>}, {transform_indices = @transform_5, window_bounds = array<i64: 128, 128>}]} {
    %get3A = arith.constant 0 : index
    %get3A_0 = arith.constant 0 : index
    %get3A_1 = vector.load %arg3[%get3A, %get3A_0] : memref<128x1xf32, #tpu.memory_space<vmem>>, vector<128x1xf32>
    %get3A_2 = arith.constant 0 : index
    %get3A_3 = arith.constant 0 : index
    %get3A_4 = vector.load %arg4[%get3A_2, %get3A_3] : memref<128x1xf32, #tpu.memory_space<vmem>>, vector<128x1xf32>
    %add3A = arith.addf %get3A_1, %get3A_4 : vector<128x1xf32>
    %add3A_5 = arith.constant 1.000000e-16 : f32
    %add3A_6 = vector.broadcast %add3A_5 : f32 to vector<128x1xf32>
    %add3A_7 = arith.addf %add3A, %add3A_6 : vector<128x1xf32>
    %get3A_8 = arith.constant 0 : index
    %get3A_9 = arith.constant 0 : index
    %get3A_10 = vector.load %arg1[%get3A_8, %get3A_9] : memref<128x128xf32, #tpu.memory_space<vmem>>, vector<128x128xf32>
    %get3A_11 = arith.constant 0 : index
    %get3A_12 = arith.constant 0 : index
    %get3A_13 = vector.load %arg2[%get3A_11, %get3A_12] : memref<128x128xf32, #tpu.memory_space<vmem>>, vector<128x128xf32>
    %add3A_14 = arith.addf %get3A_10, %get3A_13 : vector<128x128xf32>
    %div3A = vector.broadcast %add3A_7 : vector<128x1xf32> to vector<128x128xf32>
    %div3A_15 = arith.divf %add3A_14, %div3A : vector<128x128xf32>
    %get3A_16 = arith.constant 0 : index
    %get3A_17 = arith.constant 0 : index
    %get3A_18 = vector.load %arg5[%get3A_16, %get3A_17] : memref<1x128xf32, #tpu.memory_space<vmem>>, vector<1x128xf32>
    %add3A_19 = vector.broadcast %get3A_18 : vector<1x128xf32> to vector<128x128xf32>
    %add3A_20 = arith.addf %div3A_15, %add3A_19 : vector<128x128xf32>
    %max3A = arith.constant 0.000000e+00 : f32
    %max3A_21 = vector.broadcast %max3A : f32 to vector<128x128xf32>
    %max3A_22 = arith.maximumf %add3A_20, %max3A_21 : vector<128x128xf32>
    %swap3A = arith.constant 0 : index
    %swap3A_23 = arith.constant 0 : index
    %swap3A_24 = vector.load %arg6[%swap3A, %swap3A_23] : memref<128x128xf32, #tpu.memory_space<vmem>>, vector<128x128xf32>
    tpu.vector_store %arg6[%swap3A, %swap3A_23], %max3A_22 {strides = array<i32>} : memref<128x128xf32, #tpu.memory_space<vmem>>, vector<128x128xf32>,
    return
  }
  func.func @transform_0(%arg0: i32) -> (i32, i32) {
    %c0_i32 = arith.constant 0 : i32
    %c0_i32_0 = arith.constant 0 : i32
    return %arg0, %c0_i32 : i32, i32
  }
  func.func @transform_1(%arg0: i32) -> (i32, i32) {
    %c0_i32 = arith.constant 0 : i32
    %c0_i32_0 = arith.constant 0 : i32
    return %arg0, %c0_i32 : i32, i32
  }
  func.func @transform_2(%arg0: i32) -> (i32, i32) {
    %c0_i32 = arith.constant 0 : i32
    %c0_i32_0 = arith.constant 0 : i32
    return %arg0, %c0_i32 : i32, i32
  }
  func.func @transform_3(%arg0: i32) -> (i32, i32) {
    %c0_i32 = arith.constant 0 : i32
    %c0_i32_0 = arith.constant 0 : i32
    return %arg0, %c0_i32 : i32, i32
  }
  func.func @transform_4(%arg0: i32) -> (i32, i32) {
    %c0_i32 = arith.constant 0 : i32
    %c0_i32_0 = arith.constant 0 : i32
    %c0_i32_1 = arith.constant 0 : i32
    return %c0_i32, %c0_i32_0 : i32, i32
  }
  func.func @transform_5(%arg0: i32) -> (i32, i32) {
    %c0_i32 = arith.constant 0 : i32
    %c0_i32_0 = arith.constant 0 : i32
    return %arg0, %c0_i32 : i32, i32
  }
}

</mosaic_0001>

<sc_bundles>
// kernel: kernel.10.cloned.1.call-start
scs
__scs_entry_jumppad:
0x0: {  	(pc) =	sbr.rel $0x88, $3  }
0x1: {  	(tag) =	ssettag $0x0;
	lr =	simm.s32 $0x1  }
0x2: {  	[smem:$0x3F97] =	sst lr;
	_ =	strace $0xD0000000  }
0x3: {  	_ = 	snop  }
0x4: {  	_ = 	snop  }
0x5: {  	_ = 	snop  }
0x6: {  	_ = 	snop  }
0x7: {  	_ = 	snop  }
__scs_overlays_trampoline_lowered:
0x8: {  	[smem:$0x3FA6] =	sst s0  }
0x9: {  	[smem:$0x3FA7] =	sst s1  }
0xa: {  	[smem:$0x3FA8] =	sst s2  }
0xb: {  	[smem:$0x3FA9] =	sst s3  }
0xc: {  	[smem:$0x3FAA] =	sst s4  }
0xd: {  	[smem:$0x3FAB] =	sst s5  }
0xe: {  	[smem:$0x3FAC] =	sst s6  }
0xf: {  	[smem:$0x3FAD] =	sst s7  }
0x10: {  	[smem:$0x3FAE] =	sst s8  }
0x11: {  	[smem:$0x3FAF] =	sst s9;
	s0 =	simm.s32 @!p0 $0x0  }
0x12: {  	s1 =	sld [smem:$0x3F95];
	s0 =	simm.s32 @p0 $0x1  }
0x13: {  	[smem:$0x3FB0] =	sst s0;
	s0 =	simm.s32 @!p1 $0x0  }
0x14: {  	s2 =	sld [smem:$0x3F94];
	s0 =	simm.s32 @p1 $0x1  }
0x15: {  	[smem:$0x3FB1] =	sst s0;
	s0 =	simm.s32 @!p2 $0x0  }
0x16: {  	s3 =	sld [smem:$0x3FDB];
	s0 =	simm.s32 @p2 $0x1  }
0x17: {  	s4 =	simm.s32 $0x1BF5;
	[smem:$0x3FB3] =	sst s0  }
0x18: {  	s0 =	sld [smem:$0x3F96];
	_ =	swait.ge [sflag:s4], $0x0  }
0x19: {  	s7 =	sld [smem:$0x3F97]  }
0x1a: {  	s8 =	sadd.s32 $0xFFFFE003, lr  }
0x1b: {  	s9 =	sadd.s32 $0xFFFFFEF7, lr;
	s5 =	simm.s32 $0xFFFFFFFF;
	p2 =	slt.u32 s8, $0xFFFFF086  }
0x1c: {  	p1 =	slt.u32 s9, $0xF7A;
	s5 =	simm.s32 @!p2 $0x0  }
0x1d: {  	s5 =	simm.s32 @p1 $0x1;
	p0 =	seq.s32 s7, s2  }
0x1e: {  	s7 =	smul.u32 @!p0 $0xF7A, s2;
	p2 =	seq.s32 @!p0 s5, $0x0  }
0x1f: {  	s9 =	smul.u32 $0xF7A, s1;
	s8 =	simm.s32 @!p0 $0x1BF5;
	p2 =	por !p2, p0  }
0x20: {  	[sflag:s8] =	ssyncset.s32 @!p0 $0xFFFFF086;
	s6 =	sadd.s32 @!p0 s3, s7;
	s7 =	simm.s32 @!p0 $0x108  }
0x21: {  	s3 =	sadd.s32 s3, s9;
	s6 =	sadd.s32 @!p0 $0x88, s6;
	s7 =	simm.s32 @p2 $0x1082  }
0x22: {  	[simem:s7], [sflag:s8] =	dma.local @!p0 [hbm:s6], $0xF7A  }
0x23: {  	s9 =	sor.u32 $0xD0000000, s2;
	s6 =	simm.s32 $0x108;
	_ =	swait.ge @!p0 [sflag:s8], $0x0  }
0x24: {  	s3 =	sadd.s32 $0x88, s3;
	s6 =	simm.s32 @!p1 $0x1082;
	[sflag:s4] =	ssyncset.s32 $0xFFFFF086  }
0x25: {  	[simem:s6], [sflag:s4] =	dma.local [hbm:s3], $0xF7A  }
0x26: {  	[smem:$0x3F97] =	sst s1;
	(tag) =	ssettag s2;
	_ =	strace s9  }
0x27: {  	s1 =	sld [smem:$0x3FA7]  }
0x28: {  	s2 =	sld [smem:$0x3FA8]  }
0x29: {  	s4 =	sld [smem:$0x3FAA]  }
0x2a: {  	p0 =	seq.s32 s5, $0x0;
	s5 =	sld [smem:$0x3FAB]  }
0x2b: {  	s6 =	sld [smem:$0x3FAC]  }
0x2c: {  	s7 =	sld [smem:$0x3FAD]  }
0x2d: {  	s3 =	simm.s32 $0x108;
	s8 =	sld [smem:$0x3FAE]  }
0x2e: {  	s3 =	simm.s32 @!p0 $0x1082;
	s9 =	sld [smem:$0x3FAF]  }
0x2f: {  	lr =	sadd.s32 s0, s3;
	s0 =	sld [smem:$0x3FA6]  }
0x30: {  	s3 =	sld [smem:$0x3FA9]  }
0x31: {  	[smem:$0x3FB2] =	sst s10  }
0x32: {  	s10 =	sld [smem:$0x3FB0];
	_ =	sdelay $0x3  }
0x33: {  	p0 =	seq.s32 s10, $0x1;
	s10 =	sld [smem:$0x3FB2];
	_ =	sdelay $0x3  }
0x34: {  	[smem:$0x3FB2] =	sst s10  }
0x35: {  	s10 =	sld [smem:$0x3FB1];
	_ =	sdelay $0x3  }
0x36: {  	p1 =	seq.s32 s10, $0x1;
	s10 =	sld [smem:$0x3FB2];
	_ =	sdelay $0x3  }
0x37: {  	[smem:$0x3FB2] =	sst s10  }
0x38: {  	s10 =	sld [smem:$0x3FB3]  }
0x39: {  	_ = 	snop;
	(pc) =	sbr.ind lr, $3  }
0x3a: {  	_ = 	snop  }
0x3b: {  	_ = 	snop  }
0x3c: {  	p2 =	seq.s32 s10, $0x1;
	s10 =	sld [smem:$0x3FB2]  }
0x3d: {  	_ =	shalt  }
0x3e: {  	_ =	shalt  }
0x3f: {  	_ =	shalt  }
0x40: {  	_ =	shalt  }
0x41: {  	_ =	shalt  }
0x42: {  	_ =	shalt  }
0x43: {  	_ =	shalt  }
0x44: {  	_ =	shalt  }
0x45: {  	_ =	shalt  }
0x46: {  	_ =	shalt  }
0x47: {  	_ =	shalt  }
0x48: {  	_ =	shalt  }
0x49: {  	_ =	shalt  }
0x4a: {  	_ =	shalt  }
0x4b: {  	_ =	shalt  }
0x4c: {  	_ =	shalt  }
0x4d: {  	_ =	shalt  }
0x4e: {  	_ =	shalt  }
0x4f: {  	_ =	shalt  }
0x50: {  	_ =	shalt  }
0x51: {  	_ =	shalt  }
0x52: {  	_ =	shalt  }
0x53: {  	_ =	shalt  }
0x54: {  	_ =	shalt  }
0x55: {  	_ =	shalt  }
0x56: {  	_ =	shalt  }
0x57: {  	_ =	shalt  }
0x58: {  	_ =	shalt  }
0x59: {  	_ =	shalt  }
0x5a: {  	_ =	shalt  }
0x5b: {  	_ =	shalt  }
0x5c: {  	_ =	shalt  }
0x5d: {  	_ =	shalt  }
0x5e: {  	_ =	shalt  }
0x5f: {  	_ =	shalt  }
0x60: {  	_ =	shalt  }
0x61: {  	_ =	shalt  }
0x62: {  	_ =	shalt  }
0x63: {  	_ =	shalt  }
0x64: {  	_ =	shalt  }
0x65: {  	_ =	shalt  }
0x66: {  	_ =	shalt  }
0x67: {  	_ =	shalt  }
0x68: {  	_ =	shalt  }
0x69: {  	_ =	shalt  }
0x6a: {  	_ =	shalt  }
0x6b: {  	_ =	shalt  }
0x6c: {  	_ =	shalt  }
0x6d: {  	_ =	shalt  }
0x6e: {  	_ =	shalt  }
0x6f: {  	_ =	shalt  }
0x70: {  	_ =	shalt  }
0x71: {  	_ =	shalt  }
0x72: {  	_ =	shalt  }
0x73: {  	_ =	shalt  }
0x74: {  	_ =	shalt  }
0x75: {  	_ =	shalt  }
0x76: {  	_ =	shalt  }
0x77: {  	_ =	shalt  }
0x78: {  	_ =	shalt  }
0x79: {  	_ =	shalt  }
0x7a: {  	_ =	shalt  }
0x7b: {  	_ =	shalt  }
0x7c: {  	_ =	shalt  }
0x7d: {  	_ =	shalt  }
0x7e: {  	_ =	shalt  }
0x7f: {  	_ =	shalt  }
0x80: {  	_ =	shalt  }
0x81: {  	_ =	shalt  }
0x82: {  	_ =	shalt  }
0x83: {  	_ =	shalt  }
0x84: {  	_ =	shalt  }
0x85: {  	_ =	shalt  }
0x86: {  	_ =	shalt  }
0x87: {  	_ =	shalt  }
.Lfunc_end0:
.L_simem_size_0:
called_computation.1_lowered:
.L_overlay_start_0:
0x88: {  	s2 =	sld [smem:$0x3FD9]  }
0x89: {  	s3 =	sld [smem:$0x3FFE];
	_ =	sdelay $0x1  }
0x8a: {  	s1 =	srdreg.scid  }
0x8b: {  	s0 =	sand.u32 $0x1, s1  }
0x8c: {  	s17 =	sshll.u32 s0, $0xA;
	s2 =	sadd.s32 s3, s2  }
0x8d: {  	s2 =	sadd.s32 s2, s17  }
0x8e: {  	[smem:$0x3FBE] =	sst s2  }
0x8f: {  	_ = 	snop  }
0x90: {  	s2 =	sld [smem:$0x3FD0];
	(tm) =	ssettm $0x1  }
0x91: {  	s18 =	sld [smem:$0x3FFB];
	_ =	sdelay $0x3  }
0x92: {  	_ =	strace s18  }
0x93: {  	s3 =	sld [smem:$0x3FFC];
	_ =	sdelay $0x3  }
0x94: {  	_ =	strace s3  }
0x95: {  	s3 =	sld [smem:$0x3FFD];
	_ =	sdelay $0x3  }
0x96: {  	_ =	strace s3  }
0x97: {  	_ =	strace $0x8FFFFFFF  }
0x98: {  	s19 =	sld [smem:$0x3FDB];
	_ =	sdelay $0x1  }
0x99: {  	s4 =	simm.s32 $_scs_section_size  }
0x9a: {  	s5 =	simm.s32 $_size__tile_overlayer_lowered;
	s6 =	simm.s32 $_tile_overlayer_lowered  }
0x9b: {  	s22 =	simm.s32 $0x1BFF;
	s21 =	sshll.u32 s6, $0x1;
	s3 =	sadd.s32 s4, s19  }
0x9c: {  	s7 =	simm.s32 $0x0;
	s20 =	sshll.u32 s5, $0x1;
	s5 =	sadd.s32 s21, s3  }
0x9d: {  	[timem:s7], [sflag:s22] =	dma.local [hbm:s5], s20  }
0x9e: {  	_ =	swait.ge [sflag:s22], s20  }
0x9f: {  	s4 =	ssub.s32 $0x0, s20;
	[sflag:s22] =	ssyncset.done $0x0  }
0xa0: {  	[sflag:s22] =	ssyncadd.s32 s4;
	_ =	sdelay $0x1  }
0xa1: {  	s23 =	simm.s32 $0x1B8B  }
0xa2: {  	_ =	swait.ge [sflag:s23], $0x1  }
0xa3: {  	[sflag:s23] =	ssyncset.done $0x0  }
0xa4: {  	s25 =	simm.s32 $0x1B8E;
	s24 =	sld [smem:$0x3FFE];
	[sflag:s23] =	ssyncadd.s32 $0xFFFFFFFF  }
0xa5: {  	s26 =	simm.s32 $execute0_lowered;
	[smem:$0x3FD2] =	sst s25  }
0xa6: {  	s5 =	sshll.u32 s26, $0x1;
	_ =	strace $0x80000049;
	[dreg:$0x1] =	wrdreg $0xFFFFFFFF  }
0xa7: {  	s28 =	simm.s32 $_size_execute0_lowered;
	s3 =	sadd.s32 s3, s5;
	[dreg:$0x0] =	wrdreg $0x0  }
0xa8: {  	s5 =	sshll.u32 s28, $0x1;
	[dreg:$0x2] =	wrdreg s3  }
0xa9: {  	[dreg:$0x3] =	wrdreg s5  }
0xaa: {  	[dreg:$0x4] =	wrdreg $0xC0  }
0xab: {  	_ =	task [dreg:s7], $0x5FFFF  }
0xac: {  	[dreg:$0x1] =	wrdreg $0xFFFFFFFF  }
0xad: {  	[dreg:$0x0] =	wrdreg $0x60  }
0xae: {  	[dreg:$0x2] =	wrdreg s24  }
0xaf: {  	[dreg:$0x3] =	wrdreg s2  }
0xb0: {  	[dreg:$0x4] =	wrdreg $0x95800  }
0xb1: {  	[dreg:$0x5] =	wrdreg $0x1D5800  }
0xb2: {  	[dreg:$0x6] =	wrdreg $0x9  }
0xb3: {  	_ =	task.clear_ibuf [dreg:s7], $0x7FFFF;
	_ =	strace $0x90000049  }
0xb4: {  	s29 =	simm.s32 $0x9;
	_ =	strace $0x8000004B  }
0xb5: {  	_ =	swait.ge [sflag:s29], $0x1  }
0xb6: {  	[sflag:s29] =	ssyncadd.s32 $0xFFFFFFFF  }
0xb7: {  	_ =	strace $0x9000004B  }
0xb8: {  	_ =	sfence  }
0xb9: {  	s30 =	sld [smem:$0x0];
	_ =	sdelay $0x2  }
0xba: {  	s31 =	sshll.u32 s1, $0xD;
	s1 =	sshrl.u32 s1, $0x2  }
0xbb: {  	s3 =	sand.u32 $0x4000, s31;
	s1 =	sadd.s32 s1, s30  }
0xbc: {  	s0 =	sor.u32 s3, s0;
	s1 =	sshll.u32 s1, $0x11  }
0xbd: {  	s0 =	sor.u32 s1, s0  }
0xbe: {  	s0 =	sadd.s32 $0x8F2B, s0  }
0xbf: {  	[sflag:s0] =	ssyncadd.remote.s32 $0x1  }
0xc0: {  	_ =	sfence.sel $0xFFFF  }
0xc1: {  	[dreg:$0x0] =	wrdreg $0xFFFFFFFF;
	(pc) =	sbr.abs _section_cstart, $3  }
0xc2: {  	[dreg:$0x1] =	wrdreg $0xFFFFFFFF  }
0xc3: {  	_ =	task.clear_ibuf [dreg:s7], $0x2FFFF;
	_ =	strace $0x9FFFFFFF  }
0xc4: {  	(tm) =	ssettm $0x7FFFFFFF  }
0xc5: {  	_ =	shalt  }
tec
execute0_lowered:
.L_overlay_start_1:
0x0: {  	(tag) =	ssettag $0x1  }
0x1: {  	s0 =	rddreg [dreg:$0x0]  }
0x2: {  	s1 =	rddreg [dreg:$0x1]  }
0x3: {  	s2 =	rddreg [dreg:$0x2]  }
0x4: {  	s3 =	rddreg [dreg:$0x3];
	s4 =	simm.s32 $0x0;
	s20 =	srdreg.scid  }
0x5: {  	s19 =	stileid.u32;
	s30 =	simm.s32 $0x4;
	s31 =	simm.s32 $0x2800  }
0x6: {  	[smem:$0x7FF] =	sst s4;
	s6 =	sadd.s32 $0xEE00, s0;
	s5 =	sadd.s32 $0x37200, s0  }
0x7: {  	s7 =	sadd.s32 $0x37800, s0;
	s21 =	smul.u32 $0x500, s19;
	s8 =	sadd.s32 $0x36E00, s0  }
0x8: {  	s12 =	smul.u32 $0x2C00, s19;
	_ =	strace $0x8000004A;
	[dreg:$0x5] =	wrdreg s5  }
0x9: {  	s22 =	sadd.s32 $0x37E00, s0;
	s13 =	smul.u32 $0x280, s19;
	[dreg:$0x6] =	wrdreg s7  }
0xa: {  	s25 =	smul.u32 $0x14000, s19;
	s5 =	sand.u32 $0x1, s20;
	[dreg:$0x7] =	wrdreg s8  }
0xb: {  	s8 =	simm.s32 $0x9280;
	s9 =	smul.u32 $0x2C000, s5;
	s10 =	sshll.u32 s5, $0x7  }
0xc: {  	s11 =	ssub.s32 $0x2, s5;
	s5 =	smul.u32 $0x140000, s5;
	s24 =	sshll.u32 s13, $0x7  }
0xd: {  	s7 =	sor.u32 s10, s21;
	s23 =	sshrl.u32 s11, $0x1;
	s15 =	sadd.s32 $0x4000, s24  }
0xe: {  	s17 =	sadd.s32 $0x8000, s24;
	s18 =	sadd.s32 $0xC000, s24;
	s7 =	sshrl.u32 s7, $0x3  }
0xf: {  	s11 =	ssub.s32 s11, s23;
	s10 =	sadd.s32 s12, s9;
	s12 =	sadd.s32 s25, s5  }
0x10: {  	s16 =	sadd.s32 s5, s15;
	s9 =	sadd.s32 $0x10000, s24;
	s20 =	sadd.s32 s5, s18  }
0x11: {  	s14 =	sshrl.u32 s10, $0x3;
	s12 =	sshrl.u32 s12, $0x3;
	s16 =	sshrl.u32 s16, $0x3  }
0x12: {  	s21 =	sshrl.u32 s20, $0x3;
	s7 =	sadd.s32 s7, s0;
	s29 =	smax.u32 s11, $0x1  }
0x13: {  	s11 =	simm.s32 $0x3;
	s12 =	sadd.s32 s22, s12;
	s26 =	sadd.s32 s22, s16  }
0x14: {  	s16 =	sadd.s32 s5, s17;
	s5 =	sadd.s32 s5, s9;
	s23 =	sadd.s32 s1, s14  }
0x15: {  	s25 =	sor.u32 $0x10, s14;
	s28 =	sadd.s32 $0x87E00, s7;
	[dreg:$0x8] =	wrdreg s12  }
0x16: {  	s7 =	simm.s32 $0x1;
	[dreg:$0x9] =	wrdreg s26;
	s12 =	sshrl.u32 s16, $0x3  }
0x17: {  	s5 =	sshrl.u32 s5, $0x3;
	s16 =	sadd.s32 $0x3E00, s0;
	[dreg:$0xd] =	wrdreg s23  }
0x18: {  	s26 =	sadd.s32 s1, s25;
	s23 =	sadd.s32 s17, s2;
	s12 =	sadd.s32 s22, s12  }
0x19: {  	s5 =	sadd.s32 s22, s5;
	s24 =	sadd.s32 s16, s14;
	[dreg:$0xf] =	wrdreg s26  }
0x1a: {  	s0 =	sadd.s32 s16, s25;
	s25 =	sadd.s32 s9, s2;
	[dreg:$0xa] =	wrdreg s12  }
0x1b: {  	s26 =	sadd.s32 s13, s3;
	s9 =	simm.s32 $0x2;
	[dreg:$0xc] =	wrdreg s5  }
0x1c: {  	s12 =	sadd.s32 s22, s21;
	s22 =	smul.u32 $0x50000, s19;
	[dreg:$0xe] =	wrdreg s24  }
0x1d: {  	[dreg:$0x10] =	wrdreg s0;
	s24 =	sadd.s32 s18, s2;
	s0 =	simm.s32 $0x5280  }
0x1e: {  	[dreg:$0xb] =	wrdreg s12;
	s12 =	simm.s32 $0x0;
	s5 =	sshrl.u32 s22, $0x2  }
0x1f: {  	v0 =	vimm.f32 $0.0e+00;
	s22 =	sadd.s32 s15, s2;
	s21 =	sadd.s32 s5, s2;
	s5 =	simm.s32 $0x80  }
.LBB2_1:
0x20: {  	s13 =	rddreg [dreg:$0x5]  }
0x21: {  	[tilespmem:s4], [sflag:$0x4] =	stream.linear.gather [hbm4b:s13+s4], $0x2800, $0x38;
	[tilespmem:$0x1D800] =	vst v63  }
0x22: {  	_ =	swait.ge [sflag:s30], $0x2800  }
0x23: {  	[sflag:s30] =	ssyncset.done $0x0  }
0x24: {  	s17 =	rddreg [dreg:$0x6];
	[sflag:s30] =	ssyncadd.s32 $0xFFFFD800  }
0x25: {  	[tilespmem:s31], [sflag:$0x4] =	stream.linear.gather [hbm4b:s17+s4], $0x2800, $0x38;
	[tilespmem:$0x1D800] =	vst v63  }
0x26: {  	_ =	swait.ge [sflag:s30], $0x2800  }
0x27: {  	[sflag:s30] =	ssyncset.done $0x0  }
0x28: {  	s14 =	simm.s32 $0x5000;
	s18 =	rddreg [dreg:$0x7];
	[sflag:s30] =	ssyncadd.s32 $0xFFFFD800  }
0x29: {  	[tilespmem:s14], [sflag:$0x4] =	stream.linear.gather [hbm4b:s18+s4], $0x80, $0x38;
	[tilespmem:$0x1D800] =	vst v63  }
0x2a: {  	_ =	swait.ge [sflag:s30], $0x80  }
0x2b: {  	[sflag:s30] =	ssyncset.done $0x0  }
0x2c: {  	s20 =	simm.s32 $0x5080;
	s19 =	rddreg [dreg:$0xd];
	[sflag:s30] =	ssyncadd.s32 $0xFFFFFF80  }
0x2d: {  	[tilespmem:s20], [sflag:$0x2] =	stream.linear.gather [hbm4b:s19+s4], $0x80, $0x38;
	[tilespmem:$0x1D800] =	vst v63  }
0x2e: {  	s15 =	simm.s32 $0x5180;
	s14 =	rddreg [dreg:$0xe]  }
0x2f: {  	[tilespmem:s15], [sflag:$0x2] =	stream.linear.gather [hbm4b:s14+s4], $0x80, $0x38;
	[tilespmem:$0x1D800] =	vst v63  }
0x30: {  	s13 =	simm.s32 $0x0;
	s18 =	simm.s32 $0x5100;
	s17 =	rddreg [dreg:$0xf]  }
0x31: {  	[tilespmem:s18], [sflag:$0x3] =	stream.linear.gather [hbm4b:s17+s4], $0x80, $0x38;
	[tilespmem:$0x1D800] =	vst v63  }
0x32: {  	s19 =	rddreg [dreg:$0x10];
	s20 =	simm.s32 $0x5200;
	s14 =	simm.s32 $0x200  }
0x33: {  	[tilespmem:s20], [sflag:$0x3] =	stream.linear.gather [hbm4b:s19+s4], $0x80, $0x38;
	[tilespmem:$0x1D800] =	vst v63  }
.LBB2_2:
0x34: {  	p0 =	sne.s32 s14, $0xFE00;
	[tilespmem:s13+$0x52F0] =	vst v0  }
0x35: {  	[tilespmem:s13+$0x5280] =	vst v0  }
0x36: {  	[tilespmem:s13+$0x5290] =	vst v0  }
.Ltmp0:
0x37: {  	[tilespmem:s13+$0x52A0] =	vst v0;
	(pc) =	sbr.rel @p0 .LBB2_2-.Ltmp0, $4  }
0x38: {  	[tilespmem:s13+$0x52B0] =	vst v0  }
0x39: {  	[tilespmem:s13+$0x52C0] =	vst v0  }
0x3a: {  	[tilespmem:s13+$0x52D0] =	vst v0  }
0x3b: {  	[tilespmem:s13+$0x52E0] =	vst v0;
	s13 =	sshra.s32 s14, $0x2;
	s14 =	sadd.s32 $0x200, s14  }
0x3c: {  	[tilespmem:s13+$0x52F0] =	vst v0  }
0x3d: {  	[tilespmem:s13+$0x5280] =	vst v0  }
0x3e: {  	[tilespmem:s13+$0x5290] =	vst v0  }
0x3f: {  	[tilespmem:s13+$0x52A0] =	vst v0  }
0x40: {  	[tilespmem:s13+$0x52B0] =	vst v0  }
0x41: {  	[tilespmem:s13+$0x52C0] =	vst v0  }
0x42: {  	[tilespmem:s13+$0x52D0] =	vst v0  }
0x43: {  	[tilespmem:s13+$0x52E0] =	vst v0  }
0x44: {  	[tilespmem:$0x9300] =	vst v0  }
0x45: {  	[tilespmem:$0x9310] =	vst v0  }
0x46: {  	[tilespmem:$0x9320] =	vst v0  }
0x47: {  	[tilespmem:$0x9330] =	vst v0  }
0x48: {  	[tilespmem:$0x9340] =	vst v0  }
0x49: {  	[tilespmem:$0x9350] =	vst v0  }
0x4a: {  	[tilespmem:$0x9360] =	vst v0  }
0x4b: {  	[tilespmem:$0x9370] =	vst v0  }
0x4c: {  	[tilespmem:$0x9380] =	vst v0  }
0x4d: {  	[tilespmem:$0x9390] =	vst v0  }
0x4e: {  	[tilespmem:$0x93A0] =	vst v0  }
0x4f: {  	[tilespmem:$0x93B0] =	vst v0  }
0x50: {  	[tilespmem:$0x93C0] =	vst v0  }
0x51: {  	[tilespmem:$0x93D0] =	vst v0  }
0x52: {  	[tilespmem:$0x93E0] =	vst v0  }
0x53: {  	[tilespmem:$0x93F0] =	vst v0  }
0x54: {  	[tilespmem:$0x9400] =	vst v0  }
0x55: {  	[tilespmem:$0x9410] =	vst v0  }
0x56: {  	[tilespmem:$0x9420] =	vst v0  }
0x57: {  	[tilespmem:$0x9430] =	vst v0  }
0x58: {  	[tilespmem:$0x9440] =	vst v0  }
0x59: {  	[tilespmem:$0x9450] =	vst v0  }
0x5a: {  	[tilespmem:$0x9460] =	vst v0  }
0x5b: {  	[tilespmem:$0x9470] =	vst v0  }
0x5c: {  	[tilespmem:$0x9480] =	vst v0  }
0x5d: {  	[tilespmem:$0x9490] =	vst v0  }
0x5e: {  	[tilespmem:$0x94A0] =	vst v0  }
0x5f: {  	[tilespmem:$0x94B0] =	vst v0  }
0x60: {  	[tilespmem:$0x94C0] =	vst v0  }
0x61: {  	[tilespmem:$0x94D0] =	vst v0  }
0x62: {  	[tilespmem:$0x94E0] =	vst v0  }
0x63: {  	[tilespmem:$0x94F0] =	vst v0  }
0x64: {  	[tilespmem:$0x9500] =	vst v0  }
0x65: {  	[tilespmem:$0x9510] =	vst v0  }
0x66: {  	[tilespmem:$0x9520] =	vst v0  }
0x67: {  	[tilespmem:$0x9530] =	vst v0  }
0x68: {  	[tilespmem:$0x9540] =	vst v0  }
0x69: {  	[tilespmem:$0x9550] =	vst v0  }
0x6a: {  	[tilespmem:$0x9560] =	vst v0  }
0x6b: {  	[tilespmem:$0x9570] =	vst v0  }
0x6c: {  	[spmem:s21] =	stream.linear.scatter [tilespmem:s0], [sflag:$0x4], $0x4000, $0x38;
	[tilespmem:$0x1D800] =	vst v63  }
0x6d: {  	_ =	swait.ge [sflag:s30], $0x4000  }
0x6e: {  	[sflag:s30] =	ssyncset.done $0x0  }
0x6f: {  	[sflag:s30] =	ssyncadd.s32 $0xFFFFC000  }
0x70: {  	[spmem:s22] =	stream.linear.scatter [tilespmem:s0], [sflag:$0x4], $0x4000, $0x38;
	[tilespmem:$0x1D800] =	vst v63  }
0x71: {  	_ =	swait.ge [sflag:s30], $0x4000  }
0x72: {  	[sflag:s30] =	ssyncset.done $0x0  }
0x73: {  	[sflag:s30] =	ssyncadd.s32 $0xFFFFC000  }
0x74: {  	[spmem:s23] =	stream.linear.scatter [tilespmem:s0], [sflag:$0x4], $0x4000, $0x38;
	[tilespmem:$0x1D800] =	vst v63  }
0x75: {  	_ =	swait.ge [sflag:s30], $0x4000  }
0x76: {  	[sflag:s30] =	ssyncset.done $0x0  }
0x77: {  	[sflag:s30] =	ssyncadd.s32 $0xFFFFC000  }
0x78: {  	[spmem:s24] =	stream.linear.scatter [tilespmem:s0], [sflag:$0x4], $0x4000, $0x38;
	[tilespmem:$0x1D800] =	vst v63  }
0x79: {  	_ =	swait.ge [sflag:s30], $0x4000  }
0x7a: {  	[sflag:s30] =	ssyncset.done $0x0  }
0x7b: {  	[sflag:s30] =	ssyncadd.s32 $0xFFFFC000  }
0x7c: {  	[spmem:s25] =	stream.linear.scatter [tilespmem:s0], [sflag:$0x4], $0x4000, $0x38;
	[tilespmem:$0x1D800] =	vst v63  }
0x7d: {  	_ =	swait.ge [sflag:s30], $0x4000  }
0x7e: {  	[sflag:s30] =	ssyncset.done $0x0  }
0x7f: {  	s20 =	simm.s32 $0x9300;
	[sflag:s30] =	ssyncadd.s32 $0xFFFFC000  }
0x80: {  	[spmem:s26] =	stream.linear.scatter [tilespmem:s20], [sflag:$0x4], $0x280, $0x38;
	[tilespmem:$0x1D800] =	vst v63  }
0x81: {  	_ =	swait.ge [sflag:s30], $0x280  }
0x82: {  	[sflag:s30] =	ssyncset.done $0x0  }
0x83: {  	[sflag:s30] =	ssyncadd.s32 $0xFFFFFD80  }
0x84: {  	[bflag:$0x0] =	sbarrier.arrive $0xFFFF  }
0x85: {  	s13 =	simm.s32 $0x0;
	s14 =	simm.s32 $0x0;
	v1 =	vld [tilespmem:$0x5000]  }
.LBB2_4:
0x86: {  	s17 =	sand.u32 $0x1, s14  }
0x87: {  	s15 =	sor.u32 $0x2, s17  }
0x88: {  	_ =	swait.ge [sflag:s15], $0x80  }
0x89: {  	[sflag:s15] =	ssyncset.done $0x0  }
0x8a: {  	[sflag:s15] =	ssyncadd.s32 $0xFFFFFF80  }
0x8b: {  	_ =	swait.ge [sflag:s15], $0x80  }
0x8c: {  	s18 =	sshll.u32 s17, $0x7;
	[sflag:s15] =	ssyncset.done $0x0  }
0x8d: {  	s17 =	sadd.s32 $0x5080, s18;
	[sflag:s15] =	ssyncadd.s32 $0xFFFFFF80  }
0x8e: {  	[tilespmem:s0], [sflag:$0x1] =	stream.indirect.gather [hbm4b:s6+s5], $0x80, s17, s5, $0xb8;
	[tilespmem:$0x1D800] =	vst v63  }
0x8f: {  	v2 =	vld [tilespmem:s18+$0x5080]  }
0x90: {  	v3 =	vld [tilespmem:s18+$0x5180];
	_ =	sdelay $0x6  }
0x91: {  	v2 =	vld.idx.msk [tilespmem:v2+s13+$0x0], $0xffff  }
0x92: {  	v3 =	vld.idx.msk [tilespmem:v3+s31+$0x0], $0xffff;
	_ =	sdelay $0x4  }
0x93: {  	v2 =	vadd.f32 v3, v2;
	_ =	sdelay $0x1  }
0x94: {  	v3 =	vmul.f32 $2.000000030e-01, v2;
	_ =	sdelay $0x1  }
0x95: {  	v2 =	vmax.f32 v2, v3  }
0x96: {  	v2 =	vsub.f32 v2, v1;
	_ =	sdelay $0x1  }
0x97: {  	v2 =	vmul.f32 $1.442695020e+00, v2;
	_ =	sdelay $0x1  }
0x98: {  	(erf) = vpow2.f32 v2;
	_ =	sdelay $0x8  }
0x99: {  	v2 =	vpop (erf)  }
0x9a: {  	[tilespmem:$0x9280] =	vst v2  }
0x9b: {  	v2 =	vld [tilespmem:s18+$0x5090]  }
0x9c: {  	v3 =	vld [tilespmem:s18+$0x5190];
	_ =	sdelay $0x6  }
0x9d: {  	v2 =	vld.idx.msk [tilespmem:v2+s13+$0x0], $0xffff  }
0x9e: {  	v3 =	vld.idx.msk [tilespmem:v3+s31+$0x0], $0xffff;
	_ =	sdelay $0x4  }
0x9f: {  	v2 =	vadd.f32 v3, v2;
	_ =	sdelay $0x1  }
0xa0: {  	v3 =	vmul.f32 $2.000000030e-01, v2;
	_ =	sdelay $0x1  }
0xa1: {  	v2 =	vmax.f32 v2, v3  }
0xa2: {  	v2 =	vsub.f32 v2, v1;
	_ =	sdelay $0x1  }
0xa3: {  	v2 =	vmul.f32 $1.442695020e+00, v2;
	_ =	sdelay $0x1  }
0xa4: {  	(erf) = vpow2.f32 v2;
	_ =	sdelay $0x8  }
0xa5: {  	v2 =	vpop (erf)  }
0xa6: {  	[tilespmem:$0x9290] =	vst v2  }
0xa7: {  	v2 =	vld [tilespmem:s18+$0x50A0]  }
0xa8: {  	v3 =	vld [tilespmem:s18+$0x51A0];
	_ =	sdelay $0x6  }
0xa9: {  	v2 =	vld.idx.msk [tilespmem:v2+s13+$0x0], $0xffff  }
0xaa: {  	v3 =	vld.idx.msk [tilespmem:v3+s31+$0x0], $0xffff;
	_ =	sdelay $0x4  }
0xab: {  	v2 =	vadd.f32 v3, v2;
	_ =	sdelay $0x1  }
0xac: {  	v3 =	vmul.f32 $2.000000030e-01, v2;
	_ =	sdelay $0x1  }
0xad: {  	v2 =	vmax.f32 v2, v3  }
0xae: {  	v2 =	vsub.f32 v2, v1;
	_ =	sdelay $0x1  }
0xaf: {  	v2 =	vmul.f32 $1.442695020e+00, v2;
	_ =	sdelay $0x1  }
0xb0: {  	(erf) = vpow2.f32 v2;
	_ =	sdelay $0x8  }
0xb1: {  	v2 =	vpop (erf)  }
0xb2: {  	[tilespmem:$0x92A0] =	vst v2  }
0xb3: {  	v2 =	vld [tilespmem:s18+$0x50B0]  }
0xb4: {  	v3 =	vld [tilespmem:s18+$0x51B0];
	_ =	sdelay $0x6  }
0xb5: {  	v2 =	vld.idx.msk [tilespmem:v2+s13+$0x0], $0xffff  }
0xb6: {  	v3 =	vld.idx.msk [tilespmem:v3+s31+$0x0], $0xffff;
	_ =	sdelay $0x4  }
0xb7: {  	v2 =	vadd.f32 v3, v2;
	_ =	sdelay $0x1  }
0xb8: {  	v3 =	vmul.f32 $2.000000030e-01, v2;
	_ =	sdelay $0x1  }
0xb9: {  	v2 =	vmax.f32 v2, v3  }
0xba: {  	v2 =	vsub.f32 v2, v1;
	_ =	sdelay $0x1  }
0xbb: {  	v2 =	vmul.f32 $1.442695020e+00, v2;
	_ =	sdelay $0x1  }
0xbc: {  	(erf) = vpow2.f32 v2;
	_ =	sdelay $0x8  }
0xbd: {  	v2 =	vpop (erf)  }
0xbe: {  	[tilespmem:$0x92B0] =	vst v2  }
0xbf: {  	v2 =	vld [tilespmem:s18+$0x50C0]  }
0xc0: {  	v3 =	vld [tilespmem:s18+$0x51C0];
	_ =	sdelay $0x6  }
0xc1: {  	v2 =	vld.idx.msk [tilespmem:v2+s13+$0x0], $0xffff  }
0xc2: {  	v3 =	vld.idx.msk [tilespmem:v3+s31+$0x0], $0xffff;
	_ =	sdelay $0x4  }
0xc3: {  	v2 =	vadd.f32 v3, v2;
	_ =	sdelay $0x1  }
0xc4: {  	v3 =	vmul.f32 $2.000000030e-01, v2;
	_ =	sdelay $0x1  }
0xc5: {  	v2 =	vmax.f32 v2, v3  }
0xc6: {  	v2 =	vsub.f32 v2, v1;
	_ =	sdelay $0x1  }
0xc7: {  	v2 =	vmul.f32 $1.442695020e+00, v2;
	_ =	sdelay $0x1  }
0xc8: {  	(erf) = vpow2.f32 v2;
	_ =	sdelay $0x8  }
0xc9: {  	v2 =	vpop (erf)  }
0xca: {  	[tilespmem:$0x92C0] =	vst v2  }
0xcb: {  	v2 =	vld [tilespmem:s18+$0x50D0]  }
0xcc: {  	v3 =	vld [tilespmem:s18+$0x51D0];
	_ =	sdelay $0x6  }
0xcd: {  	v2 =	vld.idx.msk [tilespmem:v2+s13+$0x0], $0xffff  }
0xce: {  	v3 =	vld.idx.msk [tilespmem:v3+s31+$0x0], $0xffff;
	_ =	sdelay $0x4  }
0xcf: {  	v2 =	vadd.f32 v3, v2;
	_ =	sdelay $0x1  }
0xd0: {  	v3 =	vmul.f32 $2.000000030e-01, v2;
	_ =	sdelay $0x1  }
0xd1: {  	v2 =	vmax.f32 v2, v3  }
0xd2: {  	v2 =	vsub.f32 v2, v1;
	_ =	sdelay $0x1  }
0xd3: {  	v2 =	vmul.f32 $1.442695020e+00, v2;
	_ =	sdelay $0x1  }
0xd4: {  	(erf) = vpow2.f32 v2;
	_ =	sdelay $0x8  }
0xd5: {  	v2 =	vpop (erf)  }
0xd6: {  	[tilespmem:$0x92D0] =	vst v2  }
0xd7: {  	v2 =	vld [tilespmem:s18+$0x50E0]  }
0xd8: {  	v3 =	vld [tilespmem:s18+$0x51E0];
	_ =	sdelay $0x6  }
0xd9: {  	v2 =	vld.idx.msk [tilespmem:v2+s13+$0x0], $0xffff  }
0xda: {  	v3 =	vld.idx.msk [tilespmem:v3+s31+$0x0], $0xffff;
	_ =	sdelay $0x4  }
0xdb: {  	v2 =	vadd.f32 v3, v2;
	_ =	sdelay $0x1  }
0xdc: {  	v3 =	vmul.f32 $2.000000030e-01, v2;
	_ =	sdelay $0x1  }
0xdd: {  	v2 =	vmax.f32 v2, v3  }
0xde: {  	v2 =	vsub.f32 v2, v1;
	_ =	sdelay $0x1  }
0xdf: {  	v2 =	vmul.f32 $1.442695020e+00, v2;
	_ =	sdelay $0x1  }
0xe0: {  	(erf) = vpow2.f32 v2;
	_ =	sdelay $0x8  }
0xe1: {  	v2 =	vpop (erf)  }
0xe2: {  	[tilespmem:$0x92E0] =	vst v2  }
0xe3: {  	v2 =	vld [tilespmem:s18+$0x50F0]  }
0xe4: {  	v3 =	vld [tilespmem:s18+$0x51F0];
	_ =	sdelay $0x6  }
0xe5: {  	v2 =	vld.idx.msk [tilespmem:v2+s13+$0x0], $0xffff  }
0xe6: {  	v3 =	vld.idx.msk [tilespmem:v3+s31+$0x0], $0xffff;
	_ =	sdelay $0x4  }
0xe7: {  	v2 =	vadd.f32 v3, v2;
	_ =	sdelay $0x1  }
0xe8: {  	v3 =	vmul.f32 $2.000000030e-01, v2;
	_ =	sdelay $0x1  }
0xe9: {  	v2 =	vmax.f32 v2, v3  }
0xea: {  	v2 =	vsub.f32 v2, v1;
	_ =	sdelay $0x1  }
0xeb: {  	v2 =	vmul.f32 $1.442695020e+00, v2;
	_ =	sdelay $0x1  }
0xec: {  	(erf) = vpow2.f32 v2;
	_ =	sdelay $0x8  }
0xed: {  	v2 =	vpop (erf)  }
0xee: {  	[tilespmem:$0x92F0] =	vst v2  }
0xef: {  	_ =	swait.ge [sflag:s7], $0x4000  }
0xf0: {  	[sflag:s7] =	ssyncset.done $0x0  }
0xf1: {  	s19 =	simm.s32 $0x0;
	s18 =	sadd.s32 $0x5180, s18;
	[sflag:s7] =	ssyncadd.s32 $0xFFFFC000  }
.LBB2_5:
0xf2: {  	s20 =	sshll.u32 s19, $0x4  }
0xf3: {  	s20 =	sand.u32 $0x3FFFFFF0, s20  }
0xf4: {  	v2 =	vld [tilespmem:s20+$0x9280];
	s20 =	sshll.u32 s19, $0xB  }
0xf5: {  	s20 =	sand.u32 $0x3FFFF800, s20  }
0xf6: {  	v3 =	vld [tilespmem:s20+$0x5280]  }
0xf7: {  	v4 =	vld [tilespmem:s20+$0x5290]  }
0xf8: {  	v5 =	vld [tilespmem:s20+$0x52A0]  }
0xf9: {  	v7 =	vld [tilespmem:s20+$0x52B0];
	v6 =	vbroadcast v2, $0x0  }
0xfa: {  	v8 =	vld [tilespmem:s20+$0x52C0]  }
0xfb: {  	v9 =	vld [tilespmem:s20+$0x52D0];
	v3 =	vmul.f32 v6, v3  }
0xfc: {  	v10 =	vld [tilespmem:s20+$0x52E0];
	v4 =	vmul.f32 v4, v6  }
0xfd: {  	v24 =	vld [tilespmem:s20+$0x52F0];
	[tilespmem:s20+$0x5280] =	vst v3;
	v3 =	vmul.f32 v5, v6  }
0xfe: {  	v26 =	vld [tilespmem:s20+$0x5300];
	v25 =	vmul.f32 v7, v6;
	[tilespmem:s20+$0x5290] =	vst v4  }
0xff: {  	v27 =	vld [tilespmem:s20+$0x5310];
	[tilespmem:s20+$0x52A0] =	vst v3;
	v3 =	vmul.f32 v8, v6  }
0x100: {  	v29 =	vld [tilespmem:s20+$0x5320];
	v28 =	vmul.f32 v9, v6;
	[tilespmem:s20+$0x52B0] =	vst v25  }
0x101: {  	v11 =	vld [tilespmem:s20+$0x5330];
	v30 =	vbroadcast v2, $0x1;
	[tilespmem:s20+$0x52C0] =	vst v3;
	v3 =	vmul.f32 v10, v6  }
0x102: {  	v32 =	vld [tilespmem:s20+$0x5340];
	v31 =	vmul.f32 v24, v6;
	[tilespmem:s20+$0x52D0] =	vst v28  }
0x103: {  	v33 =	vld [tilespmem:s20+$0x5350];
	[tilespmem:s20+$0x52E0] =	vst v3;
	v3 =	vmul.f32 v26, v30  }
0x104: {  	v35 =	vld [tilespmem:s20+$0x5360];
	v34 =	vmul.f32 v27, v30;
	[tilespmem:s20+$0x52F0] =	vst v31  }
0x105: {  	v36 =	vld [tilespmem:s20+$0x5370];
	[tilespmem:s20+$0x5300] =	vst v3;
	v3 =	vmul.f32 v29, v30  }
0x106: {  	v38 =	vld [tilespmem:s20+$0x5380];
	v37 =	vmul.f32 v11, v30;
	[tilespmem:s20+$0x5310] =	vst v34  }
0x107: {  	v39 =	vld [tilespmem:s20+$0x5390];
	[tilespmem:s20+$0x5320] =	vst v3;
	v3 =	vmul.f32 v32, v30  }
0x108: {  	v41 =	vld [tilespmem:s20+$0x53A0];
	v40 =	vmul.f32 v33, v30;
	[tilespmem:s20+$0x5330] =	vst v37  }
0x109: {  	v43 =	vld [tilespmem:s20+$0x53B0];
	v42 =	vbroadcast v2, $0x2;
	[tilespmem:s20+$0x5340] =	vst v3;
	v3 =	vmul.f32 v35, v30  }
0x10a: {  	v45 =	vld [tilespmem:s20+$0x53C0];
	v44 =	vmul.f32 v36, v30;
	[tilespmem:s20+$0x5350] =	vst v40  }
0x10b: {  	v46 =	vld [tilespmem:s20+$0x53D0];
	[tilespmem:s20+$0x5360] =	vst v3;
	v3 =	vmul.f32 v38, v42  }
0x10c: {  	v48 =	vld [tilespmem:s20+$0x53E0];
	v47 =	vmul.f32 v39, v42;
	[tilespmem:s20+$0x5370] =	vst v44  }
0x10d: {  	v49 =	vld [tilespmem:s20+$0x53F0];
	[tilespmem:s20+$0x5380] =	vst v3;
	v3 =	vmul.f32 v41, v42  }
0x10e: {  	v51 =	vld [tilespmem:s20+$0x5400];
	v50 =	vmul.f32 v43, v42;
	[tilespmem:s20+$0x5390] =	vst v47  }
0x10f: {  	v52 =	vld [tilespmem:s20+$0x5410];
	[tilespmem:s20+$0x53A0] =	vst v3;
	v3 =	vmul.f32 v45, v42  }
0x110: {  	v54 =	vld [tilespmem:s20+$0x5420];
	v53 =	vmul.f32 v46, v42;
	[tilespmem:s20+$0x53B0] =	vst v50  }
0x111: {  	v56 =	vld [tilespmem:s20+$0x5430];
	v55 =	vbroadcast v2, $0x3;
	[tilespmem:s20+$0x53C0] =	vst v3;
	v3 =	vmul.f32 v48, v42  }
0x112: {  	v58 =	vld [tilespmem:s20+$0x5440];
	v57 =	vmul.f32 v49, v42;
	[tilespmem:s20+$0x53D0] =	vst v53  }
0x113: {  	v59 =	vld [tilespmem:s20+$0x5450];
	[tilespmem:s20+$0x53E0] =	vst v3;
	v3 =	vmul.f32 v51, v55  }
0x114: {  	v61 =	vld [tilespmem:s20+$0x5460];
	v60 =	vmul.f32 v52, v55;
	[tilespmem:s20+$0x53F0] =	vst v57  }
0x115: {  	v62 =	vld [tilespmem:s20+$0x5470];
	[tilespmem:s20+$0x5400] =	vst v3;
	v3 =	vmul.f32 v54, v55  }
0x116: {  	v12 =	vld [tilespmem:s20+$0x5480];
	v63 =	vmul.f32 v56, v55;
	[tilespmem:s20+$0x5410] =	vst v60  }
0x117: {  	v13 =	vld [tilespmem:s20+$0x5490];
	[tilespmem:s20+$0x5420] =	vst v3;
	v3 =	vmul.f32 v58, v55  }
0x118: {  	v15 =	vld [tilespmem:s20+$0x54A0];
	v14 =	vmul.f32 v59, v55;
	[tilespmem:s20+$0x5430] =	vst v63  }
0x119: {  	v17 =	vld [tilespmem:s20+$0x54B0];
	v16 =	vbroadcast v2, $0x4;
	[tilespmem:s20+$0x5440] =	vst v3;
	v3 =	vmul.f32 v61, v55  }
0x11a: {  	v19 =	vld [tilespmem:s20+$0x54C0];
	v18 =	vmul.f32 v62, v55;
	[tilespmem:s20+$0x5450] =	vst v14  }
0x11b: {  	v20 =	vld [tilespmem:s20+$0x54D0];
	[tilespmem:s20+$0x5460] =	vst v3;
	v3 =	vmul.f32 v12, v16  }
0x11c: {  	v22 =	vld [tilespmem:s20+$0x54E0];
	v21 =	vmul.f32 v13, v16;
	[tilespmem:s20+$0x5470] =	vst v18  }
0x11d: {  	v23 =	vld [tilespmem:s20+$0x54F0];
	[tilespmem:s20+$0x5480] =	vst v3;
	v3 =	vmul.f32 v15, v16  }
0x11e: {  	v24 =	vmul.f32 v17, v16;
	[tilespmem:s20+$0x5490] =	vst v21;
	v25 =	vld [tilespmem:s20+$0x5500]  }
0x11f: {  	v33 =	vld [tilespmem:s20+$0x5550];
	[tilespmem:s20+$0x54A0] =	vst v3;
	v3 =	vmul.f32 v19, v16  }
0x120: {  	v27 =	vmul.f32 v20, v16;
	[tilespmem:s20+$0x54B0] =	vst v24;
	v28 =	vld [tilespmem:s20+$0x5520]  }
0x121: {  	v36 =	vld [tilespmem:s20+$0x5570];
	v29 =	vbroadcast v2, $0x5;
	[tilespmem:s20+$0x54C0] =	vst v3;
	v3 =	vmul.f32 v22, v16  }
0x122: {  	[tilespmem:s20+$0x54D0] =	vst v27;
	v31 =	vmul.f32 v23, v16;
	v32 =	vld [tilespmem:s20+$0x5540]  }
0x123: {  	v26 =	vld [tilespmem:s20+$0x5510];
	[tilespmem:s20+$0x54E0] =	vst v3;
	v3 =	vmul.f32 v25, v29  }
0x124: {  	[tilespmem:s20+$0x54F0] =	vst v31;
	v40 =	vmul.f32 v33, v29;
	v35 =	vld [tilespmem:s20+$0x5560]  }
0x125: {  	v30 =	vld [tilespmem:s20+$0x5530];
	[tilespmem:s20+$0x5500] =	vst v3;
	v3 =	vmul.f32 v28, v29  }
0x126: {  	v44 =	vmul.f32 v36, v29;
	[tilespmem:s20+$0x5550] =	vst v40;
	v38 =	vld [tilespmem:s20+$0x5580]  }
0x127: {  	v39 =	vld [tilespmem:s20+$0x5590];
	[tilespmem:s20+$0x5520] =	vst v3;
	v3 =	vmul.f32 v32, v29  }
0x128: {  	v34 =	vmul.f32 v26, v29;
	[tilespmem:s20+$0x5570] =	vst v44;
	v41 =	vld [tilespmem:s20+$0x55A0]  }
0x129: {  	v43 =	vld [tilespmem:s20+$0x55B0];
	v42 =	vbroadcast v2, $0x6;
	[tilespmem:s20+$0x5540] =	vst v3;
	v3 =	vmul.f32 v35, v29  }
0x12a: {  	[tilespmem:s20+$0x5510] =	vst v34;
	v37 =	vmul.f32 v30, v29;
	v45 =	vld [tilespmem:s20+$0x55C0]  }
0x12b: {  	v46 =	vld [tilespmem:s20+$0x55D0];
	[tilespmem:s20+$0x5560] =	vst v3;
	v3 =	vmul.f32 v38, v42  }
0x12c: {  	[tilespmem:s20+$0x5530] =	vst v37;
	v48 =	vld [tilespmem:s20+$0x55E0];
	v47 =	vmul.f32 v39, v42  }
0x12d: {  	v49 =	vld [tilespmem:s20+$0x55F0];
	[tilespmem:s20+$0x5580] =	vst v3;
	v3 =	vmul.f32 v41, v42  }
0x12e: {  	v50 =	vmul.f32 v43, v42;
	v51 =	vld [tilespmem:s20+$0x5600];
	[tilespmem:s20+$0x5590] =	vst v47  }
0x12f: {  	v52 =	vld [tilespmem:s20+$0x5610];
	[tilespmem:s20+$0x55A0] =	vst v3;
	v3 =	vmul.f32 v45, v42  }
0x130: {  	v53 =	vmul.f32 v46, v42;
	[tilespmem:s20+$0x55B0] =	vst v50;
	v54 =	vld [tilespmem:s20+$0x5620]  }
0x131: {  	v56 =	vld [tilespmem:s20+$0x5630];
	v55 =	vbroadcast v2, $0x7;
	[tilespmem:s20+$0x55C0] =	vst v3;
	v3 =	vmul.f32 v48, v42  }
0x132: {  	v57 =	vmul.f32 v49, v42;
	[tilespmem:s20+$0x55D0] =	vst v53;
	v58 =	vld [tilespmem:s20+$0x5640]  }
0x133: {  	v59 =	vld [tilespmem:s20+$0x5650];
	[tilespmem:s20+$0x55E0] =	vst v3;
	v3 =	vmul.f32 v51, v55  }
0x134: {  	[tilespmem:s20+$0x55F0] =	vst v57;
	v61 =	vld [tilespmem:s20+$0x5660];
	v60 =	vmul.f32 v52, v55  }
0x135: {  	v62 =	vld [tilespmem:s20+$0x5670];
	[tilespmem:s20+$0x5600] =	vst v3;
	v3 =	vmul.f32 v54, v55  }
0x136: {  	v63 =	vmul.f32 v56, v55;
	v12 =	vld [tilespmem:s20+$0x5680];
	[tilespmem:s20+$0x5610] =	vst v60  }
0x137: {  	v13 =	vld [tilespmem:s20+$0x5690];
	[tilespmem:s20+$0x5620] =	vst v3;
	v3 =	vmul.f32 v58, v55  }
0x138: {  	v14 =	vmul.f32 v59, v55;
	[tilespmem:s20+$0x5630] =	vst v63;
	v15 =	vld [tilespmem:s20+$0x56A0]  }
0x139: {  	v17 =	vld [tilespmem:s20+$0x56B0];
	v16 =	vbroadcast v2, $0x8;
	[tilespmem:s20+$0x5640] =	vst v3;
	v3 =	vmul.f32 v61, v55  }
0x13a: {  	v18 =	vmul.f32 v62, v55;
	[tilespmem:s20+$0x5650] =	vst v14;
	v19 =	vld [tilespmem:s20+$0x56C0]  }
0x13b: {  	v20 =	vld [tilespmem:s20+$0x56D0];
	[tilespmem:s20+$0x5660] =	vst v3;
	v3 =	vmul.f32 v12, v16  }
0x13c: {  	[tilespmem:s20+$0x5670] =	vst v18;
	v22 =	vld [tilespmem:s20+$0x56E0];
	v21 =	vmul.f32 v13, v16  }
0x13d: {  	v23 =	vld [tilespmem:s20+$0x56F0];
	[tilespmem:s20+$0x5680] =	vst v3;
	v3 =	vmul.f32 v15, v16  }
0x13e: {  	v24 =	vmul.f32 v17, v16;
	v25 =	vld [tilespmem:s20+$0x5700];
	[tilespmem:s20+$0x5690] =	vst v21  }
0x13f: {  	v26 =	vld [tilespmem:s20+$0x5710];
	[tilespmem:s20+$0x56A0] =	vst v3;
	v3 =	vmul.f32 v19, v16  }
0x140: {  	v27 =	vmul.f32 v20, v16;
	[tilespmem:s20+$0x56B0] =	vst v24;
	v28 =	vld [tilespmem:s20+$0x5720]  }
0x141: {  	v30 =	vld [tilespmem:s20+$0x5730];
	v29 =	vbroadcast v2, $0x9;
	[tilespmem:s20+$0x56C0] =	vst v3;
	v3 =	vmul.f32 v22, v16  }
0x142: {  	v31 =	vmul.f32 v23, v16;
	[tilespmem:s20+$0x56D0] =	vst v27;
	v32 =	vld [tilespmem:s20+$0x5740]  }
0x143: {  	v33 =	vld [tilespmem:s20+$0x5750];
	[tilespmem:s20+$0x56E0] =	vst v3;
	v3 =	vmul.f32 v25, v29  }
0x144: {  	[tilespmem:s20+$0x56F0] =	vst v31;
	v35 =	vld [tilespmem:s20+$0x5760];
	v34 =	vmul.f32 v26, v29  }
0x145: {  	v36 =	vld [tilespmem:s20+$0x5770];
	[tilespmem:s20+$0x5700] =	vst v3;
	v3 =	vmul.f32 v28, v29  }
0x146: {  	v37 =	vmul.f32 v30, v29;
	v38 =	vld [tilespmem:s20+$0x5780];
	[tilespmem:s20+$0x5710] =	vst v34  }
0x147: {  	v39 =	vld [tilespmem:s20+$0x5790];
	[tilespmem:s20+$0x5720] =	vst v3;
	v3 =	vmul.f32 v32, v29  }
0x148: {  	v40 =	vmul.f32 v33, v29;
	[tilespmem:s20+$0x5730] =	vst v37;
	v41 =	vld [tilespmem:s20+$0x57A0]  }
0x149: {  	v43 =	vld [tilespmem:s20+$0x57B0];
	v42 =	vbroadcast v2, $0xA;
	[tilespmem:s20+$0x5740] =	vst v3;
	v3 =	vmul.f32 v35, v29  }
0x14a: {  	v44 =	vmul.f32 v36, v29;
	[tilespmem:s20+$0x5750] =	vst v40;
	v45 =	vld [tilespmem:s20+$0x57C0]  }
0x14b: {  	v46 =	vld [tilespmem:s20+$0x57D0];
	[tilespmem:s20+$0x5760] =	vst v3;
	v3 =	vmul.f32 v38, v42  }
0x14c: {  	[tilespmem:s20+$0x5770] =	vst v44;
	v48 =	vld [tilespmem:s20+$0x57E0];
	v47 =	vmul.f32 v39, v42  }
0x14d: {  	v49 =	vld [tilespmem:s20+$0x57F0];
	[tilespmem:s20+$0x5780] =	vst v3;
	v3 =	vmul.f32 v41, v42  }
0x14e: {  	v50 =	vmul.f32 v43, v42;
	v51 =	vld [tilespmem:s20+$0x5800];
	[tilespmem:s20+$0x5790] =	vst v47  }
0x14f: {  	v52 =	vld [tilespmem:s20+$0x5810];
	[tilespmem:s20+$0x57A0] =	vst v3;
	v3 =	vmul.f32 v45, v42  }
0x150: {  	v53 =	vmul.f32 v46, v42;
	[tilespmem:s20+$0x57B0] =	vst v50;
	v54 =	vld [tilespmem:s20+$0x5820]  }
0x151: {  	v56 =	vld [tilespmem:s20+$0x5830];
	v55 =	vbroadcast v2, $0xB;
	[tilespmem:s20+$0x57C0] =	vst v3;
	v3 =	vmul.f32 v48, v42  }
0x152: {  	v57 =	vmul.f32 v49, v42;
	[tilespmem:s20+$0x57D0] =	vst v53;
	v58 =	vld [tilespmem:s20+$0x5840]  }
0x153: {  	v59 =	vld [tilespmem:s20+$0x5850];
	[tilespmem:s20+$0x57E0] =	vst v3;
	v3 =	vmul.f32 v51, v55  }
0x154: {  	[tilespmem:s20+$0x57F0] =	vst v57;
	v61 =	vld [tilespmem:s20+$0x5860];
	v60 =	vmul.f32 v52, v55  }
0x155: {  	v62 =	vld [tilespmem:s20+$0x5870];
	[tilespmem:s20+$0x5800] =	vst v3;
	v3 =	vmul.f32 v54, v55  }
0x156: {  	v63 =	vmul.f32 v56, v55;
	v12 =	vld [tilespmem:s20+$0x5880];
	[tilespmem:s20+$0x5810] =	vst v60  }
0x157: {  	v13 =	vld [tilespmem:s20+$0x5890];
	[tilespmem:s20+$0x5820] =	vst v3;
	v3 =	vmul.f32 v58, v55  }
0x158: {  	v14 =	vmul.f32 v59, v55;
	[tilespmem:s20+$0x5830] =	vst v63;
	v15 =	vld [tilespmem:s20+$0x58A0]  }
0x159: {  	v17 =	vld [tilespmem:s20+$0x58B0];
	v16 =	vbroadcast v2, $0xC;
	[tilespmem:s20+$0x5840] =	vst v3;
	v3 =	vmul.f32 v61, v55  }
0x15a: {  	v18 =	vmul.f32 v62, v55;
	[tilespmem:s20+$0x5850] =	vst v14;
	v19 =	vld [tilespmem:s20+$0x58C0]  }
0x15b: {  	v20 =	vld [tilespmem:s20+$0x58D0];
	[tilespmem:s20+$0x5860] =	vst v3;
	v3 =	vmul.f32 v12, v16  }
0x15c: {  	[tilespmem:s20+$0x5870] =	vst v18;
	v22 =	vld [tilespmem:s20+$0x58E0];
	v21 =	vmul.f32 v13, v16  }
0x15d: {  	v23 =	vld [tilespmem:s20+$0x58F0];
	[tilespmem:s20+$0x5880] =	vst v3;
	v3 =	vmul.f32 v15, v16  }
0x15e: {  	v24 =	vmul.f32 v17, v16;
	v25 =	vld [tilespmem:s20+$0x5900];
	[tilespmem:s20+$0x5890] =	vst v21  }
0x15f: {  	v26 =	vld [tilespmem:s20+$0x5910];
	[tilespmem:s20+$0x58A0] =	vst v3;
	v3 =	vmul.f32 v19, v16  }
0x160: {  	v27 =	vmul.f32 v20, v16;
	[tilespmem:s20+$0x58B0] =	vst v24;
	v28 =	vld [tilespmem:s20+$0x5920]  }
0x161: {  	v30 =	vld [tilespmem:s20+$0x5930];
	v29 =	vbroadcast v2, $0xD;
	[tilespmem:s20+$0x58C0] =	vst v3;
	v3 =	vmul.f32 v22, v16  }
0x162: {  	v31 =	vmul.f32 v23, v16;
	[tilespmem:s20+$0x58D0] =	vst v27;
	v32 =	vld [tilespmem:s20+$0x5940]  }
0x163: {  	v33 =	vld [tilespmem:s20+$0x5950];
	[tilespmem:s20+$0x58E0] =	vst v3;
	v3 =	vmul.f32 v25, v29  }
0x164: {  	[tilespmem:s20+$0x58F0] =	vst v31;
	v35 =	vld [tilespmem:s20+$0x5960];
	v34 =	vmul.f32 v26, v29  }
0x165: {  	v36 =	vld [tilespmem:s20+$0x5970];
	[tilespmem:s20+$0x5900] =	vst v3;
	v3 =	vmul.f32 v28, v29  }
0x166: {  	v37 =	vmul.f32 v30, v29;
	v38 =	vld [tilespmem:s20+$0x5980];
	[tilespmem:s20+$0x5910] =	vst v34  }
0x167: {  	v39 =	vld [tilespmem:s20+$0x5990];
	[tilespmem:s20+$0x5920] =	vst v3;
	v3 =	vmul.f32 v32, v29  }
0x168: {  	v40 =	vmul.f32 v33, v29;
	[tilespmem:s20+$0x5930] =	vst v37;
	v41 =	vld [tilespmem:s20+$0x59A0]  }
0x169: {  	v43 =	vld [tilespmem:s20+$0x59B0];
	v42 =	vbroadcast v2, $0xE;
	[tilespmem:s20+$0x5940] =	vst v3;
	v3 =	vmul.f32 v35, v29  }
0x16a: {  	v44 =	vmul.f32 v36, v29;
	[tilespmem:s20+$0x5950] =	vst v40;
	v45 =	vld [tilespmem:s20+$0x59C0]  }
0x16b: {  	v46 =	vld [tilespmem:s20+$0x59D0];
	[tilespmem:s20+$0x5960] =	vst v3;
	v3 =	vmul.f32 v38, v42  }
0x16c: {  	[tilespmem:s20+$0x5970] =	vst v44;
	v48 =	vld [tilespmem:s20+$0x59E0];
	v47 =	vmul.f32 v39, v42  }
0x16d: {  	v49 =	vld [tilespmem:s20+$0x59F0];
	[tilespmem:s20+$0x5980] =	vst v3;
	v3 =	vmul.f32 v41, v42  }
0x16e: {  	v50 =	vmul.f32 v43, v42;
	v51 =	vld [tilespmem:s20+$0x5A00];
	[tilespmem:s20+$0x5990] =	vst v47  }
0x16f: {  	v52 =	vld [tilespmem:s20+$0x5A10];
	[tilespmem:s20+$0x59A0] =	vst v3;
	v3 =	vmul.f32 v45, v42  }
0x170: {  	v53 =	vmul.f32 v46, v42;
	[tilespmem:s20+$0x59B0] =	vst v50;
	v54 =	vld [tilespmem:s20+$0x5A20]  }
0x171: {  	v2 =	vbroadcast v2, $0xF;
	v58 =	vld [tilespmem:s20+$0x5A50];
	[tilespmem:s20+$0x59C0] =	vst v3;
	v3 =	vmul.f32 v48, v42  }
0x172: {  	v57 =	vld [tilespmem:s20+$0x5A40];
	v56 =	vmul.f32 v49, v42;
	[tilespmem:s20+$0x59D0] =	vst v53  }
0x173: {  	v55 =	vld [tilespmem:s20+$0x5A30];
	[tilespmem:s20+$0x59E0] =	vst v3;
	v3 =	vmul.f32 v51, v2  }
0x174: {  	v60 =	vld [tilespmem:s20+$0x5A60];
	v59 =	vmul.f32 v52, v2;
	[tilespmem:s20+$0x59F0] =	vst v56  }
0x175: {  	v61 =	vld [tilespmem:s20+$0x5A70];
	[tilespmem:s20+$0x5A00] =	vst v3;
	v3 =	vmul.f32 v54, v2  }
0x176: {  	[tilespmem:s20+$0x5A10] =	vst v59;
	v63 =	vmul.f32 v58, v2  }
0x177: {  	p0 =	sne.s32 s19, $0x7;
	[tilespmem:s20+$0x5A20] =	vst v3;
	v3 =	vmul.f32 v57, v2  }
.Ltmp1:
0x178: {  	v62 =	vmul.f32 v55, v2;
	[tilespmem:s20+$0x5A50] =	vst v63;
	(pc) =	sbr.rel @p0 .LBB2_5-.Ltmp1, $4  }
0x179: {  	[tilespmem:s20+$0x5A40] =	vst v3;
	v3 =	vmul.f32 v60, v2  }
0x17a: {  	[tilespmem:s20+$0x5A30] =	vst v62;
	v2 =	vmul.f32 v61, v2  }
0x17b: {  	[tilespmem:s20+$0x5A60] =	vst v3  }
0x17c: {  	s19 =	sadd.s32 $0x1, s19;
	[tilespmem:s20+$0x5A70] =	vst v2  }
0x17d: {  	[spmem:s2] =	stream.indirect.scatter.add.f32 [tilespmem:s0], [sflag:$0x4], $0x80, s18, s5, $0xb8;
	[tilespmem:$0x1D800] =	vst v63  }
0x17e: {  	p0 =	slt.s32 s14, $0x4E;
	s19 =	smov.u32 s14  }
0x17f: {  	_ =	swait.ge [sflag:s30], $0x4000;
	s19 =	simm.s32 @!p0 $0x4E  }
0x180: {  	[sflag:s30] =	ssyncset.done $0x0;
	s19 =	sshll.u32 s19, $0x7  }
0x181: {  	[sflag:s30] =	ssyncadd.s32 $0xFFFFC000;
	s19 =	sadd.s32 $0x100, s19  }
0x182: {  	[spmem:s3] =	stream.indirect.scatter.add.f32 [tilespmem:s8], [sflag:$0x4], $0x1, s18, s5, $0xb8;
	[tilespmem:$0x1D800] =	vst v63  }
0x183: {  	s20 =	sand.u32 $0x7C00, s19  }
0x184: {  	s14 =	sadd.s32 $0x1, s14;
	s19 =	sand.u32 $0x380, s19;
	s20 =	sadd.s32 s10, s20  }
0x185: {  	p0 =	sne.s32 s14, $0x51;
	_ =	swait.ge [sflag:s30], $0x80;
	s19 =	sor.u32 s19, s20  }
.Ltmp2:
0x186: {  	[sflag:s30] =	ssyncset.done $0x0;
	s19 =	sshrl.u32 s19, $0x3;
	(pc) =	sbr.rel @p0 .LBB2_4-.Ltmp2, $4  }
0x187: {  	[sflag:s30] =	ssyncadd.s32 $0xFFFFFF80;
	s20 =	sadd.s32 s1, s19  }
0x188: {  	[tilespmem:s17], [sflag:s15] =	stream.linear.gather [hbm4b:s20+s4], $0x80, $0x38;
	[tilespmem:$0x1D800] =	vst v63  }
0x189: {  	s20 =	sadd.s32 s16, s19  }
0x18a: {  	[tilespmem:s18], [sflag:s15] =	stream.linear.gather [hbm4b:s20+s4], $0x80, $0x38;
	[tilespmem:$0x1D800] =	vst v63  }
0x18b: {  	_ =	swait.ge [sflag:s9], $0x80  }
0x18c: {  	[sflag:s9] =	ssyncset.done $0x0  }
0x18d: {  	[sflag:s9] =	ssyncadd.s32 $0xFFFFFF80  }
0x18e: {  	_ =	swait.ge [sflag:s9], $0x80  }
0x18f: {  	[sflag:s9] =	ssyncset.done $0x0  }
0x190: {  	[sflag:s9] =	ssyncadd.s32 $0xFFFFFF80  }
0x191: {  	_ =	swait.ge [sflag:s11], $0x80  }
0x192: {  	[sflag:s11] =	ssyncset.done $0x0  }
0x193: {  	[sflag:s11] =	ssyncadd.s32 $0xFFFFFF80  }
0x194: {  	_ =	swait.ge [sflag:s11], $0x80  }
0x195: {  	[sflag:s11] =	ssyncset.done $0x0  }
0x196: {  	s13 =	stileid.u32;
	[sflag:s11] =	ssyncadd.s32 $0xFFFFFF80  }
0x197: {  	s13 =	sshll.u32 s13, $0x6;
	[bflag:$0x0] =	sbarrier.arrive $0xFFFF  }
0x198: {  	s14 =	sshrl.u32 s21, $0x3;
	s13 =	sor.u32 $0x1C04, s13;
	s15 =	rddreg [dreg:$0x8]  }
0x199: {  	[hbm:s15], [sflag:s13] =	dma.local [spmem:s14], $0x800  }
0x19a: {  	_ =	swait.ge [sflag:s30], $0x800  }
0x19b: {  	[sflag:s30] =	ssyncset.done $0x0  }
0x19c: {  	s19 =	sshrl.u32 s22, $0x3;
	s20 =	rddreg [dreg:$0x9];
	[sflag:s30] =	ssyncadd.s32 $0xFFFFF800  }
0x19d: {  	[hbm:s20], [sflag:s13] =	dma.local [spmem:s19], $0x800  }
0x19e: {  	_ =	swait.ge [sflag:s30], $0x800  }
0x19f: {  	[sflag:s30] =	ssyncset.done $0x0  }
0x1a0: {  	s17 =	sshrl.u32 s23, $0x3;
	s18 =	rddreg [dreg:$0xa];
	[sflag:s30] =	ssyncadd.s32 $0xFFFFF800  }
0x1a1: {  	[hbm:s18], [sflag:s13] =	dma.local [spmem:s17], $0x800  }
0x1a2: {  	_ =	swait.ge [sflag:s30], $0x800  }
0x1a3: {  	[sflag:s30] =	ssyncset.done $0x0  }
0x1a4: {  	s19 =	sshrl.u32 s24, $0x3;
	s20 =	rddreg [dreg:$0xb];
	[sflag:s30] =	ssyncadd.s32 $0xFFFFF800  }
0x1a5: {  	[hbm:s20], [sflag:s13] =	dma.local [spmem:s19], $0x800  }
0x1a6: {  	_ =	swait.ge [sflag:s30], $0x800  }
0x1a7: {  	s12 =	sadd.s32 $0x1, s12;
	[sflag:s30] =	ssyncset.done $0x0  }
0x1a8: {  	s17 =	sshrl.u32 s25, $0x3;
	s18 =	rddreg [dreg:$0xc];
	[sflag:s30] =	ssyncadd.s32 $0xFFFFF800  }
0x1a9: {  	[hbm:s18], [sflag:s13] =	dma.local [spmem:s17], $0x800  }
0x1aa: {  	p0 =	sne.s32 s12, s29;
	_ =	swait.ge [sflag:s30], $0x800  }
0x1ab: {  	s19 =	sshrl.u32 s26, $0x3;
	s20 =	simm.s32 $0x20;
	[sflag:s30] =	ssyncset.done $0x0  }
.Ltmp3:
0x1ac: {  	s17 =	simm.s32 $0x10;
	[sflag:s30] =	ssyncadd.s32 $0xFFFFF800;
	(pc) =	sbr.rel @p0 .LBB2_1-.Ltmp3, $4  }
0x1ad: {  	[hbm:s28@s20], [sflag:s13] =	dma.strided [spmem:s19@s17], $0x50, s7, $0x10   }
0x1ae: {  	_ =	swait.ge [sflag:s30], $0x50  }
0x1af: {  	[sflag:s30] =	ssyncset.done $0x0  }
0x1b0: {  	[sflag:s30] =	ssyncadd.s32 $0xFFFFFFB0  }
0x1b1: {  	_ =	sfence.sel $0x180000  }
0x1b2: {  	[bflag:$0x0] =	sbarrier.arrive $0xFFFF  }
0x1b3: {  	_ =	strace $0x9000004A  }
0x1b4: {  	s0 =	stileid.u32;
	[bflag:$0x2] =	sbarrier.arrive $0xFFFF  }
0x1b5: {  	p0 =	sne.s32 s0, $0x0;
	s0 =	rddreg [dreg:$0x4]  }
0x1b6: {  	s0 =	sadd.s32 @!p0 $0x100000, s0  }
0x1b7: {  	[sflag:s0] =	ssyncadd.tile.s32 @!p0 $0x1;
	_ =	shalt  }
.Lfunc_end2:
_tile_overlayer_lowered:
.L_overlay_start_2:
0x1b8: {  	(tag) =	ssettag $0x2  }
0x1b9: {  	s0 =	rddreg [dreg:$0x0];
	s2 =	stileid.u32  }
0x1ba: {  	s1 =	rddreg [dreg:$0x1];
	p0 =	sne.s32 s2, $0x0  }
0x1bb: {  	s3 =	rddreg [dreg:$0x2];
	[bflag:$0x3] =	sbarrier.arrive $0xFFFF;
	s2 =	simm.s32 @!p0 $0x1C04  }
0x1bc: {  	[timem:s3], [sflag:s2] =	dma.local @!p0 [hbm:s0], s1  }
0x1bd: {  	s0 =	simm.s32 @!p0 $0x4  }
0x1be: {  	_ =	swait.ge @!p0 [sflag:s0], s1  }
0x1bf: {  	s1 =	ssub.s32 @!p0 $0x0, s1;
	[sflag:s0] =	ssyncset.done @!p0 $0x0  }
0x1c0: {  	[sflag:s0] =	ssyncadd.s32 @!p0 s1  }
0x1c1: {  	[bflag:$0x3] =	sbarrier.arrive $0xFFFF  }
0x1c2: {  	_ =	shalt  }

// kernel: kernel.7.cloned.1.call-start
scs
__scs_entry_jumppad:
0x0: {  	(pc) =	sbr.rel $0x88, $3  }
0x1: {  	(tag) =	ssettag $0x0;
	lr =	simm.s32 $0x1  }
0x2: {  	[smem:$0x3F97] =	sst lr;
	_ =	strace $0xD0000000  }
0x3: {  	_ = 	snop  }
0x4: {  	_ = 	snop  }
0x5: {  	_ = 	snop  }
0x6: {  	_ = 	snop  }
0x7: {  	_ = 	snop  }
__scs_overlays_trampoline_lowered:
0x8: {  	[smem:$0x3FA6] =	sst s0  }
0x9: {  	[smem:$0x3FA7] =	sst s1  }
0xa: {  	[smem:$0x3FA8] =	sst s2  }
0xb: {  	[smem:$0x3FA9] =	sst s3  }
0xc: {  	[smem:$0x3FAA] =	sst s4  }
0xd: {  	[smem:$0x3FAB] =	sst s5  }
0xe: {  	[smem:$0x3FAC] =	sst s6  }
0xf: {  	[smem:$0x3FAD] =	sst s7  }
0x10: {  	[smem:$0x3FAE] =	sst s8  }
0x11: {  	[smem:$0x3FAF] =	sst s9;
	s0 =	simm.s32 @!p0 $0x0  }
0x12: {  	s1 =	sld [smem:$0x3F95];
	s0 =	simm.s32 @p0 $0x1  }
0x13: {  	[smem:$0x3FB0] =	sst s0;
	s0 =	simm.s32 @!p1 $0x0  }
0x14: {  	s2 =	sld [smem:$0x3F94];
	s0 =	simm.s32 @p1 $0x1  }
0x15: {  	[smem:$0x3FB1] =	sst s0;
	s0 =	simm.s32 @!p2 $0x0  }
0x16: {  	s3 =	sld [smem:$0x3FDB];
	s0 =	simm.s32 @p2 $0x1  }
0x17: {  	s4 =	simm.s32 $0x1BF5;
	[smem:$0x3FB3] =	sst s0  }
0x18: {  	s0 =	sld [smem:$0x3F96];
	_ =	swait.ge [sflag:s4], $0x0  }
0x19: {  	s7 =	sld [smem:$0x3F97]  }
0x1a: {  	s8 =	sadd.s32 $0xFFFFE003, lr  }
0x1b: {  	s9 =	sadd.s32 $0xFFFFFEF7, lr;
	s5 =	simm.s32 $0xFFFFFFFF;
	p2 =	slt.u32 s8, $0xFFFFF086  }
0x1c: {  	p1 =	slt.u32 s9, $0xF7A;
	s5 =	simm.s32 @!p2 $0x0  }
0x1d: {  	s5 =	simm.s32 @p1 $0x1;
	p0 =	seq.s32 s7, s2  }
0x1e: {  	s7 =	smul.u32 @!p0 $0xF7A, s2;
	p2 =	seq.s32 @!p0 s5, $0x0  }
0x1f: {  	s9 =	smul.u32 $0xF7A, s1;
	s8 =	simm.s32 @!p0 $0x1BF5;
	p2 =	por !p2, p0  }
0x20: {  	[sflag:s8] =	ssyncset.s32 @!p0 $0xFFFFF086;
	s6 =	sadd.s32 @!p0 s3, s7;
	s7 =	simm.s32 @!p0 $0x108  }
0x21: {  	s3 =	sadd.s32 s3, s9;
	s6 =	sadd.s32 @!p0 $0x88, s6;
	s7 =	simm.s32 @p2 $0x1082  }
0x22: {  	[simem:s7], [sflag:s8] =	dma.local @!p0 [hbm:s6], $0xF7A  }
0x23: {  	s9 =	sor.u32 $0xD0000000, s2;
	s6 =	simm.s32 $0x108;
	_ =	swait.ge @!p0 [sflag:s8], $0x0  }
0x24: {  	s3 =	sadd.s32 $0x88, s3;
	s6 =	simm.s32 @!p1 $0x1082;
	[sflag:s4] =	ssyncset.s32 $0xFFFFF086  }
0x25: {  	[simem:s6], [sflag:s4] =	dma.local [hbm:s3], $0xF7A  }
0x26: {  	[smem:$0x3F97] =	sst s1;
	(tag) =	ssettag s2;
	_ =	strace s9  }
0x27: {  	s1 =	sld [smem:$0x3FA7]  }
0x28: {  	s2 =	sld [smem:$0x3FA8]  }
0x29: {  	s4 =	sld [smem:$0x3FAA]  }
0x2a: {  	p0 =	seq.s32 s5, $0x0;
	s5 =	sld [smem:$0x3FAB]  }
0x2b: {  	s6 =	sld [smem:$0x3FAC]  }
0x2c: {  	s7 =	sld [smem:$0x3FAD]  }
0x2d: {  	s3 =	simm.s32 $0x108;
	s8 =	sld [smem:$0x3FAE]  }
0x2e: {  	s3 =	simm.s32 @!p0 $0x1082;
	s9 =	sld [smem:$0x3FAF]  }
0x2f: {  	lr =	sadd.s32 s0, s3;
	s0 =	sld [smem:$0x3FA6]  }
0x30: {  	s3 =	sld [smem:$0x3FA9]  }
0x31: {  	[smem:$0x3FB2] =	sst s10  }
0x32: {  	s10 =	sld [smem:$0x3FB0];
	_ =	sdelay $0x3  }
0x33: {  	p0 =	seq.s32 s10, $0x1;
	s10 =	sld [smem:$0x3FB2];
	_ =	sdelay $0x3  }
0x34: {  	[smem:$0x3FB2] =	sst s10  }
0x35: {  	s10 =	sld [smem:$0x3FB1];
	_ =	sdelay $0x3  }
0x36: {  	p1 =	seq.s32 s10, $0x1;
	s10 =	sld [smem:$0x3FB2];
	_ =	sdelay $0x3  }
0x37: {  	[smem:$0x3FB2] =	sst s10  }
0x38: {  	s10 =	sld [smem:$0x3FB3]  }
0x39: {  	_ = 	snop;
	(pc) =	sbr.ind lr, $3  }
0x3a: {  	_ = 	snop  }
0x3b: {  	_ = 	snop  }
0x3c: {  	p2 =	seq.s32 s10, $0x1;
	s10 =	sld [smem:$0x3FB2]  }
0x3d: {  	_ =	shalt  }
0x3e: {  	_ =	shalt  }
0x3f: {  	_ =	shalt  }
0x40: {  	_ =	shalt  }
0x41: {  	_ =	shalt  }
0x42: {  	_ =	shalt  }
0x43: {  	_ =	shalt  }
0x44: {  	_ =	shalt  }
0x45: {  	_ =	shalt  }
0x46: {  	_ =	shalt  }
0x47: {  	_ =	shalt  }
0x48: {  	_ =	shalt  }
0x49: {  	_ =	shalt  }
0x4a: {  	_ =	shalt  }
0x4b: {  	_ =	shalt  }
0x4c: {  	_ =	shalt  }
0x4d: {  	_ =	shalt  }
0x4e: {  	_ =	shalt  }
0x4f: {  	_ =	shalt  }
0x50: {  	_ =	shalt  }
0x51: {  	_ =	shalt  }
0x52: {  	_ =	shalt  }
0x53: {  	_ =	shalt  }
0x54: {  	_ =	shalt  }
0x55: {  	_ =	shalt  }
0x56: {  	_ =	shalt  }
0x57: {  	_ =	shalt  }
0x58: {  	_ =	shalt  }
0x59: {  	_ =	shalt  }
0x5a: {  	_ =	shalt  }
0x5b: {  	_ =	shalt  }
0x5c: {  	_ =	shalt  }
0x5d: {  	_ =	shalt  }
0x5e: {  	_ =	shalt  }
0x5f: {  	_ =	shalt  }
0x60: {  	_ =	shalt  }
0x61: {  	_ =	shalt  }
0x62: {  	_ =	shalt  }
0x63: {  	_ =	shalt  }
0x64: {  	_ =	shalt  }
0x65: {  	_ =	shalt  }
0x66: {  	_ =	shalt  }
0x67: {  	_ =	shalt  }
0x68: {  	_ =	shalt  }
0x69: {  	_ =	shalt  }
0x6a: {  	_ =	shalt  }
0x6b: {  	_ =	shalt  }
0x6c: {  	_ =	shalt  }
0x6d: {  	_ =	shalt  }
0x6e: {  	_ =	shalt  }
0x6f: {  	_ =	shalt  }
0x70: {  	_ =	shalt  }
0x71: {  	_ =	shalt  }
0x72: {  	_ =	shalt  }
0x73: {  	_ =	shalt  }
0x74: {  	_ =	shalt  }
0x75: {  	_ =	shalt  }
0x76: {  	_ =	shalt  }
0x77: {  	_ =	shalt  }
0x78: {  	_ =	shalt  }
0x79: {  	_ =	shalt  }
0x7a: {  	_ =	shalt  }
0x7b: {  	_ =	shalt  }
0x7c: {  	_ =	shalt  }
0x7d: {  	_ =	shalt  }
0x7e: {  	_ =	shalt  }
0x7f: {  	_ =	shalt  }
0x80: {  	_ =	shalt  }
0x81: {  	_ =	shalt  }
0x82: {  	_ =	shalt  }
0x83: {  	_ =	shalt  }
0x84: {  	_ =	shalt  }
0x85: {  	_ =	shalt  }
0x86: {  	_ =	shalt  }
0x87: {  	_ =	shalt  }
.Lfunc_end0:
.L_simem_size_0:
called_computation_lowered:
.L_overlay_start_0:
0x88: {  	s2 =	sld [smem:$0x3FD9]  }
0x89: {  	s3 =	sld [smem:$0x3FFE];
	_ =	sdelay $0x1  }
0x8a: {  	s1 =	srdreg.scid  }
0x8b: {  	s0 =	sand.u32 $0x1, s1  }
0x8c: {  	s17 =	sshll.u32 s0, $0xA;
	s2 =	sadd.s32 s3, s2  }
0x8d: {  	s2 =	sadd.s32 s2, s17  }
0x8e: {  	[smem:$0x3FBE] =	sst s2  }
0x8f: {  	_ = 	snop  }
0x90: {  	s2 =	sld [smem:$0x3FD0];
	(tm) =	ssettm $0x1  }
0x91: {  	s18 =	sld [smem:$0x3FFB];
	_ =	sdelay $0x3  }
0x92: {  	_ =	strace s18  }
0x93: {  	s3 =	sld [smem:$0x3FFC];
	_ =	sdelay $0x3  }
0x94: {  	_ =	strace s3  }
0x95: {  	s3 =	sld [smem:$0x3FFD];
	_ =	sdelay $0x3  }
0x96: {  	_ =	strace s3  }
0x97: {  	_ =	strace $0x8FFFFFFF  }
0x98: {  	s19 =	sld [smem:$0x3FDB];
	_ =	sdelay $0x1  }
0x99: {  	s4 =	simm.s32 $_scs_section_size  }
0x9a: {  	s5 =	simm.s32 $_size__tile_overlayer_lowered;
	s6 =	simm.s32 $_tile_overlayer_lowered  }
0x9b: {  	s22 =	simm.s32 $0x1BFF;
	s21 =	sshll.u32 s6, $0x1;
	s3 =	sadd.s32 s4, s19  }
0x9c: {  	s7 =	simm.s32 $0x0;
	s20 =	sshll.u32 s5, $0x1;
	s5 =	sadd.s32 s21, s3  }
0x9d: {  	[timem:s7], [sflag:s22] =	dma.local [hbm:s5], s20  }
0x9e: {  	_ =	swait.ge [sflag:s22], s20  }
0x9f: {  	s4 =	ssub.s32 $0x0, s20;
	[sflag:s22] =	ssyncset.done $0x0  }
0xa0: {  	[sflag:s22] =	ssyncadd.s32 s4;
	_ =	sdelay $0x1  }
0xa1: {  	s23 =	simm.s32 $0x1B8B  }
0xa2: {  	_ =	swait.ge [sflag:s23], $0x1  }
0xa3: {  	[sflag:s23] =	ssyncset.done $0x0  }
0xa4: {  	s25 =	simm.s32 $0x1B8E;
	s24 =	sld [smem:$0x3FFE];
	[sflag:s23] =	ssyncadd.s32 $0xFFFFFFFF  }
0xa5: {  	s26 =	simm.s32 $execute0_lowered;
	[smem:$0x3FD2] =	sst s25  }
0xa6: {  	s5 =	sshll.u32 s26, $0x1;
	_ =	strace $0x80000046;
	[dreg:$0x1] =	wrdreg $0xFFFFFFFF  }
0xa7: {  	s28 =	simm.s32 $_size_execute0_lowered;
	s3 =	sadd.s32 s3, s5;
	[dreg:$0x0] =	wrdreg $0x0  }
0xa8: {  	s5 =	sshll.u32 s28, $0x1;
	[dreg:$0x2] =	wrdreg s3  }
0xa9: {  	[dreg:$0x3] =	wrdreg s5  }
0xaa: {  	[dreg:$0x4] =	wrdreg $0xC0  }
0xab: {  	_ =	task [dreg:s7], $0x5FFFF  }
0xac: {  	[dreg:$0x1] =	wrdreg $0xFFFFFFFF  }
0xad: {  	[dreg:$0x0] =	wrdreg $0x60  }
0xae: {  	[dreg:$0x2] =	wrdreg s24  }
0xaf: {  	[dreg:$0x3] =	wrdreg s2  }
0xb0: {  	[dreg:$0x4] =	wrdreg $0x95800  }
0xb1: {  	[dreg:$0x5] =	wrdreg $0x1D5800  }
0xb2: {  	[dreg:$0x6] =	wrdreg $0x9  }
0xb3: {  	_ =	task.clear_ibuf [dreg:s7], $0x7FFFF;
	_ =	strace $0x90000046  }
0xb4: {  	s29 =	simm.s32 $0x9;
	_ =	strace $0x80000048  }
0xb5: {  	_ =	swait.ge [sflag:s29], $0x1  }
0xb6: {  	[sflag:s29] =	ssyncadd.s32 $0xFFFFFFFF  }
0xb7: {  	_ =	strace $0x90000048  }
0xb8: {  	_ =	sfence  }
0xb9: {  	s30 =	sld [smem:$0x0];
	_ =	sdelay $0x2  }
0xba: {  	s31 =	sshll.u32 s1, $0xD;
	s1 =	sshrl.u32 s1, $0x2  }
0xbb: {  	s3 =	sand.u32 $0x4000, s31;
	s1 =	sadd.s32 s1, s30  }
0xbc: {  	s0 =	sor.u32 s3, s0;
	s1 =	sshll.u32 s1, $0x11  }
0xbd: {  	s0 =	sor.u32 s1, s0  }
0xbe: {  	s0 =	sadd.s32 $0x8F2B, s0  }
0xbf: {  	[sflag:s0] =	ssyncadd.remote.s32 $0x1  }
0xc0: {  	_ =	sfence.sel $0xFFFF  }
0xc1: {  	[dreg:$0x0] =	wrdreg $0xFFFFFFFF;
	(pc) =	sbr.abs _section_cstart, $3  }
0xc2: {  	[dreg:$0x1] =	wrdreg $0xFFFFFFFF  }
0xc3: {  	_ =	task.clear_ibuf [dreg:s7], $0x2FFFF;
	_ =	strace $0x9FFFFFFF  }
0xc4: {  	(tm) =	ssettm $0x7FFFFFFF  }
0xc5: {  	_ =	shalt  }
tec
execute0_lowered:
.L_overlay_start_1:
0x0: {  	(tag) =	ssettag $0x1  }
0x1: {  	s0 =	rddreg [dreg:$0x0]  }
0x2: {  	s1 =	rddreg [dreg:$0x1]  }
0x3: {  	s2 =	rddreg [dreg:$0x2]  }
0x4: {  	s3 =	rddreg [dreg:$0x3];
	s4 =	simm.s32 $0x0;
	s20 =	srdreg.scid  }
0x5: {  	s19 =	stileid.u32;
	s30 =	simm.s32 $0x4;
	s31 =	simm.s32 $0x2800  }
0x6: {  	[smem:$0x7FF] =	sst s4;
	s6 =	sadd.s32 $0xF200, s0;
	s5 =	sadd.s32 $0x37200, s0  }
0x7: {  	s7 =	sadd.s32 $0x37800, s0;
	s21 =	smul.u32 $0x500, s19;
	s8 =	sadd.s32 $0xEE00, s0  }
0x8: {  	s12 =	smul.u32 $0x2C00, s19;
	_ =	strace $0x80000047;
	[dreg:$0x5] =	wrdreg s5  }
0x9: {  	s22 =	sadd.s32 $0x37E00, s0;
	s13 =	smul.u32 $0x280, s19;
	[dreg:$0x6] =	wrdreg s7  }
0xa: {  	s25 =	smul.u32 $0x14000, s19;
	s5 =	sand.u32 $0x1, s20;
	[dreg:$0x7] =	wrdreg s8  }
0xb: {  	s8 =	simm.s32 $0x9280;
	s9 =	smul.u32 $0x2C000, s5;
	s10 =	sshll.u32 s5, $0x7  }
0xc: {  	s11 =	ssub.s32 $0x2, s5;
	s5 =	smul.u32 $0x140000, s5;
	s24 =	sshll.u32 s13, $0x7  }
0xd: {  	s7 =	sor.u32 s10, s21;
	s23 =	sshrl.u32 s11, $0x1;
	s15 =	sadd.s32 $0x4000, s24  }
0xe: {  	s17 =	sadd.s32 $0x8000, s24;
	s18 =	sadd.s32 $0xC000, s24;
	s7 =	sshrl.u32 s7, $0x3  }
0xf: {  	s11 =	ssub.s32 s11, s23;
	s10 =	sadd.s32 s12, s9;
	s12 =	sadd.s32 s25, s5  }
0x10: {  	s16 =	sadd.s32 s5, s15;
	s9 =	sadd.s32 $0x10000, s24;
	s20 =	sadd.s32 s5, s18  }
0x11: {  	s14 =	sshrl.u32 s10, $0x3;
	s12 =	sshrl.u32 s12, $0x3;
	s16 =	sshrl.u32 s16, $0x3  }
0x12: {  	s21 =	sshrl.u32 s20, $0x3;
	s7 =	sadd.s32 s7, s0;
	s29 =	smax.u32 s11, $0x1  }
0x13: {  	s11 =	simm.s32 $0x3;
	s12 =	sadd.s32 s22, s12;
	s26 =	sadd.s32 s22, s16  }
0x14: {  	s16 =	sadd.s32 s5, s17;
	s5 =	sadd.s32 s5, s9;
	s23 =	sadd.s32 s1, s14  }
0x15: {  	s25 =	sor.u32 $0x10, s14;
	s28 =	sadd.s32 $0x87E00, s7;
	[dreg:$0x8] =	wrdreg s12  }
0x16: {  	s7 =	simm.s32 $0x1;
	[dreg:$0x9] =	wrdreg s26;
	s12 =	sshrl.u32 s16, $0x3  }
0x17: {  	s5 =	sshrl.u32 s5, $0x3;
	s16 =	sadd.s32 $0x3E00, s0;
	[dreg:$0xd] =	wrdreg s23  }
0x18: {  	s26 =	sadd.s32 s1, s25;
	s23 =	sadd.s32 s17, s2;
	s12 =	sadd.s32 s22, s12  }
0x19: {  	s5 =	sadd.s32 s22, s5;
	s24 =	sadd.s32 s16, s14;
	[dreg:$0xf] =	wrdreg s26  }
0x1a: {  	s0 =	sadd.s32 s16, s25;
	s25 =	sadd.s32 s9, s2;
	[dreg:$0xa] =	wrdreg s12  }
0x1b: {  	s26 =	sadd.s32 s13, s3;
	s9 =	simm.s32 $0x2;
	[dreg:$0xc] =	wrdreg s5  }
0x1c: {  	s12 =	sadd.s32 s22, s21;
	s22 =	smul.u32 $0x50000, s19;
	[dreg:$0xe] =	wrdreg s24  }
0x1d: {  	[dreg:$0x10] =	wrdreg s0;
	s24 =	sadd.s32 s18, s2;
	s0 =	simm.s32 $0x5280  }
0x1e: {  	[dreg:$0xb] =	wrdreg s12;
	s12 =	simm.s32 $0x0;
	s5 =	sshrl.u32 s22, $0x2  }
0x1f: {  	v0 =	vimm.f32 $0.0e+00;
	s22 =	sadd.s32 s15, s2;
	s21 =	sadd.s32 s5, s2;
	s5 =	simm.s32 $0x80  }
.LBB2_1:
0x20: {  	s13 =	rddreg [dreg:$0x5]  }
0x21: {  	[tilespmem:s4], [sflag:$0x4] =	stream.linear.gather [hbm4b:s13+s4], $0x2800, $0x38;
	[tilespmem:$0x1D800] =	vst v63  }
0x22: {  	_ =	swait.ge [sflag:s30], $0x2800  }
0x23: {  	[sflag:s30] =	ssyncset.done $0x0  }
0x24: {  	s17 =	rddreg [dreg:$0x6];
	[sflag:s30] =	ssyncadd.s32 $0xFFFFD800  }
0x25: {  	[tilespmem:s31], [sflag:$0x4] =	stream.linear.gather [hbm4b:s17+s4], $0x2800, $0x38;
	[tilespmem:$0x1D800] =	vst v63  }
0x26: {  	_ =	swait.ge [sflag:s30], $0x2800  }
0x27: {  	[sflag:s30] =	ssyncset.done $0x0  }
0x28: {  	s14 =	simm.s32 $0x5000;
	s18 =	rddreg [dreg:$0x7];
	[sflag:s30] =	ssyncadd.s32 $0xFFFFD800  }
0x29: {  	[tilespmem:s14], [sflag:$0x4] =	stream.linear.gather [hbm4b:s18+s4], $0x80, $0x38;
	[tilespmem:$0x1D800] =	vst v63  }
0x2a: {  	_ =	swait.ge [sflag:s30], $0x80  }
0x2b: {  	[sflag:s30] =	ssyncset.done $0x0  }
0x2c: {  	s20 =	simm.s32 $0x5080;
	s19 =	rddreg [dreg:$0xd];
	[sflag:s30] =	ssyncadd.s32 $0xFFFFFF80  }
0x2d: {  	[tilespmem:s20], [sflag:$0x2] =	stream.linear.gather [hbm4b:s19+s4], $0x80, $0x38;
	[tilespmem:$0x1D800] =	vst v63  }
0x2e: {  	s15 =	simm.s32 $0x5180;
	s14 =	rddreg [dreg:$0xe]  }
0x2f: {  	[tilespmem:s15], [sflag:$0x2] =	stream.linear.gather [hbm4b:s14+s4], $0x80, $0x38;
	[tilespmem:$0x1D800] =	vst v63  }
0x30: {  	s13 =	simm.s32 $0x0;
	s18 =	simm.s32 $0x5100;
	s17 =	rddreg [dreg:$0xf]  }
0x31: {  	[tilespmem:s18], [sflag:$0x3] =	stream.linear.gather [hbm4b:s17+s4], $0x80, $0x38;
	[tilespmem:$0x1D800] =	vst v63  }
0x32: {  	s19 =	rddreg [dreg:$0x10];
	s20 =	simm.s32 $0x5200;
	s14 =	simm.s32 $0x200  }
0x33: {  	[tilespmem:s20], [sflag:$0x3] =	stream.linear.gather [hbm4b:s19+s4], $0x80, $0x38;
	[tilespmem:$0x1D800] =	vst v63  }
.LBB2_2:
0x34: {  	p0 =	sne.s32 s14, $0xFE00;
	[tilespmem:s13+$0x52F0] =	vst v0  }
0x35: {  	[tilespmem:s13+$0x5280] =	vst v0  }
0x36: {  	[tilespmem:s13+$0x5290] =	vst v0  }
.Ltmp0:
0x37: {  	[tilespmem:s13+$0x52A0] =	vst v0;
	(pc) =	sbr.rel @p0 .LBB2_2-.Ltmp0, $4  }
0x38: {  	[tilespmem:s13+$0x52B0] =	vst v0  }
0x39: {  	[tilespmem:s13+$0x52C0] =	vst v0  }
0x3a: {  	[tilespmem:s13+$0x52D0] =	vst v0  }
0x3b: {  	[tilespmem:s13+$0x52E0] =	vst v0;
	s13 =	sshra.s32 s14, $0x2;
	s14 =	sadd.s32 $0x200, s14  }
0x3c: {  	[tilespmem:s13+$0x52F0] =	vst v0  }
0x3d: {  	[tilespmem:s13+$0x5280] =	vst v0  }
0x3e: {  	[tilespmem:s13+$0x5290] =	vst v0  }
0x3f: {  	[tilespmem:s13+$0x52A0] =	vst v0  }
0x40: {  	[tilespmem:s13+$0x52B0] =	vst v0  }
0x41: {  	[tilespmem:s13+$0x52C0] =	vst v0  }
0x42: {  	[tilespmem:s13+$0x52D0] =	vst v0  }
0x43: {  	[tilespmem:s13+$0x52E0] =	vst v0  }
0x44: {  	[tilespmem:$0x9300] =	vst v0  }
0x45: {  	[tilespmem:$0x9310] =	vst v0  }
0x46: {  	[tilespmem:$0x9320] =	vst v0  }
0x47: {  	[tilespmem:$0x9330] =	vst v0  }
0x48: {  	[tilespmem:$0x9340] =	vst v0  }
0x49: {  	[tilespmem:$0x9350] =	vst v0  }
0x4a: {  	[tilespmem:$0x9360] =	vst v0  }
0x4b: {  	[tilespmem:$0x9370] =	vst v0  }
0x4c: {  	[tilespmem:$0x9380] =	vst v0  }
0x4d: {  	[tilespmem:$0x9390] =	vst v0  }
0x4e: {  	[tilespmem:$0x93A0] =	vst v0  }
0x4f: {  	[tilespmem:$0x93B0] =	vst v0  }
0x50: {  	[tilespmem:$0x93C0] =	vst v0  }
0x51: {  	[tilespmem:$0x93D0] =	vst v0  }
0x52: {  	[tilespmem:$0x93E0] =	vst v0  }
0x53: {  	[tilespmem:$0x93F0] =	vst v0  }
0x54: {  	[tilespmem:$0x9400] =	vst v0  }
0x55: {  	[tilespmem:$0x9410] =	vst v0  }
0x56: {  	[tilespmem:$0x9420] =	vst v0  }
0x57: {  	[tilespmem:$0x9430] =	vst v0  }
0x58: {  	[tilespmem:$0x9440] =	vst v0  }
0x59: {  	[tilespmem:$0x9450] =	vst v0  }
0x5a: {  	[tilespmem:$0x9460] =	vst v0  }
0x5b: {  	[tilespmem:$0x9470] =	vst v0  }
0x5c: {  	[tilespmem:$0x9480] =	vst v0  }
0x5d: {  	[tilespmem:$0x9490] =	vst v0  }
0x5e: {  	[tilespmem:$0x94A0] =	vst v0  }
0x5f: {  	[tilespmem:$0x94B0] =	vst v0  }
0x60: {  	[tilespmem:$0x94C0] =	vst v0  }
0x61: {  	[tilespmem:$0x94D0] =	vst v0  }
0x62: {  	[tilespmem:$0x94E0] =	vst v0  }
0x63: {  	[tilespmem:$0x94F0] =	vst v0  }
0x64: {  	[tilespmem:$0x9500] =	vst v0  }
0x65: {  	[tilespmem:$0x9510] =	vst v0  }
0x66: {  	[tilespmem:$0x9520] =	vst v0  }
0x67: {  	[tilespmem:$0x9530] =	vst v0  }
0x68: {  	[tilespmem:$0x9540] =	vst v0  }
0x69: {  	[tilespmem:$0x9550] =	vst v0  }
0x6a: {  	[tilespmem:$0x9560] =	vst v0  }
0x6b: {  	[tilespmem:$0x9570] =	vst v0  }
0x6c: {  	[spmem:s21] =	stream.linear.scatter [tilespmem:s0], [sflag:$0x4], $0x4000, $0x38;
	[tilespmem:$0x1D800] =	vst v63  }
0x6d: {  	_ =	swait.ge [sflag:s30], $0x4000  }
0x6e: {  	[sflag:s30] =	ssyncset.done $0x0  }
0x6f: {  	[sflag:s30] =	ssyncadd.s32 $0xFFFFC000  }
0x70: {  	[spmem:s22] =	stream.linear.scatter [tilespmem:s0], [sflag:$0x4], $0x4000, $0x38;
	[tilespmem:$0x1D800] =	vst v63  }
0x71: {  	_ =	swait.ge [sflag:s30], $0x4000  }
0x72: {  	[sflag:s30] =	ssyncset.done $0x0  }
0x73: {  	[sflag:s30] =	ssyncadd.s32 $0xFFFFC000  }
0x74: {  	[spmem:s23] =	stream.linear.scatter [tilespmem:s0], [sflag:$0x4], $0x4000, $0x38;
	[tilespmem:$0x1D800] =	vst v63  }
0x75: {  	_ =	swait.ge [sflag:s30], $0x4000  }
0x76: {  	[sflag:s30] =	ssyncset.done $0x0  }
0x77: {  	[sflag:s30] =	ssyncadd.s32 $0xFFFFC000  }
0x78: {  	[spmem:s24] =	stream.linear.scatter [tilespmem:s0], [sflag:$0x4], $0x4000, $0x38;
	[tilespmem:$0x1D800] =	vst v63  }
0x79: {  	_ =	swait.ge [sflag:s30], $0x4000  }
0x7a: {  	[sflag:s30] =	ssyncset.done $0x0  }
0x7b: {  	[sflag:s30] =	ssyncadd.s32 $0xFFFFC000  }
0x7c: {  	[spmem:s25] =	stream.linear.scatter [tilespmem:s0], [sflag:$0x4], $0x4000, $0x38;
	[tilespmem:$0x1D800] =	vst v63  }
0x7d: {  	_ =	swait.ge [sflag:s30], $0x4000  }
0x7e: {  	[sflag:s30] =	ssyncset.done $0x0  }
0x7f: {  	s20 =	simm.s32 $0x9300;
	[sflag:s30] =	ssyncadd.s32 $0xFFFFC000  }
0x80: {  	[spmem:s26] =	stream.linear.scatter [tilespmem:s20], [sflag:$0x4], $0x280, $0x38;
	[tilespmem:$0x1D800] =	vst v63  }
0x81: {  	_ =	swait.ge [sflag:s30], $0x280  }
0x82: {  	[sflag:s30] =	ssyncset.done $0x0  }
0x83: {  	[sflag:s30] =	ssyncadd.s32 $0xFFFFFD80  }
0x84: {  	[bflag:$0x0] =	sbarrier.arrive $0xFFFF  }
0x85: {  	s13 =	simm.s32 $0x0;
	s14 =	simm.s32 $0x0;
	v1 =	vld [tilespmem:$0x5000]  }
.LBB2_4:
0x86: {  	s17 =	sand.u32 $0x1, s14  }
0x87: {  	s15 =	sor.u32 $0x2, s17  }
0x88: {  	_ =	swait.ge [sflag:s15], $0x80  }
0x89: {  	[sflag:s15] =	ssyncset.done $0x0  }
0x8a: {  	[sflag:s15] =	ssyncadd.s32 $0xFFFFFF80  }
0x8b: {  	_ =	swait.ge [sflag:s15], $0x80  }
0x8c: {  	s18 =	sshll.u32 s17, $0x7;
	[sflag:s15] =	ssyncset.done $0x0  }
0x8d: {  	s17 =	sadd.s32 $0x5080, s18;
	[sflag:s15] =	ssyncadd.s32 $0xFFFFFF80  }
0x8e: {  	[tilespmem:s0], [sflag:$0x1] =	stream.indirect.gather [hbm4b:s6+s5], $0x80, s17, s5, $0xb8;
	[tilespmem:$0x1D800] =	vst v63  }
0x8f: {  	v2 =	vld [tilespmem:s18+$0x5080]  }
0x90: {  	v3 =	vld [tilespmem:s18+$0x5180];
	_ =	sdelay $0x6  }
0x91: {  	v2 =	vld.idx.msk [tilespmem:v2+s13+$0x0], $0xffff  }
0x92: {  	v3 =	vld.idx.msk [tilespmem:v3+s31+$0x0], $0xffff;
	_ =	sdelay $0x4  }
0x93: {  	v2 =	vadd.f32 v3, v2;
	_ =	sdelay $0x1  }
0x94: {  	v3 =	vmul.f32 $2.000000030e-01, v2;
	_ =	sdelay $0x1  }
0x95: {  	v2 =	vmax.f32 v2, v3  }
0x96: {  	v2 =	vsub.f32 v2, v1;
	_ =	sdelay $0x1  }
0x97: {  	v2 =	vmul.f32 $1.442695020e+00, v2;
	_ =	sdelay $0x1  }
0x98: {  	(erf) = vpow2.f32 v2;
	_ =	sdelay $0x8  }
0x99: {  	v2 =	vpop (erf)  }
0x9a: {  	[tilespmem:$0x9280] =	vst v2  }
0x9b: {  	v2 =	vld [tilespmem:s18+$0x5090]  }
0x9c: {  	v3 =	vld [tilespmem:s18+$0x5190];
	_ =	sdelay $0x6  }
0x9d: {  	v2 =	vld.idx.msk [tilespmem:v2+s13+$0x0], $0xffff  }
0x9e: {  	v3 =	vld.idx.msk [tilespmem:v3+s31+$0x0], $0xffff;
	_ =	sdelay $0x4  }
0x9f: {  	v2 =	vadd.f32 v3, v2;
	_ =	sdelay $0x1  }
0xa0: {  	v3 =	vmul.f32 $2.000000030e-01, v2;
	_ =	sdelay $0x1  }
0xa1: {  	v2 =	vmax.f32 v2, v3  }
0xa2: {  	v2 =	vsub.f32 v2, v1;
	_ =	sdelay $0x1  }
0xa3: {  	v2 =	vmul.f32 $1.442695020e+00, v2;
	_ =	sdelay $0x1  }
0xa4: {  	(erf) = vpow2.f32 v2;
	_ =	sdelay $0x8  }
0xa5: {  	v2 =	vpop (erf)  }
0xa6: {  	[tilespmem:$0x9290] =	vst v2  }
0xa7: {  	v2 =	vld [tilespmem:s18+$0x50A0]  }
0xa8: {  	v3 =	vld [tilespmem:s18+$0x51A0];
	_ =	sdelay $0x6  }
0xa9: {  	v2 =	vld.idx.msk [tilespmem:v2+s13+$0x0], $0xffff  }
0xaa: {  	v3 =	vld.idx.msk [tilespmem:v3+s31+$0x0], $0xffff;
	_ =	sdelay $0x4  }
0xab: {  	v2 =	vadd.f32 v3, v2;
	_ =	sdelay $0x1  }
0xac: {  	v3 =	vmul.f32 $2.000000030e-01, v2;
	_ =	sdelay $0x1  }
0xad: {  	v2 =	vmax.f32 v2, v3  }
0xae: {  	v2 =	vsub.f32 v2, v1;
	_ =	sdelay $0x1  }
0xaf: {  	v2 =	vmul.f32 $1.442695020e+00, v2;
	_ =	sdelay $0x1  }
0xb0: {  	(erf) = vpow2.f32 v2;
	_ =	sdelay $0x8  }
0xb1: {  	v2 =	vpop (erf)  }
0xb2: {  	[tilespmem:$0x92A0] =	vst v2  }
0xb3: {  	v2 =	vld [tilespmem:s18+$0x50B0]  }
0xb4: {  	v3 =	vld [tilespmem:s18+$0x51B0];
	_ =	sdelay $0x6  }
0xb5: {  	v2 =	vld.idx.msk [tilespmem:v2+s13+$0x0], $0xffff  }
0xb6: {  	v3 =	vld.idx.msk [tilespmem:v3+s31+$0x0], $0xffff;
	_ =	sdelay $0x4  }
0xb7: {  	v2 =	vadd.f32 v3, v2;
	_ =	sdelay $0x1  }
0xb8: {  	v3 =	vmul.f32 $2.000000030e-01, v2;
	_ =	sdelay $0x1  }
0xb9: {  	v2 =	vmax.f32 v2, v3  }
0xba: {  	v2 =	vsub.f32 v2, v1;
	_ =	sdelay $0x1  }
0xbb: {  	v2 =	vmul.f32 $1.442695020e+00, v2;
	_ =	sdelay $0x1  }
0xbc: {  	(erf) = vpow2.f32 v2;
	_ =	sdelay $0x8  }
0xbd: {  	v2 =	vpop (erf)  }
0xbe: {  	[tilespmem:$0x92B0] =	vst v2  }
0xbf: {  	v2 =	vld [tilespmem:s18+$0x50C0]  }
0xc0: {  	v3 =	vld [tilespmem:s18+$0x51C0];
	_ =	sdelay $0x6  }
0xc1: {  	v2 =	vld.idx.msk [tilespmem:v2+s13+$0x0], $0xffff  }
0xc2: {  	v3 =	vld.idx.msk [tilespmem:v3+s31+$0x0], $0xffff;
	_ =	sdelay $0x4  }
0xc3: {  	v2 =	vadd.f32 v3, v2;
	_ =	sdelay $0x1  }
0xc4: {  	v3 =	vmul.f32 $2.000000030e-01, v2;
	_ =	sdelay $0x1  }
0xc5: {  	v2 =	vmax.f32 v2, v3  }
0xc6: {  	v2 =	vsub.f32 v2, v1;
	_ =	sdelay $0x1  }
0xc7: {  	v2 =	vmul.f32 $1.442695020e+00, v2;
	_ =	sdelay $0x1  }
0xc8: {  	(erf) = vpow2.f32 v2;
	_ =	sdelay $0x8  }
0xc9: {  	v2 =	vpop (erf)  }
0xca: {  	[tilespmem:$0x92C0] =	vst v2  }
0xcb: {  	v2 =	vld [tilespmem:s18+$0x50D0]  }
0xcc: {  	v3 =	vld [tilespmem:s18+$0x51D0];
	_ =	sdelay $0x6  }
0xcd: {  	v2 =	vld.idx.msk [tilespmem:v2+s13+$0x0], $0xffff  }
0xce: {  	v3 =	vld.idx.msk [tilespmem:v3+s31+$0x0], $0xffff;
	_ =	sdelay $0x4  }
0xcf: {  	v2 =	vadd.f32 v3, v2;
	_ =	sdelay $0x1  }
0xd0: {  	v3 =	vmul.f32 $2.000000030e-01, v2;
	_ =	sdelay $0x1  }
0xd1: {  	v2 =	vmax.f32 v2, v3  }
0xd2: {  	v2 =	vsub.f32 v2, v1;
	_ =	sdelay $0x1  }
0xd3: {  	v2 =	vmul.f32 $1.442695020e+00, v2;
	_ =	sdelay $0x1  }
0xd4: {  	(erf) = vpow2.f32 v2;
	_ =	sdelay $0x8  }
0xd5: {  	v2 =	vpop (erf)  }
0xd6: {  	[tilespmem:$0x92D0] =	vst v2  }
0xd7: {  	v2 =	vld [tilespmem:s18+$0x50E0]  }
0xd8: {  	v3 =	vld [tilespmem:s18+$0x51E0];
	_ =	sdelay $0x6  }
0xd9: {  	v2 =	vld.idx.msk [tilespmem:v2+s13+$0x0], $0xffff  }
0xda: {  	v3 =	vld.idx.msk [tilespmem:v3+s31+$0x0], $0xffff;
	_ =	sdelay $0x4  }
0xdb: {  	v2 =	vadd.f32 v3, v2;
	_ =	sdelay $0x1  }
0xdc: {  	v3 =	vmul.f32 $2.000000030e-01, v2;
	_ =	sdelay $0x1  }
0xdd: {  	v2 =	vmax.f32 v2, v3  }
0xde: {  	v2 =	vsub.f32 v2, v1;
	_ =	sdelay $0x1  }
0xdf: {  	v2 =	vmul.f32 $1.442695020e+00, v2;
	_ =	sdelay $0x1  }
0xe0: {  	(erf) = vpow2.f32 v2;
	_ =	sdelay $0x8  }
0xe1: {  	v2 =	vpop (erf)  }
0xe2: {  	[tilespmem:$0x92E0] =	vst v2  }
0xe3: {  	v2 =	vld [tilespmem:s18+$0x50F0]  }
0xe4: {  	v3 =	vld [tilespmem:s18+$0x51F0];
	_ =	sdelay $0x6  }
0xe5: {  	v2 =	vld.idx.msk [tilespmem:v2+s13+$0x0], $0xffff  }
0xe6: {  	v3 =	vld.idx.msk [tilespmem:v3+s31+$0x0], $0xffff;
	_ =	sdelay $0x4  }
0xe7: {  	v2 =	vadd.f32 v3, v2;
	_ =	sdelay $0x1  }
0xe8: {  	v3 =	vmul.f32 $2.000000030e-01, v2;
	_ =	sdelay $0x1  }
0xe9: {  	v2 =	vmax.f32 v2, v3  }
0xea: {  	v2 =	vsub.f32 v2, v1;
	_ =	sdelay $0x1  }
0xeb: {  	v2 =	vmul.f32 $1.442695020e+00, v2;
	_ =	sdelay $0x1  }
0xec: {  	(erf) = vpow2.f32 v2;
	_ =	sdelay $0x8  }
0xed: {  	v2 =	vpop (erf)  }
0xee: {  	[tilespmem:$0x92F0] =	vst v2  }
0xef: {  	_ =	swait.ge [sflag:s7], $0x4000  }
0xf0: {  	[sflag:s7] =	ssyncset.done $0x0  }
0xf1: {  	s19 =	simm.s32 $0x0;
	s18 =	sadd.s32 $0x5180, s18;
	[sflag:s7] =	ssyncadd.s32 $0xFFFFC000  }
.LBB2_5:
0xf2: {  	s20 =	sshll.u32 s19, $0x4  }
0xf3: {  	s20 =	sand.u32 $0x3FFFFFF0, s20  }
0xf4: {  	v2 =	vld [tilespmem:s20+$0x9280];
	s20 =	sshll.u32 s19, $0xB  }
0xf5: {  	s20 =	sand.u32 $0x3FFFF800, s20  }
0xf6: {  	v3 =	vld [tilespmem:s20+$0x5280]  }
0xf7: {  	v4 =	vld [tilespmem:s20+$0x5290]  }
0xf8: {  	v5 =	vld [tilespmem:s20+$0x52A0]  }
0xf9: {  	v7 =	vld [tilespmem:s20+$0x52B0];
	v6 =	vbroadcast v2, $0x0  }
0xfa: {  	v8 =	vld [tilespmem:s20+$0x52C0]  }
0xfb: {  	v9 =	vld [tilespmem:s20+$0x52D0];
	v3 =	vmul.f32 v6, v3  }
0xfc: {  	v10 =	vld [tilespmem:s20+$0x52E0];
	v4 =	vmul.f32 v4, v6  }
0xfd: {  	v24 =	vld [tilespmem:s20+$0x52F0];
	[tilespmem:s20+$0x5280] =	vst v3;
	v3 =	vmul.f32 v5, v6  }
0xfe: {  	v26 =	vld [tilespmem:s20+$0x5300];
	v25 =	vmul.f32 v7, v6;
	[tilespmem:s20+$0x5290] =	vst v4  }
0xff: {  	v27 =	vld [tilespmem:s20+$0x5310];
	[tilespmem:s20+$0x52A0] =	vst v3;
	v3 =	vmul.f32 v8, v6  }
0x100: {  	v29 =	vld [tilespmem:s20+$0x5320];
	v28 =	vmul.f32 v9, v6;
	[tilespmem:s20+$0x52B0] =	vst v25  }
0x101: {  	v11 =	vld [tilespmem:s20+$0x5330];
	v30 =	vbroadcast v2, $0x1;
	[tilespmem:s20+$0x52C0] =	vst v3;
	v3 =	vmul.f32 v10, v6  }
0x102: {  	v32 =	vld [tilespmem:s20+$0x5340];
	v31 =	vmul.f32 v24, v6;
	[tilespmem:s20+$0x52D0] =	vst v28  }
0x103: {  	v33 =	vld [tilespmem:s20+$0x5350];
	[tilespmem:s20+$0x52E0] =	vst v3;
	v3 =	vmul.f32 v26, v30  }
0x104: {  	v35 =	vld [tilespmem:s20+$0x5360];
	v34 =	vmul.f32 v27, v30;
	[tilespmem:s20+$0x52F0] =	vst v31  }
0x105: {  	v36 =	vld [tilespmem:s20+$0x5370];
	[tilespmem:s20+$0x5300] =	vst v3;
	v3 =	vmul.f32 v29, v30  }
0x106: {  	v38 =	vld [tilespmem:s20+$0x5380];
	v37 =	vmul.f32 v11, v30;
	[tilespmem:s20+$0x5310] =	vst v34  }
0x107: {  	v39 =	vld [tilespmem:s20+$0x5390];
	[tilespmem:s20+$0x5320] =	vst v3;
	v3 =	vmul.f32 v32, v30  }
0x108: {  	v41 =	vld [tilespmem:s20+$0x53A0];
	v40 =	vmul.f32 v33, v30;
	[tilespmem:s20+$0x5330] =	vst v37  }
0x109: {  	v43 =	vld [tilespmem:s20+$0x53B0];
	v42 =	vbroadcast v2, $0x2;
	[tilespmem:s20+$0x5340] =	vst v3;
	v3 =	vmul.f32 v35, v30  }
0x10a: {  	v45 =	vld [tilespmem:s20+$0x53C0];
	v44 =	vmul.f32 v36, v30;
	[tilespmem:s20+$0x5350] =	vst v40  }
0x10b: {  	v46 =	vld [tilespmem:s20+$0x53D0];
	[tilespmem:s20+$0x5360] =	vst v3;
	v3 =	vmul.f32 v38, v42  }
0x10c: {  	v48 =	vld [tilespmem:s20+$0x53E0];
	v47 =	vmul.f32 v39, v42;
	[tilespmem:s20+$0x5370] =	vst v44  }
0x10d: {  	v49 =	vld [tilespmem:s20+$0x53F0];
	[tilespmem:s20+$0x5380] =	vst v3;
	v3 =	vmul.f32 v41, v42  }
0x10e: {  	v51 =	vld [tilespmem:s20+$0x5400];
	v50 =	vmul.f32 v43, v42;
	[tilespmem:s20+$0x5390] =	vst v47  }
0x10f: {  	v52 =	vld [tilespmem:s20+$0x5410];
	[tilespmem:s20+$0x53A0] =	vst v3;
	v3 =	vmul.f32 v45, v42  }
0x110: {  	v54 =	vld [tilespmem:s20+$0x5420];
	v53 =	vmul.f32 v46, v42;
	[tilespmem:s20+$0x53B0] =	vst v50  }
0x111: {  	v56 =	vld [tilespmem:s20+$0x5430];
	v55 =	vbroadcast v2, $0x3;
	[tilespmem:s20+$0x53C0] =	vst v3;
	v3 =	vmul.f32 v48, v42  }
0x112: {  	v58 =	vld [tilespmem:s20+$0x5440];
	v57 =	vmul.f32 v49, v42;
	[tilespmem:s20+$0x53D0] =	vst v53  }
0x113: {  	v59 =	vld [tilespmem:s20+$0x5450];
	[tilespmem:s20+$0x53E0] =	vst v3;
	v3 =	vmul.f32 v51, v55  }
0x114: {  	v61 =	vld [tilespmem:s20+$0x5460];
	v60 =	vmul.f32 v52, v55;
	[tilespmem:s20+$0x53F0] =	vst v57  }
0x115: {  	v62 =	vld [tilespmem:s20+$0x5470];
	[tilespmem:s20+$0x5400] =	vst v3;
	v3 =	vmul.f32 v54, v55  }
0x116: {  	v12 =	vld [tilespmem:s20+$0x5480];
	v63 =	vmul.f32 v56, v55;
	[tilespmem:s20+$0x5410] =	vst v60  }
0x117: {  	v13 =	vld [tilespmem:s20+$0x5490];
	[tilespmem:s20+$0x5420] =	vst v3;
	v3 =	vmul.f32 v58, v55  }
0x118: {  	v15 =	vld [tilespmem:s20+$0x54A0];
	v14 =	vmul.f32 v59, v55;
	[tilespmem:s20+$0x5430] =	vst v63  }
0x119: {  	v17 =	vld [tilespmem:s20+$0x54B0];
	v16 =	vbroadcast v2, $0x4;
	[tilespmem:s20+$0x5440] =	vst v3;
	v3 =	vmul.f32 v61, v55  }
0x11a: {  	v19 =	vld [tilespmem:s20+$0x54C0];
	v18 =	vmul.f32 v62, v55;
	[tilespmem:s20+$0x5450] =	vst v14  }
0x11b: {  	v20 =	vld [tilespmem:s20+$0x54D0];
	[tilespmem:s20+$0x5460] =	vst v3;
	v3 =	vmul.f32 v12, v16  }
0x11c: {  	v22 =	vld [tilespmem:s20+$0x54E0];
	v21 =	vmul.f32 v13, v16;
	[tilespmem:s20+$0x5470] =	vst v18  }
0x11d: {  	v23 =	vld [tilespmem:s20+$0x54F0];
	[tilespmem:s20+$0x5480] =	vst v3;
	v3 =	vmul.f32 v15, v16  }
0x11e: {  	v24 =	vmul.f32 v17, v16;
	[tilespmem:s20+$0x5490] =	vst v21;
	v25 =	vld [tilespmem:s20+$0x5500]  }
0x11f: {  	v33 =	vld [tilespmem:s20+$0x5550];
	[tilespmem:s20+$0x54A0] =	vst v3;
	v3 =	vmul.f32 v19, v16  }
0x120: {  	v27 =	vmul.f32 v20, v16;
	[tilespmem:s20+$0x54B0] =	vst v24;
	v28 =	vld [tilespmem:s20+$0x5520]  }
0x121: {  	v36 =	vld [tilespmem:s20+$0x5570];
	v29 =	vbroadcast v2, $0x5;
	[tilespmem:s20+$0x54C0] =	vst v3;
	v3 =	vmul.f32 v22, v16  }
0x122: {  	[tilespmem:s20+$0x54D0] =	vst v27;
	v31 =	vmul.f32 v23, v16;
	v32 =	vld [tilespmem:s20+$0x5540]  }
0x123: {  	v26 =	vld [tilespmem:s20+$0x5510];
	[tilespmem:s20+$0x54E0] =	vst v3;
	v3 =	vmul.f32 v25, v29  }
0x124: {  	[tilespmem:s20+$0x54F0] =	vst v31;
	v40 =	vmul.f32 v33, v29;
	v35 =	vld [tilespmem:s20+$0x5560]  }
0x125: {  	v30 =	vld [tilespmem:s20+$0x5530];
	[tilespmem:s20+$0x5500] =	vst v3;
	v3 =	vmul.f32 v28, v29  }
0x126: {  	v44 =	vmul.f32 v36, v29;
	[tilespmem:s20+$0x5550] =	vst v40;
	v38 =	vld [tilespmem:s20+$0x5580]  }
0x127: {  	v39 =	vld [tilespmem:s20+$0x5590];
	[tilespmem:s20+$0x5520] =	vst v3;
	v3 =	vmul.f32 v32, v29  }
0x128: {  	v34 =	vmul.f32 v26, v29;
	[tilespmem:s20+$0x5570] =	vst v44;
	v41 =	vld [tilespmem:s20+$0x55A0]  }
0x129: {  	v43 =	vld [tilespmem:s20+$0x55B0];
	v42 =	vbroadcast v2, $0x6;
	[tilespmem:s20+$0x5540] =	vst v3;
	v3 =	vmul.f32 v35, v29  }
0x12a: {  	[tilespmem:s20+$0x5510] =	vst v34;
	v37 =	vmul.f32 v30, v29;
	v45 =	vld [tilespmem:s20+$0x55C0]  }
0x12b: {  	v46 =	vld [tilespmem:s20+$0x55D0];
	[tilespmem:s20+$0x5560] =	vst v3;
	v3 =	vmul.f32 v38, v42  }
0x12c: {  	[tilespmem:s20+$0x5530] =	vst v37;
	v48 =	vld [tilespmem:s20+$0x55E0];
	v47 =	vmul.f32 v39, v42  }
0x12d: {  	v49 =	vld [tilespmem:s20+$0x55F0];
	[tilespmem:s20+$0x5580] =	vst v3;
	v3 =	vmul.f32 v41, v42  }
0x12e: {  	v50 =	vmul.f32 v43, v42;
	v51 =	vld [tilespmem:s20+$0x5600];
	[tilespmem:s20+$0x5590] =	vst v47  }
0x12f: {  	v52 =	vld [tilespmem:s20+$0x5610];
	[tilespmem:s20+$0x55A0] =	vst v3;
	v3 =	vmul.f32 v45, v42  }
0x130: {  	v53 =	vmul.f32 v46, v42;
	[tilespmem:s20+$0x55B0] =	vst v50;
	v54 =	vld [tilespmem:s20+$0x5620]  }
0x131: {  	v56 =	vld [tilespmem:s20+$0x5630];
	v55 =	vbroadcast v2, $0x7;
	[tilespmem:s20+$0x55C0] =	vst v3;
	v3 =	vmul.f32 v48, v42  }
0x132: {  	v57 =	vmul.f32 v49, v42;
	[tilespmem:s20+$0x55D0] =	vst v53;
	v58 =	vld [tilespmem:s20+$0x5640]  }
0x133: {  	v59 =	vld [tilespmem:s20+$0x5650];
	[tilespmem:s20+$0x55E0] =	vst v3;
	v3 =	vmul.f32 v51, v55  }
0x134: {  	[tilespmem:s20+$0x55F0] =	vst v57;
	v61 =	vld [tilespmem:s20+$0x5660];
	v60 =	vmul.f32 v52, v55  }
0x135: {  	v62 =	vld [tilespmem:s20+$0x5670];
	[tilespmem:s20+$0x5600] =	vst v3;
	v3 =	vmul.f32 v54, v55  }
0x136: {  	v63 =	vmul.f32 v56, v55;
	v12 =	vld [tilespmem:s20+$0x5680];
	[tilespmem:s20+$0x5610] =	vst v60  }
0x137: {  	v13 =	vld [tilespmem:s20+$0x5690];
	[tilespmem:s20+$0x5620] =	vst v3;
	v3 =	vmul.f32 v58, v55  }
0x138: {  	v14 =	vmul.f32 v59, v55;
	[tilespmem:s20+$0x5630] =	vst v63;
	v15 =	vld [tilespmem:s20+$0x56A0]  }
0x139: {  	v17 =	vld [tilespmem:s20+$0x56B0];
	v16 =	vbroadcast v2, $0x8;
	[tilespmem:s20+$0x5640] =	vst v3;
	v3 =	vmul.f32 v61, v55  }
0x13a: {  	v18 =	vmul.f32 v62, v55;
	[tilespmem:s20+$0x5650] =	vst v14;
	v19 =	vld [tilespmem:s20+$0x56C0]  }
0x13b: {  	v20 =	vld [tilespmem:s20+$0x56D0];
	[tilespmem:s20+$0x5660] =	vst v3;
	v3 =	vmul.f32 v12, v16  }
0x13c: {  	[tilespmem:s20+$0x5670] =	vst v18;
	v22 =	vld [tilespmem:s20+$0x56E0];
	v21 =	vmul.f32 v13, v16  }
0x13d: {  	v23 =	vld [tilespmem:s20+$0x56F0];
	[tilespmem:s20+$0x5680] =	vst v3;
	v3 =	vmul.f32 v15, v16  }
0x13e: {  	v24 =	vmul.f32 v17, v16;
	v25 =	vld [tilespmem:s20+$0x5700];
	[tilespmem:s20+$0x5690] =	vst v21  }
0x13f: {  	v26 =	vld [tilespmem:s20+$0x5710];
	[tilespmem:s20+$0x56A0] =	vst v3;
	v3 =	vmul.f32 v19, v16  }
0x140: {  	v27 =	vmul.f32 v20, v16;
	[tilespmem:s20+$0x56B0] =	vst v24;
	v28 =	vld [tilespmem:s20+$0x5720]  }
0x141: {  	v30 =	vld [tilespmem:s20+$0x5730];
	v29 =	vbroadcast v2, $0x9;
	[tilespmem:s20+$0x56C0] =	vst v3;
	v3 =	vmul.f32 v22, v16  }
0x142: {  	v31 =	vmul.f32 v23, v16;
	[tilespmem:s20+$0x56D0] =	vst v27;
	v32 =	vld [tilespmem:s20+$0x5740]  }
0x143: {  	v33 =	vld [tilespmem:s20+$0x5750];
	[tilespmem:s20+$0x56E0] =	vst v3;
	v3 =	vmul.f32 v25, v29  }
0x144: {  	[tilespmem:s20+$0x56F0] =	vst v31;
	v35 =	vld [tilespmem:s20+$0x5760];
	v34 =	vmul.f32 v26, v29  }
0x145: {  	v36 =	vld [tilespmem:s20+$0x5770];
	[tilespmem:s20+$0x5700] =	vst v3;
	v3 =	vmul.f32 v28, v29  }
0x146: {  	v37 =	vmul.f32 v30, v29;
	v38 =	vld [tilespmem:s20+$0x5780];
	[tilespmem:s20+$0x5710] =	vst v34  }
0x147: {  	v39 =	vld [tilespmem:s20+$0x5790];
	[tilespmem:s20+$0x5720] =	vst v3;
	v3 =	vmul.f32 v32, v29  }
0x148: {  	v40 =	vmul.f32 v33, v29;
	[tilespmem:s20+$0x5730] =	vst v37;
	v41 =	vld [tilespmem:s20+$0x57A0]  }
0x149: {  	v43 =	vld [tilespmem:s20+$0x57B0];
	v42 =	vbroadcast v2, $0xA;
	[tilespmem:s20+$0x5740] =	vst v3;
	v3 =	vmul.f32 v35, v29  }
0x14a: {  	v44 =	vmul.f32 v36, v29;
	[tilespmem:s20+$0x5750] =	vst v40;
	v45 =	vld [tilespmem:s20+$0x57C0]  }
0x14b: {  	v46 =	vld [tilespmem:s20+$0x57D0];
	[tilespmem:s20+$0x5760] =	vst v3;
	v3 =	vmul.f32 v38, v42  }
0x14c: {  	[tilespmem:s20+$0x5770] =	vst v44;
	v48 =	vld [tilespmem:s20+$0x57E0];
	v47 =	vmul.f32 v39, v42  }
0x14d: {  	v49 =	vld [tilespmem:s20+$0x57F0];
	[tilespmem:s20+$0x5780] =	vst v3;
	v3 =	vmul.f32 v41, v42  }
0x14e: {  	v50 =	vmul.f32 v43, v42;
	v51 =	vld [tilespmem:s20+$0x5800];
	[tilespmem:s20+$0x5790] =	vst v47  }
0x14f: {  	v52 =	vld [tilespmem:s20+$0x5810];
	[tilespmem:s20+$0x57A0] =	vst v3;
	v3 =	vmul.f32 v45, v42  }
0x150: {  	v53 =	vmul.f32 v46, v42;
	[tilespmem:s20+$0x57B0] =	vst v50;
	v54 =	vld [tilespmem:s20+$0x5820]  }
0x151: {  	v56 =	vld [tilespmem:s20+$0x5830];
	v55 =	vbroadcast v2, $0xB;
	[tilespmem:s20+$0x57C0] =	vst v3;
	v3 =	vmul.f32 v48, v42  }
0x152: {  	v57 =	vmul.f32 v49, v42;
	[tilespmem:s20+$0x57D0] =	vst v53;
	v58 =	vld [tilespmem:s20+$0x5840]  }
0x153: {  	v59 =	vld [tilespmem:s20+$0x5850];
	[tilespmem:s20+$0x57E0] =	vst v3;
	v3 =	vmul.f32 v51, v55  }
0x154: {  	[tilespmem:s20+$0x57F0] =	vst v57;
	v61 =	vld [tilespmem:s20+$0x5860];
	v60 =	vmul.f32 v52, v55  }
0x155: {  	v62 =	vld [tilespmem:s20+$0x5870];
	[tilespmem:s20+$0x5800] =	vst v3;
	v3 =	vmul.f32 v54, v55  }
0x156: {  	v63 =	vmul.f32 v56, v55;
	v12 =	vld [tilespmem:s20+$0x5880];
	[tilespmem:s20+$0x5810] =	vst v60  }
0x157: {  	v13 =	vld [tilespmem:s20+$0x5890];
	[tilespmem:s20+$0x5820] =	vst v3;
	v3 =	vmul.f32 v58, v55  }
0x158: {  	v14 =	vmul.f32 v59, v55;
	[tilespmem:s20+$0x5830] =	vst v63;
	v15 =	vld [tilespmem:s20+$0x58A0]  }
0x159: {  	v17 =	vld [tilespmem:s20+$0x58B0];
	v16 =	vbroadcast v2, $0xC;
	[tilespmem:s20+$0x5840] =	vst v3;
	v3 =	vmul.f32 v61, v55  }
0x15a: {  	v18 =	vmul.f32 v62, v55;
	[tilespmem:s20+$0x5850] =	vst v14;
	v19 =	vld [tilespmem:s20+$0x58C0]  }
0x15b: {  	v20 =	vld [tilespmem:s20+$0x58D0];
	[tilespmem:s20+$0x5860] =	vst v3;
	v3 =	vmul.f32 v12, v16  }
0x15c: {  	[tilespmem:s20+$0x5870] =	vst v18;
	v22 =	vld [tilespmem:s20+$0x58E0];
	v21 =	vmul.f32 v13, v16  }
0x15d: {  	v23 =	vld [tilespmem:s20+$0x58F0];
	[tilespmem:s20+$0x5880] =	vst v3;
	v3 =	vmul.f32 v15, v16  }
0x15e: {  	v24 =	vmul.f32 v17, v16;
	v25 =	vld [tilespmem:s20+$0x5900];
	[tilespmem:s20+$0x5890] =	vst v21  }
0x15f: {  	v26 =	vld [tilespmem:s20+$0x5910];
	[tilespmem:s20+$0x58A0] =	vst v3;
	v3 =	vmul.f32 v19, v16  }
0x160: {  	v27 =	vmul.f32 v20, v16;
	[tilespmem:s20+$0x58B0] =	vst v24;
	v28 =	vld [tilespmem:s20+$0x5920]  }
0x161: {  	v30 =	vld [tilespmem:s20+$0x5930];
	v29 =	vbroadcast v2, $0xD;
	[tilespmem:s20+$0x58C0] =	vst v3;
	v3 =	vmul.f32 v22, v16  }
0x162: {  	v31 =	vmul.f32 v23, v16;
	[tilespmem:s20+$0x58D0] =	vst v27;
	v32 =	vld [tilespmem:s20+$0x5940]  }
0x163: {  	v33 =	vld [tilespmem:s20+$0x5950];
	[tilespmem:s20+$0x58E0] =	vst v3;
	v3 =	vmul.f32 v25, v29  }
0x164: {  	[tilespmem:s20+$0x58F0] =	vst v31;
	v35 =	vld [tilespmem:s20+$0x5960];
	v34 =	vmul.f32 v26, v29  }
0x165: {  	v36 =	vld [tilespmem:s20+$0x5970];
	[tilespmem:s20+$0x5900] =	vst v3;
	v3 =	vmul.f32 v28, v29  }
0x166: {  	v37 =	vmul.f32 v30, v29;
	v38 =	vld [tilespmem:s20+$0x5980];
	[tilespmem:s20+$0x5910] =	vst v34  }
0x167: {  	v39 =	vld [tilespmem:s20+$0x5990];
	[tilespmem:s20+$0x5920] =	vst v3;
	v3 =	vmul.f32 v32, v29  }
0x168: {  	v40 =	vmul.f32 v33, v29;
	[tilespmem:s20+$0x5930] =	vst v37;
	v41 =	vld [tilespmem:s20+$0x59A0]  }
0x169: {  	v43 =	vld [tilespmem:s20+$0x59B0];
	v42 =	vbroadcast v2, $0xE;
	[tilespmem:s20+$0x5940] =	vst v3;
	v3 =	vmul.f32 v35, v29  }
0x16a: {  	v44 =	vmul.f32 v36, v29;
	[tilespmem:s20+$0x5950] =	vst v40;
	v45 =	vld [tilespmem:s20+$0x59C0]  }
0x16b: {  	v46 =	vld [tilespmem:s20+$0x59D0];
	[tilespmem:s20+$0x5960] =	vst v3;
	v3 =	vmul.f32 v38, v42  }
0x16c: {  	[tilespmem:s20+$0x5970] =	vst v44;
	v48 =	vld [tilespmem:s20+$0x59E0];
	v47 =	vmul.f32 v39, v42  }
0x16d: {  	v49 =	vld [tilespmem:s20+$0x59F0];
	[tilespmem:s20+$0x5980] =	vst v3;
	v3 =	vmul.f32 v41, v42  }
0x16e: {  	v50 =	vmul.f32 v43, v42;
	v51 =	vld [tilespmem:s20+$0x5A00];
	[tilespmem:s20+$0x5990] =	vst v47  }
0x16f: {  	v52 =	vld [tilespmem:s20+$0x5A10];
	[tilespmem:s20+$0x59A0] =	vst v3;
	v3 =	vmul.f32 v45, v42  }
0x170: {  	v53 =	vmul.f32 v46, v42;
	[tilespmem:s20+$0x59B0] =	vst v50;
	v54 =	vld [tilespmem:s20+$0x5A20]  }
0x171: {  	v2 =	vbroadcast v2, $0xF;
	v58 =	vld [tilespmem:s20+$0x5A50];
	[tilespmem:s20+$0x59C0] =	vst v3;
	v3 =	vmul.f32 v48, v42  }
0x172: {  	v57 =	vld [tilespmem:s20+$0x5A40];
	v56 =	vmul.f32 v49, v42;
	[tilespmem:s20+$0x59D0] =	vst v53  }
0x173: {  	v55 =	vld [tilespmem:s20+$0x5A30];
	[tilespmem:s20+$0x59E0] =	vst v3;
	v3 =	vmul.f32 v51, v2  }
0x174: {  	v60 =	vld [tilespmem:s20+$0x5A60];
	v59 =	vmul.f32 v52, v2;
	[tilespmem:s20+$0x59F0] =	vst v56  }
0x175: {  	v61 =	vld [tilespmem:s20+$0x5A70];
	[tilespmem:s20+$0x5A00] =	vst v3;
	v3 =	vmul.f32 v54, v2  }
0x176: {  	[tilespmem:s20+$0x5A10] =	vst v59;
	v63 =	vmul.f32 v58, v2  }
0x177: {  	p0 =	sne.s32 s19, $0x7;
	[tilespmem:s20+$0x5A20] =	vst v3;
	v3 =	vmul.f32 v57, v2  }
.Ltmp1:
0x178: {  	v62 =	vmul.f32 v55, v2;
	[tilespmem:s20+$0x5A50] =	vst v63;
	(pc) =	sbr.rel @p0 .LBB2_5-.Ltmp1, $4  }
0x179: {  	[tilespmem:s20+$0x5A40] =	vst v3;
	v3 =	vmul.f32 v60, v2  }
0x17a: {  	[tilespmem:s20+$0x5A30] =	vst v62;
	v2 =	vmul.f32 v61, v2  }
0x17b: {  	[tilespmem:s20+$0x5A60] =	vst v3  }
0x17c: {  	s19 =	sadd.s32 $0x1, s19;
	[tilespmem:s20+$0x5A70] =	vst v2  }
0x17d: {  	[spmem:s2] =	stream.indirect.scatter.add.f32 [tilespmem:s0], [sflag:$0x4], $0x80, s18, s5, $0xb8;
	[tilespmem:$0x1D800] =	vst v63  }
0x17e: {  	p0 =	slt.s32 s14, $0x4E;
	s19 =	smov.u32 s14  }
0x17f: {  	_ =	swait.ge [sflag:s30], $0x4000;
	s19 =	simm.s32 @!p0 $0x4E  }
0x180: {  	[sflag:s30] =	ssyncset.done $0x0;
	s19 =	sshll.u32 s19, $0x7  }
0x181: {  	[sflag:s30] =	ssyncadd.s32 $0xFFFFC000;
	s19 =	sadd.s32 $0x100, s19  }
0x182: {  	[spmem:s3] =	stream.indirect.scatter.add.f32 [tilespmem:s8], [sflag:$0x4], $0x1, s18, s5, $0xb8;
	[tilespmem:$0x1D800] =	vst v63  }
0x183: {  	s20 =	sand.u32 $0x7C00, s19  }
0x184: {  	s14 =	sadd.s32 $0x1, s14;
	s19 =	sand.u32 $0x380, s19;
	s20 =	sadd.s32 s10, s20  }
0x185: {  	p0 =	sne.s32 s14, $0x51;
	_ =	swait.ge [sflag:s30], $0x80;
	s19 =	sor.u32 s19, s20  }
.Ltmp2:
0x186: {  	[sflag:s30] =	ssyncset.done $0x0;
	s19 =	sshrl.u32 s19, $0x3;
	(pc) =	sbr.rel @p0 .LBB2_4-.Ltmp2, $4  }
0x187: {  	[sflag:s30] =	ssyncadd.s32 $0xFFFFFF80;
	s20 =	sadd.s32 s1, s19  }
0x188: {  	[tilespmem:s17], [sflag:s15] =	stream.linear.gather [hbm4b:s20+s4], $0x80, $0x38;
	[tilespmem:$0x1D800] =	vst v63  }
0x189: {  	s20 =	sadd.s32 s16, s19  }
0x18a: {  	[tilespmem:s18], [sflag:s15] =	stream.linear.gather [hbm4b:s20+s4], $0x80, $0x38;
	[tilespmem:$0x1D800] =	vst v63  }
0x18b: {  	_ =	swait.ge [sflag:s9], $0x80  }
0x18c: {  	[sflag:s9] =	ssyncset.done $0x0  }
0x18d: {  	[sflag:s9] =	ssyncadd.s32 $0xFFFFFF80  }
0x18e: {  	_ =	swait.ge [sflag:s9], $0x80  }
0x18f: {  	[sflag:s9] =	ssyncset.done $0x0  }
0x190: {  	[sflag:s9] =	ssyncadd.s32 $0xFFFFFF80  }
0x191: {  	_ =	swait.ge [sflag:s11], $0x80  }
0x192: {  	[sflag:s11] =	ssyncset.done $0x0  }
0x193: {  	[sflag:s11] =	ssyncadd.s32 $0xFFFFFF80  }
0x194: {  	_ =	swait.ge [sflag:s11], $0x80  }
0x195: {  	[sflag:s11] =	ssyncset.done $0x0  }
0x196: {  	s13 =	stileid.u32;
	[sflag:s11] =	ssyncadd.s32 $0xFFFFFF80  }
0x197: {  	s13 =	sshll.u32 s13, $0x6;
	[bflag:$0x0] =	sbarrier.arrive $0xFFFF  }
0x198: {  	s14 =	sshrl.u32 s21, $0x3;
	s13 =	sor.u32 $0x1C04, s13;
	s15 =	rddreg [dreg:$0x8]  }
0x199: {  	[hbm:s15], [sflag:s13] =	dma.local [spmem:s14], $0x800  }
0x19a: {  	_ =	swait.ge [sflag:s30], $0x800  }
0x19b: {  	[sflag:s30] =	ssyncset.done $0x0  }
0x19c: {  	s19 =	sshrl.u32 s22, $0x3;
	s20 =	rddreg [dreg:$0x9];
	[sflag:s30] =	ssyncadd.s32 $0xFFFFF800  }
0x19d: {  	[hbm:s20], [sflag:s13] =	dma.local [spmem:s19], $0x800  }
0x19e: {  	_ =	swait.ge [sflag:s30], $0x800  }
0x19f: {  	[sflag:s30] =	ssyncset.done $0x0  }
0x1a0: {  	s17 =	sshrl.u32 s23, $0x3;
	s18 =	rddreg [dreg:$0xa];
	[sflag:s30] =	ssyncadd.s32 $0xFFFFF800  }
0x1a1: {  	[hbm:s18], [sflag:s13] =	dma.local [spmem:s17], $0x800  }
0x1a2: {  	_ =	swait.ge [sflag:s30], $0x800  }
0x1a3: {  	[sflag:s30] =	ssyncset.done $0x0  }
0x1a4: {  	s19 =	sshrl.u32 s24, $0x3;
	s20 =	rddreg [dreg:$0xb];
	[sflag:s30] =	ssyncadd.s32 $0xFFFFF800  }
0x1a5: {  	[hbm:s20], [sflag:s13] =	dma.local [spmem:s19], $0x800  }
0x1a6: {  	_ =	swait.ge [sflag:s30], $0x800  }
0x1a7: {  	s12 =	sadd.s32 $0x1, s12;
	[sflag:s30] =	ssyncset.done $0x0  }
0x1a8: {  	s17 =	sshrl.u32 s25, $0x3;
	s18 =	rddreg [dreg:$0xc];
	[sflag:s30] =	ssyncadd.s32 $0xFFFFF800  }
0x1a9: {  	[hbm:s18], [sflag:s13] =	dma.local [spmem:s17], $0x800  }
0x1aa: {  	p0 =	sne.s32 s12, s29;
	_ =	swait.ge [sflag:s30], $0x800  }
0x1ab: {  	s19 =	sshrl.u32 s26, $0x3;
	s20 =	simm.s32 $0x20;
	[sflag:s30] =	ssyncset.done $0x0  }
.Ltmp3:
0x1ac: {  	s17 =	simm.s32 $0x10;
	[sflag:s30] =	ssyncadd.s32 $0xFFFFF800;
	(pc) =	sbr.rel @p0 .LBB2_1-.Ltmp3, $4  }
0x1ad: {  	[hbm:s28@s20], [sflag:s13] =	dma.strided [spmem:s19@s17], $0x50, s7, $0x10   }
0x1ae: {  	_ =	swait.ge [sflag:s30], $0x50  }
0x1af: {  	[sflag:s30] =	ssyncset.done $0x0  }
0x1b0: {  	[sflag:s30] =	ssyncadd.s32 $0xFFFFFFB0  }
0x1b1: {  	_ =	sfence.sel $0x180000  }
0x1b2: {  	[bflag:$0x0] =	sbarrier.arrive $0xFFFF  }
0x1b3: {  	_ =	strace $0x90000047  }
0x1b4: {  	s0 =	stileid.u32;
	[bflag:$0x2] =	sbarrier.arrive $0xFFFF  }
0x1b5: {  	p0 =	sne.s32 s0, $0x0;
	s0 =	rddreg [dreg:$0x4]  }
0x1b6: {  	s0 =	sadd.s32 @!p0 $0x100000, s0  }
0x1b7: {  	[sflag:s0] =	ssyncadd.tile.s32 @!p0 $0x1;
	_ =	shalt  }
.Lfunc_end2:
_tile_overlayer_lowered:
.L_overlay_start_2:
0x1b8: {  	(tag) =	ssettag $0x2  }
0x1b9: {  	s0 =	rddreg [dreg:$0x0];
	s2 =	stileid.u32  }
0x1ba: {  	s1 =	rddreg [dreg:$0x1];
	p0 =	sne.s32 s2, $0x0  }
0x1bb: {  	s3 =	rddreg [dreg:$0x2];
	[bflag:$0x3] =	sbarrier.arrive $0xFFFF;
	s2 =	simm.s32 @!p0 $0x1C04  }
0x1bc: {  	[timem:s3], [sflag:s2] =	dma.local @!p0 [hbm:s0], s1  }
0x1bd: {  	s0 =	simm.s32 @!p0 $0x4  }
0x1be: {  	_ =	swait.ge @!p0 [sflag:s0], s1  }
0x1bf: {  	s1 =	ssub.s32 @!p0 $0x0, s1;
	[sflag:s0] =	ssyncset.done @!p0 $0x0  }
0x1c0: {  	[sflag:s0] =	ssyncadd.s32 @!p0 s1  }
0x1c1: {  	[bflag:$0x3] =	sbarrier.arrive $0xFFFF  }
0x1c2: {  	_ =	shalt  }

</sc_bundles>
